<compile_context>
chip_gen: v7x
topology: tpu7x:2x2x1
jax: 0.10.2.dev20260603
libtpu: 0.0.44.dev20260713+nightly
codegen_flags: <defaults>
</compile_context>

<pallas_src>
import jax
import jax.numpy as jnp
from jax import lax
from jax.experimental import pallas as pl
from jax.experimental.pallas import tpu as pltpu
from jax.experimental.pallas import tpu_sc as plsc

N = 10000
E = 320000
D = 128
G = 32

NP = 10240
TN = 1024
NT = NP // TN
K = 128
EP = 327680
EPT = EP // 32
CPT = EPT // K
NBUF = 2
RPT = NP // 16

_mesh = plsc.VectorSubcoreMesh(core_axis_name="c", subcore_axis_name="s")



def _deg_body(ei_hbm, out_hbm, est, onesv, zbuf, deg_sh):
    c = lax.axis_index("c")
    s = lax.axis_index("s")
    for j in range(RPT // 16):
        zbuf[pl.ds(j * 16, 16)] = jnp.zeros((16,), jnp.float32)
    for j in range(K // 16):
        onesv[pl.ds(j * 16, 16)] = jnp.ones((16,), jnp.float32)
    pltpu.sync_copy(zbuf, deg_sh.at[pl.ds(s * RPT, RPT)])
    pltpu.sync_copy(ei_hbm.at[c, s], est)
    plsc.subcore_barrier()

    def body(i, carry):
        pltpu.sync_copy(onesv, deg_sh.at[est.at[i, 0]], add=True)
        return carry

    lax.fori_loop(0, CPT, body, 0)
    plsc.subcore_barrier()
    pltpu.sync_copy(deg_sh.at[pl.ds(s * RPT, RPT)], out_hbm.at[c, pl.ds(s * RPT, RPT)])


_deg_call = pl.kernel(
    _deg_body,
    out_type=jax.ShapeDtypeStruct((2, NP), jnp.float32),
    mesh=_mesh,
    scratch_types=[
        pltpu.VMEM((CPT, 1, K), jnp.int32),
        pltpu.VMEM((K,), jnp.float32),
        pltpu.VMEM((RPT,), jnp.float32),
        pltpu.VMEM_SHARED((NP,), jnp.float32),
    ],
)


def _agg_body(y_hbm, src_hbm, dst_hbm, p_hbm, src_st, dstv, rows,
              acc_sh, gsem, dsem):
    c = lax.axis_index("c")
    s = lax.axis_index("s")
    r0 = s * RPT
    pltpu.sync_copy(src_hbm.at[c, s], src_st)

    @pl.when(c == 0)
    def _():
        pltpu.sync_copy(y_hbm.at[pl.ds(r0, RPT)], acc_sh.at[pl.ds(r0, RPT)])

    @pl.when(c == 1)
    def _():
        def zr(j, t):
            for cc in range(8):
                rows[0, j, pl.ds(cc * 16, 16)] = jnp.zeros((16,), jnp.float32)
            return t

        lax.fori_loop(0, K, zr, 0)

        def zc(j, t):
            pltpu.sync_copy(rows.at[0], acc_sh.at[pl.ds(r0 + j * K, K)])
            return t

        lax.fori_loop(0, RPT // K, zc, 0)

    plsc.subcore_barrier()

    for b in range(NBUF):
        pltpu.async_copy(dst_hbm.at[c, s, b], dstv.at[b], dsem.at[b])
        pltpu.async_copy(y_hbm.at[src_st.at[b, 0]], rows.at[b], gsem.at[b])

    def outer(g, carry):
        i0 = g * NBUF
        for b in range(NBUF):
            i = i0 + b
            pltpu.make_async_copy(y_hbm.at[src_st.at[i, 0]], rows.at[b],
                                  gsem.at[b]).wait()
            pltpu.make_async_copy(dst_hbm.at[c, s, i], dstv.at[b],
                                  dsem.at[b]).wait()
            pltpu.sync_copy(rows.at[b], acc_sh.at[dstv.at[b, 0]], add=True)

            @pl.when(i + NBUF < CPT)
            def _():
                pltpu.async_copy(dst_hbm.at[c, s, i + NBUF], dstv.at[b],
                                 dsem.at[b])
                pltpu.async_copy(y_hbm.at[src_st.at[i + NBUF, 0]], rows.at[b],
                                 gsem.at[b])

        return carry

    lax.fori_loop(0, CPT // NBUF, outer, 0)
    plsc.subcore_barrier()
    pltpu.sync_copy(acc_sh.at[pl.ds(r0, RPT)], p_hbm.at[c, pl.ds(r0, RPT)])


_agg_call = pl.kernel(
    _agg_body,
    out_type=jax.ShapeDtypeStruct((2, NP, D), jnp.float32),
    mesh=_mesh,
    scratch_types=[
        pltpu.VMEM((CPT, 1, K), jnp.int32),
        pltpu.VMEM((NBUF, 1, K), jnp.int32),
        pltpu.VMEM((NBUF, K, D), jnp.float32),
        pltpu.VMEM_SHARED((NP, D), jnp.float32),
        pltpu.SemaphoreType.DMA((NBUF,)),
        pltpu.SemaphoreType.DMA((NBUF,)),
    ],
)



def _gelu(x):
    return 0.5 * x * (1.0 + lax.erf(x / 1.4142135623730951))


def _expm1(t):
    p = t * (1.0 + t * (1.0 / 2.0 + t * (1.0 / 6.0 + t * (1.0 / 24.0
            + t * (1.0 / 120.0 + t * (1.0 / 720.0 + t * (1.0 / 5040.0)))))))
    return jnp.where(t > -0.5, p, jnp.exp(jnp.minimum(t, 0.0)) - 1.0)


def _dinv(degT_blk):
    return lax.rsqrt(degT_blk[:, 0:1] + degT_blk[:, 1:2] + 1.0)


def _prep_body(x_ref, w_ref, degT_ref, y_ref):
    y_ref[...] = _dinv(degT_ref[...]) * jnp.dot(
        x_ref[...], w_ref[...], preferred_element_type=jnp.float32)


_prep_call = pl.pallas_call(
    _prep_body,
    grid=(NT,),
    in_specs=[
        pl.BlockSpec((TN, D), lambda i: (i, 0)),
        pl.BlockSpec((D, D), lambda i: (0, 0)),
        pl.BlockSpec((TN, 2), lambda i: (i, 0)),
    ],
    out_specs=pl.BlockSpec((TN, D), lambda i: (i, 0)),
    out_shape=jax.ShapeDtypeStruct((NP, D), jnp.float32),
)


def _mid_body(p_ref, degT_ref, b_ref, w_ref, y_ref):
    dv = _dinv(degT_ref[...])
    h = _gelu(dv * (p_ref[0] + p_ref[1]) + b_ref[...])
    y_ref[...] = dv * jnp.dot(h, w_ref[...], preferred_element_type=jnp.float32)


_mid_call = pl.pallas_call(
    _mid_body,
    grid=(NT,),
    in_specs=[
        pl.BlockSpec((2, TN, D), lambda i: (0, i, 0)),
        pl.BlockSpec((TN, 2), lambda i: (i, 0)),
        pl.BlockSpec((1, D), lambda i: (0, 0)),
        pl.BlockSpec((D, D), lambda i: (0, 0)),
    ],
    out_specs=pl.BlockSpec((TN, D), lambda i: (i, 0)),
    out_shape=jax.ShapeDtypeStruct((NP, D), jnp.float32),
)


def _final_body(p_ref, degT_ref, b3_ref, batch_ref, wl1_ref, bl1_ref,
                wl2_ref, bl2_ref, out_ref, acc_s, acc_c):
    i = pl.program_id(0)
    dv = _dinv(degT_ref[...])
    h = _gelu(dv * (p_ref[0] + p_ref[1]) + b3_ref[...])
    bt = batch_ref[0]
    gids = lax.broadcasted_iota(jnp.int32, (G, TN), 0)
    oh = (bt == gids).astype(jnp.float32)

    @pl.when(i == 0)
    def _():
        acc_s[...] = jnp.zeros_like(acc_s)
        acc_c[...] = jnp.zeros_like(acc_c)

    acc_s[...] += jnp.dot(oh, h, preferred_element_type=jnp.float32)
    acc_c[...] += jnp.sum(oh, axis=1, keepdims=True)

    @pl.when(i == pl.num_programs(0) - 1)
    def _():
        pooled = acc_s[...] / jnp.maximum(acc_c[...], 1.0)
        t = jnp.dot(pooled, wl1_ref[...],
                    preferred_element_type=jnp.float32) + bl1_ref[...]
        t = jnp.where(t > 0, t, _expm1(jnp.minimum(t, 0.0)))
        out_ref[...] = jnp.dot(t, wl2_ref[...],
                               preferred_element_type=jnp.float32) + bl2_ref[...]


_final_call = pl.pallas_call(
    _final_body,
    grid=(NT,),
    in_specs=[
        pl.BlockSpec((2, TN, D), lambda i: (0, i, 0)),
        pl.BlockSpec((TN, 2), lambda i: (i, 0)),
        pl.BlockSpec((1, D), lambda i: (0, 0)),
        pl.BlockSpec((1, 1, TN), lambda i: (i, 0, 0)),
        pl.BlockSpec((D, D // 2), lambda i: (0, 0)),
        pl.BlockSpec((1, D // 2), lambda i: (0, 0)),
        pl.BlockSpec((D // 2, 1), lambda i: (0, 0)),
        pl.BlockSpec((1, 1), lambda i: (0, 0)),
    ],
    out_specs=pl.BlockSpec((G, 1), lambda i: (0, 0)),
    out_shape=jax.ShapeDtypeStruct((G, 1), jnp.float32),
    scratch_shapes=[
        pltpu.VMEM((G, D), jnp.float32),
        pltpu.VMEM((G, 1), jnp.float32),
    ],
)



def kernel(x, edge_index, batch, edge_weight, W1, b1, W2, b2, W3, b3,
           W_lin1, b_lin1, W_lin2, b_lin2):
    ppt = EPT - E // 32
    pad_src = jnp.broadcast_to(
        (jnp.arange(ppt, dtype=jnp.int32)[None, :] * 37
         + 613 * jnp.arange(16, dtype=jnp.int32)[:, None]) % N,
        (2, 16, ppt))
    src = jnp.concatenate(
        [edge_index[0].astype(jnp.int32).reshape(2, 16, E // 32),
         pad_src], axis=2).reshape(2, 16, CPT, 1, K)
    pad_dst = jnp.broadcast_to(
        N + (jnp.arange(ppt, dtype=jnp.int32)[None, :]
             + (ppt // 16) * jnp.arange(16, dtype=jnp.int32)[:, None]) % ppt,
        (2, 16, ppt))
    dst = jnp.concatenate(
        [edge_index[1].astype(jnp.int32).reshape(2, 16, E // 32),
         pad_dst], axis=2).reshape(2, 16, CPT, 1, K)
    x_p = jnp.pad(x, ((0, NP - N), (0, 0)))
    batch_p = jnp.pad(batch.astype(jnp.int32), (0, NP - N),
                      constant_values=G).reshape(NT, 1, TN)

    degT = jnp.transpose(_deg_call(dst))

    y = _prep_call(x_p, W1, degT)
    p = _agg_call(y, src, dst)
    y = _mid_call(p, degT, b1.reshape(1, D), W2)
    p = _agg_call(y, src, dst)
    y = _mid_call(p, degT, b2.reshape(1, D), W3)
    p = _agg_call(y, src, dst)
    return _final_call(p, degT, b3.reshape(1, D), batch_p, W_lin1,
                       b_lin1.reshape(1, D // 2), W_lin2,
                       b_lin2.reshape(1, 1))

# --- scband reference (transcript-rebuilt; emitter-appended) ---
"""Pipeline reference for scband-my-gcn-11441792876722 (READ-ONLY COPY).

The authoritative reference and input builder live on the scoring server;
editing this copy changes nothing except your own understanding.
"""

import jax, jax.numpy as jnp
import numpy as np

N = 10000
E = 320000
D = 128
H = 128
G = 32


def gcn_conv(x, src, dst, W, b, n):
    # PyG GCNConv: add self-loops, symmetric normalization, scatter-add aggregation
    xw = x @ W
    loop = jnp.arange(n, dtype=src.dtype)
    s = jnp.concatenate([src, loop])
    d = jnp.concatenate([dst, loop])
    ones = jnp.ones(s.shape[0], dtype=x.dtype)
    deg = jax.ops.segment_sum(ones, d, num_segments=n)
    dinv = jnp.where(deg > 0, jax.lax.rsqrt(deg), 0.0)
    norm = dinv[s] * dinv[d]
    msg = norm[:, None] * jnp.take(xw, s, axis=0)
    out = jax.ops.segment_sum(msg, d, num_segments=n)
    return out + b


def setup_inputs(seed: int = 0) -> dict:
    key = jax.random.key(seed)
    ks = jax.random.split(key, 16)
    x = jax.random.normal(ks[0], (N, D), dtype=jnp.float32)
    edge_index = jax.random.randint(ks[1], (2, E), 0, N, dtype=jnp.int64)
    batch = jnp.sort(jax.random.randint(ks[2], (N,), 0, G, dtype=jnp.int64))
    edge_weight = jax.random.uniform(ks[3], (E,), dtype=jnp.float32)
    W1 = jax.random.normal(ks[4], (D, H), dtype=jnp.float32) * (1.0 / np.sqrt(D))
    b1 = jnp.zeros((H,), dtype=jnp.float32)
    W2 = jax.random.normal(ks[5], (H, H), dtype=jnp.float32) * (1.0 / np.sqrt(H))
    b2 = jnp.zeros((H,), dtype=jnp.float32)
    W3 = jax.random.normal(ks[6], (H, H), dtype=jnp.float32) * (1.0 / np.sqrt(H))
    b3 = jnp.zeros((H,), dtype=jnp.float32)
    W_lin1 = jax.random.normal(ks[7], (H, H // 2), dtype=jnp.float32) * (1.0 / np.sqrt(H))
    b_lin1 = jnp.zeros((H // 2,), dtype=jnp.float32)
    W_lin2 = jax.random.normal(ks[8], (H // 2, 1), dtype=jnp.float32) * (1.0 / np.sqrt(H // 2))
    b_lin2 = jnp.zeros((1,), dtype=jnp.float32)
    return {"x": x, "edge_index": edge_index, "batch": batch, "edge_weight": edge_weight,
            "W1": W1, "b1": b1, "W2": W2, "b2": b2, "W3": W3, "b3": b3,
            "W_lin1": W_lin1, "b_lin1": b_lin1, "W_lin2": W_lin2, "b_lin2": b_lin2}


def reference(x, edge_index, batch, edge_weight, W1, b1, W2, b2, W3, b3, W_lin1, b_lin1, W_lin2, b_lin2):
    # edge_weight is unpacked in the torch forward but never used by the convs
    src = edge_index[0]
    dst = edge_index[1]
    h = gcn_conv(x, src, dst, W1, b1, N)
    h = jax.nn.gelu(h, approximate=False)
    # dropout is identity in eval mode
    h = gcn_conv(h, src, dst, W2, b2, N)
    h = jax.nn.gelu(h, approximate=False)
    h = gcn_conv(h, src, dst, W3, b3, N)
    h = jax.nn.gelu(h, approximate=False)
    # global_mean_pool
    sums = jax.ops.segment_sum(h, batch, num_segments=G)
    cnt = jax.ops.segment_sum(jnp.ones((N,), dtype=h.dtype), batch, num_segments=G)
    pooled = sums / jnp.maximum(cnt, 1.0)[:, None]
    h = pooled @ W_lin1 + b_lin1
    h = jax.nn.elu(h)
    out = h @ W_lin2 + b_lin2
    return out

if __name__ == "__main__":
    import jax
    _d = setup_inputs()
    print(jax.jit(kernel)(*tuple(_d.values())))

</pallas_src>

<mosaic_0001>
#map = affine_map<(d0, d1) -> (0, 0, 0, 0, 0)>
#map1 = affine_map<(d0, d1) -> (0, 0)>
module attributes {stable_mosaic.version = 14 : i64} {
  func.func @_deg_body(%arg0: i32, %arg1: i32, %arg2: memref<2x16x80x1x128xi32, #tpu.memory_space<hbm>>, %arg3: memref<2x10240xf32, #tpu.memory_space<hbm>>, %arg4: memref<80x1x128xi32, #tpu.memory_space<vmem>>, %arg5: memref<128xf32, #tpu.memory_space<vmem>>, %arg6: memref<640xf32, #tpu.memory_space<vmem>>, %arg7: memref<10240xf32, #tpu.memory_space<vmem_shared>>) attributes {dimension_semantics = [#tpu.dimension_semantics<core_parallel>, #tpu.dimension_semantics<subcore_parallel>], iteration_bounds = array<i64: 2, 16>, scalar_prefetch = 0 : i64, scratch_operands = 4 : i64, tpu.core_type = #tpu.core_type<sc_vector_subcore>, window_params = [{transform_indices = #map}, {transform_indices = #map1}]} {
    %broadcast_in_dim3A = arith.constant 0.000000e+00 : f32
    %broadcast_in_dim3A_0 = vector.broadcast %broadcast_in_dim3A : f32 to vector<16xf32>
    %swap3A = arith.constant 0 : index
    %swap3A_1 = tpu.vector_load %arg6[%swap3A] {strides = array<i32>} : memref<640xf32, #tpu.memory_space<vmem>>, vector<16xf32>,
    %swap3A_2 = vector.shape_cast %swap3A_1 : vector<16xf32> to vector<16xf32>
    %swap3A_3 = vector.shape_cast %broadcast_in_dim3A_0 : vector<16xf32> to vector<16xf32>
    tpu.vector_store %arg6[%swap3A], %swap3A_3 {strides = array<i32>} : memref<640xf32, #tpu.memory_space<vmem>>, vector<16xf32>,
    %broadcast_in_dim3A_4 = arith.constant 0.000000e+00 : f32
    %broadcast_in_dim3A_5 = vector.broadcast %broadcast_in_dim3A_4 : f32 to vector<16xf32>
    %swap3A_6 = arith.constant 16 : index
    %swap3A_7 = tpu.vector_load %arg6[%swap3A_6] {strides = array<i32>} : memref<640xf32, #tpu.memory_space<vmem>>, vector<16xf32>,
    %swap3A_8 = vector.shape_cast %swap3A_7 : vector<16xf32> to vector<16xf32>
    %swap3A_9 = vector.shape_cast %broadcast_in_dim3A_5 : vector<16xf32> to vector<16xf32>
    tpu.vector_store %arg6[%swap3A_6], %swap3A_9 {strides = array<i32>} : memref<640xf32, #tpu.memory_space<vmem>>, vector<16xf32>,
    %broadcast_in_dim3A_10 = arith.constant 0.000000e+00 : f32
    %broadcast_in_dim3A_11 = vector.broadcast %broadcast_in_dim3A_10 : f32 to vector<16xf32>
    %swap3A_12 = arith.constant 32 : index
    %swap3A_13 = tpu.vector_load %arg6[%swap3A_12] {strides = array<i32>} : memref<640xf32, #tpu.memory_space<vmem>>, vector<16xf32>,
    %swap3A_14 = vector.shape_cast %swap3A_13 : vector<16xf32> to vector<16xf32>
    %swap3A_15 = vector.shape_cast %broadcast_in_dim3A_11 : vector<16xf32> to vector<16xf32>
    tpu.vector_store %arg6[%swap3A_12], %swap3A_15 {strides = array<i32>} : memref<640xf32, #tpu.memory_space<vmem>>, vector<16xf32>,
    %broadcast_in_dim3A_16 = arith.constant 0.000000e+00 : f32
    %broadcast_in_dim3A_17 = vector.broadcast %broadcast_in_dim3A_16 : f32 to vector<16xf32>
    %swap3A_18 = arith.constant 48 : index
    %swap3A_19 = tpu.vector_load %arg6[%swap3A_18] {strides = array<i32>} : memref<640xf32, #tpu.memory_space<vmem>>, vector<16xf32>,
    %swap3A_20 = vector.shape_cast %swap3A_19 : vector<16xf32> to vector<16xf32>
    %swap3A_21 = vector.shape_cast %broadcast_in_dim3A_17 : vector<16xf32> to vector<16xf32>
    tpu.vector_store %arg6[%swap3A_18], %swap3A_21 {strides = array<i32>} : memref<640xf32, #tpu.memory_space<vmem>>, vector<16xf32>,
    %broadcast_in_dim3A_22 = arith.constant 0.000000e+00 : f32
    %broadcast_in_dim3A_23 = vector.broadcast %broadcast_in_dim3A_22 : f32 to vector<16xf32>
    %swap3A_24 = arith.constant 64 : index
    %swap3A_25 = tpu.vector_load %arg6[%swap3A_24] {strides = array<i32>} : memref<640xf32, #tpu.memory_space<vmem>>, vector<16xf32>,
    %swap3A_26 = vector.shape_cast %swap3A_25 : vector<16xf32> to vector<16xf32>
    %swap3A_27 = vector.shape_cast %broadcast_in_dim3A_23 : vector<16xf32> to vector<16xf32>
    tpu.vector_store %arg6[%swap3A_24], %swap3A_27 {strides = array<i32>} : memref<640xf32, #tpu.memory_space<vmem>>, vector<16xf32>,
    %broadcast_in_dim3A_28 = arith.constant 0.000000e+00 : f32
    %broadcast_in_dim3A_29 = vector.broadcast %broadcast_in_dim3A_28 : f32 to vector<16xf32>
    %swap3A_30 = arith.constant 80 : index
    %swap3A_31 = tpu.vector_load %arg6[%swap3A_30] {strides = array<i32>} : memref<640xf32, #tpu.memory_space<vmem>>, vector<16xf32>,
    %swap3A_32 = vector.shape_cast %swap3A_31 : vector<16xf32> to vector<16xf32>
    %swap3A_33 = vector.shape_cast %broadcast_in_dim3A_29 : vector<16xf32> to vector<16xf32>
    tpu.vector_store %arg6[%swap3A_30], %swap3A_33 {strides = array<i32>} : memref<640xf32, #tpu.memory_space<vmem>>, vector<16xf32>,
    %broadcast_in_dim3A_34 = arith.constant 0.000000e+00 : f32
    %broadcast_in_dim3A_35 = vector.broadcast %broadcast_in_dim3A_34 : f32 to vector<16xf32>
    %swap3A_36 = arith.constant 96 : index
    %swap3A_37 = tpu.vector_load %arg6[%swap3A_36] {strides = array<i32>} : memref<640xf32, #tpu.memory_space<vmem>>, vector<16xf32>,
    %swap3A_38 = vector.shape_cast %swap3A_37 : vector<16xf32> to vector<16xf32>
    %swap3A_39 = vector.shape_cast %broadcast_in_dim3A_35 : vector<16xf32> to vector<16xf32>
    tpu.vector_store %arg6[%swap3A_36], %swap3A_39 {strides = array<i32>} : memref<640xf32, #tpu.memory_space<vmem>>, vector<16xf32>,
    %broadcast_in_dim3A_40 = arith.constant 0.000000e+00 : f32
    %broadcast_in_dim3A_41 = vector.broadcast %broadcast_in_dim3A_40 : f32 to vector<16xf32>
    %swap3A_42 = arith.constant 112 : index
    %swap3A_43 = tpu.vector_load %arg6[%swap3A_42] {strides = array<i32>} : memref<640xf32, #tpu.memory_space<vmem>>, vector<16xf32>,
    %swap3A_44 = vector.shape_cast %swap3A_43 : vector<16xf32> to vector<16xf32>
    %swap3A_45 = vector.shape_cast %broadcast_in_dim3A_41 : vector<16xf32> to vector<16xf32>
    tpu.vector_store %arg6[%swap3A_42], %swap3A_45 {strides = array<i32>} : memref<640xf32, #tpu.memory_space<vmem>>, vector<16xf32>,
    %broadcast_in_dim3A_46 = arith.constant 0.000000e+00 : f32
    %broadcast_in_dim3A_47 = vector.broadcast %broadcast_in_dim3A_46 : f32 to vector<16xf32>
    %swap3A_48 = arith.constant 128 : index
    %swap3A_49 = tpu.vector_load %arg6[%swap3A_48] {strides = array<i32>} : memref<640xf32, #tpu.memory_space<vmem>>, vector<16xf32>,
    %swap3A_50 = vector.shape_cast %swap3A_49 : vector<16xf32> to vector<16xf32>
    %swap3A_51 = vector.shape_cast %broadcast_in_dim3A_47 : vector<16xf32> to vector<16xf32>
    tpu.vector_store %arg6[%swap3A_48], %swap3A_51 {strides = array<i32>} : memref<640xf32, #tpu.memory_space<vmem>>, vector<16xf32>,
    %broadcast_in_dim3A_52 = arith.constant 0.000000e+00 : f32
    %broadcast_in_dim3A_53 = vector.broadcast %broadcast_in_dim3A_52 : f32 to vector<16xf32>
    %swap3A_54 = arith.constant 144 : index
    %swap3A_55 = tpu.vector_load %arg6[%swap3A_54] {strides = array<i32>} : memref<640xf32, #tpu.memory_space<vmem>>, vector<16xf32>,
    %swap3A_56 = vector.shape_cast %swap3A_55 : vector<16xf32> to vector<16xf32>
    %swap3A_57 = vector.shape_cast %broadcast_in_dim3A_53 : vector<16xf32> to vector<16xf32>
    tpu.vector_store %arg6[%swap3A_54], %swap3A_57 {strides = array<i32>} : memref<640xf32, #tpu.memory_space<vmem>>, vector<16xf32>,
    %broadcast_in_dim3A_58 = arith.constant 0.000000e+00 : f32
    %broadcast_in_dim3A_59 = vector.broadcast %broadcast_in_dim3A_58 : f32 to vector<16xf32>
    %swap3A_60 = arith.constant 160 : index
    %swap3A_61 = tpu.vector_load %arg6[%swap3A_60] {strides = array<i32>} : memref<640xf32, #tpu.memory_space<vmem>>, vector<16xf32>,
    %swap3A_62 = vector.shape_cast %swap3A_61 : vector<16xf32> to vector<16xf32>
    %swap3A_63 = vector.shape_cast %broadcast_in_dim3A_59 : vector<16xf32> to vector<16xf32>
    tpu.vector_store %arg6[%swap3A_60], %swap3A_63 {strides = array<i32>} : memref<640xf32, #tpu.memory_space<vmem>>, vector<16xf32>,
    %broadcast_in_dim3A_64 = arith.constant 0.000000e+00 : f32
    %broadcast_in_dim3A_65 = vector.broadcast %broadcast_in_dim3A_64 : f32 to vector<16xf32>
    %swap3A_66 = arith.constant 176 : index
    %swap3A_67 = tpu.vector_load %arg6[%swap3A_66] {strides = array<i32>} : memref<640xf32, #tpu.memory_space<vmem>>, vector<16xf32>,
    %swap3A_68 = vector.shape_cast %swap3A_67 : vector<16xf32> to vector<16xf32>
    %swap3A_69 = vector.shape_cast %broadcast_in_dim3A_65 : vector<16xf32> to vector<16xf32>
    tpu.vector_store %arg6[%swap3A_66], %swap3A_69 {strides = array<i32>} : memref<640xf32, #tpu.memory_space<vmem>>, vector<16xf32>,
    %broadcast_in_dim3A_70 = arith.constant 0.000000e+00 : f32
    %broadcast_in_dim3A_71 = vector.broadcast %broadcast_in_dim3A_70 : f32 to vector<16xf32>
    %swap3A_72 = arith.constant 192 : index
    %swap3A_73 = tpu.vector_load %arg6[%swap3A_72] {strides = array<i32>} : memref<640xf32, #tpu.memory_space<vmem>>, vector<16xf32>,
    %swap3A_74 = vector.shape_cast %swap3A_73 : vector<16xf32> to vector<16xf32>
    %swap3A_75 = vector.shape_cast %broadcast_in_dim3A_71 : vector<16xf32> to vector<16xf32>
    tpu.vector_store %arg6[%swap3A_72], %swap3A_75 {strides = array<i32>} : memref<640xf32, #tpu.memory_space<vmem>>, vector<16xf32>,
    %broadcast_in_dim3A_76 = arith.constant 0.000000e+00 : f32
    %broadcast_in_dim3A_77 = vector.broadcast %broadcast_in_dim3A_76 : f32 to vector<16xf32>
    %swap3A_78 = arith.constant 208 : index
    %swap3A_79 = tpu.vector_load %arg6[%swap3A_78] {strides = array<i32>} : memref<640xf32, #tpu.memory_space<vmem>>, vector<16xf32>,
    %swap3A_80 = vector.shape_cast %swap3A_79 : vector<16xf32> to vector<16xf32>
    %swap3A_81 = vector.shape_cast %broadcast_in_dim3A_77 : vector<16xf32> to vector<16xf32>
    tpu.vector_store %arg6[%swap3A_78], %swap3A_81 {strides = array<i32>} : memref<640xf32, #tpu.memory_space<vmem>>, vector<16xf32>,
    %broadcast_in_dim3A_82 = arith.constant 0.000000e+00 : f32
    %broadcast_in_dim3A_83 = vector.broadcast %broadcast_in_dim3A_82 : f32 to vector<16xf32>
    %swap3A_84 = arith.constant 224 : index
    %swap3A_85 = tpu.vector_load %arg6[%swap3A_84] {strides = array<i32>} : memref<640xf32, #tpu.memory_space<vmem>>, vector<16xf32>,
    %swap3A_86 = vector.shape_cast %swap3A_85 : vector<16xf32> to vector<16xf32>
    %swap3A_87 = vector.shape_cast %broadcast_in_dim3A_83 : vector<16xf32> to vector<16xf32>
    tpu.vector_store %arg6[%swap3A_84], %swap3A_87 {strides = array<i32>} : memref<640xf32, #tpu.memory_space<vmem>>, vector<16xf32>,
    %broadcast_in_dim3A_88 = arith.constant 0.000000e+00 : f32
    %broadcast_in_dim3A_89 = vector.broadcast %broadcast_in_dim3A_88 : f32 to vector<16xf32>
    %swap3A_90 = arith.constant 240 : index
    %swap3A_91 = tpu.vector_load %arg6[%swap3A_90] {strides = array<i32>} : memref<640xf32, #tpu.memory_space<vmem>>, vector<16xf32>,
    %swap3A_92 = vector.shape_cast %swap3A_91 : vector<16xf32> to vector<16xf32>
    %swap3A_93 = vector.shape_cast %broadcast_in_dim3A_89 : vector<16xf32> to vector<16xf32>
    tpu.vector_store %arg6[%swap3A_90], %swap3A_93 {strides = array<i32>} : memref<640xf32, #tpu.memory_space<vmem>>, vector<16xf32>,
    %broadcast_in_dim3A_94 = arith.constant 0.000000e+00 : f32
    %broadcast_in_dim3A_95 = vector.broadcast %broadcast_in_dim3A_94 : f32 to vector<16xf32>
    %swap3A_96 = arith.constant 256 : index
    %swap3A_97 = tpu.vector_load %arg6[%swap3A_96] {strides = array<i32>} : memref<640xf32, #tpu.memory_space<vmem>>, vector<16xf32>,
    %swap3A_98 = vector.shape_cast %swap3A_97 : vector<16xf32> to vector<16xf32>
    %swap3A_99 = vector.shape_cast %broadcast_in_dim3A_95 : vector<16xf32> to vector<16xf32>
    tpu.vector_store %arg6[%swap3A_96], %swap3A_99 {strides = array<i32>} : memref<640xf32, #tpu.memory_space<vmem>>, vector<16xf32>,
    %broadcast_in_dim3A_100 = arith.constant 0.000000e+00 : f32
    %broadcast_in_dim3A_101 = vector.broadcast %broadcast_in_dim3A_100 : f32 to vector<16xf32>
    %swap3A_102 = arith.constant 272 : index
    %swap3A_103 = tpu.vector_load %arg6[%swap3A_102] {strides = array<i32>} : memref<640xf32, #tpu.memory_space<vmem>>, vector<16xf32>,
    %swap3A_104 = vector.shape_cast %swap3A_103 : vector<16xf32> to vector<16xf32>
    %swap3A_105 = vector.shape_cast %broadcast_in_dim3A_101 : vector<16xf32> to vector<16xf32>
    tpu.vector_store %arg6[%swap3A_102], %swap3A_105 {strides = array<i32>} : memref<640xf32, #tpu.memory_space<vmem>>, vector<16xf32>,
    %broadcast_in_dim3A_106 = arith.constant 0.000000e+00 : f32
    %broadcast_in_dim3A_107 = vector.broadcast %broadcast_in_dim3A_106 : f32 to vector<16xf32>
    %swap3A_108 = arith.constant 288 : index
    %swap3A_109 = tpu.vector_load %arg6[%swap3A_108] {strides = array<i32>} : memref<640xf32, #tpu.memory_space<vmem>>, vector<16xf32>,
    %swap3A_110 = vector.shape_cast %swap3A_109 : vector<16xf32> to vector<16xf32>
    %swap3A_111 = vector.shape_cast %broadcast_in_dim3A_107 : vector<16xf32> to vector<16xf32>
    tpu.vector_store %arg6[%swap3A_108], %swap3A_111 {strides = array<i32>} : memref<640xf32, #tpu.memory_space<vmem>>, vector<16xf32>,
    %broadcast_in_dim3A_112 = arith.constant 0.000000e+00 : f32
    %broadcast_in_dim3A_113 = vector.broadcast %broadcast_in_dim3A_112 : f32 to vector<16xf32>
    %swap3A_114 = arith.constant 304 : index
    %swap3A_115 = tpu.vector_load %arg6[%swap3A_114] {strides = array<i32>} : memref<640xf32, #tpu.memory_space<vmem>>, vector<16xf32>,
    %swap3A_116 = vector.shape_cast %swap3A_115 : vector<16xf32> to vector<16xf32>
    %swap3A_117 = vector.shape_cast %broadcast_in_dim3A_113 : vector<16xf32> to vector<16xf32>
    tpu.vector_store %arg6[%swap3A_114], %swap3A_117 {strides = array<i32>} : memref<640xf32, #tpu.memory_space<vmem>>, vector<16xf32>,
    %broadcast_in_dim3A_118 = arith.constant 0.000000e+00 : f32
    %broadcast_in_dim3A_119 = vector.broadcast %broadcast_in_dim3A_118 : f32 to vector<16xf32>
    %swap3A_120 = arith.constant 320 : index
    %swap3A_121 = tpu.vector_load %arg6[%swap3A_120] {strides = array<i32>} : memref<640xf32, #tpu.memory_space<vmem>>, vector<16xf32>,
    %swap3A_122 = vector.shape_cast %swap3A_121 : vector<16xf32> to vector<16xf32>
    %swap3A_123 = vector.shape_cast %broadcast_in_dim3A_119 : vector<16xf32> to vector<16xf32>
    tpu.vector_store %arg6[%swap3A_120], %swap3A_123 {strides = array<i32>} : memref<640xf32, #tpu.memory_space<vmem>>, vector<16xf32>,
    %broadcast_in_dim3A_124 = arith.constant 0.000000e+00 : f32
    %broadcast_in_dim3A_125 = vector.broadcast %broadcast_in_dim3A_124 : f32 to vector<16xf32>
    %swap3A_126 = arith.constant 336 : index
    %swap3A_127 = tpu.vector_load %arg6[%swap3A_126] {strides = array<i32>} : memref<640xf32, #tpu.memory_space<vmem>>, vector<16xf32>,
    %swap3A_128 = vector.shape_cast %swap3A_127 : vector<16xf32> to vector<16xf32>
    %swap3A_129 = vector.shape_cast %broadcast_in_dim3A_125 : vector<16xf32> to vector<16xf32>
    tpu.vector_store %arg6[%swap3A_126], %swap3A_129 {strides = array<i32>} : memref<640xf32, #tpu.memory_space<vmem>>, vector<16xf32>,
    %broadcast_in_dim3A_130 = arith.constant 0.000000e+00 : f32
    %broadcast_in_dim3A_131 = vector.broadcast %broadcast_in_dim3A_130 : f32 to vector<16xf32>
    %swap3A_132 = arith.constant 352 : index
    %swap3A_133 = tpu.vector_load %arg6[%swap3A_132] {strides = array<i32>} : memref<640xf32, #tpu.memory_space<vmem>>, vector<16xf32>,
    %swap3A_134 = vector.shape_cast %swap3A_133 : vector<16xf32> to vector<16xf32>
    %swap3A_135 = vector.shape_cast %broadcast_in_dim3A_131 : vector<16xf32> to vector<16xf32>
    tpu.vector_store %arg6[%swap3A_132], %swap3A_135 {strides = array<i32>} : memref<640xf32, #tpu.memory_space<vmem>>, vector<16xf32>,
    %broadcast_in_dim3A_136 = arith.constant 0.000000e+00 : f32
    %broadcast_in_dim3A_137 = vector.broadcast %broadcast_in_dim3A_136 : f32 to vector<16xf32>
    %swap3A_138 = arith.constant 368 : index
    %swap3A_139 = tpu.vector_load %arg6[%swap3A_138] {strides = array<i32>} : memref<640xf32, #tpu.memory_space<vmem>>, vector<16xf32>,
    %swap3A_140 = vector.shape_cast %swap3A_139 : vector<16xf32> to vector<16xf32>
    %swap3A_141 = vector.shape_cast %broadcast_in_dim3A_137 : vector<16xf32> to vector<16xf32>
    tpu.vector_store %arg6[%swap3A_138], %swap3A_141 {strides = array<i32>} : memref<640xf32, #tpu.memory_space<vmem>>, vector<16xf32>,
    %broadcast_in_dim3A_142 = arith.constant 0.000000e+00 : f32
    %broadcast_in_dim3A_143 = vector.broadcast %broadcast_in_dim3A_142 : f32 to vector<16xf32>
    %swap3A_144 = arith.constant 384 : index
    %swap3A_145 = tpu.vector_load %arg6[%swap3A_144] {strides = array<i32>} : memref<640xf32, #tpu.memory_space<vmem>>, vector<16xf32>,
    %swap3A_146 = vector.shape_cast %swap3A_145 : vector<16xf32> to vector<16xf32>
    %swap3A_147 = vector.shape_cast %broadcast_in_dim3A_143 : vector<16xf32> to vector<16xf32>
    tpu.vector_store %arg6[%swap3A_144], %swap3A_147 {strides = array<i32>} : memref<640xf32, #tpu.memory_space<vmem>>, vector<16xf32>,
    %broadcast_in_dim3A_148 = arith.constant 0.000000e+00 : f32
    %broadcast_in_dim3A_149 = vector.broadcast %broadcast_in_dim3A_148 : f32 to vector<16xf32>
    %swap3A_150 = arith.constant 400 : index
    %swap3A_151 = tpu.vector_load %arg6[%swap3A_150] {strides = array<i32>} : memref<640xf32, #tpu.memory_space<vmem>>, vector<16xf32>,
    %swap3A_152 = vector.shape_cast %swap3A_151 : vector<16xf32> to vector<16xf32>
    %swap3A_153 = vector.shape_cast %broadcast_in_dim3A_149 : vector<16xf32> to vector<16xf32>
    tpu.vector_store %arg6[%swap3A_150], %swap3A_153 {strides = array<i32>} : memref<640xf32, #tpu.memory_space<vmem>>, vector<16xf32>,
    %broadcast_in_dim3A_154 = arith.constant 0.000000e+00 : f32
    %broadcast_in_dim3A_155 = vector.broadcast %broadcast_in_dim3A_154 : f32 to vector<16xf32>
    %swap3A_156 = arith.constant 416 : index
    %swap3A_157 = tpu.vector_load %arg6[%swap3A_156] {strides = array<i32>} : memref<640xf32, #tpu.memory_space<vmem>>, vector<16xf32>,
    %swap3A_158 = vector.shape_cast %swap3A_157 : vector<16xf32> to vector<16xf32>
    %swap3A_159 = vector.shape_cast %broadcast_in_dim3A_155 : vector<16xf32> to vector<16xf32>
    tpu.vector_store %arg6[%swap3A_156], %swap3A_159 {strides = array<i32>} : memref<640xf32, #tpu.memory_space<vmem>>, vector<16xf32>,
    %broadcast_in_dim3A_160 = arith.constant 0.000000e+00 : f32
    %broadcast_in_dim3A_161 = vector.broadcast %broadcast_in_dim3A_160 : f32 to vector<16xf32>
    %swap3A_162 = arith.constant 432 : index
    %swap3A_163 = tpu.vector_load %arg6[%swap3A_162] {strides = array<i32>} : memref<640xf32, #tpu.memory_space<vmem>>, vector<16xf32>,
    %swap3A_164 = vector.shape_cast %swap3A_163 : vector<16xf32> to vector<16xf32>
    %swap3A_165 = vector.shape_cast %broadcast_in_dim3A_161 : vector<16xf32> to vector<16xf32>
    tpu.vector_store %arg6[%swap3A_162], %swap3A_165 {strides = array<i32>} : memref<640xf32, #tpu.memory_space<vmem>>, vector<16xf32>,
    %broadcast_in_dim3A_166 = arith.constant 0.000000e+00 : f32
    %broadcast_in_dim3A_167 = vector.broadcast %broadcast_in_dim3A_166 : f32 to vector<16xf32>
    %swap3A_168 = arith.constant 448 : index
    %swap3A_169 = tpu.vector_load %arg6[%swap3A_168] {strides = array<i32>} : memref<640xf32, #tpu.memory_space<vmem>>, vector<16xf32>,
    %swap3A_170 = vector.shape_cast %swap3A_169 : vector<16xf32> to vector<16xf32>
    %swap3A_171 = vector.shape_cast %broadcast_in_dim3A_167 : vector<16xf32> to vector<16xf32>
    tpu.vector_store %arg6[%swap3A_168], %swap3A_171 {strides = array<i32>} : memref<640xf32, #tpu.memory_space<vmem>>, vector<16xf32>,
    %broadcast_in_dim3A_172 = arith.constant 0.000000e+00 : f32
    %broadcast_in_dim3A_173 = vector.broadcast %broadcast_in_dim3A_172 : f32 to vector<16xf32>
    %swap3A_174 = arith.constant 464 : index
    %swap3A_175 = tpu.vector_load %arg6[%swap3A_174] {strides = array<i32>} : memref<640xf32, #tpu.memory_space<vmem>>, vector<16xf32>,
    %swap3A_176 = vector.shape_cast %swap3A_175 : vector<16xf32> to vector<16xf32>
    %swap3A_177 = vector.shape_cast %broadcast_in_dim3A_173 : vector<16xf32> to vector<16xf32>
    tpu.vector_store %arg6[%swap3A_174], %swap3A_177 {strides = array<i32>} : memref<640xf32, #tpu.memory_space<vmem>>, vector<16xf32>,
    %broadcast_in_dim3A_178 = arith.constant 0.000000e+00 : f32
    %broadcast_in_dim3A_179 = vector.broadcast %broadcast_in_dim3A_178 : f32 to vector<16xf32>
    %swap3A_180 = arith.constant 480 : index
    %swap3A_181 = tpu.vector_load %arg6[%swap3A_180] {strides = array<i32>} : memref<640xf32, #tpu.memory_space<vmem>>, vector<16xf32>,
    %swap3A_182 = vector.shape_cast %swap3A_181 : vector<16xf32> to vector<16xf32>
    %swap3A_183 = vector.shape_cast %broadcast_in_dim3A_179 : vector<16xf32> to vector<16xf32>
    tpu.vector_store %arg6[%swap3A_180], %swap3A_183 {strides = array<i32>} : memref<640xf32, #tpu.memory_space<vmem>>, vector<16xf32>,
    %broadcast_in_dim3A_184 = arith.constant 0.000000e+00 : f32
    %broadcast_in_dim3A_185 = vector.broadcast %broadcast_in_dim3A_184 : f32 to vector<16xf32>
    %swap3A_186 = arith.constant 496 : index
    %swap3A_187 = tpu.vector_load %arg6[%swap3A_186] {strides = array<i32>} : memref<640xf32, #tpu.memory_space<vmem>>, vector<16xf32>,
    %swap3A_188 = vector.shape_cast %swap3A_187 : vector<16xf32> to vector<16xf32>
    %swap3A_189 = vector.shape_cast %broadcast_in_dim3A_185 : vector<16xf32> to vector<16xf32>
    tpu.vector_store %arg6[%swap3A_186], %swap3A_189 {strides = array<i32>} : memref<640xf32, #tpu.memory_space<vmem>>, vector<16xf32>,
    %broadcast_in_dim3A_190 = arith.constant 0.000000e+00 : f32
    %broadcast_in_dim3A_191 = vector.broadcast %broadcast_in_dim3A_190 : f32 to vector<16xf32>
    %swap3A_192 = arith.constant 512 : index
    %swap3A_193 = tpu.vector_load %arg6[%swap3A_192] {strides = array<i32>} : memref<640xf32, #tpu.memory_space<vmem>>, vector<16xf32>,
    %swap3A_194 = vector.shape_cast %swap3A_193 : vector<16xf32> to vector<16xf32>
    %swap3A_195 = vector.shape_cast %broadcast_in_dim3A_191 : vector<16xf32> to vector<16xf32>
    tpu.vector_store %arg6[%swap3A_192], %swap3A_195 {strides = array<i32>} : memref<640xf32, #tpu.memory_space<vmem>>, vector<16xf32>,
    %broadcast_in_dim3A_196 = arith.constant 0.000000e+00 : f32
    %broadcast_in_dim3A_197 = vector.broadcast %broadcast_in_dim3A_196 : f32 to vector<16xf32>
    %swap3A_198 = arith.constant 528 : index
    %swap3A_199 = tpu.vector_load %arg6[%swap3A_198] {strides = array<i32>} : memref<640xf32, #tpu.memory_space<vmem>>, vector<16xf32>,
    %swap3A_200 = vector.shape_cast %swap3A_199 : vector<16xf32> to vector<16xf32>
    %swap3A_201 = vector.shape_cast %broadcast_in_dim3A_197 : vector<16xf32> to vector<16xf32>
    tpu.vector_store %arg6[%swap3A_198], %swap3A_201 {strides = array<i32>} : memref<640xf32, #tpu.memory_space<vmem>>, vector<16xf32>,
    %broadcast_in_dim3A_202 = arith.constant 0.000000e+00 : f32
    %broadcast_in_dim3A_203 = vector.broadcast %broadcast_in_dim3A_202 : f32 to vector<16xf32>
    %swap3A_204 = arith.constant 544 : index
    %swap3A_205 = tpu.vector_load %arg6[%swap3A_204] {strides = array<i32>} : memref<640xf32, #tpu.memory_space<vmem>>, vector<16xf32>,
    %swap3A_206 = vector.shape_cast %swap3A_205 : vector<16xf32> to vector<16xf32>
    %swap3A_207 = vector.shape_cast %broadcast_in_dim3A_203 : vector<16xf32> to vector<16xf32>
    tpu.vector_store %arg6[%swap3A_204], %swap3A_207 {strides = array<i32>} : memref<640xf32, #tpu.memory_space<vmem>>, vector<16xf32>,
    %broadcast_in_dim3A_208 = arith.constant 0.000000e+00 : f32
    %broadcast_in_dim3A_209 = vector.broadcast %broadcast_in_dim3A_208 : f32 to vector<16xf32>
    %swap3A_210 = arith.constant 560 : index
    %swap3A_211 = tpu.vector_load %arg6[%swap3A_210] {strides = array<i32>} : memref<640xf32, #tpu.memory_space<vmem>>, vector<16xf32>,
    %swap3A_212 = vector.shape_cast %swap3A_211 : vector<16xf32> to vector<16xf32>
    %swap3A_213 = vector.shape_cast %broadcast_in_dim3A_209 : vector<16xf32> to vector<16xf32>
    tpu.vector_store %arg6[%swap3A_210], %swap3A_213 {strides = array<i32>} : memref<640xf32, #tpu.memory_space<vmem>>, vector<16xf32>,
    %broadcast_in_dim3A_214 = arith.constant 0.000000e+00 : f32
    %broadcast_in_dim3A_215 = vector.broadcast %broadcast_in_dim3A_214 : f32 to vector<16xf32>
    %swap3A_216 = arith.constant 576 : index
    %swap3A_217 = tpu.vector_load %arg6[%swap3A_216] {strides = array<i32>} : memref<640xf32, #tpu.memory_space<vmem>>, vector<16xf32>,
    %swap3A_218 = vector.shape_cast %swap3A_217 : vector<16xf32> to vector<16xf32>
    %swap3A_219 = vector.shape_cast %broadcast_in_dim3A_215 : vector<16xf32> to vector<16xf32>
    tpu.vector_store %arg6[%swap3A_216], %swap3A_219 {strides = array<i32>} : memref<640xf32, #tpu.memory_space<vmem>>, vector<16xf32>,
    %broadcast_in_dim3A_220 = arith.constant 0.000000e+00 : f32
    %broadcast_in_dim3A_221 = vector.broadcast %broadcast_in_dim3A_220 : f32 to vector<16xf32>
    %swap3A_222 = arith.constant 592 : index
    %swap3A_223 = tpu.vector_load %arg6[%swap3A_222] {strides = array<i32>} : memref<640xf32, #tpu.memory_space<vmem>>, vector<16xf32>,
    %swap3A_224 = vector.shape_cast %swap3A_223 : vector<16xf32> to vector<16xf32>
    %swap3A_225 = vector.shape_cast %broadcast_in_dim3A_221 : vector<16xf32> to vector<16xf32>
    tpu.vector_store %arg6[%swap3A_222], %swap3A_225 {strides = array<i32>} : memref<640xf32, #tpu.memory_space<vmem>>, vector<16xf32>,
    %broadcast_in_dim3A_226 = arith.constant 0.000000e+00 : f32
    %broadcast_in_dim3A_227 = vector.broadcast %broadcast_in_dim3A_226 : f32 to vector<16xf32>
    %swap3A_228 = arith.constant 608 : index
    %swap3A_229 = tpu.vector_load %arg6[%swap3A_228] {strides = array<i32>} : memref<640xf32, #tpu.memory_space<vmem>>, vector<16xf32>,
    %swap3A_230 = vector.shape_cast %swap3A_229 : vector<16xf32> to vector<16xf32>
    %swap3A_231 = vector.shape_cast %broadcast_in_dim3A_227 : vector<16xf32> to vector<16xf32>
    tpu.vector_store %arg6[%swap3A_228], %swap3A_231 {strides = array<i32>} : memref<640xf32, #tpu.memory_space<vmem>>, vector<16xf32>,
    %broadcast_in_dim3A_232 = arith.constant 0.000000e+00 : f32
    %broadcast_in_dim3A_233 = vector.broadcast %broadcast_in_dim3A_232 : f32 to vector<16xf32>
    %swap3A_234 = arith.constant 624 : index
    %swap3A_235 = tpu.vector_load %arg6[%swap3A_234] {strides = array<i32>} : memref<640xf32, #tpu.memory_space<vmem>>, vector<16xf32>,
    %swap3A_236 = vector.shape_cast %swap3A_235 : vector<16xf32> to vector<16xf32>
    %swap3A_237 = vector.shape_cast %broadcast_in_dim3A_233 : vector<16xf32> to vector<16xf32>
    tpu.vector_store %arg6[%swap3A_234], %swap3A_237 {strides = array<i32>} : memref<640xf32, #tpu.memory_space<vmem>>, vector<16xf32>,
    %broadcast_in_dim3A_238 = arith.constant 1.000000e+00 : f32
    %broadcast_in_dim3A_239 = vector.broadcast %broadcast_in_dim3A_238 : f32 to vector<16xf32>
    %swap3A_240 = arith.constant 0 : index
    %swap3A_241 = tpu.vector_load %arg5[%swap3A_240] {strides = array<i32>} : memref<128xf32, #tpu.memory_space<vmem>>, vector<16xf32>,
    %swap3A_242 = vector.shape_cast %swap3A_241 : vector<16xf32> to vector<16xf32>
    %swap3A_243 = vector.shape_cast %broadcast_in_dim3A_239 : vector<16xf32> to vector<16xf32>
    tpu.vector_store %arg5[%swap3A_240], %swap3A_243 {strides = array<i32>} : memref<128xf32, #tpu.memory_space<vmem>>, vector<16xf32>,
    %broadcast_in_dim3A_244 = arith.constant 1.000000e+00 : f32
    %broadcast_in_dim3A_245 = vector.broadcast %broadcast_in_dim3A_244 : f32 to vector<16xf32>
    %swap3A_246 = arith.constant 16 : index
    %swap3A_247 = tpu.vector_load %arg5[%swap3A_246] {strides = array<i32>} : memref<128xf32, #tpu.memory_space<vmem>>, vector<16xf32>,
    %swap3A_248 = vector.shape_cast %swap3A_247 : vector<16xf32> to vector<16xf32>
    %swap3A_249 = vector.shape_cast %broadcast_in_dim3A_245 : vector<16xf32> to vector<16xf32>
    tpu.vector_store %arg5[%swap3A_246], %swap3A_249 {strides = array<i32>} : memref<128xf32, #tpu.memory_space<vmem>>, vector<16xf32>,
    %broadcast_in_dim3A_250 = arith.constant 1.000000e+00 : f32
    %broadcast_in_dim3A_251 = vector.broadcast %broadcast_in_dim3A_250 : f32 to vector<16xf32>
    %swap3A_252 = arith.constant 32 : index
    %swap3A_253 = tpu.vector_load %arg5[%swap3A_252] {strides = array<i32>} : memref<128xf32, #tpu.memory_space<vmem>>, vector<16xf32>,
    %swap3A_254 = vector.shape_cast %swap3A_253 : vector<16xf32> to vector<16xf32>
    %swap3A_255 = vector.shape_cast %broadcast_in_dim3A_251 : vector<16xf32> to vector<16xf32>
    tpu.vector_store %arg5[%swap3A_252], %swap3A_255 {strides = array<i32>} : memref<128xf32, #tpu.memory_space<vmem>>, vector<16xf32>,
    %broadcast_in_dim3A_256 = arith.constant 1.000000e+00 : f32
    %broadcast_in_dim3A_257 = vector.broadcast %broadcast_in_dim3A_256 : f32 to vector<16xf32>
    %swap3A_258 = arith.constant 48 : index
    %swap3A_259 = tpu.vector_load %arg5[%swap3A_258] {strides = array<i32>} : memref<128xf32, #tpu.memory_space<vmem>>, vector<16xf32>,
    %swap3A_260 = vector.shape_cast %swap3A_259 : vector<16xf32> to vector<16xf32>
    %swap3A_261 = vector.shape_cast %broadcast_in_dim3A_257 : vector<16xf32> to vector<16xf32>
    tpu.vector_store %arg5[%swap3A_258], %swap3A_261 {strides = array<i32>} : memref<128xf32, #tpu.memory_space<vmem>>, vector<16xf32>,
    %broadcast_in_dim3A_262 = arith.constant 1.000000e+00 : f32
    %broadcast_in_dim3A_263 = vector.broadcast %broadcast_in_dim3A_262 : f32 to vector<16xf32>
    %swap3A_264 = arith.constant 64 : index
    %swap3A_265 = tpu.vector_load %arg5[%swap3A_264] {strides = array<i32>} : memref<128xf32, #tpu.memory_space<vmem>>, vector<16xf32>,
    %swap3A_266 = vector.shape_cast %swap3A_265 : vector<16xf32> to vector<16xf32>
    %swap3A_267 = vector.shape_cast %broadcast_in_dim3A_263 : vector<16xf32> to vector<16xf32>
    tpu.vector_store %arg5[%swap3A_264], %swap3A_267 {strides = array<i32>} : memref<128xf32, #tpu.memory_space<vmem>>, vector<16xf32>,
    %broadcast_in_dim3A_268 = arith.constant 1.000000e+00 : f32
    %broadcast_in_dim3A_269 = vector.broadcast %broadcast_in_dim3A_268 : f32 to vector<16xf32>
    %swap3A_270 = arith.constant 80 : index
    %swap3A_271 = tpu.vector_load %arg5[%swap3A_270] {strides = array<i32>} : memref<128xf32, #tpu.memory_space<vmem>>, vector<16xf32>,
    %swap3A_272 = vector.shape_cast %swap3A_271 : vector<16xf32> to vector<16xf32>
    %swap3A_273 = vector.shape_cast %broadcast_in_dim3A_269 : vector<16xf32> to vector<16xf32>
    tpu.vector_store %arg5[%swap3A_270], %swap3A_273 {strides = array<i32>} : memref<128xf32, #tpu.memory_space<vmem>>, vector<16xf32>,
    %broadcast_in_dim3A_274 = arith.constant 1.000000e+00 : f32
    %broadcast_in_dim3A_275 = vector.broadcast %broadcast_in_dim3A_274 : f32 to vector<16xf32>
    %swap3A_276 = arith.constant 96 : index
    %swap3A_277 = tpu.vector_load %arg5[%swap3A_276] {strides = array<i32>} : memref<128xf32, #tpu.memory_space<vmem>>, vector<16xf32>,
    %swap3A_278 = vector.shape_cast %swap3A_277 : vector<16xf32> to vector<16xf32>
    %swap3A_279 = vector.shape_cast %broadcast_in_dim3A_275 : vector<16xf32> to vector<16xf32>
    tpu.vector_store %arg5[%swap3A_276], %swap3A_279 {strides = array<i32>} : memref<128xf32, #tpu.memory_space<vmem>>, vector<16xf32>,
    %broadcast_in_dim3A_280 = arith.constant 1.000000e+00 : f32
    %broadcast_in_dim3A_281 = vector.broadcast %broadcast_in_dim3A_280 : f32 to vector<16xf32>
    %swap3A_282 = arith.constant 112 : index
    %swap3A_283 = tpu.vector_load %arg5[%swap3A_282] {strides = array<i32>} : memref<128xf32, #tpu.memory_space<vmem>>, vector<16xf32>,
    %swap3A_284 = vector.shape_cast %swap3A_283 : vector<16xf32> to vector<16xf32>
    %swap3A_285 = vector.shape_cast %broadcast_in_dim3A_281 : vector<16xf32> to vector<16xf32>
    tpu.vector_store %arg5[%swap3A_282], %swap3A_285 {strides = array<i32>} : memref<128xf32, #tpu.memory_space<vmem>>, vector<16xf32>,
    %mul3A = arith.constant 640 : i32
    %mul3A_286 = arith.muli %arg1, %mul3A : i32
    "tpu.region"() ({
      %run_scoped3A = tpu.sem_alloc : memref<!tpu.dma_semaphore, #tpu.memory_space<semaphore_mem>>
      %dma_start3A = tpu.memref_slice %arg7[%mul3A_286] : memref<10240xf32, #tpu.memory_space<vmem_shared>> -> memref<640xf32, #tpu.memory_space<vmem_shared>>
      %dma_start3A_297 = tpu.memref_slice %arg7[%mul3A_286] : memref<10240xf32, #tpu.memory_space<vmem_shared>> -> memref<640xf32, #tpu.memory_space<vmem_shared>>
      tpu.enqueue_dma source(%arg6 : memref<640xf32, #tpu.memory_space<vmem>>) target(%dma_start3A_297 : memref<640xf32, #tpu.memory_space<vmem_shared>>) target_semaphore(%run_scoped3A : memref<!tpu.dma_semaphore, #tpu.memory_space<semaphore_mem>>)
      %dma_wait3A = tpu.memref_slice %arg7[%mul3A_286] : memref<10240xf32, #tpu.memory_space<vmem_shared>> -> memref<640xf32, #tpu.memory_space<vmem_shared>>
      %dma_wait3A_298 = tpu.memref_slice %arg7[%mul3A_286] : memref<10240xf32, #tpu.memory_space<vmem_shared>> -> memref<640xf32, #tpu.memory_space<vmem_shared>>
      tpu.wait_dma2 semaphore(%run_scoped3A : memref<!tpu.dma_semaphore, #tpu.memory_space<semaphore_mem>>) src(%arg6 : memref<640xf32, #tpu.memory_space<vmem>>) dst(%dma_wait3A_298 : memref<640xf32, #tpu.memory_space<vmem_shared>>)
      tpu.yield
    }) : () -> ()
    "tpu.region"() ({
      %run_scoped3A = tpu.sem_alloc : memref<!tpu.dma_semaphore, #tpu.memory_space<semaphore_mem>>
      %dma_start3A = arith.constant 0 : i32
      %dma_start3A_297 = arith.constant 0 : i32
      %dma_start3A_298 = arith.constant 0 : i32
      %dma_start3A_299 = tpu.memref_slice %arg2[%arg0, %arg1, %dma_start3A, %dma_start3A_297, %dma_start3A_298] : memref<2x16x80x1x128xi32, #tpu.memory_space<hbm>> -> memref<1x1x80x1x128xi32, #tpu.memory_space<hbm>>
      %dma_start3A_300 = tpu.memref_squeeze %dma_start3A_299 : memref<1x1x80x1x128xi32, #tpu.memory_space<hbm>> -> memref<80x1x128xi32, #tpu.memory_space<hbm>>
      %dma_start3A_301 = arith.constant 0 : i32
      %dma_start3A_302 = arith.constant 0 : i32
      %dma_start3A_303 = arith.constant 0 : i32
      %dma_start3A_304 = tpu.memref_slice %arg2[%arg0, %arg1, %dma_start3A_301, %dma_start3A_302, %dma_start3A_303] : memref<2x16x80x1x128xi32, #tpu.memory_space<hbm>> -> memref<1x1x80x1x128xi32, #tpu.memory_space<hbm>>
      %dma_start3A_305 = tpu.memref_squeeze %dma_start3A_304 : memref<1x1x80x1x128xi32, #tpu.memory_space<hbm>> -> memref<80x1x128xi32, #tpu.memory_space<hbm>>
      tpu.enqueue_dma source(%dma_start3A_305 : memref<80x1x128xi32, #tpu.memory_space<hbm>>) target(%arg4 : memref<80x1x128xi32, #tpu.memory_space<vmem>>) target_semaphore(%run_scoped3A : memref<!tpu.dma_semaphore, #tpu.memory_space<semaphore_mem>>)
      %dma_wait3A = arith.constant 0 : i32
      %dma_wait3A_306 = arith.constant 0 : i32
      %dma_wait3A_307 = arith.constant 0 : i32
      %dma_wait3A_308 = tpu.memref_slice %arg2[%arg0, %arg1, %dma_wait3A, %dma_wait3A_306, %dma_wait3A_307] : memref<2x16x80x1x128xi32, #tpu.memory_space<hbm>> -> memref<1x1x80x1x128xi32, #tpu.memory_space<hbm>>
      %dma_wait3A_309 = tpu.memref_squeeze %dma_wait3A_308 : memref<1x1x80x1x128xi32, #tpu.memory_space<hbm>> -> memref<80x1x128xi32, #tpu.memory_space<hbm>>
      %dma_wait3A_310 = arith.constant 0 : i32
      %dma_wait3A_311 = arith.constant 0 : i32
      %dma_wait3A_312 = arith.constant 0 : i32
      %dma_wait3A_313 = tpu.memref_slice %arg2[%arg0, %arg1, %dma_wait3A_310, %dma_wait3A_311, %dma_wait3A_312] : memref<2x16x80x1x128xi32, #tpu.memory_space<hbm>> -> memref<1x1x80x1x128xi32, #tpu.memory_space<hbm>>
      %dma_wait3A_314 = tpu.memref_squeeze %dma_wait3A_313 : memref<1x1x80x1x128xi32, #tpu.memory_space<hbm>> -> memref<80x1x128xi32, #tpu.memory_space<hbm>>
      tpu.wait_dma2 semaphore(%run_scoped3A : memref<!tpu.dma_semaphore, #tpu.memory_space<semaphore_mem>>) src(%dma_wait3A_314 : memref<80x1x128xi32, #tpu.memory_space<hbm>>) dst(%arg4 : memref<80x1x128xi32, #tpu.memory_space<vmem>>)
      tpu.yield
    }) : () -> ()
    %barrier3A = arith.constant 0 : index
    tpu.barrier barrier_id(%barrier3A)
    %scan3A = arith.constant 0 : i32
    %scan3A_287 = arith.constant 0 : i32
    %scan3A_288 = arith.constant 80 : i32
    %scan3A_289 = arith.addi %scan3A_287, %scan3A_288 : i32
    %scan3A_290 = arith.constant 1 : i32
    scf.for %scan3A_297 = %scan3A_287 to %scan3A_289 step %scan3A_290  : i32 {
      %run_scoped3A = arith.constant 0 : i32
      "tpu.region"() ({
        %run_scoped3A_298 = tpu.sem_alloc : memref<!tpu.dma_semaphore, #tpu.memory_space<semaphore_mem>>
        %dma_start3A = arith.constant 0 : i32
        %dma_start3A_299 = tpu.memref_slice %arg4[%scan3A_297, %run_scoped3A, %dma_start3A] : memref<80x1x128xi32, #tpu.memory_space<vmem>> -> memref<1x1x128xi32, #tpu.memory_space<vmem>>
        %dma_start3A_300 = tpu.memref_squeeze %dma_start3A_299 : memref<1x1x128xi32, #tpu.memory_space<vmem>> -> memref<128xi32, #tpu.memory_space<vmem>>
        %dma_start3A_301 = arith.constant 0 : i32
        %dma_start3A_302 = tpu.memref_slice %arg7[%dma_start3A_301] : memref<10240xf32, #tpu.memory_space<vmem_shared>> -> memref<10240xf32, #tpu.memory_space<vmem_shared>>
        tpu.enqueue_indirect_dma source(%arg5 : memref<128xf32, #tpu.memory_space<vmem>>) target(%dma_start3A_302 : memref<10240xf32, #tpu.memory_space<vmem_shared>>) offsets(%dma_start3A_300 : memref<128xi32, #tpu.memory_space<vmem>>) semaphore(%run_scoped3A_298 : memref<!tpu.dma_semaphore, #tpu.memory_space<semaphore_mem>>) {add = true}
        %dma_wait3A = arith.constant 0 : i32
        %dma_wait3A_303 = tpu.memref_slice %arg4[%scan3A_297, %run_scoped3A, %dma_wait3A] : memref<80x1x128xi32, #tpu.memory_space<vmem>> -> memref<1x1x128xi32, #tpu.memory_space<vmem>>
        %dma_wait3A_304 = tpu.memref_squeeze %dma_wait3A_303 : memref<1x1x128xi32, #tpu.memory_space<vmem>> -> memref<128xi32, #tpu.memory_space<vmem>>
        %dma_wait3A_305 = arith.constant 0 : i32
        %dma_wait3A_306 = tpu.memref_slice %arg7[%dma_wait3A_305] : memref<10240xf32, #tpu.memory_space<vmem_shared>> -> memref<10240xf32, #tpu.memory_space<vmem_shared>>
        tpu.wait_indirect_dma semaphore(%run_scoped3A_298 : memref<!tpu.dma_semaphore, #tpu.memory_space<semaphore_mem>>) src(%arg5 : memref<128xf32, #tpu.memory_space<vmem>>) dst(%dma_wait3A_306 : memref<10240xf32, #tpu.memory_space<vmem_shared>>)
        tpu.yield
      }) : () -> ()
    }
    %scan3A_291 = arith.constant 80 : i32
    %barrier3A_292 = arith.constant 0 : index
    tpu.barrier barrier_id(%barrier3A_292)
    %mul3A_293 = arith.constant 640 : i32
    %mul3A_294 = arith.muli %arg1, %mul3A_293 : i32
    %mul3A_295 = arith.constant 640 : i32
    %mul3A_296 = arith.muli %arg1, %mul3A_295 : i32
    "tpu.region"() ({
      %run_scoped3A = tpu.sem_alloc : memref<!tpu.dma_semaphore, #tpu.memory_space<semaphore_mem>>
      %dma_start3A = tpu.memref_slice %arg3[%arg0, %mul3A_296] : memref<2x10240xf32, #tpu.memory_space<hbm>> -> memref<1x640xf32, #tpu.memory_space<hbm>>
      %dma_start3A_297 = tpu.memref_squeeze %dma_start3A : memref<1x640xf32, #tpu.memory_space<hbm>> -> memref<640xf32, #tpu.memory_space<hbm>>
      %dma_start3A_298 = tpu.memref_slice %arg7[%mul3A_294] : memref<10240xf32, #tpu.memory_space<vmem_shared>> -> memref<640xf32, #tpu.memory_space<vmem_shared>>
      tpu.enqueue_dma source(%dma_start3A_298 : memref<640xf32, #tpu.memory_space<vmem_shared>>) target(%dma_start3A_297 : memref<640xf32, #tpu.memory_space<hbm>>) target_semaphore(%run_scoped3A : memref<!tpu.dma_semaphore, #tpu.memory_space<semaphore_mem>>)
      %dma_wait3A = tpu.memref_slice %arg3[%arg0, %mul3A_296] : memref<2x10240xf32, #tpu.memory_space<hbm>> -> memref<1x640xf32, #tpu.memory_space<hbm>>
      %dma_wait3A_299 = tpu.memref_squeeze %dma_wait3A : memref<1x640xf32, #tpu.memory_space<hbm>> -> memref<640xf32, #tpu.memory_space<hbm>>
      %dma_wait3A_300 = tpu.memref_slice %arg7[%mul3A_294] : memref<10240xf32, #tpu.memory_space<vmem_shared>> -> memref<640xf32, #tpu.memory_space<vmem_shared>>
      tpu.wait_dma2 semaphore(%run_scoped3A : memref<!tpu.dma_semaphore, #tpu.memory_space<semaphore_mem>>) src(%dma_wait3A_300 : memref<640xf32, #tpu.memory_space<vmem_shared>>) dst(%dma_wait3A_299 : memref<640xf32, #tpu.memory_space<hbm>>)
      tpu.yield
    }) : () -> ()
    return
  }
}

#map = affine_map<(d0, d1) -> (0, 0)>
#map1 = affine_map<(d0, d1) -> (0, 0, 0, 0, 0)>
#map2 = affine_map<(d0, d1) -> (0, 0, 0)>
module attributes {stable_mosaic.version = 14 : i64} {
  func.func @_agg_body(%arg0: i32, %arg1: i32, %arg2: memref<10240x128xf32, #tpu.memory_space<hbm>>, %arg3: memref<2x16x80x1x128xi32, #tpu.memory_space<hbm>>, %arg4: memref<2x16x80x1x128xi32, #tpu.memory_space<hbm>>, %arg5: memref<2x10240x128xf32, #tpu.memory_space<hbm>>, %arg6: memref<80x1x128xi32, #tpu.memory_space<vmem>>, %arg7: memref<2x1x128xi32, #tpu.memory_space<vmem>>, %arg8: memref<2x128x128xf32, #tpu.memory_space<vmem>>, %arg9: memref<10240x128xf32, #tpu.memory_space<vmem_shared>>, %arg10: memref<2x!tpu.dma_semaphore, #tpu.memory_space<semaphore_mem>>, %arg11: memref<2x!tpu.dma_semaphore, #tpu.memory_space<semaphore_mem>>) attributes {dimension_semantics = [#tpu.dimension_semantics<core_parallel>, #tpu.dimension_semantics<subcore_parallel>], iteration_bounds = array<i64: 2, 16>, scalar_prefetch = 0 : i64, scratch_operands = 6 : i64, tpu.core_type = #tpu.core_type<sc_vector_subcore>, window_params = [{transform_indices = #map}, {transform_indices = #map1}, {transform_indices = #map1}, {transform_indices = #map2}]} {
    %mul3A = arith.constant 640 : i32
    %mul3A_0 = arith.muli %arg1, %mul3A : i32
    "tpu.region"() ({
      %run_scoped3A = tpu.sem_alloc : memref<!tpu.dma_semaphore, #tpu.memory_space<semaphore_mem>>
      %dma_start3A_87 = arith.constant 0 : i32
      %dma_start3A_88 = arith.constant 0 : i32
      %dma_start3A_89 = arith.constant 0 : i32
      %dma_start3A_90 = tpu.memref_slice %arg3[%arg0, %arg1, %dma_start3A_87, %dma_start3A_88, %dma_start3A_89] : memref<2x16x80x1x128xi32, #tpu.memory_space<hbm>> -> memref<1x1x80x1x128xi32, #tpu.memory_space<hbm>>
      %dma_start3A_91 = tpu.memref_squeeze %dma_start3A_90 : memref<1x1x80x1x128xi32, #tpu.memory_space<hbm>> -> memref<80x1x128xi32, #tpu.memory_space<hbm>>
      %dma_start3A_92 = arith.constant 0 : i32
      %dma_start3A_93 = arith.constant 0 : i32
      %dma_start3A_94 = arith.constant 0 : i32
      %dma_start3A_95 = tpu.memref_slice %arg3[%arg0, %arg1, %dma_start3A_92, %dma_start3A_93, %dma_start3A_94] : memref<2x16x80x1x128xi32, #tpu.memory_space<hbm>> -> memref<1x1x80x1x128xi32, #tpu.memory_space<hbm>>
      %dma_start3A_96 = tpu.memref_squeeze %dma_start3A_95 : memref<1x1x80x1x128xi32, #tpu.memory_space<hbm>> -> memref<80x1x128xi32, #tpu.memory_space<hbm>>
      tpu.enqueue_dma source(%dma_start3A_96 : memref<80x1x128xi32, #tpu.memory_space<hbm>>) target(%arg6 : memref<80x1x128xi32, #tpu.memory_space<vmem>>) target_semaphore(%run_scoped3A : memref<!tpu.dma_semaphore, #tpu.memory_space<semaphore_mem>>)
      %dma_wait3A = arith.constant 0 : i32
      %dma_wait3A_97 = arith.constant 0 : i32
      %dma_wait3A_98 = arith.constant 0 : i32
      %dma_wait3A_99 = tpu.memref_slice %arg3[%arg0, %arg1, %dma_wait3A, %dma_wait3A_97, %dma_wait3A_98] : memref<2x16x80x1x128xi32, #tpu.memory_space<hbm>> -> memref<1x1x80x1x128xi32, #tpu.memory_space<hbm>>
      %dma_wait3A_100 = tpu.memref_squeeze %dma_wait3A_99 : memref<1x1x80x1x128xi32, #tpu.memory_space<hbm>> -> memref<80x1x128xi32, #tpu.memory_space<hbm>>
      %dma_wait3A_101 = arith.constant 0 : i32
      %dma_wait3A_102 = arith.constant 0 : i32
      %dma_wait3A_103 = arith.constant 0 : i32
      %dma_wait3A_104 = tpu.memref_slice %arg3[%arg0, %arg1, %dma_wait3A_101, %dma_wait3A_102, %dma_wait3A_103] : memref<2x16x80x1x128xi32, #tpu.memory_space<hbm>> -> memref<1x1x80x1x128xi32, #tpu.memory_space<hbm>>
      %dma_wait3A_105 = tpu.memref_squeeze %dma_wait3A_104 : memref<1x1x80x1x128xi32, #tpu.memory_space<hbm>> -> memref<80x1x128xi32, #tpu.memory_space<hbm>>
      tpu.wait_dma2 semaphore(%run_scoped3A : memref<!tpu.dma_semaphore, #tpu.memory_space<semaphore_mem>>) src(%dma_wait3A_105 : memref<80x1x128xi32, #tpu.memory_space<hbm>>) dst(%arg6 : memref<80x1x128xi32, #tpu.memory_space<vmem>>)
      tpu.yield
    }) : () -> ()
    %eq3A = arith.constant 0 : i32
    %eq3A_1 = arith.cmpi eq, %arg0, %eq3A : i32
    %convert_element_type3A = arith.extui %eq3A_1 : i1 to i32
    %cond3A = arith.constant 0 : i32
    %cond3A_2 = arith.cmpi ne, %convert_element_type3A, %cond3A : i32
    scf.if %cond3A_2 {
      "tpu.region"() ({
        %run_scoped3A = tpu.sem_alloc : memref<!tpu.dma_semaphore, #tpu.memory_space<semaphore_mem>>
        %dma_start3A_87 = arith.constant 0 : i32
        %dma_start3A_88 = tpu.memref_slice %arg9[%mul3A_0, %dma_start3A_87] : memref<10240x128xf32, #tpu.memory_space<vmem_shared>> -> memref<640x128xf32, #tpu.memory_space<vmem_shared>>
        %dma_start3A_89 = arith.constant 0 : i32
        %dma_start3A_90 = tpu.memref_slice %arg2[%mul3A_0, %dma_start3A_89] : memref<10240x128xf32, #tpu.memory_space<hbm>> -> memref<640x128xf32, #tpu.memory_space<hbm>>
        tpu.enqueue_dma source(%dma_start3A_90 : memref<640x128xf32, #tpu.memory_space<hbm>>) target(%dma_start3A_88 : memref<640x128xf32, #tpu.memory_space<vmem_shared>>) target_semaphore(%run_scoped3A : memref<!tpu.dma_semaphore, #tpu.memory_space<semaphore_mem>>)
        %dma_wait3A = arith.constant 0 : i32
        %dma_wait3A_91 = tpu.memref_slice %arg9[%mul3A_0, %dma_wait3A] : memref<10240x128xf32, #tpu.memory_space<vmem_shared>> -> memref<640x128xf32, #tpu.memory_space<vmem_shared>>
        %dma_wait3A_92 = arith.constant 0 : i32
        %dma_wait3A_93 = tpu.memref_slice %arg2[%mul3A_0, %dma_wait3A_92] : memref<10240x128xf32, #tpu.memory_space<hbm>> -> memref<640x128xf32, #tpu.memory_space<hbm>>
        tpu.wait_dma2 semaphore(%run_scoped3A : memref<!tpu.dma_semaphore, #tpu.memory_space<semaphore_mem>>) src(%dma_wait3A_93 : memref<640x128xf32, #tpu.memory_space<hbm>>) dst(%dma_wait3A_91 : memref<640x128xf32, #tpu.memory_space<vmem_shared>>)
        tpu.yield
      }) : () -> ()
    } else {
    }
    %eq3A_3 = arith.constant 1 : i32
    %eq3A_4 = arith.cmpi eq, %arg0, %eq3A_3 : i32
    %convert_element_type3A_5 = arith.extui %eq3A_4 : i1 to i32
    %cond3A_6 = arith.constant 0 : i32
    %cond3A_7 = arith.cmpi ne, %convert_element_type3A_5, %cond3A_6 : i32
    scf.if %cond3A_7 {
      %scan3A_87 = arith.constant 0 : i32
      %scan3A_88 = arith.constant 0 : i32
      %scan3A_89 = arith.constant 128 : i32
      %scan3A_90 = arith.addi %scan3A_88, %scan3A_89 : i32
      %scan3A_91 = arith.constant 1 : i32
      scf.for %scan3A_99 = %scan3A_88 to %scan3A_90 step %scan3A_91  : i32 {
        %broadcast_in_dim3A = arith.constant 0.000000e+00 : f32
        %broadcast_in_dim3A_100 = vector.broadcast %broadcast_in_dim3A : f32 to vector<16xf32>
        %swap3A = arith.constant 0 : i32
        %swap3A_101 = arith.index_cast %swap3A : i32 to index
        %swap3A_102 = arith.index_cast %scan3A_99 : i32 to index
        %swap3A_103 = arith.constant 0 : index
        %swap3A_104 = tpu.vector_load %arg8[%swap3A_101, %swap3A_102, %swap3A_103] {strides = array<i32>} : memref<2x128x128xf32, #tpu.memory_space<vmem>>, vector<1x1x16xf32>,
        %swap3A_105 = vector.shape_cast %swap3A_104 : vector<1x1x16xf32> to vector<16xf32>
        %swap3A_106 = vector.shape_cast %broadcast_in_dim3A_100 : vector<16xf32> to vector<1x1x16xf32>
        tpu.vector_store %arg8[%swap3A_101, %swap3A_102, %swap3A_103], %swap3A_106 {strides = array<i32>} : memref<2x128x128xf32, #tpu.memory_space<vmem>>, vector<1x1x16xf32>,
        %broadcast_in_dim3A_107 = arith.constant 0.000000e+00 : f32
        %broadcast_in_dim3A_108 = vector.broadcast %broadcast_in_dim3A_107 : f32 to vector<16xf32>
        %swap3A_109 = arith.constant 0 : i32
        %swap3A_110 = arith.index_cast %swap3A_109 : i32 to index
        %swap3A_111 = arith.index_cast %scan3A_99 : i32 to index
        %swap3A_112 = arith.constant 16 : index
        %swap3A_113 = tpu.vector_load %arg8[%swap3A_110, %swap3A_111, %swap3A_112] {strides = array<i32>} : memref<2x128x128xf32, #tpu.memory_space<vmem>>, vector<1x1x16xf32>,
        %swap3A_114 = vector.shape_cast %swap3A_113 : vector<1x1x16xf32> to vector<16xf32>
        %swap3A_115 = vector.shape_cast %broadcast_in_dim3A_108 : vector<16xf32> to vector<1x1x16xf32>
        tpu.vector_store %arg8[%swap3A_110, %swap3A_111, %swap3A_112], %swap3A_115 {strides = array<i32>} : memref<2x128x128xf32, #tpu.memory_space<vmem>>, vector<1x1x16xf32>,
        %broadcast_in_dim3A_116 = arith.constant 0.000000e+00 : f32
        %broadcast_in_dim3A_117 = vector.broadcast %broadcast_in_dim3A_116 : f32 to vector<16xf32>
        %swap3A_118 = arith.constant 0 : i32
        %swap3A_119 = arith.index_cast %swap3A_118 : i32 to index
        %swap3A_120 = arith.index_cast %scan3A_99 : i32 to index
        %swap3A_121 = arith.constant 32 : index
        %swap3A_122 = tpu.vector_load %arg8[%swap3A_119, %swap3A_120, %swap3A_121] {strides = array<i32>} : memref<2x128x128xf32, #tpu.memory_space<vmem>>, vector<1x1x16xf32>,
        %swap3A_123 = vector.shape_cast %swap3A_122 : vector<1x1x16xf32> to vector<16xf32>
        %swap3A_124 = vector.shape_cast %broadcast_in_dim3A_117 : vector<16xf32> to vector<1x1x16xf32>
        tpu.vector_store %arg8[%swap3A_119, %swap3A_120, %swap3A_121], %swap3A_124 {strides = array<i32>} : memref<2x128x128xf32, #tpu.memory_space<vmem>>, vector<1x1x16xf32>,
        %broadcast_in_dim3A_125 = arith.constant 0.000000e+00 : f32
        %broadcast_in_dim3A_126 = vector.broadcast %broadcast_in_dim3A_125 : f32 to vector<16xf32>
        %swap3A_127 = arith.constant 0 : i32
        %swap3A_128 = arith.index_cast %swap3A_127 : i32 to index
        %swap3A_129 = arith.index_cast %scan3A_99 : i32 to index
        %swap3A_130 = arith.constant 48 : index
        %swap3A_131 = tpu.vector_load %arg8[%swap3A_128, %swap3A_129, %swap3A_130] {strides = array<i32>} : memref<2x128x128xf32, #tpu.memory_space<vmem>>, vector<1x1x16xf32>,
        %swap3A_132 = vector.shape_cast %swap3A_131 : vector<1x1x16xf32> to vector<16xf32>
        %swap3A_133 = vector.shape_cast %broadcast_in_dim3A_126 : vector<16xf32> to vector<1x1x16xf32>
        tpu.vector_store %arg8[%swap3A_128, %swap3A_129, %swap3A_130], %swap3A_133 {strides = array<i32>} : memref<2x128x128xf32, #tpu.memory_space<vmem>>, vector<1x1x16xf32>,
        %broadcast_in_dim3A_134 = arith.constant 0.000000e+00 : f32
        %broadcast_in_dim3A_135 = vector.broadcast %broadcast_in_dim3A_134 : f32 to vector<16xf32>
        %swap3A_136 = arith.constant 0 : i32
        %swap3A_137 = arith.index_cast %swap3A_136 : i32 to index
        %swap3A_138 = arith.index_cast %scan3A_99 : i32 to index
        %swap3A_139 = arith.constant 64 : index
        %swap3A_140 = tpu.vector_load %arg8[%swap3A_137, %swap3A_138, %swap3A_139] {strides = array<i32>} : memref<2x128x128xf32, #tpu.memory_space<vmem>>, vector<1x1x16xf32>,
        %swap3A_141 = vector.shape_cast %swap3A_140 : vector<1x1x16xf32> to vector<16xf32>
        %swap3A_142 = vector.shape_cast %broadcast_in_dim3A_135 : vector<16xf32> to vector<1x1x16xf32>
        tpu.vector_store %arg8[%swap3A_137, %swap3A_138, %swap3A_139], %swap3A_142 {strides = array<i32>} : memref<2x128x128xf32, #tpu.memory_space<vmem>>, vector<1x1x16xf32>,
        %broadcast_in_dim3A_143 = arith.constant 0.000000e+00 : f32
        %broadcast_in_dim3A_144 = vector.broadcast %broadcast_in_dim3A_143 : f32 to vector<16xf32>
        %swap3A_145 = arith.constant 0 : i32
        %swap3A_146 = arith.index_cast %swap3A_145 : i32 to index
        %swap3A_147 = arith.index_cast %scan3A_99 : i32 to index
        %swap3A_148 = arith.constant 80 : index
        %swap3A_149 = tpu.vector_load %arg8[%swap3A_146, %swap3A_147, %swap3A_148] {strides = array<i32>} : memref<2x128x128xf32, #tpu.memory_space<vmem>>, vector<1x1x16xf32>,
        %swap3A_150 = vector.shape_cast %swap3A_149 : vector<1x1x16xf32> to vector<16xf32>
        %swap3A_151 = vector.shape_cast %broadcast_in_dim3A_144 : vector<16xf32> to vector<1x1x16xf32>
        tpu.vector_store %arg8[%swap3A_146, %swap3A_147, %swap3A_148], %swap3A_151 {strides = array<i32>} : memref<2x128x128xf32, #tpu.memory_space<vmem>>, vector<1x1x16xf32>,
        %broadcast_in_dim3A_152 = arith.constant 0.000000e+00 : f32
        %broadcast_in_dim3A_153 = vector.broadcast %broadcast_in_dim3A_152 : f32 to vector<16xf32>
        %swap3A_154 = arith.constant 0 : i32
        %swap3A_155 = arith.index_cast %swap3A_154 : i32 to index
        %swap3A_156 = arith.index_cast %scan3A_99 : i32 to index
        %swap3A_157 = arith.constant 96 : index
        %swap3A_158 = tpu.vector_load %arg8[%swap3A_155, %swap3A_156, %swap3A_157] {strides = array<i32>} : memref<2x128x128xf32, #tpu.memory_space<vmem>>, vector<1x1x16xf32>,
        %swap3A_159 = vector.shape_cast %swap3A_158 : vector<1x1x16xf32> to vector<16xf32>
        %swap3A_160 = vector.shape_cast %broadcast_in_dim3A_153 : vector<16xf32> to vector<1x1x16xf32>
        tpu.vector_store %arg8[%swap3A_155, %swap3A_156, %swap3A_157], %swap3A_160 {strides = array<i32>} : memref<2x128x128xf32, #tpu.memory_space<vmem>>, vector<1x1x16xf32>,
        %broadcast_in_dim3A_161 = arith.constant 0.000000e+00 : f32
        %broadcast_in_dim3A_162 = vector.broadcast %broadcast_in_dim3A_161 : f32 to vector<16xf32>
        %swap3A_163 = arith.constant 0 : i32
        %swap3A_164 = arith.index_cast %swap3A_163 : i32 to index
        %swap3A_165 = arith.index_cast %scan3A_99 : i32 to index
        %swap3A_166 = arith.constant 112 : index
        %swap3A_167 = tpu.vector_load %arg8[%swap3A_164, %swap3A_165, %swap3A_166] {strides = array<i32>} : memref<2x128x128xf32, #tpu.memory_space<vmem>>, vector<1x1x16xf32>,
        %swap3A_168 = vector.shape_cast %swap3A_167 : vector<1x1x16xf32> to vector<16xf32>
        %swap3A_169 = vector.shape_cast %broadcast_in_dim3A_162 : vector<16xf32> to vector<1x1x16xf32>
        tpu.vector_store %arg8[%swap3A_164, %swap3A_165, %swap3A_166], %swap3A_169 {strides = array<i32>} : memref<2x128x128xf32, #tpu.memory_space<vmem>>, vector<1x1x16xf32>,
      }
      %scan3A_92 = arith.constant 128 : i32
      %scan3A_93 = arith.constant 0 : i32
      %scan3A_94 = arith.constant 0 : i32
      %scan3A_95 = arith.constant 5 : i32
      %scan3A_96 = arith.addi %scan3A_94, %scan3A_95 : i32
      %scan3A_97 = arith.constant 1 : i32
      scf.for %scan3A_99 = %scan3A_94 to %scan3A_96 step %scan3A_97  : i32 {
        %mul3A_100 = arith.constant 128 : i32
        %mul3A_101 = arith.muli %scan3A_99, %mul3A_100 : i32
        %add3A = arith.addi %mul3A_0, %mul3A_101 : i32
        %run_scoped3A = arith.constant 0 : i32
        "tpu.region"() ({
          %run_scoped3A_102 = tpu.sem_alloc : memref<!tpu.dma_semaphore, #tpu.memory_space<semaphore_mem>>
          %dma_start3A_103 = arith.constant 0 : i32
          %dma_start3A_104 = arith.constant 0 : i32
          %dma_start3A_105 = tpu.memref_slice %arg8[%run_scoped3A, %dma_start3A_103, %dma_start3A_104] : memref<2x128x128xf32, #tpu.memory_space<vmem>> -> memref<1x128x128xf32, #tpu.memory_space<vmem>>
          %dma_start3A_106 = tpu.memref_squeeze %dma_start3A_105 : memref<1x128x128xf32, #tpu.memory_space<vmem>> -> memref<128x128xf32, #tpu.memory_space<vmem>>
          %dma_start3A_107 = arith.constant 0 : i32
          %dma_start3A_108 = tpu.memref_slice %arg9[%add3A, %dma_start3A_107] : memref<10240x128xf32, #tpu.memory_space<vmem_shared>> -> memref<128x128xf32, #tpu.memory_space<vmem_shared>>
          %dma_start3A_109 = arith.constant 0 : i32
          %dma_start3A_110 = tpu.memref_slice %arg9[%add3A, %dma_start3A_109] : memref<10240x128xf32, #tpu.memory_space<vmem_shared>> -> memref<128x128xf32, #tpu.memory_space<vmem_shared>>
          %dma_start3A_111 = arith.constant 0 : i32
          %dma_start3A_112 = arith.constant 0 : i32
          %dma_start3A_113 = tpu.memref_slice %arg8[%run_scoped3A, %dma_start3A_111, %dma_start3A_112] : memref<2x128x128xf32, #tpu.memory_space<vmem>> -> memref<1x128x128xf32, #tpu.memory_space<vmem>>
          %dma_start3A_114 = tpu.memref_squeeze %dma_start3A_113 : memref<1x128x128xf32, #tpu.memory_space<vmem>> -> memref<128x128xf32, #tpu.memory_space<vmem>>
          tpu.enqueue_dma source(%dma_start3A_114 : memref<128x128xf32, #tpu.memory_space<vmem>>) target(%dma_start3A_110 : memref<128x128xf32, #tpu.memory_space<vmem_shared>>) target_semaphore(%run_scoped3A_102 : memref<!tpu.dma_semaphore, #tpu.memory_space<semaphore_mem>>)
          %dma_wait3A = arith.constant 0 : i32
          %dma_wait3A_115 = arith.constant 0 : i32
          %dma_wait3A_116 = tpu.memref_slice %arg8[%run_scoped3A, %dma_wait3A, %dma_wait3A_115] : memref<2x128x128xf32, #tpu.memory_space<vmem>> -> memref<1x128x128xf32, #tpu.memory_space<vmem>>
          %dma_wait3A_117 = tpu.memref_squeeze %dma_wait3A_116 : memref<1x128x128xf32, #tpu.memory_space<vmem>> -> memref<128x128xf32, #tpu.memory_space<vmem>>
          %dma_wait3A_118 = arith.constant 0 : i32
          %dma_wait3A_119 = tpu.memref_slice %arg9[%add3A, %dma_wait3A_118] : memref<10240x128xf32, #tpu.memory_space<vmem_shared>> -> memref<128x128xf32, #tpu.memory_space<vmem_shared>>
          %dma_wait3A_120 = arith.constant 0 : i32
          %dma_wait3A_121 = tpu.memref_slice %arg9[%add3A, %dma_wait3A_120] : memref<10240x128xf32, #tpu.memory_space<vmem_shared>> -> memref<128x128xf32, #tpu.memory_space<vmem_shared>>
          %dma_wait3A_122 = arith.constant 0 : i32
          %dma_wait3A_123 = arith.constant 0 : i32
          %dma_wait3A_124 = tpu.memref_slice %arg8[%run_scoped3A, %dma_wait3A_122, %dma_wait3A_123] : memref<2x128x128xf32, #tpu.memory_space<vmem>> -> memref<1x128x128xf32, #tpu.memory_space<vmem>>
          %dma_wait3A_125 = tpu.memref_squeeze %dma_wait3A_124 : memref<1x128x128xf32, #tpu.memory_space<vmem>> -> memref<128x128xf32, #tpu.memory_space<vmem>>
          tpu.wait_dma2 semaphore(%run_scoped3A_102 : memref<!tpu.dma_semaphore, #tpu.memory_space<semaphore_mem>>) src(%dma_wait3A_125 : memref<128x128xf32, #tpu.memory_space<vmem>>) dst(%dma_wait3A_121 : memref<128x128xf32, #tpu.memory_space<vmem_shared>>)
          tpu.yield
        }) : () -> ()
      }
      %scan3A_98 = arith.constant 5 : i32
    } else {
    }
    %barrier3A = arith.constant 0 : index
    tpu.barrier barrier_id(%barrier3A)
    %dma_start3A = arith.constant 0 : i32
    %dma_start3A_8 = arith.constant 0 : i32
    %dma_start3A_9 = arith.constant 0 : i32
    %dma_start3A_10 = arith.constant 0 : i32
    %dma_start3A_11 = arith.constant 0 : i32
    %dma_start3A_12 = tpu.memref_slice %arg7[%dma_start3A_8, %dma_start3A_10, %dma_start3A_11] : memref<2x1x128xi32, #tpu.memory_space<vmem>> -> memref<1x1x128xi32, #tpu.memory_space<vmem>>
    %dma_start3A_13 = tpu.memref_squeeze %dma_start3A_12 : memref<1x1x128xi32, #tpu.memory_space<vmem>> -> memref<1x128xi32, #tpu.memory_space<vmem>>
    %dma_start3A_14 = arith.constant 0 : i32
    %dma_start3A_15 = arith.constant 0 : i32
    %dma_start3A_16 = tpu.memref_slice %arg4[%arg0, %arg1, %dma_start3A, %dma_start3A_14, %dma_start3A_15] : memref<2x16x80x1x128xi32, #tpu.memory_space<hbm>> -> memref<1x1x1x1x128xi32, #tpu.memory_space<hbm>>
    %dma_start3A_17 = tpu.memref_squeeze %dma_start3A_16 : memref<1x1x1x1x128xi32, #tpu.memory_space<hbm>> -> memref<1x128xi32, #tpu.memory_space<hbm>>
    %dma_start3A_18 = tpu.memref_slice %arg11[%dma_start3A_9] : memref<2x!tpu.dma_semaphore, #tpu.memory_space<semaphore_mem>> -> memref<1x!tpu.dma_semaphore, #tpu.memory_space<semaphore_mem>>
    %dma_start3A_19 = tpu.memref_squeeze %dma_start3A_18 : memref<1x!tpu.dma_semaphore, #tpu.memory_space<semaphore_mem>> -> memref<!tpu.dma_semaphore, #tpu.memory_space<semaphore_mem>>
    %dma_start3A_20 = arith.constant 0 : i32
    %dma_start3A_21 = arith.constant 0 : i32
    %dma_start3A_22 = tpu.memref_slice %arg7[%dma_start3A_8, %dma_start3A_20, %dma_start3A_21] : memref<2x1x128xi32, #tpu.memory_space<vmem>> -> memref<1x1x128xi32, #tpu.memory_space<vmem>>
    %dma_start3A_23 = tpu.memref_squeeze %dma_start3A_22 : memref<1x1x128xi32, #tpu.memory_space<vmem>> -> memref<1x128xi32, #tpu.memory_space<vmem>>
    %dma_start3A_24 = arith.constant 0 : i32
    %dma_start3A_25 = arith.constant 0 : i32
    %dma_start3A_26 = tpu.memref_slice %arg4[%arg0, %arg1, %dma_start3A, %dma_start3A_24, %dma_start3A_25] : memref<2x16x80x1x128xi32, #tpu.memory_space<hbm>> -> memref<1x1x1x1x128xi32, #tpu.memory_space<hbm>>
    %dma_start3A_27 = tpu.memref_squeeze %dma_start3A_26 : memref<1x1x1x1x128xi32, #tpu.memory_space<hbm>> -> memref<1x128xi32, #tpu.memory_space<hbm>>
    tpu.enqueue_dma source(%dma_start3A_27 : memref<1x128xi32, #tpu.memory_space<hbm>>) target(%dma_start3A_23 : memref<1x128xi32, #tpu.memory_space<vmem>>) target_semaphore(%dma_start3A_19 : memref<!tpu.dma_semaphore, #tpu.memory_space<semaphore_mem>>)
    %dma_start3A_28 = arith.constant 0 : i32
    %dma_start3A_29 = arith.constant 0 : i32
    %dma_start3A_30 = arith.constant 0 : i32
    %dma_start3A_31 = arith.constant 0 : i32
    %dma_start3A_32 = arith.constant 0 : i32
    %dma_start3A_33 = arith.constant 0 : i32
    %dma_start3A_34 = tpu.memref_slice %arg8[%dma_start3A_30, %dma_start3A_32, %dma_start3A_33] : memref<2x128x128xf32, #tpu.memory_space<vmem>> -> memref<1x128x128xf32, #tpu.memory_space<vmem>>
    %dma_start3A_35 = tpu.memref_squeeze %dma_start3A_34 : memref<1x128x128xf32, #tpu.memory_space<vmem>> -> memref<128x128xf32, #tpu.memory_space<vmem>>
    %dma_start3A_36 = arith.constant 0 : i32
    %dma_start3A_37 = tpu.memref_slice %arg6[%dma_start3A_28, %dma_start3A_29, %dma_start3A_36] : memref<80x1x128xi32, #tpu.memory_space<vmem>> -> memref<1x1x128xi32, #tpu.memory_space<vmem>>
    %dma_start3A_38 = tpu.memref_squeeze %dma_start3A_37 : memref<1x1x128xi32, #tpu.memory_space<vmem>> -> memref<128xi32, #tpu.memory_space<vmem>>
    %dma_start3A_39 = arith.constant 0 : i32
    %dma_start3A_40 = arith.constant 0 : i32
    %dma_start3A_41 = tpu.memref_slice %arg2[%dma_start3A_39, %dma_start3A_40] : memref<10240x128xf32, #tpu.memory_space<hbm>> -> memref<10240x128xf32, #tpu.memory_space<hbm>>
    %dma_start3A_42 = tpu.memref_slice %arg10[%dma_start3A_31] : memref<2x!tpu.dma_semaphore, #tpu.memory_space<semaphore_mem>> -> memref<1x!tpu.dma_semaphore, #tpu.memory_space<semaphore_mem>>
    %dma_start3A_43 = tpu.memref_squeeze %dma_start3A_42 : memref<1x!tpu.dma_semaphore, #tpu.memory_space<semaphore_mem>> -> memref<!tpu.dma_semaphore, #tpu.memory_space<semaphore_mem>>
    tpu.enqueue_indirect_dma source(%dma_start3A_41 : memref<10240x128xf32, #tpu.memory_space<hbm>>) target(%dma_start3A_35 : memref<128x128xf32, #tpu.memory_space<vmem>>) offsets(%dma_start3A_38 : memref<128xi32, #tpu.memory_space<vmem>>) semaphore(%dma_start3A_43 : memref<!tpu.dma_semaphore, #tpu.memory_space<semaphore_mem>>)
    %dma_start3A_44 = arith.constant 1 : i32
    %dma_start3A_45 = arith.constant 1 : i32
    %dma_start3A_46 = arith.constant 1 : i32
    %dma_start3A_47 = arith.constant 0 : i32
    %dma_start3A_48 = arith.constant 0 : i32
    %dma_start3A_49 = tpu.memref_slice %arg7[%dma_start3A_45, %dma_start3A_47, %dma_start3A_48] : memref<2x1x128xi32, #tpu.memory_space<vmem>> -> memref<1x1x128xi32, #tpu.memory_space<vmem>>
    %dma_start3A_50 = tpu.memref_squeeze %dma_start3A_49 : memref<1x1x128xi32, #tpu.memory_space<vmem>> -> memref<1x128xi32, #tpu.memory_space<vmem>>
    %dma_start3A_51 = arith.constant 0 : i32
    %dma_start3A_52 = arith.constant 0 : i32
    %dma_start3A_53 = tpu.memref_slice %arg4[%arg0, %arg1, %dma_start3A_44, %dma_start3A_51, %dma_start3A_52] : memref<2x16x80x1x128xi32, #tpu.memory_space<hbm>> -> memref<1x1x1x1x128xi32, #tpu.memory_space<hbm>>
    %dma_start3A_54 = tpu.memref_squeeze %dma_start3A_53 : memref<1x1x1x1x128xi32, #tpu.memory_space<hbm>> -> memref<1x128xi32, #tpu.memory_space<hbm>>
    %dma_start3A_55 = tpu.memref_slice %arg11[%dma_start3A_46] : memref<2x!tpu.dma_semaphore, #tpu.memory_space<semaphore_mem>> -> memref<1x!tpu.dma_semaphore, #tpu.memory_space<semaphore_mem>>
    %dma_start3A_56 = tpu.memref_squeeze %dma_start3A_55 : memref<1x!tpu.dma_semaphore, #tpu.memory_space<semaphore_mem>> -> memref<!tpu.dma_semaphore, #tpu.memory_space<semaphore_mem>>
    %dma_start3A_57 = arith.constant 0 : i32
    %dma_start3A_58 = arith.constant 0 : i32
    %dma_start3A_59 = tpu.memref_slice %arg7[%dma_start3A_45, %dma_start3A_57, %dma_start3A_58] : memref<2x1x128xi32, #tpu.memory_space<vmem>> -> memref<1x1x128xi32, #tpu.memory_space<vmem>>
    %dma_start3A_60 = tpu.memref_squeeze %dma_start3A_59 : memref<1x1x128xi32, #tpu.memory_space<vmem>> -> memref<1x128xi32, #tpu.memory_space<vmem>>
    %dma_start3A_61 = arith.constant 0 : i32
    %dma_start3A_62 = arith.constant 0 : i32
    %dma_start3A_63 = tpu.memref_slice %arg4[%arg0, %arg1, %dma_start3A_44, %dma_start3A_61, %dma_start3A_62] : memref<2x16x80x1x128xi32, #tpu.memory_space<hbm>> -> memref<1x1x1x1x128xi32, #tpu.memory_space<hbm>>
    %dma_start3A_64 = tpu.memref_squeeze %dma_start3A_63 : memref<1x1x1x1x128xi32, #tpu.memory_space<hbm>> -> memref<1x128xi32, #tpu.memory_space<hbm>>
    tpu.enqueue_dma source(%dma_start3A_64 : memref<1x128xi32, #tpu.memory_space<hbm>>) target(%dma_start3A_60 : memref<1x128xi32, #tpu.memory_space<vmem>>) target_semaphore(%dma_start3A_56 : memref<!tpu.dma_semaphore, #tpu.memory_space<semaphore_mem>>)
    %dma_start3A_65 = arith.constant 1 : i32
    %dma_start3A_66 = arith.constant 0 : i32
    %dma_start3A_67 = arith.constant 1 : i32
    %dma_start3A_68 = arith.constant 1 : i32
    %dma_start3A_69 = arith.constant 0 : i32
    %dma_start3A_70 = arith.constant 0 : i32
    %dma_start3A_71 = tpu.memref_slice %arg8[%dma_start3A_67, %dma_start3A_69, %dma_start3A_70] : memref<2x128x128xf32, #tpu.memory_space<vmem>> -> memref<1x128x128xf32, #tpu.memory_space<vmem>>
    %dma_start3A_72 = tpu.memref_squeeze %dma_start3A_71 : memref<1x128x128xf32, #tpu.memory_space<vmem>> -> memref<128x128xf32, #tpu.memory_space<vmem>>
    %dma_start3A_73 = arith.constant 0 : i32
    %dma_start3A_74 = tpu.memref_slice %arg6[%dma_start3A_65, %dma_start3A_66, %dma_start3A_73] : memref<80x1x128xi32, #tpu.memory_space<vmem>> -> memref<1x1x128xi32, #tpu.memory_space<vmem>>
    %dma_start3A_75 = tpu.memref_squeeze %dma_start3A_74 : memref<1x1x128xi32, #tpu.memory_space<vmem>> -> memref<128xi32, #tpu.memory_space<vmem>>
    %dma_start3A_76 = arith.constant 0 : i32
    %dma_start3A_77 = arith.constant 0 : i32
    %dma_start3A_78 = tpu.memref_slice %arg2[%dma_start3A_76, %dma_start3A_77] : memref<10240x128xf32, #tpu.memory_space<hbm>> -> memref<10240x128xf32, #tpu.memory_space<hbm>>
    %dma_start3A_79 = tpu.memref_slice %arg10[%dma_start3A_68] : memref<2x!tpu.dma_semaphore, #tpu.memory_space<semaphore_mem>> -> memref<1x!tpu.dma_semaphore, #tpu.memory_space<semaphore_mem>>
    %dma_start3A_80 = tpu.memref_squeeze %dma_start3A_79 : memref<1x!tpu.dma_semaphore, #tpu.memory_space<semaphore_mem>> -> memref<!tpu.dma_semaphore, #tpu.memory_space<semaphore_mem>>
    tpu.enqueue_indirect_dma source(%dma_start3A_78 : memref<10240x128xf32, #tpu.memory_space<hbm>>) target(%dma_start3A_72 : memref<128x128xf32, #tpu.memory_space<vmem>>) offsets(%dma_start3A_75 : memref<128xi32, #tpu.memory_space<vmem>>) semaphore(%dma_start3A_80 : memref<!tpu.dma_semaphore, #tpu.memory_space<semaphore_mem>>)
    %scan3A = arith.constant 0 : i32
    %scan3A_81 = arith.constant 0 : i32
    %scan3A_82 = arith.constant 40 : i32
    %scan3A_83 = arith.addi %scan3A_81, %scan3A_82 : i32
    %scan3A_84 = arith.constant 1 : i32
    scf.for %scan3A_87 = %scan3A_81 to %scan3A_83 step %scan3A_84  : i32 {
      %mul3A_88 = arith.constant 2 : i32
      %mul3A_89 = arith.muli %scan3A_87, %mul3A_88 : i32
      %add3A = arith.constant 0 : i32
      %add3A_90 = arith.addi %mul3A_89, %add3A : i32
      %dma_wait3A = arith.constant 0 : i32
      %dma_wait3A_91 = arith.constant 0 : i32
      %dma_wait3A_92 = arith.constant 0 : i32
      %dma_wait3A_93 = arith.constant 0 : i32
      %dma_wait3A_94 = arith.constant 0 : i32
      %dma_wait3A_95 = tpu.memref_slice %arg8[%dma_wait3A_91, %dma_wait3A_93, %dma_wait3A_94] : memref<2x128x128xf32, #tpu.memory_space<vmem>> -> memref<1x128x128xf32, #tpu.memory_space<vmem>>
      %dma_wait3A_96 = tpu.memref_squeeze %dma_wait3A_95 : memref<1x128x128xf32, #tpu.memory_space<vmem>> -> memref<128x128xf32, #tpu.memory_space<vmem>>
      %dma_wait3A_97 = arith.constant 0 : i32
      %dma_wait3A_98 = tpu.memref_slice %arg6[%add3A_90, %dma_wait3A, %dma_wait3A_97] : memref<80x1x128xi32, #tpu.memory_space<vmem>> -> memref<1x1x128xi32, #tpu.memory_space<vmem>>
      %dma_wait3A_99 = tpu.memref_squeeze %dma_wait3A_98 : memref<1x1x128xi32, #tpu.memory_space<vmem>> -> memref<128xi32, #tpu.memory_space<vmem>>
      %dma_wait3A_100 = arith.constant 0 : i32
      %dma_wait3A_101 = arith.constant 0 : i32
      %dma_wait3A_102 = tpu.memref_slice %arg2[%dma_wait3A_100, %dma_wait3A_101] : memref<10240x128xf32, #tpu.memory_space<hbm>> -> memref<10240x128xf32, #tpu.memory_space<hbm>>
      %dma_wait3A_103 = tpu.memref_slice %arg10[%dma_wait3A_92] : memref<2x!tpu.dma_semaphore, #tpu.memory_space<semaphore_mem>> -> memref<1x!tpu.dma_semaphore, #tpu.memory_space<semaphore_mem>>
      %dma_wait3A_104 = tpu.memref_squeeze %dma_wait3A_103 : memref<1x!tpu.dma_semaphore, #tpu.memory_space<semaphore_mem>> -> memref<!tpu.dma_semaphore, #tpu.memory_space<semaphore_mem>>
      tpu.wait_indirect_dma semaphore(%dma_wait3A_104 : memref<!tpu.dma_semaphore, #tpu.memory_space<semaphore_mem>>) src(%dma_wait3A_102 : memref<10240x128xf32, #tpu.memory_space<hbm>>) dst(%dma_wait3A_96 : memref<128x128xf32, #tpu.memory_space<vmem>>)
      %dma_wait3A_105 = arith.constant 0 : i32
      %dma_wait3A_106 = arith.constant 0 : i32
      %dma_wait3A_107 = arith.constant 0 : i32
      %dma_wait3A_108 = arith.constant 0 : i32
      %dma_wait3A_109 = tpu.memref_slice %arg7[%dma_wait3A_105, %dma_wait3A_107, %dma_wait3A_108] : memref<2x1x128xi32, #tpu.memory_space<vmem>> -> memref<1x1x128xi32, #tpu.memory_space<vmem>>
      %dma_wait3A_110 = tpu.memref_squeeze %dma_wait3A_109 : memref<1x1x128xi32, #tpu.memory_space<vmem>> -> memref<1x128xi32, #tpu.memory_space<vmem>>
      %dma_wait3A_111 = arith.constant 0 : i32
      %dma_wait3A_112 = arith.constant 0 : i32
      %dma_wait3A_113 = tpu.memref_slice %arg4[%arg0, %arg1, %add3A_90, %dma_wait3A_111, %dma_wait3A_112] : memref<2x16x80x1x128xi32, #tpu.memory_space<hbm>> -> memref<1x1x1x1x128xi32, #tpu.memory_space<hbm>>
      %dma_wait3A_114 = tpu.memref_squeeze %dma_wait3A_113 : memref<1x1x1x1x128xi32, #tpu.memory_space<hbm>> -> memref<1x128xi32, #tpu.memory_space<hbm>>
      %dma_wait3A_115 = tpu.memref_slice %arg11[%dma_wait3A_106] : memref<2x!tpu.dma_semaphore, #tpu.memory_space<semaphore_mem>> -> memref<1x!tpu.dma_semaphore, #tpu.memory_space<semaphore_mem>>
      %dma_wait3A_116 = tpu.memref_squeeze %dma_wait3A_115 : memref<1x!tpu.dma_semaphore, #tpu.memory_space<semaphore_mem>> -> memref<!tpu.dma_semaphore, #tpu.memory_space<semaphore_mem>>
      %dma_wait3A_117 = arith.constant 0 : i32
      %dma_wait3A_118 = arith.constant 0 : i32
      %dma_wait3A_119 = tpu.memref_slice %arg7[%dma_wait3A_105, %dma_wait3A_117, %dma_wait3A_118] : memref<2x1x128xi32, #tpu.memory_space<vmem>> -> memref<1x1x128xi32, #tpu.memory_space<vmem>>
      %dma_wait3A_120 = tpu.memref_squeeze %dma_wait3A_119 : memref<1x1x128xi32, #tpu.memory_space<vmem>> -> memref<1x128xi32, #tpu.memory_space<vmem>>
      %dma_wait3A_121 = arith.constant 0 : i32
      %dma_wait3A_122 = arith.constant 0 : i32
      %dma_wait3A_123 = tpu.memref_slice %arg4[%arg0, %arg1, %add3A_90, %dma_wait3A_121, %dma_wait3A_122] : memref<2x16x80x1x128xi32, #tpu.memory_space<hbm>> -> memref<1x1x1x1x128xi32, #tpu.memory_space<hbm>>
      %dma_wait3A_124 = tpu.memref_squeeze %dma_wait3A_123 : memref<1x1x1x1x128xi32, #tpu.memory_space<hbm>> -> memref<1x128xi32, #tpu.memory_space<hbm>>
      tpu.wait_dma2 semaphore(%dma_wait3A_116 : memref<!tpu.dma_semaphore, #tpu.memory_space<semaphore_mem>>) src(%dma_wait3A_124 : memref<1x128xi32, #tpu.memory_space<hbm>>) dst(%dma_wait3A_120 : memref<1x128xi32, #tpu.memory_space<vmem>>)
      %run_scoped3A = arith.constant 0 : i32
      %run_scoped3A_125 = arith.constant 0 : i32
      %run_scoped3A_126 = arith.constant 0 : i32
      "tpu.region"() ({
        %run_scoped3A_180 = tpu.sem_alloc : memref<!tpu.dma_semaphore, #tpu.memory_space<semaphore_mem>>
        %dma_start3A_181 = arith.constant 0 : i32
        %dma_start3A_182 = arith.constant 0 : i32
        %dma_start3A_183 = tpu.memref_slice %arg8[%run_scoped3A, %dma_start3A_181, %dma_start3A_182] : memref<2x128x128xf32, #tpu.memory_space<vmem>> -> memref<1x128x128xf32, #tpu.memory_space<vmem>>
        %dma_start3A_184 = tpu.memref_squeeze %dma_start3A_183 : memref<1x128x128xf32, #tpu.memory_space<vmem>> -> memref<128x128xf32, #tpu.memory_space<vmem>>
        %dma_start3A_185 = arith.constant 0 : i32
        %dma_start3A_186 = tpu.memref_slice %arg7[%run_scoped3A_125, %run_scoped3A_126, %dma_start3A_185] : memref<2x1x128xi32, #tpu.memory_space<vmem>> -> memref<1x1x128xi32, #tpu.memory_space<vmem>>
        %dma_start3A_187 = tpu.memref_squeeze %dma_start3A_186 : memref<1x1x128xi32, #tpu.memory_space<vmem>> -> memref<128xi32, #tpu.memory_space<vmem>>
        %dma_start3A_188 = arith.constant 0 : i32
        %dma_start3A_189 = arith.constant 0 : i32
        %dma_start3A_190 = tpu.memref_slice %arg9[%dma_start3A_188, %dma_start3A_189] : memref<10240x128xf32, #tpu.memory_space<vmem_shared>> -> memref<10240x128xf32, #tpu.memory_space<vmem_shared>>
        tpu.enqueue_indirect_dma source(%dma_start3A_184 : memref<128x128xf32, #tpu.memory_space<vmem>>) target(%dma_start3A_190 : memref<10240x128xf32, #tpu.memory_space<vmem_shared>>) offsets(%dma_start3A_187 : memref<128xi32, #tpu.memory_space<vmem>>) semaphore(%run_scoped3A_180 : memref<!tpu.dma_semaphore, #tpu.memory_space<semaphore_mem>>) {add = true}
        %dma_wait3A_191 = arith.constant 0 : i32
        %dma_wait3A_192 = arith.constant 0 : i32
        %dma_wait3A_193 = tpu.memref_slice %arg8[%run_scoped3A, %dma_wait3A_191, %dma_wait3A_192] : memref<2x128x128xf32, #tpu.memory_space<vmem>> -> memref<1x128x128xf32, #tpu.memory_space<vmem>>
        %dma_wait3A_194 = tpu.memref_squeeze %dma_wait3A_193 : memref<1x128x128xf32, #tpu.memory_space<vmem>> -> memref<128x128xf32, #tpu.memory_space<vmem>>
        %dma_wait3A_195 = arith.constant 0 : i32
        %dma_wait3A_196 = tpu.memref_slice %arg7[%run_scoped3A_125, %run_scoped3A_126, %dma_wait3A_195] : memref<2x1x128xi32, #tpu.memory_space<vmem>> -> memref<1x1x128xi32, #tpu.memory_space<vmem>>
        %dma_wait3A_197 = tpu.memref_squeeze %dma_wait3A_196 : memref<1x1x128xi32, #tpu.memory_space<vmem>> -> memref<128xi32, #tpu.memory_space<vmem>>
        %dma_wait3A_198 = arith.constant 0 : i32
        %dma_wait3A_199 = arith.constant 0 : i32
        %dma_wait3A_200 = tpu.memref_slice %arg9[%dma_wait3A_198, %dma_wait3A_199] : memref<10240x128xf32, #tpu.memory_space<vmem_shared>> -> memref<10240x128xf32, #tpu.memory_space<vmem_shared>>
        tpu.wait_indirect_dma semaphore(%run_scoped3A_180 : memref<!tpu.dma_semaphore, #tpu.memory_space<semaphore_mem>>) src(%dma_wait3A_194 : memref<128x128xf32, #tpu.memory_space<vmem>>) dst(%dma_wait3A_200 : memref<10240x128xf32, #tpu.memory_space<vmem_shared>>)
        tpu.yield
      }) : () -> ()
      %add3A_127 = arith.constant 2 : i32
      %add3A_128 = arith.addi %add3A_90, %add3A_127 : i32
      %lt3A = arith.constant 80 : i32
      %lt3A_129 = arith.cmpi slt, %add3A_128, %lt3A : i32
      %convert_element_type3A_130 = arith.extui %lt3A_129 : i1 to i32
      %cond3A_131 = arith.constant 0 : i32
      %cond3A_132 = arith.cmpi ne, %convert_element_type3A_130, %cond3A_131 : i32
      scf.if %cond3A_132 {
        %add3A_180 = arith.constant 2 : i32
        %add3A_181 = arith.addi %add3A_90, %add3A_180 : i32
        %dma_start3A_182 = arith.constant 0 : i32
        %dma_start3A_183 = arith.constant 0 : i32
        %dma_start3A_184 = arith.constant 0 : i32
        %dma_start3A_185 = arith.constant 0 : i32
        %dma_start3A_186 = tpu.memref_slice %arg7[%dma_start3A_182, %dma_start3A_184, %dma_start3A_185] : memref<2x1x128xi32, #tpu.memory_space<vmem>> -> memref<1x1x128xi32, #tpu.memory_space<vmem>>
        %dma_start3A_187 = tpu.memref_squeeze %dma_start3A_186 : memref<1x1x128xi32, #tpu.memory_space<vmem>> -> memref<1x128xi32, #tpu.memory_space<vmem>>
        %dma_start3A_188 = arith.constant 0 : i32
        %dma_start3A_189 = arith.constant 0 : i32
        %dma_start3A_190 = tpu.memref_slice %arg4[%arg0, %arg1, %add3A_181, %dma_start3A_188, %dma_start3A_189] : memref<2x16x80x1x128xi32, #tpu.memory_space<hbm>> -> memref<1x1x1x1x128xi32, #tpu.memory_space<hbm>>
        %dma_start3A_191 = tpu.memref_squeeze %dma_start3A_190 : memref<1x1x1x1x128xi32, #tpu.memory_space<hbm>> -> memref<1x128xi32, #tpu.memory_space<hbm>>
        %dma_start3A_192 = tpu.memref_slice %arg11[%dma_start3A_183] : memref<2x!tpu.dma_semaphore, #tpu.memory_space<semaphore_mem>> -> memref<1x!tpu.dma_semaphore, #tpu.memory_space<semaphore_mem>>
        %dma_start3A_193 = tpu.memref_squeeze %dma_start3A_192 : memref<1x!tpu.dma_semaphore, #tpu.memory_space<semaphore_mem>> -> memref<!tpu.dma_semaphore, #tpu.memory_space<semaphore_mem>>
        %dma_start3A_194 = arith.constant 0 : i32
        %dma_start3A_195 = arith.constant 0 : i32
        %dma_start3A_196 = tpu.memref_slice %arg7[%dma_start3A_182, %dma_start3A_194, %dma_start3A_195] : memref<2x1x128xi32, #tpu.memory_space<vmem>> -> memref<1x1x128xi32, #tpu.memory_space<vmem>>
        %dma_start3A_197 = tpu.memref_squeeze %dma_start3A_196 : memref<1x1x128xi32, #tpu.memory_space<vmem>> -> memref<1x128xi32, #tpu.memory_space<vmem>>
        %dma_start3A_198 = arith.constant 0 : i32
        %dma_start3A_199 = arith.constant 0 : i32
        %dma_start3A_200 = tpu.memref_slice %arg4[%arg0, %arg1, %add3A_181, %dma_start3A_198, %dma_start3A_199] : memref<2x16x80x1x128xi32, #tpu.memory_space<hbm>> -> memref<1x1x1x1x128xi32, #tpu.memory_space<hbm>>
        %dma_start3A_201 = tpu.memref_squeeze %dma_start3A_200 : memref<1x1x1x1x128xi32, #tpu.memory_space<hbm>> -> memref<1x128xi32, #tpu.memory_space<hbm>>
        tpu.enqueue_dma source(%dma_start3A_201 : memref<1x128xi32, #tpu.memory_space<hbm>>) target(%dma_start3A_197 : memref<1x128xi32, #tpu.memory_space<vmem>>) target_semaphore(%dma_start3A_193 : memref<!tpu.dma_semaphore, #tpu.memory_space<semaphore_mem>>)
        %add3A_202 = arith.constant 2 : i32
        %add3A_203 = arith.addi %add3A_90, %add3A_202 : i32
        %dma_start3A_204 = arith.constant 0 : i32
        %dma_start3A_205 = arith.constant 0 : i32
        %dma_start3A_206 = arith.constant 0 : i32
        %dma_start3A_207 = arith.constant 0 : i32
        %dma_start3A_208 = arith.constant 0 : i32
        %dma_start3A_209 = tpu.memref_slice %arg8[%dma_start3A_205, %dma_start3A_207, %dma_start3A_208] : memref<2x128x128xf32, #tpu.memory_space<vmem>> -> memref<1x128x128xf32, #tpu.memory_space<vmem>>
        %dma_start3A_210 = tpu.memref_squeeze %dma_start3A_209 : memref<1x128x128xf32, #tpu.memory_space<vmem>> -> memref<128x128xf32, #tpu.memory_space<vmem>>
        %dma_start3A_211 = arith.constant 0 : i32
        %dma_start3A_212 = tpu.memref_slice %arg6[%add3A_203, %dma_start3A_204, %dma_start3A_211] : memref<80x1x128xi32, #tpu.memory_space<vmem>> -> memref<1x1x128xi32, #tpu.memory_space<vmem>>
        %dma_start3A_213 = tpu.memref_squeeze %dma_start3A_212 : memref<1x1x128xi32, #tpu.memory_space<vmem>> -> memref<128xi32, #tpu.memory_space<vmem>>
        %dma_start3A_214 = arith.constant 0 : i32
        %dma_start3A_215 = arith.constant 0 : i32
        %dma_start3A_216 = tpu.memref_slice %arg2[%dma_start3A_214, %dma_start3A_215] : memref<10240x128xf32, #tpu.memory_space<hbm>> -> memref<10240x128xf32, #tpu.memory_space<hbm>>
        %dma_start3A_217 = tpu.memref_slice %arg10[%dma_start3A_206] : memref<2x!tpu.dma_semaphore, #tpu.memory_space<semaphore_mem>> -> memref<1x!tpu.dma_semaphore, #tpu.memory_space<semaphore_mem>>
        %dma_start3A_218 = tpu.memref_squeeze %dma_start3A_217 : memref<1x!tpu.dma_semaphore, #tpu.memory_space<semaphore_mem>> -> memref<!tpu.dma_semaphore, #tpu.memory_space<semaphore_mem>>
        tpu.enqueue_indirect_dma source(%dma_start3A_216 : memref<10240x128xf32, #tpu.memory_space<hbm>>) target(%dma_start3A_210 : memref<128x128xf32, #tpu.memory_space<vmem>>) offsets(%dma_start3A_213 : memref<128xi32, #tpu.memory_space<vmem>>) semaphore(%dma_start3A_218 : memref<!tpu.dma_semaphore, #tpu.memory_space<semaphore_mem>>)
      } else {
      }
      %add3A_133 = arith.constant 1 : i32
      %add3A_134 = arith.addi %mul3A_89, %add3A_133 : i32
      %dma_wait3A_135 = arith.constant 0 : i32
      %dma_wait3A_136 = arith.constant 1 : i32
      %dma_wait3A_137 = arith.constant 1 : i32
      %dma_wait3A_138 = arith.constant 0 : i32
      %dma_wait3A_139 = arith.constant 0 : i32
      %dma_wait3A_140 = tpu.memref_slice %arg8[%dma_wait3A_136, %dma_wait3A_138, %dma_wait3A_139] : memref<2x128x128xf32, #tpu.memory_space<vmem>> -> memref<1x128x128xf32, #tpu.memory_space<vmem>>
      %dma_wait3A_141 = tpu.memref_squeeze %dma_wait3A_140 : memref<1x128x128xf32, #tpu.memory_space<vmem>> -> memref<128x128xf32, #tpu.memory_space<vmem>>
      %dma_wait3A_142 = arith.constant 0 : i32
      %dma_wait3A_143 = tpu.memref_slice %arg6[%add3A_134, %dma_wait3A_135, %dma_wait3A_142] : memref<80x1x128xi32, #tpu.memory_space<vmem>> -> memref<1x1x128xi32, #tpu.memory_space<vmem>>
      %dma_wait3A_144 = tpu.memref_squeeze %dma_wait3A_143 : memref<1x1x128xi32, #tpu.memory_space<vmem>> -> memref<128xi32, #tpu.memory_space<vmem>>
      %dma_wait3A_145 = arith.constant 0 : i32
      %dma_wait3A_146 = arith.constant 0 : i32
      %dma_wait3A_147 = tpu.memref_slice %arg2[%dma_wait3A_145, %dma_wait3A_146] : memref<10240x128xf32, #tpu.memory_space<hbm>> -> memref<10240x128xf32, #tpu.memory_space<hbm>>
      %dma_wait3A_148 = tpu.memref_slice %arg10[%dma_wait3A_137] : memref<2x!tpu.dma_semaphore, #tpu.memory_space<semaphore_mem>> -> memref<1x!tpu.dma_semaphore, #tpu.memory_space<semaphore_mem>>
      %dma_wait3A_149 = tpu.memref_squeeze %dma_wait3A_148 : memref<1x!tpu.dma_semaphore, #tpu.memory_space<semaphore_mem>> -> memref<!tpu.dma_semaphore, #tpu.memory_space<semaphore_mem>>
      tpu.wait_indirect_dma semaphore(%dma_wait3A_149 : memref<!tpu.dma_semaphore, #tpu.memory_space<semaphore_mem>>) src(%dma_wait3A_147 : memref<10240x128xf32, #tpu.memory_space<hbm>>) dst(%dma_wait3A_141 : memref<128x128xf32, #tpu.memory_space<vmem>>)
      %dma_wait3A_150 = arith.constant 1 : i32
      %dma_wait3A_151 = arith.constant 1 : i32
      %dma_wait3A_152 = arith.constant 0 : i32
      %dma_wait3A_153 = arith.constant 0 : i32
      %dma_wait3A_154 = tpu.memref_slice %arg7[%dma_wait3A_150, %dma_wait3A_152, %dma_wait3A_153] : memref<2x1x128xi32, #tpu.memory_space<vmem>> -> memref<1x1x128xi32, #tpu.memory_space<vmem>>
      %dma_wait3A_155 = tpu.memref_squeeze %dma_wait3A_154 : memref<1x1x128xi32, #tpu.memory_space<vmem>> -> memref<1x128xi32, #tpu.memory_space<vmem>>
      %dma_wait3A_156 = arith.constant 0 : i32
      %dma_wait3A_157 = arith.constant 0 : i32
      %dma_wait3A_158 = tpu.memref_slice %arg4[%arg0, %arg1, %add3A_134, %dma_wait3A_156, %dma_wait3A_157] : memref<2x16x80x1x128xi32, #tpu.memory_space<hbm>> -> memref<1x1x1x1x128xi32, #tpu.memory_space<hbm>>
      %dma_wait3A_159 = tpu.memref_squeeze %dma_wait3A_158 : memref<1x1x1x1x128xi32, #tpu.memory_space<hbm>> -> memref<1x128xi32, #tpu.memory_space<hbm>>
      %dma_wait3A_160 = tpu.memref_slice %arg11[%dma_wait3A_151] : memref<2x!tpu.dma_semaphore, #tpu.memory_space<semaphore_mem>> -> memref<1x!tpu.dma_semaphore, #tpu.memory_space<semaphore_mem>>
      %dma_wait3A_161 = tpu.memref_squeeze %dma_wait3A_160 : memref<1x!tpu.dma_semaphore, #tpu.memory_space<semaphore_mem>> -> memref<!tpu.dma_semaphore, #tpu.memory_space<semaphore_mem>>
      %dma_wait3A_162 = arith.constant 0 : i32
      %dma_wait3A_163 = arith.constant 0 : i32
      %dma_wait3A_164 = tpu.memref_slice %arg7[%dma_wait3A_150, %dma_wait3A_162, %dma_wait3A_163] : memref<2x1x128xi32, #tpu.memory_space<vmem>> -> memref<1x1x128xi32, #tpu.memory_space<vmem>>
      %dma_wait3A_165 = tpu.memref_squeeze %dma_wait3A_164 : memref<1x1x128xi32, #tpu.memory_space<vmem>> -> memref<1x128xi32, #tpu.memory_space<vmem>>
      %dma_wait3A_166 = arith.constant 0 : i32
      %dma_wait3A_167 = arith.constant 0 : i32
      %dma_wait3A_168 = tpu.memref_slice %arg4[%arg0, %arg1, %add3A_134, %dma_wait3A_166, %dma_wait3A_167] : memref<2x16x80x1x128xi32, #tpu.memory_space<hbm>> -> memref<1x1x1x1x128xi32, #tpu.memory_space<hbm>>
      %dma_wait3A_169 = tpu.memref_squeeze %dma_wait3A_168 : memref<1x1x1x1x128xi32, #tpu.memory_space<hbm>> -> memref<1x128xi32, #tpu.memory_space<hbm>>
      tpu.wait_dma2 semaphore(%dma_wait3A_161 : memref<!tpu.dma_semaphore, #tpu.memory_space<semaphore_mem>>) src(%dma_wait3A_169 : memref<1x128xi32, #tpu.memory_space<hbm>>) dst(%dma_wait3A_165 : memref<1x128xi32, #tpu.memory_space<vmem>>)
      %run_scoped3A_170 = arith.constant 1 : i32
      %run_scoped3A_171 = arith.constant 1 : i32
      %run_scoped3A_172 = arith.constant 0 : i32
      "tpu.region"() ({
        %run_scoped3A_180 = tpu.sem_alloc : memref<!tpu.dma_semaphore, #tpu.memory_space<semaphore_mem>>
        %dma_start3A_181 = arith.constant 0 : i32
        %dma_start3A_182 = arith.constant 0 : i32
        %dma_start3A_183 = tpu.memref_slice %arg8[%run_scoped3A_170, %dma_start3A_181, %dma_start3A_182] : memref<2x128x128xf32, #tpu.memory_space<vmem>> -> memref<1x128x128xf32, #tpu.memory_space<vmem>>
        %dma_start3A_184 = tpu.memref_squeeze %dma_start3A_183 : memref<1x128x128xf32, #tpu.memory_space<vmem>> -> memref<128x128xf32, #tpu.memory_space<vmem>>
        %dma_start3A_185 = arith.constant 0 : i32
        %dma_start3A_186 = tpu.memref_slice %arg7[%run_scoped3A_171, %run_scoped3A_172, %dma_start3A_185] : memref<2x1x128xi32, #tpu.memory_space<vmem>> -> memref<1x1x128xi32, #tpu.memory_space<vmem>>
        %dma_start3A_187 = tpu.memref_squeeze %dma_start3A_186 : memref<1x1x128xi32, #tpu.memory_space<vmem>> -> memref<128xi32, #tpu.memory_space<vmem>>
        %dma_start3A_188 = arith.constant 0 : i32
        %dma_start3A_189 = arith.constant 0 : i32
        %dma_start3A_190 = tpu.memref_slice %arg9[%dma_start3A_188, %dma_start3A_189] : memref<10240x128xf32, #tpu.memory_space<vmem_shared>> -> memref<10240x128xf32, #tpu.memory_space<vmem_shared>>
        tpu.enqueue_indirect_dma source(%dma_start3A_184 : memref<128x128xf32, #tpu.memory_space<vmem>>) target(%dma_start3A_190 : memref<10240x128xf32, #tpu.memory_space<vmem_shared>>) offsets(%dma_start3A_187 : memref<128xi32, #tpu.memory_space<vmem>>) semaphore(%run_scoped3A_180 : memref<!tpu.dma_semaphore, #tpu.memory_space<semaphore_mem>>) {add = true}
        %dma_wait3A_191 = arith.constant 0 : i32
        %dma_wait3A_192 = arith.constant 0 : i32
        %dma_wait3A_193 = tpu.memref_slice %arg8[%run_scoped3A_170, %dma_wait3A_191, %dma_wait3A_192] : memref<2x128x128xf32, #tpu.memory_space<vmem>> -> memref<1x128x128xf32, #tpu.memory_space<vmem>>
        %dma_wait3A_194 = tpu.memref_squeeze %dma_wait3A_193 : memref<1x128x128xf32, #tpu.memory_space<vmem>> -> memref<128x128xf32, #tpu.memory_space<vmem>>
        %dma_wait3A_195 = arith.constant 0 : i32
        %dma_wait3A_196 = tpu.memref_slice %arg7[%run_scoped3A_171, %run_scoped3A_172, %dma_wait3A_195] : memref<2x1x128xi32, #tpu.memory_space<vmem>> -> memref<1x1x128xi32, #tpu.memory_space<vmem>>
        %dma_wait3A_197 = tpu.memref_squeeze %dma_wait3A_196 : memref<1x1x128xi32, #tpu.memory_space<vmem>> -> memref<128xi32, #tpu.memory_space<vmem>>
        %dma_wait3A_198 = arith.constant 0 : i32
        %dma_wait3A_199 = arith.constant 0 : i32
        %dma_wait3A_200 = tpu.memref_slice %arg9[%dma_wait3A_198, %dma_wait3A_199] : memref<10240x128xf32, #tpu.memory_space<vmem_shared>> -> memref<10240x128xf32, #tpu.memory_space<vmem_shared>>
        tpu.wait_indirect_dma semaphore(%run_scoped3A_180 : memref<!tpu.dma_semaphore, #tpu.memory_space<semaphore_mem>>) src(%dma_wait3A_194 : memref<128x128xf32, #tpu.memory_space<vmem>>) dst(%dma_wait3A_200 : memref<10240x128xf32, #tpu.memory_space<vmem_shared>>)
        tpu.yield
      }) : () -> ()
      %add3A_173 = arith.constant 2 : i32
      %add3A_174 = arith.addi %add3A_134, %add3A_173 : i32
      %lt3A_175 = arith.constant 80 : i32
      %lt3A_176 = arith.cmpi slt, %add3A_174, %lt3A_175 : i32
      %convert_element_type3A_177 = arith.extui %lt3A_176 : i1 to i32
      %cond3A_178 = arith.constant 0 : i32
      %cond3A_179 = arith.cmpi ne, %convert_element_type3A_177, %cond3A_178 : i32
      scf.if %cond3A_179 {
        %add3A_180 = arith.constant 2 : i32
        %add3A_181 = arith.addi %add3A_134, %add3A_180 : i32
        %dma_start3A_182 = arith.constant 1 : i32
        %dma_start3A_183 = arith.constant 1 : i32
        %dma_start3A_184 = arith.constant 0 : i32
        %dma_start3A_185 = arith.constant 0 : i32
        %dma_start3A_186 = tpu.memref_slice %arg7[%dma_start3A_182, %dma_start3A_184, %dma_start3A_185] : memref<2x1x128xi32, #tpu.memory_space<vmem>> -> memref<1x1x128xi32, #tpu.memory_space<vmem>>
        %dma_start3A_187 = tpu.memref_squeeze %dma_start3A_186 : memref<1x1x128xi32, #tpu.memory_space<vmem>> -> memref<1x128xi32, #tpu.memory_space<vmem>>
        %dma_start3A_188 = arith.constant 0 : i32
        %dma_start3A_189 = arith.constant 0 : i32
        %dma_start3A_190 = tpu.memref_slice %arg4[%arg0, %arg1, %add3A_181, %dma_start3A_188, %dma_start3A_189] : memref<2x16x80x1x128xi32, #tpu.memory_space<hbm>> -> memref<1x1x1x1x128xi32, #tpu.memory_space<hbm>>
        %dma_start3A_191 = tpu.memref_squeeze %dma_start3A_190 : memref<1x1x1x1x128xi32, #tpu.memory_space<hbm>> -> memref<1x128xi32, #tpu.memory_space<hbm>>
        %dma_start3A_192 = tpu.memref_slice %arg11[%dma_start3A_183] : memref<2x!tpu.dma_semaphore, #tpu.memory_space<semaphore_mem>> -> memref<1x!tpu.dma_semaphore, #tpu.memory_space<semaphore_mem>>
        %dma_start3A_193 = tpu.memref_squeeze %dma_start3A_192 : memref<1x!tpu.dma_semaphore, #tpu.memory_space<semaphore_mem>> -> memref<!tpu.dma_semaphore, #tpu.memory_space<semaphore_mem>>
        %dma_start3A_194 = arith.constant 0 : i32
        %dma_start3A_195 = arith.constant 0 : i32
        %dma_start3A_196 = tpu.memref_slice %arg7[%dma_start3A_182, %dma_start3A_194, %dma_start3A_195] : memref<2x1x128xi32, #tpu.memory_space<vmem>> -> memref<1x1x128xi32, #tpu.memory_space<vmem>>
        %dma_start3A_197 = tpu.memref_squeeze %dma_start3A_196 : memref<1x1x128xi32, #tpu.memory_space<vmem>> -> memref<1x128xi32, #tpu.memory_space<vmem>>
        %dma_start3A_198 = arith.constant 0 : i32
        %dma_start3A_199 = arith.constant 0 : i32
        %dma_start3A_200 = tpu.memref_slice %arg4[%arg0, %arg1, %add3A_181, %dma_start3A_198, %dma_start3A_199] : memref<2x16x80x1x128xi32, #tpu.memory_space<hbm>> -> memref<1x1x1x1x128xi32, #tpu.memory_space<hbm>>
        %dma_start3A_201 = tpu.memref_squeeze %dma_start3A_200 : memref<1x1x1x1x128xi32, #tpu.memory_space<hbm>> -> memref<1x128xi32, #tpu.memory_space<hbm>>
        tpu.enqueue_dma source(%dma_start3A_201 : memref<1x128xi32, #tpu.memory_space<hbm>>) target(%dma_start3A_197 : memref<1x128xi32, #tpu.memory_space<vmem>>) target_semaphore(%dma_start3A_193 : memref<!tpu.dma_semaphore, #tpu.memory_space<semaphore_mem>>)
        %add3A_202 = arith.constant 2 : i32
        %add3A_203 = arith.addi %add3A_134, %add3A_202 : i32
        %dma_start3A_204 = arith.constant 0 : i32
        %dma_start3A_205 = arith.constant 1 : i32
        %dma_start3A_206 = arith.constant 1 : i32
        %dma_start3A_207 = arith.constant 0 : i32
        %dma_start3A_208 = arith.constant 0 : i32
        %dma_start3A_209 = tpu.memref_slice %arg8[%dma_start3A_205, %dma_start3A_207, %dma_start3A_208] : memref<2x128x128xf32, #tpu.memory_space<vmem>> -> memref<1x128x128xf32, #tpu.memory_space<vmem>>
        %dma_start3A_210 = tpu.memref_squeeze %dma_start3A_209 : memref<1x128x128xf32, #tpu.memory_space<vmem>> -> memref<128x128xf32, #tpu.memory_space<vmem>>
        %dma_start3A_211 = arith.constant 0 : i32
        %dma_start3A_212 = tpu.memref_slice %arg6[%add3A_203, %dma_start3A_204, %dma_start3A_211] : memref<80x1x128xi32, #tpu.memory_space<vmem>> -> memref<1x1x128xi32, #tpu.memory_space<vmem>>
        %dma_start3A_213 = tpu.memref_squeeze %dma_start3A_212 : memref<1x1x128xi32, #tpu.memory_space<vmem>> -> memref<128xi32, #tpu.memory_space<vmem>>
        %dma_start3A_214 = arith.constant 0 : i32
        %dma_start3A_215 = arith.constant 0 : i32
        %dma_start3A_216 = tpu.memref_slice %arg2[%dma_start3A_214, %dma_start3A_215] : memref<10240x128xf32, #tpu.memory_space<hbm>> -> memref<10240x128xf32, #tpu.memory_space<hbm>>
        %dma_start3A_217 = tpu.memref_slice %arg10[%dma_start3A_206] : memref<2x!tpu.dma_semaphore, #tpu.memory_space<semaphore_mem>> -> memref<1x!tpu.dma_semaphore, #tpu.memory_space<semaphore_mem>>
        %dma_start3A_218 = tpu.memref_squeeze %dma_start3A_217 : memref<1x!tpu.dma_semaphore, #tpu.memory_space<semaphore_mem>> -> memref<!tpu.dma_semaphore, #tpu.memory_space<semaphore_mem>>
        tpu.enqueue_indirect_dma source(%dma_start3A_216 : memref<10240x128xf32, #tpu.memory_space<hbm>>) target(%dma_start3A_210 : memref<128x128xf32, #tpu.memory_space<vmem>>) offsets(%dma_start3A_213 : memref<128xi32, #tpu.memory_space<vmem>>) semaphore(%dma_start3A_218 : memref<!tpu.dma_semaphore, #tpu.memory_space<semaphore_mem>>)
      } else {
      }
    }
    %scan3A_85 = arith.constant 40 : i32
    %barrier3A_86 = arith.constant 0 : index
    tpu.barrier barrier_id(%barrier3A_86)
    "tpu.region"() ({
      %run_scoped3A = tpu.sem_alloc : memref<!tpu.dma_semaphore, #tpu.memory_space<semaphore_mem>>
      %dma_start3A_87 = arith.constant 0 : i32
      %dma_start3A_88 = tpu.memref_slice %arg5[%arg0, %mul3A_0, %dma_start3A_87] : memref<2x10240x128xf32, #tpu.memory_space<hbm>> -> memref<1x640x128xf32, #tpu.memory_space<hbm>>
      %dma_start3A_89 = tpu.memref_squeeze %dma_start3A_88 : memref<1x640x128xf32, #tpu.memory_space<hbm>> -> memref<640x128xf32, #tpu.memory_space<hbm>>
      %dma_start3A_90 = arith.constant 0 : i32
      %dma_start3A_91 = tpu.memref_slice %arg9[%mul3A_0, %dma_start3A_90] : memref<10240x128xf32, #tpu.memory_space<vmem_shared>> -> memref<640x128xf32, #tpu.memory_space<vmem_shared>>
      tpu.enqueue_dma source(%dma_start3A_91 : memref<640x128xf32, #tpu.memory_space<vmem_shared>>) target(%dma_start3A_89 : memref<640x128xf32, #tpu.memory_space<hbm>>) target_semaphore(%run_scoped3A : memref<!tpu.dma_semaphore, #tpu.memory_space<semaphore_mem>>)
      %dma_wait3A = arith.constant 0 : i32
      %dma_wait3A_92 = tpu.memref_slice %arg5[%arg0, %mul3A_0, %dma_wait3A] : memref<2x10240x128xf32, #tpu.memory_space<hbm>> -> memref<1x640x128xf32, #tpu.memory_space<hbm>>
      %dma_wait3A_93 = tpu.memref_squeeze %dma_wait3A_92 : memref<1x640x128xf32, #tpu.memory_space<hbm>> -> memref<640x128xf32, #tpu.memory_space<hbm>>
      %dma_wait3A_94 = arith.constant 0 : i32
      %dma_wait3A_95 = tpu.memref_slice %arg9[%mul3A_0, %dma_wait3A_94] : memref<10240x128xf32, #tpu.memory_space<vmem_shared>> -> memref<640x128xf32, #tpu.memory_space<vmem_shared>>
      tpu.wait_dma2 semaphore(%run_scoped3A : memref<!tpu.dma_semaphore, #tpu.memory_space<semaphore_mem>>) src(%dma_wait3A_95 : memref<640x128xf32, #tpu.memory_space<vmem_shared>>) dst(%dma_wait3A_93 : memref<640x128xf32, #tpu.memory_space<hbm>>)
      tpu.yield
    }) : () -> ()
    return
  }
}

#map = affine_map<(d0, d1) -> (0, 0)>
#map1 = affine_map<(d0, d1) -> (0, 0, 0, 0, 0)>
#map2 = affine_map<(d0, d1) -> (0, 0, 0)>
module attributes {stable_mosaic.version = 14 : i64} {
  func.func @_agg_body(%arg0: i32, %arg1: i32, %arg2: memref<10240x128xf32, #tpu.memory_space<hbm>>, %arg3: memref<2x16x80x1x128xi32, #tpu.memory_space<hbm>>, %arg4: memref<2x16x80x1x128xi32, #tpu.memory_space<hbm>>, %arg5: memref<2x10240x128xf32, #tpu.memory_space<hbm>>, %arg6: memref<80x1x128xi32, #tpu.memory_space<vmem>>, %arg7: memref<2x1x128xi32, #tpu.memory_space<vmem>>, %arg8: memref<2x128x128xf32, #tpu.memory_space<vmem>>, %arg9: memref<10240x128xf32, #tpu.memory_space<vmem_shared>>, %arg10: memref<2x!tpu.dma_semaphore, #tpu.memory_space<semaphore_mem>>, %arg11: memref<2x!tpu.dma_semaphore, #tpu.memory_space<semaphore_mem>>) attributes {dimension_semantics = [#tpu.dimension_semantics<core_parallel>, #tpu.dimension_semantics<subcore_parallel>], iteration_bounds = array<i64: 2, 16>, scalar_prefetch = 0 : i64, scratch_operands = 6 : i64, tpu.core_type = #tpu.core_type<sc_vector_subcore>, window_params = [{transform_indices = #map}, {transform_indices = #map1}, {transform_indices = #map1}, {transform_indices = #map2}]} {
    %mul3A = arith.constant 640 : i32
    %mul3A_0 = arith.muli %arg1, %mul3A : i32
    "tpu.region"() ({
      %run_scoped3A = tpu.sem_alloc : memref<!tpu.dma_semaphore, #tpu.memory_space<semaphore_mem>>
      %dma_start3A_87 = arith.constant 0 : i32
      %dma_start3A_88 = arith.constant 0 : i32
      %dma_start3A_89 = arith.constant 0 : i32
      %dma_start3A_90 = tpu.memref_slice %arg3[%arg0, %arg1, %dma_start3A_87, %dma_start3A_88, %dma_start3A_89] : memref<2x16x80x1x128xi32, #tpu.memory_space<hbm>> -> memref<1x1x80x1x128xi32, #tpu.memory_space<hbm>>
      %dma_start3A_91 = tpu.memref_squeeze %dma_start3A_90 : memref<1x1x80x1x128xi32, #tpu.memory_space<hbm>> -> memref<80x1x128xi32, #tpu.memory_space<hbm>>
      %dma_start3A_92 = arith.constant 0 : i32
      %dma_start3A_93 = arith.constant 0 : i32
      %dma_start3A_94 = arith.constant 0 : i32
      %dma_start3A_95 = tpu.memref_slice %arg3[%arg0, %arg1, %dma_start3A_92, %dma_start3A_93, %dma_start3A_94] : memref<2x16x80x1x128xi32, #tpu.memory_space<hbm>> -> memref<1x1x80x1x128xi32, #tpu.memory_space<hbm>>
      %dma_start3A_96 = tpu.memref_squeeze %dma_start3A_95 : memref<1x1x80x1x128xi32, #tpu.memory_space<hbm>> -> memref<80x1x128xi32, #tpu.memory_space<hbm>>
      tpu.enqueue_dma source(%dma_start3A_96 : memref<80x1x128xi32, #tpu.memory_space<hbm>>) target(%arg6 : memref<80x1x128xi32, #tpu.memory_space<vmem>>) target_semaphore(%run_scoped3A : memref<!tpu.dma_semaphore, #tpu.memory_space<semaphore_mem>>)
      %dma_wait3A = arith.constant 0 : i32
      %dma_wait3A_97 = arith.constant 0 : i32
      %dma_wait3A_98 = arith.constant 0 : i32
      %dma_wait3A_99 = tpu.memref_slice %arg3[%arg0, %arg1, %dma_wait3A, %dma_wait3A_97, %dma_wait3A_98] : memref<2x16x80x1x128xi32, #tpu.memory_space<hbm>> -> memref<1x1x80x1x128xi32, #tpu.memory_space<hbm>>
      %dma_wait3A_100 = tpu.memref_squeeze %dma_wait3A_99 : memref<1x1x80x1x128xi32, #tpu.memory_space<hbm>> -> memref<80x1x128xi32, #tpu.memory_space<hbm>>
      %dma_wait3A_101 = arith.constant 0 : i32
      %dma_wait3A_102 = arith.constant 0 : i32
      %dma_wait3A_103 = arith.constant 0 : i32
      %dma_wait3A_104 = tpu.memref_slice %arg3[%arg0, %arg1, %dma_wait3A_101, %dma_wait3A_102, %dma_wait3A_103] : memref<2x16x80x1x128xi32, #tpu.memory_space<hbm>> -> memref<1x1x80x1x128xi32, #tpu.memory_space<hbm>>
      %dma_wait3A_105 = tpu.memref_squeeze %dma_wait3A_104 : memref<1x1x80x1x128xi32, #tpu.memory_space<hbm>> -> memref<80x1x128xi32, #tpu.memory_space<hbm>>
      tpu.wait_dma2 semaphore(%run_scoped3A : memref<!tpu.dma_semaphore, #tpu.memory_space<semaphore_mem>>) src(%dma_wait3A_105 : memref<80x1x128xi32, #tpu.memory_space<hbm>>) dst(%arg6 : memref<80x1x128xi32, #tpu.memory_space<vmem>>)
      tpu.yield
    }) : () -> ()
    %eq3A = arith.constant 0 : i32
    %eq3A_1 = arith.cmpi eq, %arg0, %eq3A : i32
    %convert_element_type3A = arith.extui %eq3A_1 : i1 to i32
    %cond3A = arith.constant 0 : i32
    %cond3A_2 = arith.cmpi ne, %convert_element_type3A, %cond3A : i32
    scf.if %cond3A_2 {
      "tpu.region"() ({
        %run_scoped3A = tpu.sem_alloc : memref<!tpu.dma_semaphore, #tpu.memory_space<semaphore_mem>>
        %dma_start3A_87 = arith.constant 0 : i32
        %dma_start3A_88 = tpu.memref_slice %arg9[%mul3A_0, %dma_start3A_87] : memref<10240x128xf32, #tpu.memory_space<vmem_shared>> -> memref<640x128xf32, #tpu.memory_space<vmem_shared>>
        %dma_start3A_89 = arith.constant 0 : i32
        %dma_start3A_90 = tpu.memref_slice %arg2[%mul3A_0, %dma_start3A_89] : memref<10240x128xf32, #tpu.memory_space<hbm>> -> memref<640x128xf32, #tpu.memory_space<hbm>>
        tpu.enqueue_dma source(%dma_start3A_90 : memref<640x128xf32, #tpu.memory_space<hbm>>) target(%dma_start3A_88 : memref<640x128xf32, #tpu.memory_space<vmem_shared>>) target_semaphore(%run_scoped3A : memref<!tpu.dma_semaphore, #tpu.memory_space<semaphore_mem>>)
        %dma_wait3A = arith.constant 0 : i32
        %dma_wait3A_91 = tpu.memref_slice %arg9[%mul3A_0, %dma_wait3A] : memref<10240x128xf32, #tpu.memory_space<vmem_shared>> -> memref<640x128xf32, #tpu.memory_space<vmem_shared>>
        %dma_wait3A_92 = arith.constant 0 : i32
        %dma_wait3A_93 = tpu.memref_slice %arg2[%mul3A_0, %dma_wait3A_92] : memref<10240x128xf32, #tpu.memory_space<hbm>> -> memref<640x128xf32, #tpu.memory_space<hbm>>
        tpu.wait_dma2 semaphore(%run_scoped3A : memref<!tpu.dma_semaphore, #tpu.memory_space<semaphore_mem>>) src(%dma_wait3A_93 : memref<640x128xf32, #tpu.memory_space<hbm>>) dst(%dma_wait3A_91 : memref<640x128xf32, #tpu.memory_space<vmem_shared>>)
        tpu.yield
      }) : () -> ()
    } else {
    }
    %eq3A_3 = arith.constant 1 : i32
    %eq3A_4 = arith.cmpi eq, %arg0, %eq3A_3 : i32
    %convert_element_type3A_5 = arith.extui %eq3A_4 : i1 to i32
    %cond3A_6 = arith.constant 0 : i32
    %cond3A_7 = arith.cmpi ne, %convert_element_type3A_5, %cond3A_6 : i32
    scf.if %cond3A_7 {
      %scan3A_87 = arith.constant 0 : i32
      %scan3A_88 = arith.constant 0 : i32
      %scan3A_89 = arith.constant 128 : i32
      %scan3A_90 = arith.addi %scan3A_88, %scan3A_89 : i32
      %scan3A_91 = arith.constant 1 : i32
      scf.for %scan3A_99 = %scan3A_88 to %scan3A_90 step %scan3A_91  : i32 {
        %broadcast_in_dim3A = arith.constant 0.000000e+00 : f32
        %broadcast_in_dim3A_100 = vector.broadcast %broadcast_in_dim3A : f32 to vector<16xf32>
        %swap3A = arith.constant 0 : i32
        %swap3A_101 = arith.index_cast %swap3A : i32 to index
        %swap3A_102 = arith.index_cast %scan3A_99 : i32 to index
        %swap3A_103 = arith.constant 0 : index
        %swap3A_104 = tpu.vector_load %arg8[%swap3A_101, %swap3A_102, %swap3A_103] {strides = array<i32>} : memref<2x128x128xf32, #tpu.memory_space<vmem>>, vector<1x1x16xf32>,
        %swap3A_105 = vector.shape_cast %swap3A_104 : vector<1x1x16xf32> to vector<16xf32>
        %swap3A_106 = vector.shape_cast %broadcast_in_dim3A_100 : vector<16xf32> to vector<1x1x16xf32>
        tpu.vector_store %arg8[%swap3A_101, %swap3A_102, %swap3A_103], %swap3A_106 {strides = array<i32>} : memref<2x128x128xf32, #tpu.memory_space<vmem>>, vector<1x1x16xf32>,
        %broadcast_in_dim3A_107 = arith.constant 0.000000e+00 : f32
        %broadcast_in_dim3A_108 = vector.broadcast %broadcast_in_dim3A_107 : f32 to vector<16xf32>
        %swap3A_109 = arith.constant 0 : i32
        %swap3A_110 = arith.index_cast %swap3A_109 : i32 to index
        %swap3A_111 = arith.index_cast %scan3A_99 : i32 to index
        %swap3A_112 = arith.constant 16 : index
        %swap3A_113 = tpu.vector_load %arg8[%swap3A_110, %swap3A_111, %swap3A_112] {strides = array<i32>} : memref<2x128x128xf32, #tpu.memory_space<vmem>>, vector<1x1x16xf32>,
        %swap3A_114 = vector.shape_cast %swap3A_113 : vector<1x1x16xf32> to vector<16xf32>
        %swap3A_115 = vector.shape_cast %broadcast_in_dim3A_108 : vector<16xf32> to vector<1x1x16xf32>
        tpu.vector_store %arg8[%swap3A_110, %swap3A_111, %swap3A_112], %swap3A_115 {strides = array<i32>} : memref<2x128x128xf32, #tpu.memory_space<vmem>>, vector<1x1x16xf32>,
        %broadcast_in_dim3A_116 = arith.constant 0.000000e+00 : f32
        %broadcast_in_dim3A_117 = vector.broadcast %broadcast_in_dim3A_116 : f32 to vector<16xf32>
        %swap3A_118 = arith.constant 0 : i32
        %swap3A_119 = arith.index_cast %swap3A_118 : i32 to index
        %swap3A_120 = arith.index_cast %scan3A_99 : i32 to index
        %swap3A_121 = arith.constant 32 : index
        %swap3A_122 = tpu.vector_load %arg8[%swap3A_119, %swap3A_120, %swap3A_121] {strides = array<i32>} : memref<2x128x128xf32, #tpu.memory_space<vmem>>, vector<1x1x16xf32>,
        %swap3A_123 = vector.shape_cast %swap3A_122 : vector<1x1x16xf32> to vector<16xf32>
        %swap3A_124 = vector.shape_cast %broadcast_in_dim3A_117 : vector<16xf32> to vector<1x1x16xf32>
        tpu.vector_store %arg8[%swap3A_119, %swap3A_120, %swap3A_121], %swap3A_124 {strides = array<i32>} : memref<2x128x128xf32, #tpu.memory_space<vmem>>, vector<1x1x16xf32>,
        %broadcast_in_dim3A_125 = arith.constant 0.000000e+00 : f32
        %broadcast_in_dim3A_126 = vector.broadcast %broadcast_in_dim3A_125 : f32 to vector<16xf32>
        %swap3A_127 = arith.constant 0 : i32
        %swap3A_128 = arith.index_cast %swap3A_127 : i32 to index
        %swap3A_129 = arith.index_cast %scan3A_99 : i32 to index
        %swap3A_130 = arith.constant 48 : index
        %swap3A_131 = tpu.vector_load %arg8[%swap3A_128, %swap3A_129, %swap3A_130] {strides = array<i32>} : memref<2x128x128xf32, #tpu.memory_space<vmem>>, vector<1x1x16xf32>,
        %swap3A_132 = vector.shape_cast %swap3A_131 : vector<1x1x16xf32> to vector<16xf32>
        %swap3A_133 = vector.shape_cast %broadcast_in_dim3A_126 : vector<16xf32> to vector<1x1x16xf32>
        tpu.vector_store %arg8[%swap3A_128, %swap3A_129, %swap3A_130], %swap3A_133 {strides = array<i32>} : memref<2x128x128xf32, #tpu.memory_space<vmem>>, vector<1x1x16xf32>,
        %broadcast_in_dim3A_134 = arith.constant 0.000000e+00 : f32
        %broadcast_in_dim3A_135 = vector.broadcast %broadcast_in_dim3A_134 : f32 to vector<16xf32>
        %swap3A_136 = arith.constant 0 : i32
        %swap3A_137 = arith.index_cast %swap3A_136 : i32 to index
        %swap3A_138 = arith.index_cast %scan3A_99 : i32 to index
        %swap3A_139 = arith.constant 64 : index
        %swap3A_140 = tpu.vector_load %arg8[%swap3A_137, %swap3A_138, %swap3A_139] {strides = array<i32>} : memref<2x128x128xf32, #tpu.memory_space<vmem>>, vector<1x1x16xf32>,
        %swap3A_141 = vector.shape_cast %swap3A_140 : vector<1x1x16xf32> to vector<16xf32>
        %swap3A_142 = vector.shape_cast %broadcast_in_dim3A_135 : vector<16xf32> to vector<1x1x16xf32>
        tpu.vector_store %arg8[%swap3A_137, %swap3A_138, %swap3A_139], %swap3A_142 {strides = array<i32>} : memref<2x128x128xf32, #tpu.memory_space<vmem>>, vector<1x1x16xf32>,
        %broadcast_in_dim3A_143 = arith.constant 0.000000e+00 : f32
        %broadcast_in_dim3A_144 = vector.broadcast %broadcast_in_dim3A_143 : f32 to vector<16xf32>
        %swap3A_145 = arith.constant 0 : i32
        %swap3A_146 = arith.index_cast %swap3A_145 : i32 to index
        %swap3A_147 = arith.index_cast %scan3A_99 : i32 to index
        %swap3A_148 = arith.constant 80 : index
        %swap3A_149 = tpu.vector_load %arg8[%swap3A_146, %swap3A_147, %swap3A_148] {strides = array<i32>} : memref<2x128x128xf32, #tpu.memory_space<vmem>>, vector<1x1x16xf32>,
        %swap3A_150 = vector.shape_cast %swap3A_149 : vector<1x1x16xf32> to vector<16xf32>
        %swap3A_151 = vector.shape_cast %broadcast_in_dim3A_144 : vector<16xf32> to vector<1x1x16xf32>
        tpu.vector_store %arg8[%swap3A_146, %swap3A_147, %swap3A_148], %swap3A_151 {strides = array<i32>} : memref<2x128x128xf32, #tpu.memory_space<vmem>>, vector<1x1x16xf32>,
        %broadcast_in_dim3A_152 = arith.constant 0.000000e+00 : f32
        %broadcast_in_dim3A_153 = vector.broadcast %broadcast_in_dim3A_152 : f32 to vector<16xf32>
        %swap3A_154 = arith.constant 0 : i32
        %swap3A_155 = arith.index_cast %swap3A_154 : i32 to index
        %swap3A_156 = arith.index_cast %scan3A_99 : i32 to index
        %swap3A_157 = arith.constant 96 : index
        %swap3A_158 = tpu.vector_load %arg8[%swap3A_155, %swap3A_156, %swap3A_157] {strides = array<i32>} : memref<2x128x128xf32, #tpu.memory_space<vmem>>, vector<1x1x16xf32>,
        %swap3A_159 = vector.shape_cast %swap3A_158 : vector<1x1x16xf32> to vector<16xf32>
        %swap3A_160 = vector.shape_cast %broadcast_in_dim3A_153 : vector<16xf32> to vector<1x1x16xf32>
        tpu.vector_store %arg8[%swap3A_155, %swap3A_156, %swap3A_157], %swap3A_160 {strides = array<i32>} : memref<2x128x128xf32, #tpu.memory_space<vmem>>, vector<1x1x16xf32>,
        %broadcast_in_dim3A_161 = arith.constant 0.000000e+00 : f32
        %broadcast_in_dim3A_162 = vector.broadcast %broadcast_in_dim3A_161 : f32 to vector<16xf32>
        %swap3A_163 = arith.constant 0 : i32
        %swap3A_164 = arith.index_cast %swap3A_163 : i32 to index
        %swap3A_165 = arith.index_cast %scan3A_99 : i32 to index
        %swap3A_166 = arith.constant 112 : index
        %swap3A_167 = tpu.vector_load %arg8[%swap3A_164, %swap3A_165, %swap3A_166] {strides = array<i32>} : memref<2x128x128xf32, #tpu.memory_space<vmem>>, vector<1x1x16xf32>,
        %swap3A_168 = vector.shape_cast %swap3A_167 : vector<1x1x16xf32> to vector<16xf32>
        %swap3A_169 = vector.shape_cast %broadcast_in_dim3A_162 : vector<16xf32> to vector<1x1x16xf32>
        tpu.vector_store %arg8[%swap3A_164, %swap3A_165, %swap3A_166], %swap3A_169 {strides = array<i32>} : memref<2x128x128xf32, #tpu.memory_space<vmem>>, vector<1x1x16xf32>,
      }
      %scan3A_92 = arith.constant 128 : i32
      %scan3A_93 = arith.constant 0 : i32
      %scan3A_94 = arith.constant 0 : i32
      %scan3A_95 = arith.constant 5 : i32
      %scan3A_96 = arith.addi %scan3A_94, %scan3A_95 : i32
      %scan3A_97 = arith.constant 1 : i32
      scf.for %scan3A_99 = %scan3A_94 to %scan3A_96 step %scan3A_97  : i32 {
        %mul3A_100 = arith.constant 128 : i32
        %mul3A_101 = arith.muli %scan3A_99, %mul3A_100 : i32
        %add3A = arith.addi %mul3A_0, %mul3A_101 : i32
        %run_scoped3A = arith.constant 0 : i32
        "tpu.region"() ({
          %run_scoped3A_102 = tpu.sem_alloc : memref<!tpu.dma_semaphore, #tpu.memory_space<semaphore_mem>>
          %dma_start3A_103 = arith.constant 0 : i32
          %dma_start3A_104 = arith.constant 0 : i32
          %dma_start3A_105 = tpu.memref_slice %arg8[%run_scoped3A, %dma_start3A_103, %dma_start3A_104] : memref<2x128x128xf32, #tpu.memory_space<vmem>> -> memref<1x128x128xf32, #tpu.memory_space<vmem>>
          %dma_start3A_106 = tpu.memref_squeeze %dma_start3A_105 : memref<1x128x128xf32, #tpu.memory_space<vmem>> -> memref<128x128xf32, #tpu.memory_space<vmem>>
          %dma_start3A_107 = arith.constant 0 : i32
          %dma_start3A_108 = tpu.memref_slice %arg9[%add3A, %dma_start3A_107] : memref<10240x128xf32, #tpu.memory_space<vmem_shared>> -> memref<128x128xf32, #tpu.memory_space<vmem_shared>>
          %dma_start3A_109 = arith.constant 0 : i32
          %dma_start3A_110 = tpu.memref_slice %arg9[%add3A, %dma_start3A_109] : memref<10240x128xf32, #tpu.memory_space<vmem_shared>> -> memref<128x128xf32, #tpu.memory_space<vmem_shared>>
          %dma_start3A_111 = arith.constant 0 : i32
          %dma_start3A_112 = arith.constant 0 : i32
          %dma_start3A_113 = tpu.memref_slice %arg8[%run_scoped3A, %dma_start3A_111, %dma_start3A_112] : memref<2x128x128xf32, #tpu.memory_space<vmem>> -> memref<1x128x128xf32, #tpu.memory_space<vmem>>
          %dma_start3A_114 = tpu.memref_squeeze %dma_start3A_113 : memref<1x128x128xf32, #tpu.memory_space<vmem>> -> memref<128x128xf32, #tpu.memory_space<vmem>>
          tpu.enqueue_dma source(%dma_start3A_114 : memref<128x128xf32, #tpu.memory_space<vmem>>) target(%dma_start3A_110 : memref<128x128xf32, #tpu.memory_space<vmem_shared>>) target_semaphore(%run_scoped3A_102 : memref<!tpu.dma_semaphore, #tpu.memory_space<semaphore_mem>>)
          %dma_wait3A = arith.constant 0 : i32
          %dma_wait3A_115 = arith.constant 0 : i32
          %dma_wait3A_116 = tpu.memref_slice %arg8[%run_scoped3A, %dma_wait3A, %dma_wait3A_115] : memref<2x128x128xf32, #tpu.memory_space<vmem>> -> memref<1x128x128xf32, #tpu.memory_space<vmem>>
          %dma_wait3A_117 = tpu.memref_squeeze %dma_wait3A_116 : memref<1x128x128xf32, #tpu.memory_space<vmem>> -> memref<128x128xf32, #tpu.memory_space<vmem>>
          %dma_wait3A_118 = arith.constant 0 : i32
          %dma_wait3A_119 = tpu.memref_slice %arg9[%add3A, %dma_wait3A_118] : memref<10240x128xf32, #tpu.memory_space<vmem_shared>> -> memref<128x128xf32, #tpu.memory_space<vmem_shared>>
          %dma_wait3A_120 = arith.constant 0 : i32
          %dma_wait3A_121 = tpu.memref_slice %arg9[%add3A, %dma_wait3A_120] : memref<10240x128xf32, #tpu.memory_space<vmem_shared>> -> memref<128x128xf32, #tpu.memory_space<vmem_shared>>
          %dma_wait3A_122 = arith.constant 0 : i32
          %dma_wait3A_123 = arith.constant 0 : i32
          %dma_wait3A_124 = tpu.memref_slice %arg8[%run_scoped3A, %dma_wait3A_122, %dma_wait3A_123] : memref<2x128x128xf32, #tpu.memory_space<vmem>> -> memref<1x128x128xf32, #tpu.memory_space<vmem>>
          %dma_wait3A_125 = tpu.memref_squeeze %dma_wait3A_124 : memref<1x128x128xf32, #tpu.memory_space<vmem>> -> memref<128x128xf32, #tpu.memory_space<vmem>>
          tpu.wait_dma2 semaphore(%run_scoped3A_102 : memref<!tpu.dma_semaphore, #tpu.memory_space<semaphore_mem>>) src(%dma_wait3A_125 : memref<128x128xf32, #tpu.memory_space<vmem>>) dst(%dma_wait3A_121 : memref<128x128xf32, #tpu.memory_space<vmem_shared>>)
          tpu.yield
        }) : () -> ()
      }
      %scan3A_98 = arith.constant 5 : i32
    } else {
    }
    %barrier3A = arith.constant 0 : index
    tpu.barrier barrier_id(%barrier3A)
    %dma_start3A = arith.constant 0 : i32
    %dma_start3A_8 = arith.constant 0 : i32
    %dma_start3A_9 = arith.constant 0 : i32
    %dma_start3A_10 = arith.constant 0 : i32
    %dma_start3A_11 = arith.constant 0 : i32
    %dma_start3A_12 = tpu.memref_slice %arg7[%dma_start3A_8, %dma_start3A_10, %dma_start3A_11] : memref<2x1x128xi32, #tpu.memory_space<vmem>> -> memref<1x1x128xi32, #tpu.memory_space<vmem>>
    %dma_start3A_13 = tpu.memref_squeeze %dma_start3A_12 : memref<1x1x128xi32, #tpu.memory_space<vmem>> -> memref<1x128xi32, #tpu.memory_space<vmem>>
    %dma_start3A_14 = arith.constant 0 : i32
    %dma_start3A_15 = arith.constant 0 : i32
    %dma_start3A_16 = tpu.memref_slice %arg4[%arg0, %arg1, %dma_start3A, %dma_start3A_14, %dma_start3A_15] : memref<2x16x80x1x128xi32, #tpu.memory_space<hbm>> -> memref<1x1x1x1x128xi32, #tpu.memory_space<hbm>>
    %dma_start3A_17 = tpu.memref_squeeze %dma_start3A_16 : memref<1x1x1x1x128xi32, #tpu.memory_space<hbm>> -> memref<1x128xi32, #tpu.memory_space<hbm>>
    %dma_start3A_18 = tpu.memref_slice %arg11[%dma_start3A_9] : memref<2x!tpu.dma_semaphore, #tpu.memory_space<semaphore_mem>> -> memref<1x!tpu.dma_semaphore, #tpu.memory_space<semaphore_mem>>
    %dma_start3A_19 = tpu.memref_squeeze %dma_start3A_18 : memref<1x!tpu.dma_semaphore, #tpu.memory_space<semaphore_mem>> -> memref<!tpu.dma_semaphore, #tpu.memory_space<semaphore_mem>>
    %dma_start3A_20 = arith.constant 0 : i32
    %dma_start3A_21 = arith.constant 0 : i32
    %dma_start3A_22 = tpu.memref_slice %arg7[%dma_start3A_8, %dma_start3A_20, %dma_start3A_21] : memref<2x1x128xi32, #tpu.memory_space<vmem>> -> memref<1x1x128xi32, #tpu.memory_space<vmem>>
    %dma_start3A_23 = tpu.memref_squeeze %dma_start3A_22 : memref<1x1x128xi32, #tpu.memory_space<vmem>> -> memref<1x128xi32, #tpu.memory_space<vmem>>
    %dma_start3A_24 = arith.constant 0 : i32
    %dma_start3A_25 = arith.constant 0 : i32
    %dma_start3A_26 = tpu.memref_slice %arg4[%arg0, %arg1, %dma_start3A, %dma_start3A_24, %dma_start3A_25] : memref<2x16x80x1x128xi32, #tpu.memory_space<hbm>> -> memref<1x1x1x1x128xi32, #tpu.memory_space<hbm>>
    %dma_start3A_27 = tpu.memref_squeeze %dma_start3A_26 : memref<1x1x1x1x128xi32, #tpu.memory_space<hbm>> -> memref<1x128xi32, #tpu.memory_space<hbm>>
    tpu.enqueue_dma source(%dma_start3A_27 : memref<1x128xi32, #tpu.memory_space<hbm>>) target(%dma_start3A_23 : memref<1x128xi32, #tpu.memory_space<vmem>>) target_semaphore(%dma_start3A_19 : memref<!tpu.dma_semaphore, #tpu.memory_space<semaphore_mem>>)
    %dma_start3A_28 = arith.constant 0 : i32
    %dma_start3A_29 = arith.constant 0 : i32
    %dma_start3A_30 = arith.constant 0 : i32
    %dma_start3A_31 = arith.constant 0 : i32
    %dma_start3A_32 = arith.constant 0 : i32
    %dma_start3A_33 = arith.constant 0 : i32
    %dma_start3A_34 = tpu.memref_slice %arg8[%dma_start3A_30, %dma_start3A_32, %dma_start3A_33] : memref<2x128x128xf32, #tpu.memory_space<vmem>> -> memref<1x128x128xf32, #tpu.memory_space<vmem>>
    %dma_start3A_35 = tpu.memref_squeeze %dma_start3A_34 : memref<1x128x128xf32, #tpu.memory_space<vmem>> -> memref<128x128xf32, #tpu.memory_space<vmem>>
    %dma_start3A_36 = arith.constant 0 : i32
    %dma_start3A_37 = tpu.memref_slice %arg6[%dma_start3A_28, %dma_start3A_29, %dma_start3A_36] : memref<80x1x128xi32, #tpu.memory_space<vmem>> -> memref<1x1x128xi32, #tpu.memory_space<vmem>>
    %dma_start3A_38 = tpu.memref_squeeze %dma_start3A_37 : memref<1x1x128xi32, #tpu.memory_space<vmem>> -> memref<128xi32, #tpu.memory_space<vmem>>
    %dma_start3A_39 = arith.constant 0 : i32
    %dma_start3A_40 = arith.constant 0 : i32
    %dma_start3A_41 = tpu.memref_slice %arg2[%dma_start3A_39, %dma_start3A_40] : memref<10240x128xf32, #tpu.memory_space<hbm>> -> memref<10240x128xf32, #tpu.memory_space<hbm>>
    %dma_start3A_42 = tpu.memref_slice %arg10[%dma_start3A_31] : memref<2x!tpu.dma_semaphore, #tpu.memory_space<semaphore_mem>> -> memref<1x!tpu.dma_semaphore, #tpu.memory_space<semaphore_mem>>
    %dma_start3A_43 = tpu.memref_squeeze %dma_start3A_42 : memref<1x!tpu.dma_semaphore, #tpu.memory_space<semaphore_mem>> -> memref<!tpu.dma_semaphore, #tpu.memory_space<semaphore_mem>>
    tpu.enqueue_indirect_dma source(%dma_start3A_41 : memref<10240x128xf32, #tpu.memory_space<hbm>>) target(%dma_start3A_35 : memref<128x128xf32, #tpu.memory_space<vmem>>) offsets(%dma_start3A_38 : memref<128xi32, #tpu.memory_space<vmem>>) semaphore(%dma_start3A_43 : memref<!tpu.dma_semaphore, #tpu.memory_space<semaphore_mem>>)
    %dma_start3A_44 = arith.constant 1 : i32
    %dma_start3A_45 = arith.constant 1 : i32
    %dma_start3A_46 = arith.constant 1 : i32
    %dma_start3A_47 = arith.constant 0 : i32
    %dma_start3A_48 = arith.constant 0 : i32
    %dma_start3A_49 = tpu.memref_slice %arg7[%dma_start3A_45, %dma_start3A_47, %dma_start3A_48] : memref<2x1x128xi32, #tpu.memory_space<vmem>> -> memref<1x1x128xi32, #tpu.memory_space<vmem>>
    %dma_start3A_50 = tpu.memref_squeeze %dma_start3A_49 : memref<1x1x128xi32, #tpu.memory_space<vmem>> -> memref<1x128xi32, #tpu.memory_space<vmem>>
    %dma_start3A_51 = arith.constant 0 : i32
    %dma_start3A_52 = arith.constant 0 : i32
    %dma_start3A_53 = tpu.memref_slice %arg4[%arg0, %arg1, %dma_start3A_44, %dma_start3A_51, %dma_start3A_52] : memref<2x16x80x1x128xi32, #tpu.memory_space<hbm>> -> memref<1x1x1x1x128xi32, #tpu.memory_space<hbm>>
    %dma_start3A_54 = tpu.memref_squeeze %dma_start3A_53 : memref<1x1x1x1x128xi32, #tpu.memory_space<hbm>> -> memref<1x128xi32, #tpu.memory_space<hbm>>
    %dma_start3A_55 = tpu.memref_slice %arg11[%dma_start3A_46] : memref<2x!tpu.dma_semaphore, #tpu.memory_space<semaphore_mem>> -> memref<1x!tpu.dma_semaphore, #tpu.memory_space<semaphore_mem>>
    %dma_start3A_56 = tpu.memref_squeeze %dma_start3A_55 : memref<1x!tpu.dma_semaphore, #tpu.memory_space<semaphore_mem>> -> memref<!tpu.dma_semaphore, #tpu.memory_space<semaphore_mem>>
    %dma_start3A_57 = arith.constant 0 : i32
    %dma_start3A_58 = arith.constant 0 : i32
    %dma_start3A_59 = tpu.memref_slice %arg7[%dma_start3A_45, %dma_start3A_57, %dma_start3A_58] : memref<2x1x128xi32, #tpu.memory_space<vmem>> -> memref<1x1x128xi32, #tpu.memory_space<vmem>>
    %dma_start3A_60 = tpu.memref_squeeze %dma_start3A_59 : memref<1x1x128xi32, #tpu.memory_space<vmem>> -> memref<1x128xi32, #tpu.memory_space<vmem>>
    %dma_start3A_61 = arith.constant 0 : i32
    %dma_start3A_62 = arith.constant 0 : i32
    %dma_start3A_63 = tpu.memref_slice %arg4[%arg0, %arg1, %dma_start3A_44, %dma_start3A_61, %dma_start3A_62] : memref<2x16x80x1x128xi32, #tpu.memory_space<hbm>> -> memref<1x1x1x1x128xi32, #tpu.memory_space<hbm>>
    %dma_start3A_64 = tpu.memref_squeeze %dma_start3A_63 : memref<1x1x1x1x128xi32, #tpu.memory_space<hbm>> -> memref<1x128xi32, #tpu.memory_space<hbm>>
    tpu.enqueue_dma source(%dma_start3A_64 : memref<1x128xi32, #tpu.memory_space<hbm>>) target(%dma_start3A_60 : memref<1x128xi32, #tpu.memory_space<vmem>>) target_semaphore(%dma_start3A_56 : memref<!tpu.dma_semaphore, #tpu.memory_space<semaphore_mem>>)
    %dma_start3A_65 = arith.constant 1 : i32
    %dma_start3A_66 = arith.constant 0 : i32
    %dma_start3A_67 = arith.constant 1 : i32
    %dma_start3A_68 = arith.constant 1 : i32
    %dma_start3A_69 = arith.constant 0 : i32
    %dma_start3A_70 = arith.constant 0 : i32
    %dma_start3A_71 = tpu.memref_slice %arg8[%dma_start3A_67, %dma_start3A_69, %dma_start3A_70] : memref<2x128x128xf32, #tpu.memory_space<vmem>> -> memref<1x128x128xf32, #tpu.memory_space<vmem>>
    %dma_start3A_72 = tpu.memref_squeeze %dma_start3A_71 : memref<1x128x128xf32, #tpu.memory_space<vmem>> -> memref<128x128xf32, #tpu.memory_space<vmem>>
    %dma_start3A_73 = arith.constant 0 : i32
    %dma_start3A_74 = tpu.memref_slice %arg6[%dma_start3A_65, %dma_start3A_66, %dma_start3A_73] : memref<80x1x128xi32, #tpu.memory_space<vmem>> -> memref<1x1x128xi32, #tpu.memory_space<vmem>>
    %dma_start3A_75 = tpu.memref_squeeze %dma_start3A_74 : memref<1x1x128xi32, #tpu.memory_space<vmem>> -> memref<128xi32, #tpu.memory_space<vmem>>
    %dma_start3A_76 = arith.constant 0 : i32
    %dma_start3A_77 = arith.constant 0 : i32
    %dma_start3A_78 = tpu.memref_slice %arg2[%dma_start3A_76, %dma_start3A_77] : memref<10240x128xf32, #tpu.memory_space<hbm>> -> memref<10240x128xf32, #tpu.memory_space<hbm>>
    %dma_start3A_79 = tpu.memref_slice %arg10[%dma_start3A_68] : memref<2x!tpu.dma_semaphore, #tpu.memory_space<semaphore_mem>> -> memref<1x!tpu.dma_semaphore, #tpu.memory_space<semaphore_mem>>
    %dma_start3A_80 = tpu.memref_squeeze %dma_start3A_79 : memref<1x!tpu.dma_semaphore, #tpu.memory_space<semaphore_mem>> -> memref<!tpu.dma_semaphore, #tpu.memory_space<semaphore_mem>>
    tpu.enqueue_indirect_dma source(%dma_start3A_78 : memref<10240x128xf32, #tpu.memory_space<hbm>>) target(%dma_start3A_72 : memref<128x128xf32, #tpu.memory_space<vmem>>) offsets(%dma_start3A_75 : memref<128xi32, #tpu.memory_space<vmem>>) semaphore(%dma_start3A_80 : memref<!tpu.dma_semaphore, #tpu.memory_space<semaphore_mem>>)
    %scan3A = arith.constant 0 : i32
    %scan3A_81 = arith.constant 0 : i32
    %scan3A_82 = arith.constant 40 : i32
    %scan3A_83 = arith.addi %scan3A_81, %scan3A_82 : i32
    %scan3A_84 = arith.constant 1 : i32
    scf.for %scan3A_87 = %scan3A_81 to %scan3A_83 step %scan3A_84  : i32 {
      %mul3A_88 = arith.constant 2 : i32
      %mul3A_89 = arith.muli %scan3A_87, %mul3A_88 : i32
      %add3A = arith.constant 0 : i32
      %add3A_90 = arith.addi %mul3A_89, %add3A : i32
      %dma_wait3A = arith.constant 0 : i32
      %dma_wait3A_91 = arith.constant 0 : i32
      %dma_wait3A_92 = arith.constant 0 : i32
      %dma_wait3A_93 = arith.constant 0 : i32
      %dma_wait3A_94 = arith.constant 0 : i32
      %dma_wait3A_95 = tpu.memref_slice %arg8[%dma_wait3A_91, %dma_wait3A_93, %dma_wait3A_94] : memref<2x128x128xf32, #tpu.memory_space<vmem>> -> memref<1x128x128xf32, #tpu.memory_space<vmem>>
      %dma_wait3A_96 = tpu.memref_squeeze %dma_wait3A_95 : memref<1x128x128xf32, #tpu.memory_space<vmem>> -> memref<128x128xf32, #tpu.memory_space<vmem>>
      %dma_wait3A_97 = arith.constant 0 : i32
      %dma_wait3A_98 = tpu.memref_slice %arg6[%add3A_90, %dma_wait3A, %dma_wait3A_97] : memref<80x1x128xi32, #tpu.memory_space<vmem>> -> memref<1x1x128xi32, #tpu.memory_space<vmem>>
      %dma_wait3A_99 = tpu.memref_squeeze %dma_wait3A_98 : memref<1x1x128xi32, #tpu.memory_space<vmem>> -> memref<128xi32, #tpu.memory_space<vmem>>
      %dma_wait3A_100 = arith.constant 0 : i32
      %dma_wait3A_101 = arith.constant 0 : i32
      %dma_wait3A_102 = tpu.memref_slice %arg2[%dma_wait3A_100, %dma_wait3A_101] : memref<10240x128xf32, #tpu.memory_space<hbm>> -> memref<10240x128xf32, #tpu.memory_space<hbm>>
      %dma_wait3A_103 = tpu.memref_slice %arg10[%dma_wait3A_92] : memref<2x!tpu.dma_semaphore, #tpu.memory_space<semaphore_mem>> -> memref<1x!tpu.dma_semaphore, #tpu.memory_space<semaphore_mem>>
      %dma_wait3A_104 = tpu.memref_squeeze %dma_wait3A_103 : memref<1x!tpu.dma_semaphore, #tpu.memory_space<semaphore_mem>> -> memref<!tpu.dma_semaphore, #tpu.memory_space<semaphore_mem>>
      tpu.wait_indirect_dma semaphore(%dma_wait3A_104 : memref<!tpu.dma_semaphore, #tpu.memory_space<semaphore_mem>>) src(%dma_wait3A_102 : memref<10240x128xf32, #tpu.memory_space<hbm>>) dst(%dma_wait3A_96 : memref<128x128xf32, #tpu.memory_space<vmem>>)
      %dma_wait3A_105 = arith.constant 0 : i32
      %dma_wait3A_106 = arith.constant 0 : i32
      %dma_wait3A_107 = arith.constant 0 : i32
      %dma_wait3A_108 = arith.constant 0 : i32
      %dma_wait3A_109 = tpu.memref_slice %arg7[%dma_wait3A_105, %dma_wait3A_107, %dma_wait3A_108] : memref<2x1x128xi32, #tpu.memory_space<vmem>> -> memref<1x1x128xi32, #tpu.memory_space<vmem>>
      %dma_wait3A_110 = tpu.memref_squeeze %dma_wait3A_109 : memref<1x1x128xi32, #tpu.memory_space<vmem>> -> memref<1x128xi32, #tpu.memory_space<vmem>>
      %dma_wait3A_111 = arith.constant 0 : i32
      %dma_wait3A_112 = arith.constant 0 : i32
      %dma_wait3A_113 = tpu.memref_slice %arg4[%arg0, %arg1, %add3A_90, %dma_wait3A_111, %dma_wait3A_112] : memref<2x16x80x1x128xi32, #tpu.memory_space<hbm>> -> memref<1x1x1x1x128xi32, #tpu.memory_space<hbm>>
      %dma_wait3A_114 = tpu.memref_squeeze %dma_wait3A_113 : memref<1x1x1x1x128xi32, #tpu.memory_space<hbm>> -> memref<1x128xi32, #tpu.memory_space<hbm>>
      %dma_wait3A_115 = tpu.memref_slice %arg11[%dma_wait3A_106] : memref<2x!tpu.dma_semaphore, #tpu.memory_space<semaphore_mem>> -> memref<1x!tpu.dma_semaphore, #tpu.memory_space<semaphore_mem>>
      %dma_wait3A_116 = tpu.memref_squeeze %dma_wait3A_115 : memref<1x!tpu.dma_semaphore, #tpu.memory_space<semaphore_mem>> -> memref<!tpu.dma_semaphore, #tpu.memory_space<semaphore_mem>>
      %dma_wait3A_117 = arith.constant 0 : i32
      %dma_wait3A_118 = arith.constant 0 : i32
      %dma_wait3A_119 = tpu.memref_slice %arg7[%dma_wait3A_105, %dma_wait3A_117, %dma_wait3A_118] : memref<2x1x128xi32, #tpu.memory_space<vmem>> -> memref<1x1x128xi32, #tpu.memory_space<vmem>>
      %dma_wait3A_120 = tpu.memref_squeeze %dma_wait3A_119 : memref<1x1x128xi32, #tpu.memory_space<vmem>> -> memref<1x128xi32, #tpu.memory_space<vmem>>
      %dma_wait3A_121 = arith.constant 0 : i32
      %dma_wait3A_122 = arith.constant 0 : i32
      %dma_wait3A_123 = tpu.memref_slice %arg4[%arg0, %arg1, %add3A_90, %dma_wait3A_121, %dma_wait3A_122] : memref<2x16x80x1x128xi32, #tpu.memory_space<hbm>> -> memref<1x1x1x1x128xi32, #tpu.memory_space<hbm>>
      %dma_wait3A_124 = tpu.memref_squeeze %dma_wait3A_123 : memref<1x1x1x1x128xi32, #tpu.memory_space<hbm>> -> memref<1x128xi32, #tpu.memory_space<hbm>>
      tpu.wait_dma2 semaphore(%dma_wait3A_116 : memref<!tpu.dma_semaphore, #tpu.memory_space<semaphore_mem>>) src(%dma_wait3A_124 : memref<1x128xi32, #tpu.memory_space<hbm>>) dst(%dma_wait3A_120 : memref<1x128xi32, #tpu.memory_space<vmem>>)
      %run_scoped3A = arith.constant 0 : i32
      %run_scoped3A_125 = arith.constant 0 : i32
      %run_scoped3A_126 = arith.constant 0 : i32
      "tpu.region"() ({
        %run_scoped3A_180 = tpu.sem_alloc : memref<!tpu.dma_semaphore, #tpu.memory_space<semaphore_mem>>
        %dma_start3A_181 = arith.constant 0 : i32
        %dma_start3A_182 = arith.constant 0 : i32
        %dma_start3A_183 = tpu.memref_slice %arg8[%run_scoped3A, %dma_start3A_181, %dma_start3A_182] : memref<2x128x128xf32, #tpu.memory_space<vmem>> -> memref<1x128x128xf32, #tpu.memory_space<vmem>>
        %dma_start3A_184 = tpu.memref_squeeze %dma_start3A_183 : memref<1x128x128xf32, #tpu.memory_space<vmem>> -> memref<128x128xf32, #tpu.memory_space<vmem>>
        %dma_start3A_185 = arith.constant 0 : i32
        %dma_start3A_186 = tpu.memref_slice %arg7[%run_scoped3A_125, %run_scoped3A_126, %dma_start3A_185] : memref<2x1x128xi32, #tpu.memory_space<vmem>> -> memref<1x1x128xi32, #tpu.memory_space<vmem>>
        %dma_start3A_187 = tpu.memref_squeeze %dma_start3A_186 : memref<1x1x128xi32, #tpu.memory_space<vmem>> -> memref<128xi32, #tpu.memory_space<vmem>>
        %dma_start3A_188 = arith.constant 0 : i32
        %dma_start3A_189 = arith.constant 0 : i32
        %dma_start3A_190 = tpu.memref_slice %arg9[%dma_start3A_188, %dma_start3A_189] : memref<10240x128xf32, #tpu.memory_space<vmem_shared>> -> memref<10240x128xf32, #tpu.memory_space<vmem_shared>>
        tpu.enqueue_indirect_dma source(%dma_start3A_184 : memref<128x128xf32, #tpu.memory_space<vmem>>) target(%dma_start3A_190 : memref<10240x128xf32, #tpu.memory_space<vmem_shared>>) offsets(%dma_start3A_187 : memref<128xi32, #tpu.memory_space<vmem>>) semaphore(%run_scoped3A_180 : memref<!tpu.dma_semaphore, #tpu.memory_space<semaphore_mem>>) {add = true}
        %dma_wait3A_191 = arith.constant 0 : i32
        %dma_wait3A_192 = arith.constant 0 : i32
        %dma_wait3A_193 = tpu.memref_slice %arg8[%run_scoped3A, %dma_wait3A_191, %dma_wait3A_192] : memref<2x128x128xf32, #tpu.memory_space<vmem>> -> memref<1x128x128xf32, #tpu.memory_space<vmem>>
        %dma_wait3A_194 = tpu.memref_squeeze %dma_wait3A_193 : memref<1x128x128xf32, #tpu.memory_space<vmem>> -> memref<128x128xf32, #tpu.memory_space<vmem>>
        %dma_wait3A_195 = arith.constant 0 : i32
        %dma_wait3A_196 = tpu.memref_slice %arg7[%run_scoped3A_125, %run_scoped3A_126, %dma_wait3A_195] : memref<2x1x128xi32, #tpu.memory_space<vmem>> -> memref<1x1x128xi32, #tpu.memory_space<vmem>>
        %dma_wait3A_197 = tpu.memref_squeeze %dma_wait3A_196 : memref<1x1x128xi32, #tpu.memory_space<vmem>> -> memref<128xi32, #tpu.memory_space<vmem>>
        %dma_wait3A_198 = arith.constant 0 : i32
        %dma_wait3A_199 = arith.constant 0 : i32
        %dma_wait3A_200 = tpu.memref_slice %arg9[%dma_wait3A_198, %dma_wait3A_199] : memref<10240x128xf32, #tpu.memory_space<vmem_shared>> -> memref<10240x128xf32, #tpu.memory_space<vmem_shared>>
        tpu.wait_indirect_dma semaphore(%run_scoped3A_180 : memref<!tpu.dma_semaphore, #tpu.memory_space<semaphore_mem>>) src(%dma_wait3A_194 : memref<128x128xf32, #tpu.memory_space<vmem>>) dst(%dma_wait3A_200 : memref<10240x128xf32, #tpu.memory_space<vmem_shared>>)
        tpu.yield
      }) : () -> ()
      %add3A_127 = arith.constant 2 : i32
      %add3A_128 = arith.addi %add3A_90, %add3A_127 : i32
      %lt3A = arith.constant 80 : i32
      %lt3A_129 = arith.cmpi slt, %add3A_128, %lt3A : i32
      %convert_element_type3A_130 = arith.extui %lt3A_129 : i1 to i32
      %cond3A_131 = arith.constant 0 : i32
      %cond3A_132 = arith.cmpi ne, %convert_element_type3A_130, %cond3A_131 : i32
      scf.if %cond3A_132 {
        %add3A_180 = arith.constant 2 : i32
        %add3A_181 = arith.addi %add3A_90, %add3A_180 : i32
        %dma_start3A_182 = arith.constant 0 : i32
        %dma_start3A_183 = arith.constant 0 : i32
        %dma_start3A_184 = arith.constant 0 : i32
        %dma_start3A_185 = arith.constant 0 : i32
        %dma_start3A_186 = tpu.memref_slice %arg7[%dma_start3A_182, %dma_start3A_184, %dma_start3A_185] : memref<2x1x128xi32, #tpu.memory_space<vmem>> -> memref<1x1x128xi32, #tpu.memory_space<vmem>>
        %dma_start3A_187 = tpu.memref_squeeze %dma_start3A_186 : memref<1x1x128xi32, #tpu.memory_space<vmem>> -> memref<1x128xi32, #tpu.memory_space<vmem>>
        %dma_start3A_188 = arith.constant 0 : i32
        %dma_start3A_189 = arith.constant 0 : i32
        %dma_start3A_190 = tpu.memref_slice %arg4[%arg0, %arg1, %add3A_181, %dma_start3A_188, %dma_start3A_189] : memref<2x16x80x1x128xi32, #tpu.memory_space<hbm>> -> memref<1x1x1x1x128xi32, #tpu.memory_space<hbm>>
        %dma_start3A_191 = tpu.memref_squeeze %dma_start3A_190 : memref<1x1x1x1x128xi32, #tpu.memory_space<hbm>> -> memref<1x128xi32, #tpu.memory_space<hbm>>
        %dma_start3A_192 = tpu.memref_slice %arg11[%dma_start3A_183] : memref<2x!tpu.dma_semaphore, #tpu.memory_space<semaphore_mem>> -> memref<1x!tpu.dma_semaphore, #tpu.memory_space<semaphore_mem>>
        %dma_start3A_193 = tpu.memref_squeeze %dma_start3A_192 : memref<1x!tpu.dma_semaphore, #tpu.memory_space<semaphore_mem>> -> memref<!tpu.dma_semaphore, #tpu.memory_space<semaphore_mem>>
        %dma_start3A_194 = arith.constant 0 : i32
        %dma_start3A_195 = arith.constant 0 : i32
        %dma_start3A_196 = tpu.memref_slice %arg7[%dma_start3A_182, %dma_start3A_194, %dma_start3A_195] : memref<2x1x128xi32, #tpu.memory_space<vmem>> -> memref<1x1x128xi32, #tpu.memory_space<vmem>>
        %dma_start3A_197 = tpu.memref_squeeze %dma_start3A_196 : memref<1x1x128xi32, #tpu.memory_space<vmem>> -> memref<1x128xi32, #tpu.memory_space<vmem>>
        %dma_start3A_198 = arith.constant 0 : i32
        %dma_start3A_199 = arith.constant 0 : i32
        %dma_start3A_200 = tpu.memref_slice %arg4[%arg0, %arg1, %add3A_181, %dma_start3A_198, %dma_start3A_199] : memref<2x16x80x1x128xi32, #tpu.memory_space<hbm>> -> memref<1x1x1x1x128xi32, #tpu.memory_space<hbm>>
        %dma_start3A_201 = tpu.memref_squeeze %dma_start3A_200 : memref<1x1x1x1x128xi32, #tpu.memory_space<hbm>> -> memref<1x128xi32, #tpu.memory_space<hbm>>
        tpu.enqueue_dma source(%dma_start3A_201 : memref<1x128xi32, #tpu.memory_space<hbm>>) target(%dma_start3A_197 : memref<1x128xi32, #tpu.memory_space<vmem>>) target_semaphore(%dma_start3A_193 : memref<!tpu.dma_semaphore, #tpu.memory_space<semaphore_mem>>)
        %add3A_202 = arith.constant 2 : i32
        %add3A_203 = arith.addi %add3A_90, %add3A_202 : i32
        %dma_start3A_204 = arith.constant 0 : i32
        %dma_start3A_205 = arith.constant 0 : i32
        %dma_start3A_206 = arith.constant 0 : i32
        %dma_start3A_207 = arith.constant 0 : i32
        %dma_start3A_208 = arith.constant 0 : i32
        %dma_start3A_209 = tpu.memref_slice %arg8[%dma_start3A_205, %dma_start3A_207, %dma_start3A_208] : memref<2x128x128xf32, #tpu.memory_space<vmem>> -> memref<1x128x128xf32, #tpu.memory_space<vmem>>
        %dma_start3A_210 = tpu.memref_squeeze %dma_start3A_209 : memref<1x128x128xf32, #tpu.memory_space<vmem>> -> memref<128x128xf32, #tpu.memory_space<vmem>>
        %dma_start3A_211 = arith.constant 0 : i32
        %dma_start3A_212 = tpu.memref_slice %arg6[%add3A_203, %dma_start3A_204, %dma_start3A_211] : memref<80x1x128xi32, #tpu.memory_space<vmem>> -> memref<1x1x128xi32, #tpu.memory_space<vmem>>
        %dma_start3A_213 = tpu.memref_squeeze %dma_start3A_212 : memref<1x1x128xi32, #tpu.memory_space<vmem>> -> memref<128xi32, #tpu.memory_space<vmem>>
        %dma_start3A_214 = arith.constant 0 : i32
        %dma_start3A_215 = arith.constant 0 : i32
        %dma_start3A_216 = tpu.memref_slice %arg2[%dma_start3A_214, %dma_start3A_215] : memref<10240x128xf32, #tpu.memory_space<hbm>> -> memref<10240x128xf32, #tpu.memory_space<hbm>>
        %dma_start3A_217 = tpu.memref_slice %arg10[%dma_start3A_206] : memref<2x!tpu.dma_semaphore, #tpu.memory_space<semaphore_mem>> -> memref<1x!tpu.dma_semaphore, #tpu.memory_space<semaphore_mem>>
        %dma_start3A_218 = tpu.memref_squeeze %dma_start3A_217 : memref<1x!tpu.dma_semaphore, #tpu.memory_space<semaphore_mem>> -> memref<!tpu.dma_semaphore, #tpu.memory_space<semaphore_mem>>
        tpu.enqueue_indirect_dma source(%dma_start3A_216 : memref<10240x128xf32, #tpu.memory_space<hbm>>) target(%dma_start3A_210 : memref<128x128xf32, #tpu.memory_space<vmem>>) offsets(%dma_start3A_213 : memref<128xi32, #tpu.memory_space<vmem>>) semaphore(%dma_start3A_218 : memref<!tpu.dma_semaphore, #tpu.memory_space<semaphore_mem>>)
      } else {
      }
      %add3A_133 = arith.constant 1 : i32
      %add3A_134 = arith.addi %mul3A_89, %add3A_133 : i32
      %dma_wait3A_135 = arith.constant 0 : i32
      %dma_wait3A_136 = arith.constant 1 : i32
      %dma_wait3A_137 = arith.constant 1 : i32
      %dma_wait3A_138 = arith.constant 0 : i32
      %dma_wait3A_139 = arith.constant 0 : i32
      %dma_wait3A_140 = tpu.memref_slice %arg8[%dma_wait3A_136, %dma_wait3A_138, %dma_wait3A_139] : memref<2x128x128xf32, #tpu.memory_space<vmem>> -> memref<1x128x128xf32, #tpu.memory_space<vmem>>
      %dma_wait3A_141 = tpu.memref_squeeze %dma_wait3A_140 : memref<1x128x128xf32, #tpu.memory_space<vmem>> -> memref<128x128xf32, #tpu.memory_space<vmem>>
      %dma_wait3A_142 = arith.constant 0 : i32
      %dma_wait3A_143 = tpu.memref_slice %arg6[%add3A_134, %dma_wait3A_135, %dma_wait3A_142] : memref<80x1x128xi32, #tpu.memory_space<vmem>> -> memref<1x1x128xi32, #tpu.memory_space<vmem>>
      %dma_wait3A_144 = tpu.memref_squeeze %dma_wait3A_143 : memref<1x1x128xi32, #tpu.memory_space<vmem>> -> memref<128xi32, #tpu.memory_space<vmem>>
      %dma_wait3A_145 = arith.constant 0 : i32
      %dma_wait3A_146 = arith.constant 0 : i32
      %dma_wait3A_147 = tpu.memref_slice %arg2[%dma_wait3A_145, %dma_wait3A_146] : memref<10240x128xf32, #tpu.memory_space<hbm>> -> memref<10240x128xf32, #tpu.memory_space<hbm>>
      %dma_wait3A_148 = tpu.memref_slice %arg10[%dma_wait3A_137] : memref<2x!tpu.dma_semaphore, #tpu.memory_space<semaphore_mem>> -> memref<1x!tpu.dma_semaphore, #tpu.memory_space<semaphore_mem>>
      %dma_wait3A_149 = tpu.memref_squeeze %dma_wait3A_148 : memref<1x!tpu.dma_semaphore, #tpu.memory_space<semaphore_mem>> -> memref<!tpu.dma_semaphore, #tpu.memory_space<semaphore_mem>>
      tpu.wait_indirect_dma semaphore(%dma_wait3A_149 : memref<!tpu.dma_semaphore, #tpu.memory_space<semaphore_mem>>) src(%dma_wait3A_147 : memref<10240x128xf32, #tpu.memory_space<hbm>>) dst(%dma_wait3A_141 : memref<128x128xf32, #tpu.memory_space<vmem>>)
      %dma_wait3A_150 = arith.constant 1 : i32
      %dma_wait3A_151 = arith.constant 1 : i32
      %dma_wait3A_152 = arith.constant 0 : i32
      %dma_wait3A_153 = arith.constant 0 : i32
      %dma_wait3A_154 = tpu.memref_slice %arg7[%dma_wait3A_150, %dma_wait3A_152, %dma_wait3A_153] : memref<2x1x128xi32, #tpu.memory_space<vmem>> -> memref<1x1x128xi32, #tpu.memory_space<vmem>>
      %dma_wait3A_155 = tpu.memref_squeeze %dma_wait3A_154 : memref<1x1x128xi32, #tpu.memory_space<vmem>> -> memref<1x128xi32, #tpu.memory_space<vmem>>
      %dma_wait3A_156 = arith.constant 0 : i32
      %dma_wait3A_157 = arith.constant 0 : i32
      %dma_wait3A_158 = tpu.memref_slice %arg4[%arg0, %arg1, %add3A_134, %dma_wait3A_156, %dma_wait3A_157] : memref<2x16x80x1x128xi32, #tpu.memory_space<hbm>> -> memref<1x1x1x1x128xi32, #tpu.memory_space<hbm>>
      %dma_wait3A_159 = tpu.memref_squeeze %dma_wait3A_158 : memref<1x1x1x1x128xi32, #tpu.memory_space<hbm>> -> memref<1x128xi32, #tpu.memory_space<hbm>>
      %dma_wait3A_160 = tpu.memref_slice %arg11[%dma_wait3A_151] : memref<2x!tpu.dma_semaphore, #tpu.memory_space<semaphore_mem>> -> memref<1x!tpu.dma_semaphore, #tpu.memory_space<semaphore_mem>>
      %dma_wait3A_161 = tpu.memref_squeeze %dma_wait3A_160 : memref<1x!tpu.dma_semaphore, #tpu.memory_space<semaphore_mem>> -> memref<!tpu.dma_semaphore, #tpu.memory_space<semaphore_mem>>
      %dma_wait3A_162 = arith.constant 0 : i32
      %dma_wait3A_163 = arith.constant 0 : i32
      %dma_wait3A_164 = tpu.memref_slice %arg7[%dma_wait3A_150, %dma_wait3A_162, %dma_wait3A_163] : memref<2x1x128xi32, #tpu.memory_space<vmem>> -> memref<1x1x128xi32, #tpu.memory_space<vmem>>
      %dma_wait3A_165 = tpu.memref_squeeze %dma_wait3A_164 : memref<1x1x128xi32, #tpu.memory_space<vmem>> -> memref<1x128xi32, #tpu.memory_space<vmem>>
      %dma_wait3A_166 = arith.constant 0 : i32
      %dma_wait3A_167 = arith.constant 0 : i32
      %dma_wait3A_168 = tpu.memref_slice %arg4[%arg0, %arg1, %add3A_134, %dma_wait3A_166, %dma_wait3A_167] : memref<2x16x80x1x128xi32, #tpu.memory_space<hbm>> -> memref<1x1x1x1x128xi32, #tpu.memory_space<hbm>>
      %dma_wait3A_169 = tpu.memref_squeeze %dma_wait3A_168 : memref<1x1x1x1x128xi32, #tpu.memory_space<hbm>> -> memref<1x128xi32, #tpu.memory_space<hbm>>
      tpu.wait_dma2 semaphore(%dma_wait3A_161 : memref<!tpu.dma_semaphore, #tpu.memory_space<semaphore_mem>>) src(%dma_wait3A_169 : memref<1x128xi32, #tpu.memory_space<hbm>>) dst(%dma_wait3A_165 : memref<1x128xi32, #tpu.memory_space<vmem>>)
      %run_scoped3A_170 = arith.constant 1 : i32
      %run_scoped3A_171 = arith.constant 1 : i32
      %run_scoped3A_172 = arith.constant 0 : i32
      "tpu.region"() ({
        %run_scoped3A_180 = tpu.sem_alloc : memref<!tpu.dma_semaphore, #tpu.memory_space<semaphore_mem>>
        %dma_start3A_181 = arith.constant 0 : i32
        %dma_start3A_182 = arith.constant 0 : i32
        %dma_start3A_183 = tpu.memref_slice %arg8[%run_scoped3A_170, %dma_start3A_181, %dma_start3A_182] : memref<2x128x128xf32, #tpu.memory_space<vmem>> -> memref<1x128x128xf32, #tpu.memory_space<vmem>>
        %dma_start3A_184 = tpu.memref_squeeze %dma_start3A_183 : memref<1x128x128xf32, #tpu.memory_space<vmem>> -> memref<128x128xf32, #tpu.memory_space<vmem>>
        %dma_start3A_185 = arith.constant 0 : i32
        %dma_start3A_186 = tpu.memref_slice %arg7[%run_scoped3A_171, %run_scoped3A_172, %dma_start3A_185] : memref<2x1x128xi32, #tpu.memory_space<vmem>> -> memref<1x1x128xi32, #tpu.memory_space<vmem>>
        %dma_start3A_187 = tpu.memref_squeeze %dma_start3A_186 : memref<1x1x128xi32, #tpu.memory_space<vmem>> -> memref<128xi32, #tpu.memory_space<vmem>>
        %dma_start3A_188 = arith.constant 0 : i32
        %dma_start3A_189 = arith.constant 0 : i32
        %dma_start3A_190 = tpu.memref_slice %arg9[%dma_start3A_188, %dma_start3A_189] : memref<10240x128xf32, #tpu.memory_space<vmem_shared>> -> memref<10240x128xf32, #tpu.memory_space<vmem_shared>>
        tpu.enqueue_indirect_dma source(%dma_start3A_184 : memref<128x128xf32, #tpu.memory_space<vmem>>) target(%dma_start3A_190 : memref<10240x128xf32, #tpu.memory_space<vmem_shared>>) offsets(%dma_start3A_187 : memref<128xi32, #tpu.memory_space<vmem>>) semaphore(%run_scoped3A_180 : memref<!tpu.dma_semaphore, #tpu.memory_space<semaphore_mem>>) {add = true}
        %dma_wait3A_191 = arith.constant 0 : i32
        %dma_wait3A_192 = arith.constant 0 : i32
        %dma_wait3A_193 = tpu.memref_slice %arg8[%run_scoped3A_170, %dma_wait3A_191, %dma_wait3A_192] : memref<2x128x128xf32, #tpu.memory_space<vmem>> -> memref<1x128x128xf32, #tpu.memory_space<vmem>>
        %dma_wait3A_194 = tpu.memref_squeeze %dma_wait3A_193 : memref<1x128x128xf32, #tpu.memory_space<vmem>> -> memref<128x128xf32, #tpu.memory_space<vmem>>
        %dma_wait3A_195 = arith.constant 0 : i32
        %dma_wait3A_196 = tpu.memref_slice %arg7[%run_scoped3A_171, %run_scoped3A_172, %dma_wait3A_195] : memref<2x1x128xi32, #tpu.memory_space<vmem>> -> memref<1x1x128xi32, #tpu.memory_space<vmem>>
        %dma_wait3A_197 = tpu.memref_squeeze %dma_wait3A_196 : memref<1x1x128xi32, #tpu.memory_space<vmem>> -> memref<128xi32, #tpu.memory_space<vmem>>
        %dma_wait3A_198 = arith.constant 0 : i32
        %dma_wait3A_199 = arith.constant 0 : i32
        %dma_wait3A_200 = tpu.memref_slice %arg9[%dma_wait3A_198, %dma_wait3A_199] : memref<10240x128xf32, #tpu.memory_space<vmem_shared>> -> memref<10240x128xf32, #tpu.memory_space<vmem_shared>>
        tpu.wait_indirect_dma semaphore(%run_scoped3A_180 : memref<!tpu.dma_semaphore, #tpu.memory_space<semaphore_mem>>) src(%dma_wait3A_194 : memref<128x128xf32, #tpu.memory_space<vmem>>) dst(%dma_wait3A_200 : memref<10240x128xf32, #tpu.memory_space<vmem_shared>>)
        tpu.yield
      }) : () -> ()
      %add3A_173 = arith.constant 2 : i32
      %add3A_174 = arith.addi %add3A_134, %add3A_173 : i32
      %lt3A_175 = arith.constant 80 : i32
      %lt3A_176 = arith.cmpi slt, %add3A_174, %lt3A_175 : i32
      %convert_element_type3A_177 = arith.extui %lt3A_176 : i1 to i32
      %cond3A_178 = arith.constant 0 : i32
      %cond3A_179 = arith.cmpi ne, %convert_element_type3A_177, %cond3A_178 : i32
      scf.if %cond3A_179 {
        %add3A_180 = arith.constant 2 : i32
        %add3A_181 = arith.addi %add3A_134, %add3A_180 : i32
        %dma_start3A_182 = arith.constant 1 : i32
        %dma_start3A_183 = arith.constant 1 : i32
        %dma_start3A_184 = arith.constant 0 : i32
        %dma_start3A_185 = arith.constant 0 : i32
        %dma_start3A_186 = tpu.memref_slice %arg7[%dma_start3A_182, %dma_start3A_184, %dma_start3A_185] : memref<2x1x128xi32, #tpu.memory_space<vmem>> -> memref<1x1x128xi32, #tpu.memory_space<vmem>>
        %dma_start3A_187 = tpu.memref_squeeze %dma_start3A_186 : memref<1x1x128xi32, #tpu.memory_space<vmem>> -> memref<1x128xi32, #tpu.memory_space<vmem>>
        %dma_start3A_188 = arith.constant 0 : i32
        %dma_start3A_189 = arith.constant 0 : i32
        %dma_start3A_190 = tpu.memref_slice %arg4[%arg0, %arg1, %add3A_181, %dma_start3A_188, %dma_start3A_189] : memref<2x16x80x1x128xi32, #tpu.memory_space<hbm>> -> memref<1x1x1x1x128xi32, #tpu.memory_space<hbm>>
        %dma_start3A_191 = tpu.memref_squeeze %dma_start3A_190 : memref<1x1x1x1x128xi32, #tpu.memory_space<hbm>> -> memref<1x128xi32, #tpu.memory_space<hbm>>
        %dma_start3A_192 = tpu.memref_slice %arg11[%dma_start3A_183] : memref<2x!tpu.dma_semaphore, #tpu.memory_space<semaphore_mem>> -> memref<1x!tpu.dma_semaphore, #tpu.memory_space<semaphore_mem>>
        %dma_start3A_193 = tpu.memref_squeeze %dma_start3A_192 : memref<1x!tpu.dma_semaphore, #tpu.memory_space<semaphore_mem>> -> memref<!tpu.dma_semaphore, #tpu.memory_space<semaphore_mem>>
        %dma_start3A_194 = arith.constant 0 : i32
        %dma_start3A_195 = arith.constant 0 : i32
        %dma_start3A_196 = tpu.memref_slice %arg7[%dma_start3A_182, %dma_start3A_194, %dma_start3A_195] : memref<2x1x128xi32, #tpu.memory_space<vmem>> -> memref<1x1x128xi32, #tpu.memory_space<vmem>>
        %dma_start3A_197 = tpu.memref_squeeze %dma_start3A_196 : memref<1x1x128xi32, #tpu.memory_space<vmem>> -> memref<1x128xi32, #tpu.memory_space<vmem>>
        %dma_start3A_198 = arith.constant 0 : i32
        %dma_start3A_199 = arith.constant 0 : i32
        %dma_start3A_200 = tpu.memref_slice %arg4[%arg0, %arg1, %add3A_181, %dma_start3A_198, %dma_start3A_199] : memref<2x16x80x1x128xi32, #tpu.memory_space<hbm>> -> memref<1x1x1x1x128xi32, #tpu.memory_space<hbm>>
        %dma_start3A_201 = tpu.memref_squeeze %dma_start3A_200 : memref<1x1x1x1x128xi32, #tpu.memory_space<hbm>> -> memref<1x128xi32, #tpu.memory_space<hbm>>
        tpu.enqueue_dma source(%dma_start3A_201 : memref<1x128xi32, #tpu.memory_space<hbm>>) target(%dma_start3A_197 : memref<1x128xi32, #tpu.memory_space<vmem>>) target_semaphore(%dma_start3A_193 : memref<!tpu.dma_semaphore, #tpu.memory_space<semaphore_mem>>)
        %add3A_202 = arith.constant 2 : i32
        %add3A_203 = arith.addi %add3A_134, %add3A_202 : i32
        %dma_start3A_204 = arith.constant 0 : i32
        %dma_start3A_205 = arith.constant 1 : i32
        %dma_start3A_206 = arith.constant 1 : i32
        %dma_start3A_207 = arith.constant 0 : i32
        %dma_start3A_208 = arith.constant 0 : i32
        %dma_start3A_209 = tpu.memref_slice %arg8[%dma_start3A_205, %dma_start3A_207, %dma_start3A_208] : memref<2x128x128xf32, #tpu.memory_space<vmem>> -> memref<1x128x128xf32, #tpu.memory_space<vmem>>
        %dma_start3A_210 = tpu.memref_squeeze %dma_start3A_209 : memref<1x128x128xf32, #tpu.memory_space<vmem>> -> memref<128x128xf32, #tpu.memory_space<vmem>>
        %dma_start3A_211 = arith.constant 0 : i32
        %dma_start3A_212 = tpu.memref_slice %arg6[%add3A_203, %dma_start3A_204, %dma_start3A_211] : memref<80x1x128xi32, #tpu.memory_space<vmem>> -> memref<1x1x128xi32, #tpu.memory_space<vmem>>
        %dma_start3A_213 = tpu.memref_squeeze %dma_start3A_212 : memref<1x1x128xi32, #tpu.memory_space<vmem>> -> memref<128xi32, #tpu.memory_space<vmem>>
        %dma_start3A_214 = arith.constant 0 : i32
        %dma_start3A_215 = arith.constant 0 : i32
        %dma_start3A_216 = tpu.memref_slice %arg2[%dma_start3A_214, %dma_start3A_215] : memref<10240x128xf32, #tpu.memory_space<hbm>> -> memref<10240x128xf32, #tpu.memory_space<hbm>>
        %dma_start3A_217 = tpu.memref_slice %arg10[%dma_start3A_206] : memref<2x!tpu.dma_semaphore, #tpu.memory_space<semaphore_mem>> -> memref<1x!tpu.dma_semaphore, #tpu.memory_space<semaphore_mem>>
        %dma_start3A_218 = tpu.memref_squeeze %dma_start3A_217 : memref<1x!tpu.dma_semaphore, #tpu.memory_space<semaphore_mem>> -> memref<!tpu.dma_semaphore, #tpu.memory_space<semaphore_mem>>
        tpu.enqueue_indirect_dma source(%dma_start3A_216 : memref<10240x128xf32, #tpu.memory_space<hbm>>) target(%dma_start3A_210 : memref<128x128xf32, #tpu.memory_space<vmem>>) offsets(%dma_start3A_213 : memref<128xi32, #tpu.memory_space<vmem>>) semaphore(%dma_start3A_218 : memref<!tpu.dma_semaphore, #tpu.memory_space<semaphore_mem>>)
      } else {
      }
    }
    %scan3A_85 = arith.constant 40 : i32
    %barrier3A_86 = arith.constant 0 : index
    tpu.barrier barrier_id(%barrier3A_86)
    "tpu.region"() ({
      %run_scoped3A = tpu.sem_alloc : memref<!tpu.dma_semaphore, #tpu.memory_space<semaphore_mem>>
      %dma_start3A_87 = arith.constant 0 : i32
      %dma_start3A_88 = tpu.memref_slice %arg5[%arg0, %mul3A_0, %dma_start3A_87] : memref<2x10240x128xf32, #tpu.memory_space<hbm>> -> memref<1x640x128xf32, #tpu.memory_space<hbm>>
      %dma_start3A_89 = tpu.memref_squeeze %dma_start3A_88 : memref<1x640x128xf32, #tpu.memory_space<hbm>> -> memref<640x128xf32, #tpu.memory_space<hbm>>
      %dma_start3A_90 = arith.constant 0 : i32
      %dma_start3A_91 = tpu.memref_slice %arg9[%mul3A_0, %dma_start3A_90] : memref<10240x128xf32, #tpu.memory_space<vmem_shared>> -> memref<640x128xf32, #tpu.memory_space<vmem_shared>>
      tpu.enqueue_dma source(%dma_start3A_91 : memref<640x128xf32, #tpu.memory_space<vmem_shared>>) target(%dma_start3A_89 : memref<640x128xf32, #tpu.memory_space<hbm>>) target_semaphore(%run_scoped3A : memref<!tpu.dma_semaphore, #tpu.memory_space<semaphore_mem>>)
      %dma_wait3A = arith.constant 0 : i32
      %dma_wait3A_92 = tpu.memref_slice %arg5[%arg0, %mul3A_0, %dma_wait3A] : memref<2x10240x128xf32, #tpu.memory_space<hbm>> -> memref<1x640x128xf32, #tpu.memory_space<hbm>>
      %dma_wait3A_93 = tpu.memref_squeeze %dma_wait3A_92 : memref<1x640x128xf32, #tpu.memory_space<hbm>> -> memref<640x128xf32, #tpu.memory_space<hbm>>
      %dma_wait3A_94 = arith.constant 0 : i32
      %dma_wait3A_95 = tpu.memref_slice %arg9[%mul3A_0, %dma_wait3A_94] : memref<10240x128xf32, #tpu.memory_space<vmem_shared>> -> memref<640x128xf32, #tpu.memory_space<vmem_shared>>
      tpu.wait_dma2 semaphore(%run_scoped3A : memref<!tpu.dma_semaphore, #tpu.memory_space<semaphore_mem>>) src(%dma_wait3A_95 : memref<640x128xf32, #tpu.memory_space<vmem_shared>>) dst(%dma_wait3A_93 : memref<640x128xf32, #tpu.memory_space<hbm>>)
      tpu.yield
    }) : () -> ()
    return
  }
}

#map = affine_map<(d0, d1) -> (0, 0)>
#map1 = affine_map<(d0, d1) -> (0, 0, 0, 0, 0)>
#map2 = affine_map<(d0, d1) -> (0, 0, 0)>
module attributes {stable_mosaic.version = 14 : i64} {
  func.func @_agg_body(%arg0: i32, %arg1: i32, %arg2: memref<10240x128xf32, #tpu.memory_space<hbm>>, %arg3: memref<2x16x80x1x128xi32, #tpu.memory_space<hbm>>, %arg4: memref<2x16x80x1x128xi32, #tpu.memory_space<hbm>>, %arg5: memref<2x10240x128xf32, #tpu.memory_space<hbm>>, %arg6: memref<80x1x128xi32, #tpu.memory_space<vmem>>, %arg7: memref<2x1x128xi32, #tpu.memory_space<vmem>>, %arg8: memref<2x128x128xf32, #tpu.memory_space<vmem>>, %arg9: memref<10240x128xf32, #tpu.memory_space<vmem_shared>>, %arg10: memref<2x!tpu.dma_semaphore, #tpu.memory_space<semaphore_mem>>, %arg11: memref<2x!tpu.dma_semaphore, #tpu.memory_space<semaphore_mem>>) attributes {dimension_semantics = [#tpu.dimension_semantics<core_parallel>, #tpu.dimension_semantics<subcore_parallel>], iteration_bounds = array<i64: 2, 16>, scalar_prefetch = 0 : i64, scratch_operands = 6 : i64, tpu.core_type = #tpu.core_type<sc_vector_subcore>, window_params = [{transform_indices = #map}, {transform_indices = #map1}, {transform_indices = #map1}, {transform_indices = #map2}]} {
    %mul3A = arith.constant 640 : i32
    %mul3A_0 = arith.muli %arg1, %mul3A : i32
    "tpu.region"() ({
      %run_scoped3A = tpu.sem_alloc : memref<!tpu.dma_semaphore, #tpu.memory_space<semaphore_mem>>
      %dma_start3A_87 = arith.constant 0 : i32
      %dma_start3A_88 = arith.constant 0 : i32
      %dma_start3A_89 = arith.constant 0 : i32
      %dma_start3A_90 = tpu.memref_slice %arg3[%arg0, %arg1, %dma_start3A_87, %dma_start3A_88, %dma_start3A_89] : memref<2x16x80x1x128xi32, #tpu.memory_space<hbm>> -> memref<1x1x80x1x128xi32, #tpu.memory_space<hbm>>
      %dma_start3A_91 = tpu.memref_squeeze %dma_start3A_90 : memref<1x1x80x1x128xi32, #tpu.memory_space<hbm>> -> memref<80x1x128xi32, #tpu.memory_space<hbm>>
      %dma_start3A_92 = arith.constant 0 : i32
      %dma_start3A_93 = arith.constant 0 : i32
      %dma_start3A_94 = arith.constant 0 : i32
      %dma_start3A_95 = tpu.memref_slice %arg3[%arg0, %arg1, %dma_start3A_92, %dma_start3A_93, %dma_start3A_94] : memref<2x16x80x1x128xi32, #tpu.memory_space<hbm>> -> memref<1x1x80x1x128xi32, #tpu.memory_space<hbm>>
      %dma_start3A_96 = tpu.memref_squeeze %dma_start3A_95 : memref<1x1x80x1x128xi32, #tpu.memory_space<hbm>> -> memref<80x1x128xi32, #tpu.memory_space<hbm>>
      tpu.enqueue_dma source(%dma_start3A_96 : memref<80x1x128xi32, #tpu.memory_space<hbm>>) target(%arg6 : memref<80x1x128xi32, #tpu.memory_space<vmem>>) target_semaphore(%run_scoped3A : memref<!tpu.dma_semaphore, #tpu.memory_space<semaphore_mem>>)
      %dma_wait3A = arith.constant 0 : i32
      %dma_wait3A_97 = arith.constant 0 : i32
      %dma_wait3A_98 = arith.constant 0 : i32
      %dma_wait3A_99 = tpu.memref_slice %arg3[%arg0, %arg1, %dma_wait3A, %dma_wait3A_97, %dma_wait3A_98] : memref<2x16x80x1x128xi32, #tpu.memory_space<hbm>> -> memref<1x1x80x1x128xi32, #tpu.memory_space<hbm>>
      %dma_wait3A_100 = tpu.memref_squeeze %dma_wait3A_99 : memref<1x1x80x1x128xi32, #tpu.memory_space<hbm>> -> memref<80x1x128xi32, #tpu.memory_space<hbm>>
      %dma_wait3A_101 = arith.constant 0 : i32
      %dma_wait3A_102 = arith.constant 0 : i32
      %dma_wait3A_103 = arith.constant 0 : i32
      %dma_wait3A_104 = tpu.memref_slice %arg3[%arg0, %arg1, %dma_wait3A_101, %dma_wait3A_102, %dma_wait3A_103] : memref<2x16x80x1x128xi32, #tpu.memory_space<hbm>> -> memref<1x1x80x1x128xi32, #tpu.memory_space<hbm>>
      %dma_wait3A_105 = tpu.memref_squeeze %dma_wait3A_104 : memref<1x1x80x1x128xi32, #tpu.memory_space<hbm>> -> memref<80x1x128xi32, #tpu.memory_space<hbm>>
      tpu.wait_dma2 semaphore(%run_scoped3A : memref<!tpu.dma_semaphore, #tpu.memory_space<semaphore_mem>>) src(%dma_wait3A_105 : memref<80x1x128xi32, #tpu.memory_space<hbm>>) dst(%arg6 : memref<80x1x128xi32, #tpu.memory_space<vmem>>)
      tpu.yield
    }) : () -> ()
    %eq3A = arith.constant 0 : i32
    %eq3A_1 = arith.cmpi eq, %arg0, %eq3A : i32
    %convert_element_type3A = arith.extui %eq3A_1 : i1 to i32
    %cond3A = arith.constant 0 : i32
    %cond3A_2 = arith.cmpi ne, %convert_element_type3A, %cond3A : i32
    scf.if %cond3A_2 {
      "tpu.region"() ({
        %run_scoped3A = tpu.sem_alloc : memref<!tpu.dma_semaphore, #tpu.memory_space<semaphore_mem>>
        %dma_start3A_87 = arith.constant 0 : i32
        %dma_start3A_88 = tpu.memref_slice %arg9[%mul3A_0, %dma_start3A_87] : memref<10240x128xf32, #tpu.memory_space<vmem_shared>> -> memref<640x128xf32, #tpu.memory_space<vmem_shared>>
        %dma_start3A_89 = arith.constant 0 : i32
        %dma_start3A_90 = tpu.memref_slice %arg2[%mul3A_0, %dma_start3A_89] : memref<10240x128xf32, #tpu.memory_space<hbm>> -> memref<640x128xf32, #tpu.memory_space<hbm>>
        tpu.enqueue_dma source(%dma_start3A_90 : memref<640x128xf32, #tpu.memory_space<hbm>>) target(%dma_start3A_88 : memref<640x128xf32, #tpu.memory_space<vmem_shared>>) target_semaphore(%run_scoped3A : memref<!tpu.dma_semaphore, #tpu.memory_space<semaphore_mem>>)
        %dma_wait3A = arith.constant 0 : i32
        %dma_wait3A_91 = tpu.memref_slice %arg9[%mul3A_0, %dma_wait3A] : memref<10240x128xf32, #tpu.memory_space<vmem_shared>> -> memref<640x128xf32, #tpu.memory_space<vmem_shared>>
        %dma_wait3A_92 = arith.constant 0 : i32
        %dma_wait3A_93 = tpu.memref_slice %arg2[%mul3A_0, %dma_wait3A_92] : memref<10240x128xf32, #tpu.memory_space<hbm>> -> memref<640x128xf32, #tpu.memory_space<hbm>>
        tpu.wait_dma2 semaphore(%run_scoped3A : memref<!tpu.dma_semaphore, #tpu.memory_space<semaphore_mem>>) src(%dma_wait3A_93 : memref<640x128xf32, #tpu.memory_space<hbm>>) dst(%dma_wait3A_91 : memref<640x128xf32, #tpu.memory_space<vmem_shared>>)
        tpu.yield
      }) : () -> ()
    } else {
    }
    %eq3A_3 = arith.constant 1 : i32
    %eq3A_4 = arith.cmpi eq, %arg0, %eq3A_3 : i32
    %convert_element_type3A_5 = arith.extui %eq3A_4 : i1 to i32
    %cond3A_6 = arith.constant 0 : i32
    %cond3A_7 = arith.cmpi ne, %convert_element_type3A_5, %cond3A_6 : i32
    scf.if %cond3A_7 {
      %scan3A_87 = arith.constant 0 : i32
      %scan3A_88 = arith.constant 0 : i32
      %scan3A_89 = arith.constant 128 : i32
      %scan3A_90 = arith.addi %scan3A_88, %scan3A_89 : i32
      %scan3A_91 = arith.constant 1 : i32
      scf.for %scan3A_99 = %scan3A_88 to %scan3A_90 step %scan3A_91  : i32 {
        %broadcast_in_dim3A = arith.constant 0.000000e+00 : f32
        %broadcast_in_dim3A_100 = vector.broadcast %broadcast_in_dim3A : f32 to vector<16xf32>
        %swap3A = arith.constant 0 : i32
        %swap3A_101 = arith.index_cast %swap3A : i32 to index
        %swap3A_102 = arith.index_cast %scan3A_99 : i32 to index
        %swap3A_103 = arith.constant 0 : index
        %swap3A_104 = tpu.vector_load %arg8[%swap3A_101, %swap3A_102, %swap3A_103] {strides = array<i32>} : memref<2x128x128xf32, #tpu.memory_space<vmem>>, vector<1x1x16xf32>,
        %swap3A_105 = vector.shape_cast %swap3A_104 : vector<1x1x16xf32> to vector<16xf32>
        %swap3A_106 = vector.shape_cast %broadcast_in_dim3A_100 : vector<16xf32> to vector<1x1x16xf32>
        tpu.vector_store %arg8[%swap3A_101, %swap3A_102, %swap3A_103], %swap3A_106 {strides = array<i32>} : memref<2x128x128xf32, #tpu.memory_space<vmem>>, vector<1x1x16xf32>,
        %broadcast_in_dim3A_107 = arith.constant 0.000000e+00 : f32
        %broadcast_in_dim3A_108 = vector.broadcast %broadcast_in_dim3A_107 : f32 to vector<16xf32>
        %swap3A_109 = arith.constant 0 : i32
        %swap3A_110 = arith.index_cast %swap3A_109 : i32 to index
        %swap3A_111 = arith.index_cast %scan3A_99 : i32 to index
        %swap3A_112 = arith.constant 16 : index
        %swap3A_113 = tpu.vector_load %arg8[%swap3A_110, %swap3A_111, %swap3A_112] {strides = array<i32>} : memref<2x128x128xf32, #tpu.memory_space<vmem>>, vector<1x1x16xf32>,
        %swap3A_114 = vector.shape_cast %swap3A_113 : vector<1x1x16xf32> to vector<16xf32>
        %swap3A_115 = vector.shape_cast %broadcast_in_dim3A_108 : vector<16xf32> to vector<1x1x16xf32>
        tpu.vector_store %arg8[%swap3A_110, %swap3A_111, %swap3A_112], %swap3A_115 {strides = array<i32>} : memref<2x128x128xf32, #tpu.memory_space<vmem>>, vector<1x1x16xf32>,
        %broadcast_in_dim3A_116 = arith.constant 0.000000e+00 : f32
        %broadcast_in_dim3A_117 = vector.broadcast %broadcast_in_dim3A_116 : f32 to vector<16xf32>
        %swap3A_118 = arith.constant 0 : i32
        %swap3A_119 = arith.index_cast %swap3A_118 : i32 to index
        %swap3A_120 = arith.index_cast %scan3A_99 : i32 to index
        %swap3A_121 = arith.constant 32 : index
        %swap3A_122 = tpu.vector_load %arg8[%swap3A_119, %swap3A_120, %swap3A_121] {strides = array<i32>} : memref<2x128x128xf32, #tpu.memory_space<vmem>>, vector<1x1x16xf32>,
        %swap3A_123 = vector.shape_cast %swap3A_122 : vector<1x1x16xf32> to vector<16xf32>
        %swap3A_124 = vector.shape_cast %broadcast_in_dim3A_117 : vector<16xf32> to vector<1x1x16xf32>
        tpu.vector_store %arg8[%swap3A_119, %swap3A_120, %swap3A_121], %swap3A_124 {strides = array<i32>} : memref<2x128x128xf32, #tpu.memory_space<vmem>>, vector<1x1x16xf32>,
        %broadcast_in_dim3A_125 = arith.constant 0.000000e+00 : f32
        %broadcast_in_dim3A_126 = vector.broadcast %broadcast_in_dim3A_125 : f32 to vector<16xf32>
        %swap3A_127 = arith.constant 0 : i32
        %swap3A_128 = arith.index_cast %swap3A_127 : i32 to index
        %swap3A_129 = arith.index_cast %scan3A_99 : i32 to index
        %swap3A_130 = arith.constant 48 : index
        %swap3A_131 = tpu.vector_load %arg8[%swap3A_128, %swap3A_129, %swap3A_130] {strides = array<i32>} : memref<2x128x128xf32, #tpu.memory_space<vmem>>, vector<1x1x16xf32>,
        %swap3A_132 = vector.shape_cast %swap3A_131 : vector<1x1x16xf32> to vector<16xf32>
        %swap3A_133 = vector.shape_cast %broadcast_in_dim3A_126 : vector<16xf32> to vector<1x1x16xf32>
        tpu.vector_store %arg8[%swap3A_128, %swap3A_129, %swap3A_130], %swap3A_133 {strides = array<i32>} : memref<2x128x128xf32, #tpu.memory_space<vmem>>, vector<1x1x16xf32>,
        %broadcast_in_dim3A_134 = arith.constant 0.000000e+00 : f32
        %broadcast_in_dim3A_135 = vector.broadcast %broadcast_in_dim3A_134 : f32 to vector<16xf32>
        %swap3A_136 = arith.constant 0 : i32
        %swap3A_137 = arith.index_cast %swap3A_136 : i32 to index
        %swap3A_138 = arith.index_cast %scan3A_99 : i32 to index
        %swap3A_139 = arith.constant 64 : index
        %swap3A_140 = tpu.vector_load %arg8[%swap3A_137, %swap3A_138, %swap3A_139] {strides = array<i32>} : memref<2x128x128xf32, #tpu.memory_space<vmem>>, vector<1x1x16xf32>,
        %swap3A_141 = vector.shape_cast %swap3A_140 : vector<1x1x16xf32> to vector<16xf32>
        %swap3A_142 = vector.shape_cast %broadcast_in_dim3A_135 : vector<16xf32> to vector<1x1x16xf32>
        tpu.vector_store %arg8[%swap3A_137, %swap3A_138, %swap3A_139], %swap3A_142 {strides = array<i32>} : memref<2x128x128xf32, #tpu.memory_space<vmem>>, vector<1x1x16xf32>,
        %broadcast_in_dim3A_143 = arith.constant 0.000000e+00 : f32
        %broadcast_in_dim3A_144 = vector.broadcast %broadcast_in_dim3A_143 : f32 to vector<16xf32>
        %swap3A_145 = arith.constant 0 : i32
        %swap3A_146 = arith.index_cast %swap3A_145 : i32 to index
        %swap3A_147 = arith.index_cast %scan3A_99 : i32 to index
        %swap3A_148 = arith.constant 80 : index
        %swap3A_149 = tpu.vector_load %arg8[%swap3A_146, %swap3A_147, %swap3A_148] {strides = array<i32>} : memref<2x128x128xf32, #tpu.memory_space<vmem>>, vector<1x1x16xf32>,
        %swap3A_150 = vector.shape_cast %swap3A_149 : vector<1x1x16xf32> to vector<16xf32>
        %swap3A_151 = vector.shape_cast %broadcast_in_dim3A_144 : vector<16xf32> to vector<1x1x16xf32>
        tpu.vector_store %arg8[%swap3A_146, %swap3A_147, %swap3A_148], %swap3A_151 {strides = array<i32>} : memref<2x128x128xf32, #tpu.memory_space<vmem>>, vector<1x1x16xf32>,
        %broadcast_in_dim3A_152 = arith.constant 0.000000e+00 : f32
        %broadcast_in_dim3A_153 = vector.broadcast %broadcast_in_dim3A_152 : f32 to vector<16xf32>
        %swap3A_154 = arith.constant 0 : i32
        %swap3A_155 = arith.index_cast %swap3A_154 : i32 to index
        %swap3A_156 = arith.index_cast %scan3A_99 : i32 to index
        %swap3A_157 = arith.constant 96 : index
        %swap3A_158 = tpu.vector_load %arg8[%swap3A_155, %swap3A_156, %swap3A_157] {strides = array<i32>} : memref<2x128x128xf32, #tpu.memory_space<vmem>>, vector<1x1x16xf32>,
        %swap3A_159 = vector.shape_cast %swap3A_158 : vector<1x1x16xf32> to vector<16xf32>
        %swap3A_160 = vector.shape_cast %broadcast_in_dim3A_153 : vector<16xf32> to vector<1x1x16xf32>
        tpu.vector_store %arg8[%swap3A_155, %swap3A_156, %swap3A_157], %swap3A_160 {strides = array<i32>} : memref<2x128x128xf32, #tpu.memory_space<vmem>>, vector<1x1x16xf32>,
        %broadcast_in_dim3A_161 = arith.constant 0.000000e+00 : f32
        %broadcast_in_dim3A_162 = vector.broadcast %broadcast_in_dim3A_161 : f32 to vector<16xf32>
        %swap3A_163 = arith.constant 0 : i32
        %swap3A_164 = arith.index_cast %swap3A_163 : i32 to index
        %swap3A_165 = arith.index_cast %scan3A_99 : i32 to index
        %swap3A_166 = arith.constant 112 : index
        %swap3A_167 = tpu.vector_load %arg8[%swap3A_164, %swap3A_165, %swap3A_166] {strides = array<i32>} : memref<2x128x128xf32, #tpu.memory_space<vmem>>, vector<1x1x16xf32>,
        %swap3A_168 = vector.shape_cast %swap3A_167 : vector<1x1x16xf32> to vector<16xf32>
        %swap3A_169 = vector.shape_cast %broadcast_in_dim3A_162 : vector<16xf32> to vector<1x1x16xf32>
        tpu.vector_store %arg8[%swap3A_164, %swap3A_165, %swap3A_166], %swap3A_169 {strides = array<i32>} : memref<2x128x128xf32, #tpu.memory_space<vmem>>, vector<1x1x16xf32>,
      }
      %scan3A_92 = arith.constant 128 : i32
      %scan3A_93 = arith.constant 0 : i32
      %scan3A_94 = arith.constant 0 : i32
      %scan3A_95 = arith.constant 5 : i32
      %scan3A_96 = arith.addi %scan3A_94, %scan3A_95 : i32
      %scan3A_97 = arith.constant 1 : i32
      scf.for %scan3A_99 = %scan3A_94 to %scan3A_96 step %scan3A_97  : i32 {
        %mul3A_100 = arith.constant 128 : i32
        %mul3A_101 = arith.muli %scan3A_99, %mul3A_100 : i32
        %add3A = arith.addi %mul3A_0, %mul3A_101 : i32
        %run_scoped3A = arith.constant 0 : i32
        "tpu.region"() ({
          %run_scoped3A_102 = tpu.sem_alloc : memref<!tpu.dma_semaphore, #tpu.memory_space<semaphore_mem>>
          %dma_start3A_103 = arith.constant 0 : i32
          %dma_start3A_104 = arith.constant 0 : i32
          %dma_start3A_105 = tpu.memref_slice %arg8[%run_scoped3A, %dma_start3A_103, %dma_start3A_104] : memref<2x128x128xf32, #tpu.memory_space<vmem>> -> memref<1x128x128xf32, #tpu.memory_space<vmem>>
          %dma_start3A_106 = tpu.memref_squeeze %dma_start3A_105 : memref<1x128x128xf32, #tpu.memory_space<vmem>> -> memref<128x128xf32, #tpu.memory_space<vmem>>
          %dma_start3A_107 = arith.constant 0 : i32
          %dma_start3A_108 = tpu.memref_slice %arg9[%add3A, %dma_start3A_107] : memref<10240x128xf32, #tpu.memory_space<vmem_shared>> -> memref<128x128xf32, #tpu.memory_space<vmem_shared>>
          %dma_start3A_109 = arith.constant 0 : i32
          %dma_start3A_110 = tpu.memref_slice %arg9[%add3A, %dma_start3A_109] : memref<10240x128xf32, #tpu.memory_space<vmem_shared>> -> memref<128x128xf32, #tpu.memory_space<vmem_shared>>
          %dma_start3A_111 = arith.constant 0 : i32
          %dma_start3A_112 = arith.constant 0 : i32
          %dma_start3A_113 = tpu.memref_slice %arg8[%run_scoped3A, %dma_start3A_111, %dma_start3A_112] : memref<2x128x128xf32, #tpu.memory_space<vmem>> -> memref<1x128x128xf32, #tpu.memory_space<vmem>>
          %dma_start3A_114 = tpu.memref_squeeze %dma_start3A_113 : memref<1x128x128xf32, #tpu.memory_space<vmem>> -> memref<128x128xf32, #tpu.memory_space<vmem>>
          tpu.enqueue_dma source(%dma_start3A_114 : memref<128x128xf32, #tpu.memory_space<vmem>>) target(%dma_start3A_110 : memref<128x128xf32, #tpu.memory_space<vmem_shared>>) target_semaphore(%run_scoped3A_102 : memref<!tpu.dma_semaphore, #tpu.memory_space<semaphore_mem>>)
          %dma_wait3A = arith.constant 0 : i32
          %dma_wait3A_115 = arith.constant 0 : i32
          %dma_wait3A_116 = tpu.memref_slice %arg8[%run_scoped3A, %dma_wait3A, %dma_wait3A_115] : memref<2x128x128xf32, #tpu.memory_space<vmem>> -> memref<1x128x128xf32, #tpu.memory_space<vmem>>
          %dma_wait3A_117 = tpu.memref_squeeze %dma_wait3A_116 : memref<1x128x128xf32, #tpu.memory_space<vmem>> -> memref<128x128xf32, #tpu.memory_space<vmem>>
          %dma_wait3A_118 = arith.constant 0 : i32
          %dma_wait3A_119 = tpu.memref_slice %arg9[%add3A, %dma_wait3A_118] : memref<10240x128xf32, #tpu.memory_space<vmem_shared>> -> memref<128x128xf32, #tpu.memory_space<vmem_shared>>
          %dma_wait3A_120 = arith.constant 0 : i32
          %dma_wait3A_121 = tpu.memref_slice %arg9[%add3A, %dma_wait3A_120] : memref<10240x128xf32, #tpu.memory_space<vmem_shared>> -> memref<128x128xf32, #tpu.memory_space<vmem_shared>>
          %dma_wait3A_122 = arith.constant 0 : i32
          %dma_wait3A_123 = arith.constant 0 : i32
          %dma_wait3A_124 = tpu.memref_slice %arg8[%run_scoped3A, %dma_wait3A_122, %dma_wait3A_123] : memref<2x128x128xf32, #tpu.memory_space<vmem>> -> memref<1x128x128xf32, #tpu.memory_space<vmem>>
          %dma_wait3A_125 = tpu.memref_squeeze %dma_wait3A_124 : memref<1x128x128xf32, #tpu.memory_space<vmem>> -> memref<128x128xf32, #tpu.memory_space<vmem>>
          tpu.wait_dma2 semaphore(%run_scoped3A_102 : memref<!tpu.dma_semaphore, #tpu.memory_space<semaphore_mem>>) src(%dma_wait3A_125 : memref<128x128xf32, #tpu.memory_space<vmem>>) dst(%dma_wait3A_121 : memref<128x128xf32, #tpu.memory_space<vmem_shared>>)
          tpu.yield
        }) : () -> ()
      }
      %scan3A_98 = arith.constant 5 : i32
    } else {
    }
    %barrier3A = arith.constant 0 : index
    tpu.barrier barrier_id(%barrier3A)
    %dma_start3A = arith.constant 0 : i32
    %dma_start3A_8 = arith.constant 0 : i32
    %dma_start3A_9 = arith.constant 0 : i32
    %dma_start3A_10 = arith.constant 0 : i32
    %dma_start3A_11 = arith.constant 0 : i32
    %dma_start3A_12 = tpu.memref_slice %arg7[%dma_start3A_8, %dma_start3A_10, %dma_start3A_11] : memref<2x1x128xi32, #tpu.memory_space<vmem>> -> memref<1x1x128xi32, #tpu.memory_space<vmem>>
    %dma_start3A_13 = tpu.memref_squeeze %dma_start3A_12 : memref<1x1x128xi32, #tpu.memory_space<vmem>> -> memref<1x128xi32, #tpu.memory_space<vmem>>
    %dma_start3A_14 = arith.constant 0 : i32
    %dma_start3A_15 = arith.constant 0 : i32
    %dma_start3A_16 = tpu.memref_slice %arg4[%arg0, %arg1, %dma_start3A, %dma_start3A_14, %dma_start3A_15] : memref<2x16x80x1x128xi32, #tpu.memory_space<hbm>> -> memref<1x1x1x1x128xi32, #tpu.memory_space<hbm>>
    %dma_start3A_17 = tpu.memref_squeeze %dma_start3A_16 : memref<1x1x1x1x128xi32, #tpu.memory_space<hbm>> -> memref<1x128xi32, #tpu.memory_space<hbm>>
    %dma_start3A_18 = tpu.memref_slice %arg11[%dma_start3A_9] : memref<2x!tpu.dma_semaphore, #tpu.memory_space<semaphore_mem>> -> memref<1x!tpu.dma_semaphore, #tpu.memory_space<semaphore_mem>>
    %dma_start3A_19 = tpu.memref_squeeze %dma_start3A_18 : memref<1x!tpu.dma_semaphore, #tpu.memory_space<semaphore_mem>> -> memref<!tpu.dma_semaphore, #tpu.memory_space<semaphore_mem>>
    %dma_start3A_20 = arith.constant 0 : i32
    %dma_start3A_21 = arith.constant 0 : i32
    %dma_start3A_22 = tpu.memref_slice %arg7[%dma_start3A_8, %dma_start3A_20, %dma_start3A_21] : memref<2x1x128xi32, #tpu.memory_space<vmem>> -> memref<1x1x128xi32, #tpu.memory_space<vmem>>
    %dma_start3A_23 = tpu.memref_squeeze %dma_start3A_22 : memref<1x1x128xi32, #tpu.memory_space<vmem>> -> memref<1x128xi32, #tpu.memory_space<vmem>>
    %dma_start3A_24 = arith.constant 0 : i32
    %dma_start3A_25 = arith.constant 0 : i32
    %dma_start3A_26 = tpu.memref_slice %arg4[%arg0, %arg1, %dma_start3A, %dma_start3A_24, %dma_start3A_25] : memref<2x16x80x1x128xi32, #tpu.memory_space<hbm>> -> memref<1x1x1x1x128xi32, #tpu.memory_space<hbm>>
    %dma_start3A_27 = tpu.memref_squeeze %dma_start3A_26 : memref<1x1x1x1x128xi32, #tpu.memory_space<hbm>> -> memref<1x128xi32, #tpu.memory_space<hbm>>
    tpu.enqueue_dma source(%dma_start3A_27 : memref<1x128xi32, #tpu.memory_space<hbm>>) target(%dma_start3A_23 : memref<1x128xi32, #tpu.memory_space<vmem>>) target_semaphore(%dma_start3A_19 : memref<!tpu.dma_semaphore, #tpu.memory_space<semaphore_mem>>)
    %dma_start3A_28 = arith.constant 0 : i32
    %dma_start3A_29 = arith.constant 0 : i32
    %dma_start3A_30 = arith.constant 0 : i32
    %dma_start3A_31 = arith.constant 0 : i32
    %dma_start3A_32 = arith.constant 0 : i32
    %dma_start3A_33 = arith.constant 0 : i32
    %dma_start3A_34 = tpu.memref_slice %arg8[%dma_start3A_30, %dma_start3A_32, %dma_start3A_33] : memref<2x128x128xf32, #tpu.memory_space<vmem>> -> memref<1x128x128xf32, #tpu.memory_space<vmem>>
    %dma_start3A_35 = tpu.memref_squeeze %dma_start3A_34 : memref<1x128x128xf32, #tpu.memory_space<vmem>> -> memref<128x128xf32, #tpu.memory_space<vmem>>
    %dma_start3A_36 = arith.constant 0 : i32
    %dma_start3A_37 = tpu.memref_slice %arg6[%dma_start3A_28, %dma_start3A_29, %dma_start3A_36] : memref<80x1x128xi32, #tpu.memory_space<vmem>> -> memref<1x1x128xi32, #tpu.memory_space<vmem>>
    %dma_start3A_38 = tpu.memref_squeeze %dma_start3A_37 : memref<1x1x128xi32, #tpu.memory_space<vmem>> -> memref<128xi32, #tpu.memory_space<vmem>>
    %dma_start3A_39 = arith.constant 0 : i32
    %dma_start3A_40 = arith.constant 0 : i32
    %dma_start3A_41 = tpu.memref_slice %arg2[%dma_start3A_39, %dma_start3A_40] : memref<10240x128xf32, #tpu.memory_space<hbm>> -> memref<10240x128xf32, #tpu.memory_space<hbm>>
    %dma_start3A_42 = tpu.memref_slice %arg10[%dma_start3A_31] : memref<2x!tpu.dma_semaphore, #tpu.memory_space<semaphore_mem>> -> memref<1x!tpu.dma_semaphore, #tpu.memory_space<semaphore_mem>>
    %dma_start3A_43 = tpu.memref_squeeze %dma_start3A_42 : memref<1x!tpu.dma_semaphore, #tpu.memory_space<semaphore_mem>> -> memref<!tpu.dma_semaphore, #tpu.memory_space<semaphore_mem>>
    tpu.enqueue_indirect_dma source(%dma_start3A_41 : memref<10240x128xf32, #tpu.memory_space<hbm>>) target(%dma_start3A_35 : memref<128x128xf32, #tpu.memory_space<vmem>>) offsets(%dma_start3A_38 : memref<128xi32, #tpu.memory_space<vmem>>) semaphore(%dma_start3A_43 : memref<!tpu.dma_semaphore, #tpu.memory_space<semaphore_mem>>)
    %dma_start3A_44 = arith.constant 1 : i32
    %dma_start3A_45 = arith.constant 1 : i32
    %dma_start3A_46 = arith.constant 1 : i32
    %dma_start3A_47 = arith.constant 0 : i32
    %dma_start3A_48 = arith.constant 0 : i32
    %dma_start3A_49 = tpu.memref_slice %arg7[%dma_start3A_45, %dma_start3A_47, %dma_start3A_48] : memref<2x1x128xi32, #tpu.memory_space<vmem>> -> memref<1x1x128xi32, #tpu.memory_space<vmem>>
    %dma_start3A_50 = tpu.memref_squeeze %dma_start3A_49 : memref<1x1x128xi32, #tpu.memory_space<vmem>> -> memref<1x128xi32, #tpu.memory_space<vmem>>
    %dma_start3A_51 = arith.constant 0 : i32
    %dma_start3A_52 = arith.constant 0 : i32
    %dma_start3A_53 = tpu.memref_slice %arg4[%arg0, %arg1, %dma_start3A_44, %dma_start3A_51, %dma_start3A_52] : memref<2x16x80x1x128xi32, #tpu.memory_space<hbm>> -> memref<1x1x1x1x128xi32, #tpu.memory_space<hbm>>
    %dma_start3A_54 = tpu.memref_squeeze %dma_start3A_53 : memref<1x1x1x1x128xi32, #tpu.memory_space<hbm>> -> memref<1x128xi32, #tpu.memory_space<hbm>>
    %dma_start3A_55 = tpu.memref_slice %arg11[%dma_start3A_46] : memref<2x!tpu.dma_semaphore, #tpu.memory_space<semaphore_mem>> -> memref<1x!tpu.dma_semaphore, #tpu.memory_space<semaphore_mem>>
    %dma_start3A_56 = tpu.memref_squeeze %dma_start3A_55 : memref<1x!tpu.dma_semaphore, #tpu.memory_space<semaphore_mem>> -> memref<!tpu.dma_semaphore, #tpu.memory_space<semaphore_mem>>
    %dma_start3A_57 = arith.constant 0 : i32
    %dma_start3A_58 = arith.constant 0 : i32
    %dma_start3A_59 = tpu.memref_slice %arg7[%dma_start3A_45, %dma_start3A_57, %dma_start3A_58] : memref<2x1x128xi32, #tpu.memory_space<vmem>> -> memref<1x1x128xi32, #tpu.memory_space<vmem>>
    %dma_start3A_60 = tpu.memref_squeeze %dma_start3A_59 : memref<1x1x128xi32, #tpu.memory_space<vmem>> -> memref<1x128xi32, #tpu.memory_space<vmem>>
    %dma_start3A_61 = arith.constant 0 : i32
    %dma_start3A_62 = arith.constant 0 : i32
    %dma_start3A_63 = tpu.memref_slice %arg4[%arg0, %arg1, %dma_start3A_44, %dma_start3A_61, %dma_start3A_62] : memref<2x16x80x1x128xi32, #tpu.memory_space<hbm>> -> memref<1x1x1x1x128xi32, #tpu.memory_space<hbm>>
    %dma_start3A_64 = tpu.memref_squeeze %dma_start3A_63 : memref<1x1x1x1x128xi32, #tpu.memory_space<hbm>> -> memref<1x128xi32, #tpu.memory_space<hbm>>
    tpu.enqueue_dma source(%dma_start3A_64 : memref<1x128xi32, #tpu.memory_space<hbm>>) target(%dma_start3A_60 : memref<1x128xi32, #tpu.memory_space<vmem>>) target_semaphore(%dma_start3A_56 : memref<!tpu.dma_semaphore, #tpu.memory_space<semaphore_mem>>)
    %dma_start3A_65 = arith.constant 1 : i32
    %dma_start3A_66 = arith.constant 0 : i32
    %dma_start3A_67 = arith.constant 1 : i32
    %dma_start3A_68 = arith.constant 1 : i32
    %dma_start3A_69 = arith.constant 0 : i32
    %dma_start3A_70 = arith.constant 0 : i32
    %dma_start3A_71 = tpu.memref_slice %arg8[%dma_start3A_67, %dma_start3A_69, %dma_start3A_70] : memref<2x128x128xf32, #tpu.memory_space<vmem>> -> memref<1x128x128xf32, #tpu.memory_space<vmem>>
    %dma_start3A_72 = tpu.memref_squeeze %dma_start3A_71 : memref<1x128x128xf32, #tpu.memory_space<vmem>> -> memref<128x128xf32, #tpu.memory_space<vmem>>
    %dma_start3A_73 = arith.constant 0 : i32
    %dma_start3A_74 = tpu.memref_slice %arg6[%dma_start3A_65, %dma_start3A_66, %dma_start3A_73] : memref<80x1x128xi32, #tpu.memory_space<vmem>> -> memref<1x1x128xi32, #tpu.memory_space<vmem>>
    %dma_start3A_75 = tpu.memref_squeeze %dma_start3A_74 : memref<1x1x128xi32, #tpu.memory_space<vmem>> -> memref<128xi32, #tpu.memory_space<vmem>>
    %dma_start3A_76 = arith.constant 0 : i32
    %dma_start3A_77 = arith.constant 0 : i32
    %dma_start3A_78 = tpu.memref_slice %arg2[%dma_start3A_76, %dma_start3A_77] : memref<10240x128xf32, #tpu.memory_space<hbm>> -> memref<10240x128xf32, #tpu.memory_space<hbm>>
    %dma_start3A_79 = tpu.memref_slice %arg10[%dma_start3A_68] : memref<2x!tpu.dma_semaphore, #tpu.memory_space<semaphore_mem>> -> memref<1x!tpu.dma_semaphore, #tpu.memory_space<semaphore_mem>>
    %dma_start3A_80 = tpu.memref_squeeze %dma_start3A_79 : memref<1x!tpu.dma_semaphore, #tpu.memory_space<semaphore_mem>> -> memref<!tpu.dma_semaphore, #tpu.memory_space<semaphore_mem>>
    tpu.enqueue_indirect_dma source(%dma_start3A_78 : memref<10240x128xf32, #tpu.memory_space<hbm>>) target(%dma_start3A_72 : memref<128x128xf32, #tpu.memory_space<vmem>>) offsets(%dma_start3A_75 : memref<128xi32, #tpu.memory_space<vmem>>) semaphore(%dma_start3A_80 : memref<!tpu.dma_semaphore, #tpu.memory_space<semaphore_mem>>)
    %scan3A = arith.constant 0 : i32
    %scan3A_81 = arith.constant 0 : i32
    %scan3A_82 = arith.constant 40 : i32
    %scan3A_83 = arith.addi %scan3A_81, %scan3A_82 : i32
    %scan3A_84 = arith.constant 1 : i32
    scf.for %scan3A_87 = %scan3A_81 to %scan3A_83 step %scan3A_84  : i32 {
      %mul3A_88 = arith.constant 2 : i32
      %mul3A_89 = arith.muli %scan3A_87, %mul3A_88 : i32
      %add3A = arith.constant 0 : i32
      %add3A_90 = arith.addi %mul3A_89, %add3A : i32
      %dma_wait3A = arith.constant 0 : i32
      %dma_wait3A_91 = arith.constant 0 : i32
      %dma_wait3A_92 = arith.constant 0 : i32
      %dma_wait3A_93 = arith.constant 0 : i32
      %dma_wait3A_94 = arith.constant 0 : i32
      %dma_wait3A_95 = tpu.memref_slice %arg8[%dma_wait3A_91, %dma_wait3A_93, %dma_wait3A_94] : memref<2x128x128xf32, #tpu.memory_space<vmem>> -> memref<1x128x128xf32, #tpu.memory_space<vmem>>
      %dma_wait3A_96 = tpu.memref_squeeze %dma_wait3A_95 : memref<1x128x128xf32, #tpu.memory_space<vmem>> -> memref<128x128xf32, #tpu.memory_space<vmem>>
      %dma_wait3A_97 = arith.constant 0 : i32
      %dma_wait3A_98 = tpu.memref_slice %arg6[%add3A_90, %dma_wait3A, %dma_wait3A_97] : memref<80x1x128xi32, #tpu.memory_space<vmem>> -> memref<1x1x128xi32, #tpu.memory_space<vmem>>
      %dma_wait3A_99 = tpu.memref_squeeze %dma_wait3A_98 : memref<1x1x128xi32, #tpu.memory_space<vmem>> -> memref<128xi32, #tpu.memory_space<vmem>>
      %dma_wait3A_100 = arith.constant 0 : i32
      %dma_wait3A_101 = arith.constant 0 : i32
      %dma_wait3A_102 = tpu.memref_slice %arg2[%dma_wait3A_100, %dma_wait3A_101] : memref<10240x128xf32, #tpu.memory_space<hbm>> -> memref<10240x128xf32, #tpu.memory_space<hbm>>
      %dma_wait3A_103 = tpu.memref_slice %arg10[%dma_wait3A_92] : memref<2x!tpu.dma_semaphore, #tpu.memory_space<semaphore_mem>> -> memref<1x!tpu.dma_semaphore, #tpu.memory_space<semaphore_mem>>
      %dma_wait3A_104 = tpu.memref_squeeze %dma_wait3A_103 : memref<1x!tpu.dma_semaphore, #tpu.memory_space<semaphore_mem>> -> memref<!tpu.dma_semaphore, #tpu.memory_space<semaphore_mem>>
      tpu.wait_indirect_dma semaphore(%dma_wait3A_104 : memref<!tpu.dma_semaphore, #tpu.memory_space<semaphore_mem>>) src(%dma_wait3A_102 : memref<10240x128xf32, #tpu.memory_space<hbm>>) dst(%dma_wait3A_96 : memref<128x128xf32, #tpu.memory_space<vmem>>)
      %dma_wait3A_105 = arith.constant 0 : i32
      %dma_wait3A_106 = arith.constant 0 : i32
      %dma_wait3A_107 = arith.constant 0 : i32
      %dma_wait3A_108 = arith.constant 0 : i32
      %dma_wait3A_109 = tpu.memref_slice %arg7[%dma_wait3A_105, %dma_wait3A_107, %dma_wait3A_108] : memref<2x1x128xi32, #tpu.memory_space<vmem>> -> memref<1x1x128xi32, #tpu.memory_space<vmem>>
      %dma_wait3A_110 = tpu.memref_squeeze %dma_wait3A_109 : memref<1x1x128xi32, #tpu.memory_space<vmem>> -> memref<1x128xi32, #tpu.memory_space<vmem>>
      %dma_wait3A_111 = arith.constant 0 : i32
      %dma_wait3A_112 = arith.constant 0 : i32
      %dma_wait3A_113 = tpu.memref_slice %arg4[%arg0, %arg1, %add3A_90, %dma_wait3A_111, %dma_wait3A_112] : memref<2x16x80x1x128xi32, #tpu.memory_space<hbm>> -> memref<1x1x1x1x128xi32, #tpu.memory_space<hbm>>
      %dma_wait3A_114 = tpu.memref_squeeze %dma_wait3A_113 : memref<1x1x1x1x128xi32, #tpu.memory_space<hbm>> -> memref<1x128xi32, #tpu.memory_space<hbm>>
      %dma_wait3A_115 = tpu.memref_slice %arg11[%dma_wait3A_106] : memref<2x!tpu.dma_semaphore, #tpu.memory_space<semaphore_mem>> -> memref<1x!tpu.dma_semaphore, #tpu.memory_space<semaphore_mem>>
      %dma_wait3A_116 = tpu.memref_squeeze %dma_wait3A_115 : memref<1x!tpu.dma_semaphore, #tpu.memory_space<semaphore_mem>> -> memref<!tpu.dma_semaphore, #tpu.memory_space<semaphore_mem>>
      %dma_wait3A_117 = arith.constant 0 : i32
      %dma_wait3A_118 = arith.constant 0 : i32
      %dma_wait3A_119 = tpu.memref_slice %arg7[%dma_wait3A_105, %dma_wait3A_117, %dma_wait3A_118] : memref<2x1x128xi32, #tpu.memory_space<vmem>> -> memref<1x1x128xi32, #tpu.memory_space<vmem>>
      %dma_wait3A_120 = tpu.memref_squeeze %dma_wait3A_119 : memref<1x1x128xi32, #tpu.memory_space<vmem>> -> memref<1x128xi32, #tpu.memory_space<vmem>>
      %dma_wait3A_121 = arith.constant 0 : i32
      %dma_wait3A_122 = arith.constant 0 : i32
      %dma_wait3A_123 = tpu.memref_slice %arg4[%arg0, %arg1, %add3A_90, %dma_wait3A_121, %dma_wait3A_122] : memref<2x16x80x1x128xi32, #tpu.memory_space<hbm>> -> memref<1x1x1x1x128xi32, #tpu.memory_space<hbm>>
      %dma_wait3A_124 = tpu.memref_squeeze %dma_wait3A_123 : memref<1x1x1x1x128xi32, #tpu.memory_space<hbm>> -> memref<1x128xi32, #tpu.memory_space<hbm>>
      tpu.wait_dma2 semaphore(%dma_wait3A_116 : memref<!tpu.dma_semaphore, #tpu.memory_space<semaphore_mem>>) src(%dma_wait3A_124 : memref<1x128xi32, #tpu.memory_space<hbm>>) dst(%dma_wait3A_120 : memref<1x128xi32, #tpu.memory_space<vmem>>)
      %run_scoped3A = arith.constant 0 : i32
      %run_scoped3A_125 = arith.constant 0 : i32
      %run_scoped3A_126 = arith.constant 0 : i32
      "tpu.region"() ({
        %run_scoped3A_180 = tpu.sem_alloc : memref<!tpu.dma_semaphore, #tpu.memory_space<semaphore_mem>>
        %dma_start3A_181 = arith.constant 0 : i32
        %dma_start3A_182 = arith.constant 0 : i32
        %dma_start3A_183 = tpu.memref_slice %arg8[%run_scoped3A, %dma_start3A_181, %dma_start3A_182] : memref<2x128x128xf32, #tpu.memory_space<vmem>> -> memref<1x128x128xf32, #tpu.memory_space<vmem>>
        %dma_start3A_184 = tpu.memref_squeeze %dma_start3A_183 : memref<1x128x128xf32, #tpu.memory_space<vmem>> -> memref<128x128xf32, #tpu.memory_space<vmem>>
        %dma_start3A_185 = arith.constant 0 : i32
        %dma_start3A_186 = tpu.memref_slice %arg7[%run_scoped3A_125, %run_scoped3A_126, %dma_start3A_185] : memref<2x1x128xi32, #tpu.memory_space<vmem>> -> memref<1x1x128xi32, #tpu.memory_space<vmem>>
        %dma_start3A_187 = tpu.memref_squeeze %dma_start3A_186 : memref<1x1x128xi32, #tpu.memory_space<vmem>> -> memref<128xi32, #tpu.memory_space<vmem>>
        %dma_start3A_188 = arith.constant 0 : i32
        %dma_start3A_189 = arith.constant 0 : i32
        %dma_start3A_190 = tpu.memref_slice %arg9[%dma_start3A_188, %dma_start3A_189] : memref<10240x128xf32, #tpu.memory_space<vmem_shared>> -> memref<10240x128xf32, #tpu.memory_space<vmem_shared>>
        tpu.enqueue_indirect_dma source(%dma_start3A_184 : memref<128x128xf32, #tpu.memory_space<vmem>>) target(%dma_start3A_190 : memref<10240x128xf32, #tpu.memory_space<vmem_shared>>) offsets(%dma_start3A_187 : memref<128xi32, #tpu.memory_space<vmem>>) semaphore(%run_scoped3A_180 : memref<!tpu.dma_semaphore, #tpu.memory_space<semaphore_mem>>) {add = true}
        %dma_wait3A_191 = arith.constant 0 : i32
        %dma_wait3A_192 = arith.constant 0 : i32
        %dma_wait3A_193 = tpu.memref_slice %arg8[%run_scoped3A, %dma_wait3A_191, %dma_wait3A_192] : memref<2x128x128xf32, #tpu.memory_space<vmem>> -> memref<1x128x128xf32, #tpu.memory_space<vmem>>
        %dma_wait3A_194 = tpu.memref_squeeze %dma_wait3A_193 : memref<1x128x128xf32, #tpu.memory_space<vmem>> -> memref<128x128xf32, #tpu.memory_space<vmem>>
        %dma_wait3A_195 = arith.constant 0 : i32
        %dma_wait3A_196 = tpu.memref_slice %arg7[%run_scoped3A_125, %run_scoped3A_126, %dma_wait3A_195] : memref<2x1x128xi32, #tpu.memory_space<vmem>> -> memref<1x1x128xi32, #tpu.memory_space<vmem>>
        %dma_wait3A_197 = tpu.memref_squeeze %dma_wait3A_196 : memref<1x1x128xi32, #tpu.memory_space<vmem>> -> memref<128xi32, #tpu.memory_space<vmem>>
        %dma_wait3A_198 = arith.constant 0 : i32
        %dma_wait3A_199 = arith.constant 0 : i32
        %dma_wait3A_200 = tpu.memref_slice %arg9[%dma_wait3A_198, %dma_wait3A_199] : memref<10240x128xf32, #tpu.memory_space<vmem_shared>> -> memref<10240x128xf32, #tpu.memory_space<vmem_shared>>
        tpu.wait_indirect_dma semaphore(%run_scoped3A_180 : memref<!tpu.dma_semaphore, #tpu.memory_space<semaphore_mem>>) src(%dma_wait3A_194 : memref<128x128xf32, #tpu.memory_space<vmem>>) dst(%dma_wait3A_200 : memref<10240x128xf32, #tpu.memory_space<vmem_shared>>)
        tpu.yield
      }) : () -> ()
      %add3A_127 = arith.constant 2 : i32
      %add3A_128 = arith.addi %add3A_90, %add3A_127 : i32
      %lt3A = arith.constant 80 : i32
      %lt3A_129 = arith.cmpi slt, %add3A_128, %lt3A : i32
      %convert_element_type3A_130 = arith.extui %lt3A_129 : i1 to i32
      %cond3A_131 = arith.constant 0 : i32
      %cond3A_132 = arith.cmpi ne, %convert_element_type3A_130, %cond3A_131 : i32
      scf.if %cond3A_132 {
        %add3A_180 = arith.constant 2 : i32
        %add3A_181 = arith.addi %add3A_90, %add3A_180 : i32
        %dma_start3A_182 = arith.constant 0 : i32
        %dma_start3A_183 = arith.constant 0 : i32
        %dma_start3A_184 = arith.constant 0 : i32
        %dma_start3A_185 = arith.constant 0 : i32
        %dma_start3A_186 = tpu.memref_slice %arg7[%dma_start3A_182, %dma_start3A_184, %dma_start3A_185] : memref<2x1x128xi32, #tpu.memory_space<vmem>> -> memref<1x1x128xi32, #tpu.memory_space<vmem>>
        %dma_start3A_187 = tpu.memref_squeeze %dma_start3A_186 : memref<1x1x128xi32, #tpu.memory_space<vmem>> -> memref<1x128xi32, #tpu.memory_space<vmem>>
        %dma_start3A_188 = arith.constant 0 : i32
        %dma_start3A_189 = arith.constant 0 : i32
        %dma_start3A_190 = tpu.memref_slice %arg4[%arg0, %arg1, %add3A_181, %dma_start3A_188, %dma_start3A_189] : memref<2x16x80x1x128xi32, #tpu.memory_space<hbm>> -> memref<1x1x1x1x128xi32, #tpu.memory_space<hbm>>
        %dma_start3A_191 = tpu.memref_squeeze %dma_start3A_190 : memref<1x1x1x1x128xi32, #tpu.memory_space<hbm>> -> memref<1x128xi32, #tpu.memory_space<hbm>>
        %dma_start3A_192 = tpu.memref_slice %arg11[%dma_start3A_183] : memref<2x!tpu.dma_semaphore, #tpu.memory_space<semaphore_mem>> -> memref<1x!tpu.dma_semaphore, #tpu.memory_space<semaphore_mem>>
        %dma_start3A_193 = tpu.memref_squeeze %dma_start3A_192 : memref<1x!tpu.dma_semaphore, #tpu.memory_space<semaphore_mem>> -> memref<!tpu.dma_semaphore, #tpu.memory_space<semaphore_mem>>
        %dma_start3A_194 = arith.constant 0 : i32
        %dma_start3A_195 = arith.constant 0 : i32
        %dma_start3A_196 = tpu.memref_slice %arg7[%dma_start3A_182, %dma_start3A_194, %dma_start3A_195] : memref<2x1x128xi32, #tpu.memory_space<vmem>> -> memref<1x1x128xi32, #tpu.memory_space<vmem>>
        %dma_start3A_197 = tpu.memref_squeeze %dma_start3A_196 : memref<1x1x128xi32, #tpu.memory_space<vmem>> -> memref<1x128xi32, #tpu.memory_space<vmem>>
        %dma_start3A_198 = arith.constant 0 : i32
        %dma_start3A_199 = arith.constant 0 : i32
        %dma_start3A_200 = tpu.memref_slice %arg4[%arg0, %arg1, %add3A_181, %dma_start3A_198, %dma_start3A_199] : memref<2x16x80x1x128xi32, #tpu.memory_space<hbm>> -> memref<1x1x1x1x128xi32, #tpu.memory_space<hbm>>
        %dma_start3A_201 = tpu.memref_squeeze %dma_start3A_200 : memref<1x1x1x1x128xi32, #tpu.memory_space<hbm>> -> memref<1x128xi32, #tpu.memory_space<hbm>>
        tpu.enqueue_dma source(%dma_start3A_201 : memref<1x128xi32, #tpu.memory_space<hbm>>) target(%dma_start3A_197 : memref<1x128xi32, #tpu.memory_space<vmem>>) target_semaphore(%dma_start3A_193 : memref<!tpu.dma_semaphore, #tpu.memory_space<semaphore_mem>>)
        %add3A_202 = arith.constant 2 : i32
        %add3A_203 = arith.addi %add3A_90, %add3A_202 : i32
        %dma_start3A_204 = arith.constant 0 : i32
        %dma_start3A_205 = arith.constant 0 : i32
        %dma_start3A_206 = arith.constant 0 : i32
        %dma_start3A_207 = arith.constant 0 : i32
        %dma_start3A_208 = arith.constant 0 : i32
        %dma_start3A_209 = tpu.memref_slice %arg8[%dma_start3A_205, %dma_start3A_207, %dma_start3A_208] : memref<2x128x128xf32, #tpu.memory_space<vmem>> -> memref<1x128x128xf32, #tpu.memory_space<vmem>>
        %dma_start3A_210 = tpu.memref_squeeze %dma_start3A_209 : memref<1x128x128xf32, #tpu.memory_space<vmem>> -> memref<128x128xf32, #tpu.memory_space<vmem>>
        %dma_start3A_211 = arith.constant 0 : i32
        %dma_start3A_212 = tpu.memref_slice %arg6[%add3A_203, %dma_start3A_204, %dma_start3A_211] : memref<80x1x128xi32, #tpu.memory_space<vmem>> -> memref<1x1x128xi32, #tpu.memory_space<vmem>>
        %dma_start3A_213 = tpu.memref_squeeze %dma_start3A_212 : memref<1x1x128xi32, #tpu.memory_space<vmem>> -> memref<128xi32, #tpu.memory_space<vmem>>
        %dma_start3A_214 = arith.constant 0 : i32
        %dma_start3A_215 = arith.constant 0 : i32
        %dma_start3A_216 = tpu.memref_slice %arg2[%dma_start3A_214, %dma_start3A_215] : memref<10240x128xf32, #tpu.memory_space<hbm>> -> memref<10240x128xf32, #tpu.memory_space<hbm>>
        %dma_start3A_217 = tpu.memref_slice %arg10[%dma_start3A_206] : memref<2x!tpu.dma_semaphore, #tpu.memory_space<semaphore_mem>> -> memref<1x!tpu.dma_semaphore, #tpu.memory_space<semaphore_mem>>
        %dma_start3A_218 = tpu.memref_squeeze %dma_start3A_217 : memref<1x!tpu.dma_semaphore, #tpu.memory_space<semaphore_mem>> -> memref<!tpu.dma_semaphore, #tpu.memory_space<semaphore_mem>>
        tpu.enqueue_indirect_dma source(%dma_start3A_216 : memref<10240x128xf32, #tpu.memory_space<hbm>>) target(%dma_start3A_210 : memref<128x128xf32, #tpu.memory_space<vmem>>) offsets(%dma_start3A_213 : memref<128xi32, #tpu.memory_space<vmem>>) semaphore(%dma_start3A_218 : memref<!tpu.dma_semaphore, #tpu.memory_space<semaphore_mem>>)
      } else {
      }
      %add3A_133 = arith.constant 1 : i32
      %add3A_134 = arith.addi %mul3A_89, %add3A_133 : i32
      %dma_wait3A_135 = arith.constant 0 : i32
      %dma_wait3A_136 = arith.constant 1 : i32
      %dma_wait3A_137 = arith.constant 1 : i32
      %dma_wait3A_138 = arith.constant 0 : i32
      %dma_wait3A_139 = arith.constant 0 : i32
      %dma_wait3A_140 = tpu.memref_slice %arg8[%dma_wait3A_136, %dma_wait3A_138, %dma_wait3A_139] : memref<2x128x128xf32, #tpu.memory_space<vmem>> -> memref<1x128x128xf32, #tpu.memory_space<vmem>>
      %dma_wait3A_141 = tpu.memref_squeeze %dma_wait3A_140 : memref<1x128x128xf32, #tpu.memory_space<vmem>> -> memref<128x128xf32, #tpu.memory_space<vmem>>
      %dma_wait3A_142 = arith.constant 0 : i32
      %dma_wait3A_143 = tpu.memref_slice %arg6[%add3A_134, %dma_wait3A_135, %dma_wait3A_142] : memref<80x1x128xi32, #tpu.memory_space<vmem>> -> memref<1x1x128xi32, #tpu.memory_space<vmem>>
      %dma_wait3A_144 = tpu.memref_squeeze %dma_wait3A_143 : memref<1x1x128xi32, #tpu.memory_space<vmem>> -> memref<128xi32, #tpu.memory_space<vmem>>
      %dma_wait3A_145 = arith.constant 0 : i32
      %dma_wait3A_146 = arith.constant 0 : i32
      %dma_wait3A_147 = tpu.memref_slice %arg2[%dma_wait3A_145, %dma_wait3A_146] : memref<10240x128xf32, #tpu.memory_space<hbm>> -> memref<10240x128xf32, #tpu.memory_space<hbm>>
      %dma_wait3A_148 = tpu.memref_slice %arg10[%dma_wait3A_137] : memref<2x!tpu.dma_semaphore, #tpu.memory_space<semaphore_mem>> -> memref<1x!tpu.dma_semaphore, #tpu.memory_space<semaphore_mem>>
      %dma_wait3A_149 = tpu.memref_squeeze %dma_wait3A_148 : memref<1x!tpu.dma_semaphore, #tpu.memory_space<semaphore_mem>> -> memref<!tpu.dma_semaphore, #tpu.memory_space<semaphore_mem>>
      tpu.wait_indirect_dma semaphore(%dma_wait3A_149 : memref<!tpu.dma_semaphore, #tpu.memory_space<semaphore_mem>>) src(%dma_wait3A_147 : memref<10240x128xf32, #tpu.memory_space<hbm>>) dst(%dma_wait3A_141 : memref<128x128xf32, #tpu.memory_space<vmem>>)
      %dma_wait3A_150 = arith.constant 1 : i32
      %dma_wait3A_151 = arith.constant 1 : i32
      %dma_wait3A_152 = arith.constant 0 : i32
      %dma_wait3A_153 = arith.constant 0 : i32
      %dma_wait3A_154 = tpu.memref_slice %arg7[%dma_wait3A_150, %dma_wait3A_152, %dma_wait3A_153] : memref<2x1x128xi32, #tpu.memory_space<vmem>> -> memref<1x1x128xi32, #tpu.memory_space<vmem>>
      %dma_wait3A_155 = tpu.memref_squeeze %dma_wait3A_154 : memref<1x1x128xi32, #tpu.memory_space<vmem>> -> memref<1x128xi32, #tpu.memory_space<vmem>>
      %dma_wait3A_156 = arith.constant 0 : i32
      %dma_wait3A_157 = arith.constant 0 : i32
      %dma_wait3A_158 = tpu.memref_slice %arg4[%arg0, %arg1, %add3A_134, %dma_wait3A_156, %dma_wait3A_157] : memref<2x16x80x1x128xi32, #tpu.memory_space<hbm>> -> memref<1x1x1x1x128xi32, #tpu.memory_space<hbm>>
      %dma_wait3A_159 = tpu.memref_squeeze %dma_wait3A_158 : memref<1x1x1x1x128xi32, #tpu.memory_space<hbm>> -> memref<1x128xi32, #tpu.memory_space<hbm>>
      %dma_wait3A_160 = tpu.memref_slice %arg11[%dma_wait3A_151] : memref<2x!tpu.dma_semaphore, #tpu.memory_space<semaphore_mem>> -> memref<1x!tpu.dma_semaphore, #tpu.memory_space<semaphore_mem>>
      %dma_wait3A_161 = tpu.memref_squeeze %dma_wait3A_160 : memref<1x!tpu.dma_semaphore, #tpu.memory_space<semaphore_mem>> -> memref<!tpu.dma_semaphore, #tpu.memory_space<semaphore_mem>>
      %dma_wait3A_162 = arith.constant 0 : i32
      %dma_wait3A_163 = arith.constant 0 : i32
      %dma_wait3A_164 = tpu.memref_slice %arg7[%dma_wait3A_150, %dma_wait3A_162, %dma_wait3A_163] : memref<2x1x128xi32, #tpu.memory_space<vmem>> -> memref<1x1x128xi32, #tpu.memory_space<vmem>>
      %dma_wait3A_165 = tpu.memref_squeeze %dma_wait3A_164 : memref<1x1x128xi32, #tpu.memory_space<vmem>> -> memref<1x128xi32, #tpu.memory_space<vmem>>
      %dma_wait3A_166 = arith.constant 0 : i32
      %dma_wait3A_167 = arith.constant 0 : i32
      %dma_wait3A_168 = tpu.memref_slice %arg4[%arg0, %arg1, %add3A_134, %dma_wait3A_166, %dma_wait3A_167] : memref<2x16x80x1x128xi32, #tpu.memory_space<hbm>> -> memref<1x1x1x1x128xi32, #tpu.memory_space<hbm>>
      %dma_wait3A_169 = tpu.memref_squeeze %dma_wait3A_168 : memref<1x1x1x1x128xi32, #tpu.memory_space<hbm>> -> memref<1x128xi32, #tpu.memory_space<hbm>>
      tpu.wait_dma2 semaphore(%dma_wait3A_161 : memref<!tpu.dma_semaphore, #tpu.memory_space<semaphore_mem>>) src(%dma_wait3A_169 : memref<1x128xi32, #tpu.memory_space<hbm>>) dst(%dma_wait3A_165 : memref<1x128xi32, #tpu.memory_space<vmem>>)
      %run_scoped3A_170 = arith.constant 1 : i32
      %run_scoped3A_171 = arith.constant 1 : i32
      %run_scoped3A_172 = arith.constant 0 : i32
      "tpu.region"() ({
        %run_scoped3A_180 = tpu.sem_alloc : memref<!tpu.dma_semaphore, #tpu.memory_space<semaphore_mem>>
        %dma_start3A_181 = arith.constant 0 : i32
        %dma_start3A_182 = arith.constant 0 : i32
        %dma_start3A_183 = tpu.memref_slice %arg8[%run_scoped3A_170, %dma_start3A_181, %dma_start3A_182] : memref<2x128x128xf32, #tpu.memory_space<vmem>> -> memref<1x128x128xf32, #tpu.memory_space<vmem>>
        %dma_start3A_184 = tpu.memref_squeeze %dma_start3A_183 : memref<1x128x128xf32, #tpu.memory_space<vmem>> -> memref<128x128xf32, #tpu.memory_space<vmem>>
        %dma_start3A_185 = arith.constant 0 : i32
        %dma_start3A_186 = tpu.memref_slice %arg7[%run_scoped3A_171, %run_scoped3A_172, %dma_start3A_185] : memref<2x1x128xi32, #tpu.memory_space<vmem>> -> memref<1x1x128xi32, #tpu.memory_space<vmem>>
        %dma_start3A_187 = tpu.memref_squeeze %dma_start3A_186 : memref<1x1x128xi32, #tpu.memory_space<vmem>> -> memref<128xi32, #tpu.memory_space<vmem>>
        %dma_start3A_188 = arith.constant 0 : i32
        %dma_start3A_189 = arith.constant 0 : i32
        %dma_start3A_190 = tpu.memref_slice %arg9[%dma_start3A_188, %dma_start3A_189] : memref<10240x128xf32, #tpu.memory_space<vmem_shared>> -> memref<10240x128xf32, #tpu.memory_space<vmem_shared>>
        tpu.enqueue_indirect_dma source(%dma_start3A_184 : memref<128x128xf32, #tpu.memory_space<vmem>>) target(%dma_start3A_190 : memref<10240x128xf32, #tpu.memory_space<vmem_shared>>) offsets(%dma_start3A_187 : memref<128xi32, #tpu.memory_space<vmem>>) semaphore(%run_scoped3A_180 : memref<!tpu.dma_semaphore, #tpu.memory_space<semaphore_mem>>) {add = true}
        %dma_wait3A_191 = arith.constant 0 : i32
        %dma_wait3A_192 = arith.constant 0 : i32
        %dma_wait3A_193 = tpu.memref_slice %arg8[%run_scoped3A_170, %dma_wait3A_191, %dma_wait3A_192] : memref<2x128x128xf32, #tpu.memory_space<vmem>> -> memref<1x128x128xf32, #tpu.memory_space<vmem>>
        %dma_wait3A_194 = tpu.memref_squeeze %dma_wait3A_193 : memref<1x128x128xf32, #tpu.memory_space<vmem>> -> memref<128x128xf32, #tpu.memory_space<vmem>>
        %dma_wait3A_195 = arith.constant 0 : i32
        %dma_wait3A_196 = tpu.memref_slice %arg7[%run_scoped3A_171, %run_scoped3A_172, %dma_wait3A_195] : memref<2x1x128xi32, #tpu.memory_space<vmem>> -> memref<1x1x128xi32, #tpu.memory_space<vmem>>
        %dma_wait3A_197 = tpu.memref_squeeze %dma_wait3A_196 : memref<1x1x128xi32, #tpu.memory_space<vmem>> -> memref<128xi32, #tpu.memory_space<vmem>>
        %dma_wait3A_198 = arith.constant 0 : i32
        %dma_wait3A_199 = arith.constant 0 : i32
        %dma_wait3A_200 = tpu.memref_slice %arg9[%dma_wait3A_198, %dma_wait3A_199] : memref<10240x128xf32, #tpu.memory_space<vmem_shared>> -> memref<10240x128xf32, #tpu.memory_space<vmem_shared>>
        tpu.wait_indirect_dma semaphore(%run_scoped3A_180 : memref<!tpu.dma_semaphore, #tpu.memory_space<semaphore_mem>>) src(%dma_wait3A_194 : memref<128x128xf32, #tpu.memory_space<vmem>>) dst(%dma_wait3A_200 : memref<10240x128xf32, #tpu.memory_space<vmem_shared>>)
        tpu.yield
      }) : () -> ()
      %add3A_173 = arith.constant 2 : i32
      %add3A_174 = arith.addi %add3A_134, %add3A_173 : i32
      %lt3A_175 = arith.constant 80 : i32
      %lt3A_176 = arith.cmpi slt, %add3A_174, %lt3A_175 : i32
      %convert_element_type3A_177 = arith.extui %lt3A_176 : i1 to i32
      %cond3A_178 = arith.constant 0 : i32
      %cond3A_179 = arith.cmpi ne, %convert_element_type3A_177, %cond3A_178 : i32
      scf.if %cond3A_179 {
        %add3A_180 = arith.constant 2 : i32
        %add3A_181 = arith.addi %add3A_134, %add3A_180 : i32
        %dma_start3A_182 = arith.constant 1 : i32
        %dma_start3A_183 = arith.constant 1 : i32
        %dma_start3A_184 = arith.constant 0 : i32
        %dma_start3A_185 = arith.constant 0 : i32
        %dma_start3A_186 = tpu.memref_slice %arg7[%dma_start3A_182, %dma_start3A_184, %dma_start3A_185] : memref<2x1x128xi32, #tpu.memory_space<vmem>> -> memref<1x1x128xi32, #tpu.memory_space<vmem>>
        %dma_start3A_187 = tpu.memref_squeeze %dma_start3A_186 : memref<1x1x128xi32, #tpu.memory_space<vmem>> -> memref<1x128xi32, #tpu.memory_space<vmem>>
        %dma_start3A_188 = arith.constant 0 : i32
        %dma_start3A_189 = arith.constant 0 : i32
        %dma_start3A_190 = tpu.memref_slice %arg4[%arg0, %arg1, %add3A_181, %dma_start3A_188, %dma_start3A_189] : memref<2x16x80x1x128xi32, #tpu.memory_space<hbm>> -> memref<1x1x1x1x128xi32, #tpu.memory_space<hbm>>
        %dma_start3A_191 = tpu.memref_squeeze %dma_start3A_190 : memref<1x1x1x1x128xi32, #tpu.memory_space<hbm>> -> memref<1x128xi32, #tpu.memory_space<hbm>>
        %dma_start3A_192 = tpu.memref_slice %arg11[%dma_start3A_183] : memref<2x!tpu.dma_semaphore, #tpu.memory_space<semaphore_mem>> -> memref<1x!tpu.dma_semaphore, #tpu.memory_space<semaphore_mem>>
        %dma_start3A_193 = tpu.memref_squeeze %dma_start3A_192 : memref<1x!tpu.dma_semaphore, #tpu.memory_space<semaphore_mem>> -> memref<!tpu.dma_semaphore, #tpu.memory_space<semaphore_mem>>
        %dma_start3A_194 = arith.constant 0 : i32
        %dma_start3A_195 = arith.constant 0 : i32
        %dma_start3A_196 = tpu.memref_slice %arg7[%dma_start3A_182, %dma_start3A_194, %dma_start3A_195] : memref<2x1x128xi32, #tpu.memory_space<vmem>> -> memref<1x1x128xi32, #tpu.memory_space<vmem>>
        %dma_start3A_197 = tpu.memref_squeeze %dma_start3A_196 : memref<1x1x128xi32, #tpu.memory_space<vmem>> -> memref<1x128xi32, #tpu.memory_space<vmem>>
        %dma_start3A_198 = arith.constant 0 : i32
        %dma_start3A_199 = arith.constant 0 : i32
        %dma_start3A_200 = tpu.memref_slice %arg4[%arg0, %arg1, %add3A_181, %dma_start3A_198, %dma_start3A_199] : memref<2x16x80x1x128xi32, #tpu.memory_space<hbm>> -> memref<1x1x1x1x128xi32, #tpu.memory_space<hbm>>
        %dma_start3A_201 = tpu.memref_squeeze %dma_start3A_200 : memref<1x1x1x1x128xi32, #tpu.memory_space<hbm>> -> memref<1x128xi32, #tpu.memory_space<hbm>>
        tpu.enqueue_dma source(%dma_start3A_201 : memref<1x128xi32, #tpu.memory_space<hbm>>) target(%dma_start3A_197 : memref<1x128xi32, #tpu.memory_space<vmem>>) target_semaphore(%dma_start3A_193 : memref<!tpu.dma_semaphore, #tpu.memory_space<semaphore_mem>>)
        %add3A_202 = arith.constant 2 : i32
        %add3A_203 = arith.addi %add3A_134, %add3A_202 : i32
        %dma_start3A_204 = arith.constant 0 : i32
        %dma_start3A_205 = arith.constant 1 : i32
        %dma_start3A_206 = arith.constant 1 : i32
        %dma_start3A_207 = arith.constant 0 : i32
        %dma_start3A_208 = arith.constant 0 : i32
        %dma_start3A_209 = tpu.memref_slice %arg8[%dma_start3A_205, %dma_start3A_207, %dma_start3A_208] : memref<2x128x128xf32, #tpu.memory_space<vmem>> -> memref<1x128x128xf32, #tpu.memory_space<vmem>>
        %dma_start3A_210 = tpu.memref_squeeze %dma_start3A_209 : memref<1x128x128xf32, #tpu.memory_space<vmem>> -> memref<128x128xf32, #tpu.memory_space<vmem>>
        %dma_start3A_211 = arith.constant 0 : i32
        %dma_start3A_212 = tpu.memref_slice %arg6[%add3A_203, %dma_start3A_204, %dma_start3A_211] : memref<80x1x128xi32, #tpu.memory_space<vmem>> -> memref<1x1x128xi32, #tpu.memory_space<vmem>>
        %dma_start3A_213 = tpu.memref_squeeze %dma_start3A_212 : memref<1x1x128xi32, #tpu.memory_space<vmem>> -> memref<128xi32, #tpu.memory_space<vmem>>
        %dma_start3A_214 = arith.constant 0 : i32
        %dma_start3A_215 = arith.constant 0 : i32
        %dma_start3A_216 = tpu.memref_slice %arg2[%dma_start3A_214, %dma_start3A_215] : memref<10240x128xf32, #tpu.memory_space<hbm>> -> memref<10240x128xf32, #tpu.memory_space<hbm>>
        %dma_start3A_217 = tpu.memref_slice %arg10[%dma_start3A_206] : memref<2x!tpu.dma_semaphore, #tpu.memory_space<semaphore_mem>> -> memref<1x!tpu.dma_semaphore, #tpu.memory_space<semaphore_mem>>
        %dma_start3A_218 = tpu.memref_squeeze %dma_start3A_217 : memref<1x!tpu.dma_semaphore, #tpu.memory_space<semaphore_mem>> -> memref<!tpu.dma_semaphore, #tpu.memory_space<semaphore_mem>>
        tpu.enqueue_indirect_dma source(%dma_start3A_216 : memref<10240x128xf32, #tpu.memory_space<hbm>>) target(%dma_start3A_210 : memref<128x128xf32, #tpu.memory_space<vmem>>) offsets(%dma_start3A_213 : memref<128xi32, #tpu.memory_space<vmem>>) semaphore(%dma_start3A_218 : memref<!tpu.dma_semaphore, #tpu.memory_space<semaphore_mem>>)
      } else {
      }
    }
    %scan3A_85 = arith.constant 40 : i32
    %barrier3A_86 = arith.constant 0 : index
    tpu.barrier barrier_id(%barrier3A_86)
    "tpu.region"() ({
      %run_scoped3A = tpu.sem_alloc : memref<!tpu.dma_semaphore, #tpu.memory_space<semaphore_mem>>
      %dma_start3A_87 = arith.constant 0 : i32
      %dma_start3A_88 = tpu.memref_slice %arg5[%arg0, %mul3A_0, %dma_start3A_87] : memref<2x10240x128xf32, #tpu.memory_space<hbm>> -> memref<1x640x128xf32, #tpu.memory_space<hbm>>
      %dma_start3A_89 = tpu.memref_squeeze %dma_start3A_88 : memref<1x640x128xf32, #tpu.memory_space<hbm>> -> memref<640x128xf32, #tpu.memory_space<hbm>>
      %dma_start3A_90 = arith.constant 0 : i32
      %dma_start3A_91 = tpu.memref_slice %arg9[%mul3A_0, %dma_start3A_90] : memref<10240x128xf32, #tpu.memory_space<vmem_shared>> -> memref<640x128xf32, #tpu.memory_space<vmem_shared>>
      tpu.enqueue_dma source(%dma_start3A_91 : memref<640x128xf32, #tpu.memory_space<vmem_shared>>) target(%dma_start3A_89 : memref<640x128xf32, #tpu.memory_space<hbm>>) target_semaphore(%run_scoped3A : memref<!tpu.dma_semaphore, #tpu.memory_space<semaphore_mem>>)
      %dma_wait3A = arith.constant 0 : i32
      %dma_wait3A_92 = tpu.memref_slice %arg5[%arg0, %mul3A_0, %dma_wait3A] : memref<2x10240x128xf32, #tpu.memory_space<hbm>> -> memref<1x640x128xf32, #tpu.memory_space<hbm>>
      %dma_wait3A_93 = tpu.memref_squeeze %dma_wait3A_92 : memref<1x640x128xf32, #tpu.memory_space<hbm>> -> memref<640x128xf32, #tpu.memory_space<hbm>>
      %dma_wait3A_94 = arith.constant 0 : i32
      %dma_wait3A_95 = tpu.memref_slice %arg9[%mul3A_0, %dma_wait3A_94] : memref<10240x128xf32, #tpu.memory_space<vmem_shared>> -> memref<640x128xf32, #tpu.memory_space<vmem_shared>>
      tpu.wait_dma2 semaphore(%run_scoped3A : memref<!tpu.dma_semaphore, #tpu.memory_space<semaphore_mem>>) src(%dma_wait3A_95 : memref<640x128xf32, #tpu.memory_space<vmem_shared>>) dst(%dma_wait3A_93 : memref<640x128xf32, #tpu.memory_space<hbm>>)
      tpu.yield
    }) : () -> ()
    return
  }
}

module attributes {stable_mosaic.version = 14 : i64} {
  func.func @_prep_body(%arg0: i32, %arg1: memref<1024x128xf32, #tpu.memory_space<vmem>>, %arg2: memref<128x128xf32, #tpu.memory_space<vmem>>, %arg3: memref<1024x2xf32, #tpu.memory_space<vmem>>, %arg4: memref<1024x128xf32, #tpu.memory_space<vmem>>) attributes {dimension_semantics = [#tpu.dimension_semantics<arbitrary>], iteration_bounds = array<i64: 10>, scalar_prefetch = 0 : i64, scratch_operands = 0 : i64, tpu.core_type = #tpu.core_type<tc>, window_params = [{transform_indices = @transform_0, window_bounds = array<i64: 1024, 128>}, {pipeline_mode = #tpu.pipeline_mode<synchronous>, transform_indices = @transform_1, window_bounds = array<i64: 128, 128>}, {transform_indices = @transform_2, window_bounds = array<i64: 1024, 2>}, {transform_indices = @transform_3, window_bounds = array<i64: 1024, 128>}]} {
    %get3A = arith.constant 0 : index
    %get3A_0 = arith.constant 0 : index
    %get3A_1 = vector.load %arg3[%get3A, %get3A_0] : memref<1024x2xf32, #tpu.memory_space<vmem>>, vector<1024x2xf32>
    %slice3A = vector.extract_strided_slice %get3A_1 {offsets = [0, 0], sizes = [1024, 1], strides = [1, 1]} : vector<1024x2xf32> to vector<1024x1xf32>
    %slice3A_2 = vector.extract_strided_slice %get3A_1 {offsets = [0, 1], sizes = [1024, 1], strides = [1, 1]} : vector<1024x2xf32> to vector<1024x1xf32>
    %add3A = arith.addf %slice3A, %slice3A_2 : vector<1024x1xf32>
    %add3A_3 = arith.constant 1.000000e+00 : f32
    %add3A_4 = vector.broadcast %add3A_3 : f32 to vector<1024x1xf32>
    %add3A_5 = arith.addf %add3A, %add3A_4 : vector<1024x1xf32>
    %rsqrt3A = math.rsqrt %add3A_5 : vector<1024x1xf32>
    %get3A_6 = arith.constant 0 : index
    %get3A_7 = arith.constant 0 : index
    %get3A_8 = vector.load %arg1[%get3A_6, %get3A_7] : memref<1024x128xf32, #tpu.memory_space<vmem>>, vector<1024x128xf32>
    %get3A_9 = arith.constant 0 : index
    %get3A_10 = arith.constant 0 : index
    %get3A_11 = vector.load %arg2[%get3A_9, %get3A_10] : memref<128x128xf32, #tpu.memory_space<vmem>>, vector<128x128xf32>
    %dot_general3A = arith.constant dense<0.000000e+00> : vector<1024x128xf32>
    %dot_general3A_12 = tpu.matmul %get3A_8, %get3A_11, %dot_general3A {dimension_numbers = #tpu.dot_dimension_numbers<[1], [0], [0], [1], [0, 0, 1, 1], [], []>, transpose_lhs_hint = false} : vector<1024x128xf32>, vector<128x128xf32>, vector<1024x128xf32> -> vector<1024x128xf32>
    %mul3A = vector.broadcast %rsqrt3A : vector<1024x1xf32> to vector<1024x128xf32>
    %mul3A_13 = arith.mulf %mul3A, %dot_general3A_12 : vector<1024x128xf32>
    %swap3A = arith.constant 0 : index
    %swap3A_14 = arith.constant 0 : index
    %swap3A_15 = vector.load %arg4[%swap3A, %swap3A_14] : memref<1024x128xf32, #tpu.memory_space<vmem>>, vector<1024x128xf32>
    tpu.vector_store %arg4[%swap3A, %swap3A_14], %mul3A_13 {strides = array<i32>} : memref<1024x128xf32, #tpu.memory_space<vmem>>, vector<1024x128xf32>,
    return
  }
  func.func @transform_0(%arg0: i32) -> (i32, i32) {
    %c0_i32 = arith.constant 0 : i32
    %c0_i32_0 = arith.constant 0 : i32
    return %arg0, %c0_i32 : i32, i32
  }
  func.func @transform_1(%arg0: i32) -> (i32, i32) {
    %c0_i32 = arith.constant 0 : i32
    %c0_i32_0 = arith.constant 0 : i32
    %c0_i32_1 = arith.constant 0 : i32
    return %c0_i32, %c0_i32_0 : i32, i32
  }
  func.func @transform_2(%arg0: i32) -> (i32, i32) {
    %c0_i32 = arith.constant 0 : i32
    %c0_i32_0 = arith.constant 0 : i32
    return %arg0, %c0_i32 : i32, i32
  }
  func.func @transform_3(%arg0: i32) -> (i32, i32) {
    %c0_i32 = arith.constant 0 : i32
    %c0_i32_0 = arith.constant 0 : i32
    return %arg0, %c0_i32 : i32, i32
  }
}

module attributes {stable_mosaic.version = 14 : i64} {
  func.func @_mid_body(%arg0: i32, %arg1: memref<2x1024x128xf32, #tpu.memory_space<vmem>>, %arg2: memref<1024x2xf32, #tpu.memory_space<vmem>>, %arg3: memref<1x128xf32, #tpu.memory_space<vmem>>, %arg4: memref<128x128xf32, #tpu.memory_space<vmem>>, %arg5: memref<1024x128xf32, #tpu.memory_space<vmem>>) attributes {dimension_semantics = [#tpu.dimension_semantics<arbitrary>], iteration_bounds = array<i64: 10>, scalar_prefetch = 0 : i64, scratch_operands = 0 : i64, tpu.core_type = #tpu.core_type<tc>, window_params = [{transform_indices = @transform_0, window_bounds = array<i64: 2, 1024, 128>}, {transform_indices = @transform_1, window_bounds = array<i64: 1024, 2>}, {pipeline_mode = #tpu.pipeline_mode<synchronous>, transform_indices = @transform_2, window_bounds = array<i64: 1, 128>}, {pipeline_mode = #tpu.pipeline_mode<synchronous>, transform_indices = @transform_3, window_bounds = array<i64: 128, 128>}, {transform_indices = @transform_4, window_bounds = array<i64: 1024, 128>}]} {
    %get3A = arith.constant 0 : index
    %get3A_0 = arith.constant 0 : index
    %get3A_1 = vector.load %arg2[%get3A, %get3A_0] : memref<1024x2xf32, #tpu.memory_space<vmem>>, vector<1024x2xf32>
    %slice3A = vector.extract_strided_slice %get3A_1 {offsets = [0, 0], sizes = [1024, 1], strides = [1, 1]} : vector<1024x2xf32> to vector<1024x1xf32>
    %slice3A_2 = vector.extract_strided_slice %get3A_1 {offsets = [0, 1], sizes = [1024, 1], strides = [1, 1]} : vector<1024x2xf32> to vector<1024x1xf32>
    %add3A = arith.addf %slice3A, %slice3A_2 : vector<1024x1xf32>
    %add3A_3 = arith.constant 1.000000e+00 : f32
    %add3A_4 = vector.broadcast %add3A_3 : f32 to vector<1024x1xf32>
    %add3A_5 = arith.addf %add3A, %add3A_4 : vector<1024x1xf32>
    %rsqrt3A = math.rsqrt %add3A_5 : vector<1024x1xf32>
    %get3A_6 = arith.constant 0 : index
    %get3A_7 = arith.constant 0 : index
    %get3A_8 = arith.constant 0 : index
    %get3A_9 = vector.load %arg1[%get3A_6, %get3A_7, %get3A_8] : memref<2x1024x128xf32, #tpu.memory_space<vmem>>, vector<1x1024x128xf32>
    %get3A_10 = vector.shape_cast %get3A_9 : vector<1x1024x128xf32> to vector<1024x128xf32>
    %get3A_11 = arith.constant 1 : index
    %get3A_12 = arith.constant 0 : index
    %get3A_13 = arith.constant 0 : index
    %get3A_14 = vector.load %arg1[%get3A_11, %get3A_12, %get3A_13] : memref<2x1024x128xf32, #tpu.memory_space<vmem>>, vector<1x1024x128xf32>
    %get3A_15 = vector.shape_cast %get3A_14 : vector<1x1024x128xf32> to vector<1024x128xf32>
    %add3A_16 = arith.addf %get3A_10, %get3A_15 : vector<1024x128xf32>
    %mul3A = vector.broadcast %rsqrt3A : vector<1024x1xf32> to vector<1024x128xf32>
    %mul3A_17 = arith.mulf %mul3A, %add3A_16 : vector<1024x128xf32>
    %get3A_18 = arith.constant 0 : index
    %get3A_19 = arith.constant 0 : index
    %get3A_20 = vector.load %arg3[%get3A_18, %get3A_19] : memref<1x128xf32, #tpu.memory_space<vmem>>, vector<1x128xf32>
    %add3A_21 = vector.broadcast %get3A_20 : vector<1x128xf32> to vector<1024x128xf32>
    %add3A_22 = arith.addf %mul3A_17, %add3A_21 : vector<1024x128xf32>
    %mul3A_23 = arith.constant 5.000000e-01 : f32
    %mul3A_24 = vector.broadcast %mul3A_23 : f32 to vector<1024x128xf32>
    %mul3A_25 = arith.mulf %mul3A_24, %add3A_22 : vector<1024x128xf32>
    %div3A = arith.constant 1.41421354 : f32
    %div3A_26 = vector.broadcast %div3A : f32 to vector<1024x128xf32>
    %div3A_27 = arith.divf %add3A_22, %div3A_26 : vector<1024x128xf32>
    %erf3A = math.erf %div3A_27 : vector<1024x128xf32>
    %add3A_28 = arith.constant 1.000000e+00 : f32
    %add3A_29 = vector.broadcast %add3A_28 : f32 to vector<1024x128xf32>
    %add3A_30 = arith.addf %add3A_29, %erf3A : vector<1024x128xf32>
    %mul3A_31 = arith.mulf %mul3A_25, %add3A_30 : vector<1024x128xf32>
    %get3A_32 = arith.constant 0 : index
    %get3A_33 = arith.constant 0 : index
    %get3A_34 = vector.load %arg4[%get3A_32, %get3A_33] : memref<128x128xf32, #tpu.memory_space<vmem>>, vector<128x128xf32>
    %dot_general3A = arith.constant dense<0.000000e+00> : vector<1024x128xf32>
    %dot_general3A_35 = tpu.matmul %mul3A_31, %get3A_34, %dot_general3A {dimension_numbers = #tpu.dot_dimension_numbers<[1], [0], [0], [1], [0, 0, 1, 1], [], []>, transpose_lhs_hint = false} : vector<1024x128xf32>, vector<128x128xf32>, vector<1024x128xf32> -> vector<1024x128xf32>
    %mul3A_36 = vector.broadcast %rsqrt3A : vector<1024x1xf32> to vector<1024x128xf32>
    %mul3A_37 = arith.mulf %mul3A_36, %dot_general3A_35 : vector<1024x128xf32>
    %swap3A = arith.constant 0 : index
    %swap3A_38 = arith.constant 0 : index
    %swap3A_39 = vector.load %arg5[%swap3A, %swap3A_38] : memref<1024x128xf32, #tpu.memory_space<vmem>>, vector<1024x128xf32>
    tpu.vector_store %arg5[%swap3A, %swap3A_38], %mul3A_37 {strides = array<i32>} : memref<1024x128xf32, #tpu.memory_space<vmem>>, vector<1024x128xf32>,
    return
  }
  func.func @transform_0(%arg0: i32) -> (i32, i32, i32) {
    %c0_i32 = arith.constant 0 : i32
    %c0_i32_0 = arith.constant 0 : i32
    %c0_i32_1 = arith.constant 0 : i32
    return %c0_i32, %arg0, %c0_i32_0 : i32, i32, i32
  }
  func.func @transform_1(%arg0: i32) -> (i32, i32) {
    %c0_i32 = arith.constant 0 : i32
    %c0_i32_0 = arith.constant 0 : i32
    return %arg0, %c0_i32 : i32, i32
  }
  func.func @transform_2(%arg0: i32) -> (i32, i32) {
    %c0_i32 = arith.constant 0 : i32
    %c0_i32_0 = arith.constant 0 : i32
    %c0_i32_1 = arith.constant 0 : i32
    return %c0_i32, %c0_i32_0 : i32, i32
  }
  func.func @transform_3(%arg0: i32) -> (i32, i32) {
    %c0_i32 = arith.constant 0 : i32
    %c0_i32_0 = arith.constant 0 : i32
    %c0_i32_1 = arith.constant 0 : i32
    return %c0_i32, %c0_i32_0 : i32, i32
  }
  func.func @transform_4(%arg0: i32) -> (i32, i32) {
    %c0_i32 = arith.constant 0 : i32
    %c0_i32_0 = arith.constant 0 : i32
    return %arg0, %c0_i32 : i32, i32
  }
}

module attributes {stable_mosaic.version = 14 : i64} {
  func.func @_final_body(%arg0: i32, %arg1: memref<2x1024x128xf32, #tpu.memory_space<vmem>>, %arg2: memref<1024x2xf32, #tpu.memory_space<vmem>>, %arg3: memref<1x128xf32, #tpu.memory_space<vmem>>, %arg4: memref<1x1x1024xi32, #tpu.memory_space<vmem>>, %arg5: memref<128x64xf32, #tpu.memory_space<vmem>>, %arg6: memref<1x64xf32, #tpu.memory_space<vmem>>, %arg7: memref<64x1xf32, #tpu.memory_space<vmem>>, %arg8: memref<1x1xf32, #tpu.memory_space<vmem>>, %arg9: memref<32x1xf32, #tpu.memory_space<vmem>>, %arg10: memref<32x128xf32, #tpu.memory_space<vmem>>, %arg11: memref<32x1xf32, #tpu.memory_space<vmem>>) attributes {dimension_semantics = [#tpu.dimension_semantics<arbitrary>], iteration_bounds = array<i64: 10>, scalar_prefetch = 0 : i64, scratch_operands = 2 : i64, tpu.core_type = #tpu.core_type<tc>, window_params = [{transform_indices = @transform_0, window_bounds = array<i64: 2, 1024, 128>}, {transform_indices = @transform_1, window_bounds = array<i64: 1024, 2>}, {pipeline_mode = #tpu.pipeline_mode<synchronous>, transform_indices = @transform_2, window_bounds = array<i64: 1, 128>}, {transform_indices = @transform_3, window_bounds = array<i64: 1, 1, 1024>}, {pipeline_mode = #tpu.pipeline_mode<synchronous>, transform_indices = @transform_4, window_bounds = array<i64: 128, 64>}, {pipeline_mode = #tpu.pipeline_mode<synchronous>, transform_indices = @transform_5, window_bounds = array<i64: 1, 64>}, {pipeline_mode = #tpu.pipeline_mode<synchronous>, transform_indices = @transform_6, window_bounds = array<i64: 64, 1>}, {pipeline_mode = #tpu.pipeline_mode<synchronous>, transform_indices = @transform_7, window_bounds = array<i64: 1, 1>}, {pipeline_mode = #tpu.pipeline_mode<synchronous>, transform_indices = @transform_8, window_bounds = array<i64: 32, 1>}]} {
    %get3A = arith.constant 0 : index
    %get3A_0 = arith.constant 0 : index
    %get3A_1 = vector.load %arg2[%get3A, %get3A_0] : memref<1024x2xf32, #tpu.memory_space<vmem>>, vector<1024x2xf32>
    %slice3A = vector.extract_strided_slice %get3A_1 {offsets = [0, 0], sizes = [1024, 1], strides = [1, 1]} : vector<1024x2xf32> to vector<1024x1xf32>
    %slice3A_2 = vector.extract_strided_slice %get3A_1 {offsets = [0, 1], sizes = [1024, 1], strides = [1, 1]} : vector<1024x2xf32> to vector<1024x1xf32>
    %add3A = arith.addf %slice3A, %slice3A_2 : vector<1024x1xf32>
    %add3A_3 = arith.constant 1.000000e+00 : f32
    %add3A_4 = vector.broadcast %add3A_3 : f32 to vector<1024x1xf32>
    %add3A_5 = arith.addf %add3A, %add3A_4 : vector<1024x1xf32>
    %rsqrt3A = math.rsqrt %add3A_5 : vector<1024x1xf32>
    %get3A_6 = arith.constant 0 : index
    %get3A_7 = arith.constant 0 : index
    %get3A_8 = arith.constant 0 : index
    %get3A_9 = vector.load %arg1[%get3A_6, %get3A_7, %get3A_8] : memref<2x1024x128xf32, #tpu.memory_space<vmem>>, vector<1x1024x128xf32>
    %get3A_10 = vector.shape_cast %get3A_9 : vector<1x1024x128xf32> to vector<1024x128xf32>
    %get3A_11 = arith.constant 1 : index
    %get3A_12 = arith.constant 0 : index
    %get3A_13 = arith.constant 0 : index
    %get3A_14 = vector.load %arg1[%get3A_11, %get3A_12, %get3A_13] : memref<2x1024x128xf32, #tpu.memory_space<vmem>>, vector<1x1024x128xf32>
    %get3A_15 = vector.shape_cast %get3A_14 : vector<1x1024x128xf32> to vector<1024x128xf32>
    %add3A_16 = arith.addf %get3A_10, %get3A_15 : vector<1024x128xf32>
    %mul3A = vector.broadcast %rsqrt3A : vector<1024x1xf32> to vector<1024x128xf32>
    %mul3A_17 = arith.mulf %mul3A, %add3A_16 : vector<1024x128xf32>
    %get3A_18 = arith.constant 0 : index
    %get3A_19 = arith.constant 0 : index
    %get3A_20 = vector.load %arg3[%get3A_18, %get3A_19] : memref<1x128xf32, #tpu.memory_space<vmem>>, vector<1x128xf32>
    %add3A_21 = vector.broadcast %get3A_20 : vector<1x128xf32> to vector<1024x128xf32>
    %add3A_22 = arith.addf %mul3A_17, %add3A_21 : vector<1024x128xf32>
    %mul3A_23 = arith.constant 5.000000e-01 : f32
    %mul3A_24 = vector.broadcast %mul3A_23 : f32 to vector<1024x128xf32>
    %mul3A_25 = arith.mulf %mul3A_24, %add3A_22 : vector<1024x128xf32>
    %div3A = arith.constant 1.41421354 : f32
    %div3A_26 = vector.broadcast %div3A : f32 to vector<1024x128xf32>
    %div3A_27 = arith.divf %add3A_22, %div3A_26 : vector<1024x128xf32>
    %erf3A = math.erf %div3A_27 : vector<1024x128xf32>
    %add3A_28 = arith.constant 1.000000e+00 : f32
    %add3A_29 = vector.broadcast %add3A_28 : f32 to vector<1024x128xf32>
    %add3A_30 = arith.addf %add3A_29, %erf3A : vector<1024x128xf32>
    %mul3A_31 = arith.mulf %mul3A_25, %add3A_30 : vector<1024x128xf32>
    %get3A_32 = arith.constant 0 : index
    %get3A_33 = arith.constant 0 : index
    %get3A_34 = arith.constant 0 : index
    %get3A_35 = vector.load %arg4[%get3A_32, %get3A_33, %get3A_34] : memref<1x1x1024xi32, #tpu.memory_space<vmem>>, vector<1x1x1024xi32>
    %get3A_36 = vector.shape_cast %get3A_35 : vector<1x1x1024xi32> to vector<1x1024xi32>
    %iota3A = tpu.iota {dimensions = array<i32: 0>} : vector<32x1024xi32>
    %eq3A = vector.broadcast %get3A_36 : vector<1x1024xi32> to vector<32x1024xi32>
    %eq3A_37 = arith.cmpi eq, %eq3A, %iota3A : vector<32x1024xi32>
    %convert_element_type3A = arith.extui %eq3A_37 : vector<32x1024xi1> to vector<32x1024xi32>
    %convert_element_type3A_38 = arith.sitofp %convert_element_type3A : vector<32x1024xi32> to vector<32x1024xf32>
    %eq3A_39 = arith.constant 0 : i32
    %eq3A_40 = arith.cmpi eq, %arg0, %eq3A_39 : i32
    %convert_element_type3A_41 = arith.extui %eq3A_40 : i1 to i32
    %cond3A = arith.constant 0 : i32
    %cond3A_42 = arith.cmpi ne, %convert_element_type3A_41, %cond3A : i32
    scf.if %cond3A_42 {
      %broadcast_in_dim3A_63 = arith.constant 0.000000e+00 : f32
      %broadcast_in_dim3A_64 = vector.broadcast %broadcast_in_dim3A_63 : f32 to vector<32x128xf32>
      %swap3A_65 = arith.constant 0 : index
      %swap3A_66 = arith.constant 0 : index
      %swap3A_67 = vector.load %arg10[%swap3A_65, %swap3A_66] : memref<32x128xf32, #tpu.memory_space<vmem>>, vector<32x128xf32>
      tpu.vector_store %arg10[%swap3A_65, %swap3A_66], %broadcast_in_dim3A_64 {strides = array<i32>} : memref<32x128xf32, #tpu.memory_space<vmem>>, vector<32x128xf32>,
      %broadcast_in_dim3A_68 = arith.constant 0.000000e+00 : f32
      %broadcast_in_dim3A_69 = vector.broadcast %broadcast_in_dim3A_68 : f32 to vector<32x1xf32>
      %swap3A_70 = arith.constant 0 : index
      %swap3A_71 = arith.constant 0 : index
      %swap3A_72 = vector.load %arg11[%swap3A_70, %swap3A_71] : memref<32x1xf32, #tpu.memory_space<vmem>>, vector<32x1xf32>
      tpu.vector_store %arg11[%swap3A_70, %swap3A_71], %broadcast_in_dim3A_69 {strides = array<i32>} : memref<32x1xf32, #tpu.memory_space<vmem>>, vector<32x1xf32>,
    } else {
    }
    %get3A_43 = arith.constant 0 : index
    %get3A_44 = arith.constant 0 : index
    %get3A_45 = vector.load %arg10[%get3A_43, %get3A_44] : memref<32x128xf32, #tpu.memory_space<vmem>>, vector<32x128xf32>
    %dot_general3A = arith.constant dense<0.000000e+00> : vector<32x128xf32>
    %dot_general3A_46 = tpu.matmul %convert_element_type3A_38, %mul3A_31, %dot_general3A {dimension_numbers = #tpu.dot_dimension_numbers<[1], [0], [0], [1], [0, 0, 1, 1], [], []>, transpose_lhs_hint = false} : vector<32x1024xf32>, vector<1024x128xf32>, vector<32x128xf32> -> vector<32x128xf32>
    %add3A_47 = arith.addf %get3A_45, %dot_general3A_46 : vector<32x128xf32>
    %swap3A = arith.constant 0 : index
    %swap3A_48 = arith.constant 0 : index
    %swap3A_49 = vector.load %arg10[%swap3A, %swap3A_48] : memref<32x128xf32, #tpu.memory_space<vmem>>, vector<32x128xf32>
    tpu.vector_store %arg10[%swap3A, %swap3A_48], %add3A_47 {strides = array<i32>} : memref<32x128xf32, #tpu.memory_space<vmem>>, vector<32x128xf32>,
    %get3A_50 = arith.constant 0 : index
    %get3A_51 = arith.constant 0 : index
    %get3A_52 = vector.load %arg11[%get3A_50, %get3A_51] : memref<32x1xf32, #tpu.memory_space<vmem>>, vector<32x1xf32>
    %reduce_sum3A = arith.constant dense<0.000000e+00> : vector<32xf32>
    %reduce_sum3A_53 = vector.multi_reduction <add>, %convert_element_type3A_38, %reduce_sum3A [1] : vector<32x1024xf32> to vector<32xf32>
    %broadcast_in_dim3A = vector.shape_cast %reduce_sum3A_53 : vector<32xf32> to vector<32x1xf32>
    %add3A_54 = arith.addf %get3A_52, %broadcast_in_dim3A : vector<32x1xf32>
    %swap3A_55 = arith.constant 0 : index
    %swap3A_56 = arith.constant 0 : index
    %swap3A_57 = vector.load %arg11[%swap3A_55, %swap3A_56] : memref<32x1xf32, #tpu.memory_space<vmem>>, vector<32x1xf32>
    tpu.vector_store %arg11[%swap3A_55, %swap3A_56], %add3A_54 {strides = array<i32>} : memref<32x1xf32, #tpu.memory_space<vmem>>, vector<32x1xf32>,
    %eq3A_58 = arith.constant 9 : i32
    %eq3A_59 = arith.cmpi eq, %arg0, %eq3A_58 : i32
    %convert_element_type3A_60 = arith.extui %eq3A_59 : i1 to i32
    %cond3A_61 = arith.constant 0 : i32
    %cond3A_62 = arith.cmpi ne, %convert_element_type3A_60, %cond3A_61 : i32
    scf.if %cond3A_62 {
      %get3A_63 = arith.constant 0 : index
      %get3A_64 = arith.constant 0 : index
      %get3A_65 = vector.load %arg10[%get3A_63, %get3A_64] : memref<32x128xf32, #tpu.memory_space<vmem>>, vector<32x128xf32>
      %get3A_66 = arith.constant 0 : index
      %get3A_67 = arith.constant 0 : index
      %get3A_68 = vector.load %arg11[%get3A_66, %get3A_67] : memref<32x1xf32, #tpu.memory_space<vmem>>, vector<32x1xf32>
      %max3A = arith.constant 1.000000e+00 : f32
      %max3A_69 = vector.broadcast %max3A : f32 to vector<32x1xf32>
      %max3A_70 = arith.maximumf %get3A_68, %max3A_69 : vector<32x1xf32>
      %div3A_71 = vector.broadcast %max3A_70 : vector<32x1xf32> to vector<32x128xf32>
      %div3A_72 = arith.divf %get3A_65, %div3A_71 : vector<32x128xf32>
      %get3A_73 = arith.constant 0 : index
      %get3A_74 = arith.constant 0 : index
      %get3A_75 = vector.load %arg5[%get3A_73, %get3A_74] : memref<128x64xf32, #tpu.memory_space<vmem>>, vector<128x64xf32>
      %dot_general3A_76 = arith.constant dense<0.000000e+00> : vector<32x64xf32>
      %dot_general3A_77 = tpu.matmul %div3A_72, %get3A_75, %dot_general3A_76 {dimension_numbers = #tpu.dot_dimension_numbers<[1], [0], [0], [1], [0, 0, 1, 1], [], []>, transpose_lhs_hint = false} : vector<32x128xf32>, vector<128x64xf32>, vector<32x64xf32> -> vector<32x64xf32>
      %get3A_78 = arith.constant 0 : index
      %get3A_79 = arith.constant 0 : index
      %get3A_80 = vector.load %arg6[%get3A_78, %get3A_79] : memref<1x64xf32, #tpu.memory_space<vmem>>, vector<1x64xf32>
      %add3A_81 = vector.broadcast %get3A_80 : vector<1x64xf32> to vector<32x64xf32>
      %add3A_82 = arith.addf %dot_general3A_77, %add3A_81 : vector<32x64xf32>
      %gt3A = arith.constant 0.000000e+00 : f32
      %gt3A_83 = vector.broadcast %gt3A : f32 to vector<32x64xf32>
      %gt3A_84 = arith.cmpf ogt, %add3A_82, %gt3A_83 : vector<32x64xf32>
      %min3A = arith.constant 0.000000e+00 : f32
      %min3A_85 = vector.broadcast %min3A : f32 to vector<32x64xf32>
      %min3A_86 = arith.minimumf %add3A_82, %min3A_85 : vector<32x64xf32>
      %mul3A_87 = arith.constant 1.98412701E-4 : f32
      %mul3A_88 = vector.broadcast %mul3A_87 : f32 to vector<32x64xf32>
      %mul3A_89 = arith.mulf %min3A_86, %mul3A_88 : vector<32x64xf32>
      %add3A_90 = arith.constant 0.00138888892 : f32
      %add3A_91 = vector.broadcast %add3A_90 : f32 to vector<32x64xf32>
      %add3A_92 = arith.addf %add3A_91, %mul3A_89 : vector<32x64xf32>
      %mul3A_93 = arith.mulf %min3A_86, %add3A_92 : vector<32x64xf32>
      %add3A_94 = arith.constant 0.00833333377 : f32
      %add3A_95 = vector.broadcast %add3A_94 : f32 to vector<32x64xf32>
      %add3A_96 = arith.addf %add3A_95, %mul3A_93 : vector<32x64xf32>
      %mul3A_97 = arith.mulf %min3A_86, %add3A_96 : vector<32x64xf32>
      %add3A_98 = arith.constant 0.0416666679 : f32
      %add3A_99 = vector.broadcast %add3A_98 : f32 to vector<32x64xf32>
      %add3A_100 = arith.addf %add3A_99, %mul3A_97 : vector<32x64xf32>
      %mul3A_101 = arith.mulf %min3A_86, %add3A_100 : vector<32x64xf32>
      %add3A_102 = arith.constant 0.166666672 : f32
      %add3A_103 = vector.broadcast %add3A_102 : f32 to vector<32x64xf32>
      %add3A_104 = arith.addf %add3A_103, %mul3A_101 : vector<32x64xf32>
      %mul3A_105 = arith.mulf %min3A_86, %add3A_104 : vector<32x64xf32>
      %add3A_106 = arith.constant 5.000000e-01 : f32
      %add3A_107 = vector.broadcast %add3A_106 : f32 to vector<32x64xf32>
      %add3A_108 = arith.addf %add3A_107, %mul3A_105 : vector<32x64xf32>
      %mul3A_109 = arith.mulf %min3A_86, %add3A_108 : vector<32x64xf32>
      %add3A_110 = arith.constant 1.000000e+00 : f32
      %add3A_111 = vector.broadcast %add3A_110 : f32 to vector<32x64xf32>
      %add3A_112 = arith.addf %add3A_111, %mul3A_109 : vector<32x64xf32>
      %mul3A_113 = arith.mulf %min3A_86, %add3A_112 : vector<32x64xf32>
      %gt3A_114 = arith.constant -5.000000e-01 : f32
      %gt3A_115 = vector.broadcast %gt3A_114 : f32 to vector<32x64xf32>
      %gt3A_116 = arith.cmpf ogt, %min3A_86, %gt3A_115 : vector<32x64xf32>
      %min3A_117 = arith.constant 0.000000e+00 : f32
      %min3A_118 = vector.broadcast %min3A_117 : f32 to vector<32x64xf32>
      %min3A_119 = arith.minimumf %min3A_86, %min3A_118 : vector<32x64xf32>
      %exp3A = math.exp %min3A_119 : vector<32x64xf32>
      %sub3A = arith.constant 1.000000e+00 : f32
      %sub3A_120 = vector.broadcast %sub3A : f32 to vector<32x64xf32>
      %sub3A_121 = arith.subf %exp3A, %sub3A_120 : vector<32x64xf32>
      %select_n3A = arith.select %gt3A_116, %mul3A_113, %sub3A_121 : vector<32x64xi1>, vector<32x64xf32>
      %select_n3A_122 = arith.select %gt3A_84, %add3A_82, %select_n3A : vector<32x64xi1>, vector<32x64xf32>
      %get3A_123 = arith.constant 0 : index
      %get3A_124 = arith.constant 0 : index
      %get3A_125 = vector.load %arg7[%get3A_123, %get3A_124] : memref<64x1xf32, #tpu.memory_space<vmem>>, vector<64x1xf32>
      %dot_general3A_126 = arith.constant dense<0.000000e+00> : vector<32x1xf32>
      %dot_general3A_127 = tpu.matmul %select_n3A_122, %get3A_125, %dot_general3A_126 {dimension_numbers = #tpu.dot_dimension_numbers<[1], [0], [0], [1], [0, 0, 1, 1], [], []>, transpose_lhs_hint = false} : vector<32x64xf32>, vector<64x1xf32>, vector<32x1xf32> -> vector<32x1xf32>
      %get3A_128 = arith.constant 0 : index
      %get3A_129 = arith.constant 0 : index
      %get3A_130 = vector.load %arg8[%get3A_128, %get3A_129] : memref<1x1xf32, #tpu.memory_space<vmem>>, vector<1x1xf32>
      %add3A_131 = vector.broadcast %get3A_130 : vector<1x1xf32> to vector<32x1xf32>
      %add3A_132 = arith.addf %dot_general3A_127, %add3A_131 : vector<32x1xf32>
      %swap3A_133 = arith.constant 0 : index
      %swap3A_134 = arith.constant 0 : index
      %swap3A_135 = vector.load %arg9[%swap3A_133, %swap3A_134] : memref<32x1xf32, #tpu.memory_space<vmem>>, vector<32x1xf32>
      tpu.vector_store %arg9[%swap3A_133, %swap3A_134], %add3A_132 {strides = array<i32>} : memref<32x1xf32, #tpu.memory_space<vmem>>, vector<32x1xf32>,
    } else {
    }
    return
  }
  func.func @transform_0(%arg0: i32) -> (i32, i32, i32) {
    %c0_i32 = arith.constant 0 : i32
    %c0_i32_0 = arith.constant 0 : i32
    %c0_i32_1 = arith.constant 0 : i32
    return %c0_i32, %arg0, %c0_i32_0 : i32, i32, i32
  }
  func.func @transform_1(%arg0: i32) -> (i32, i32) {
    %c0_i32 = arith.constant 0 : i32
    %c0_i32_0 = arith.constant 0 : i32
    return %arg0, %c0_i32 : i32, i32
  }
  func.func @transform_2(%arg0: i32) -> (i32, i32) {
    %c0_i32 = arith.constant 0 : i32
    %c0_i32_0 = arith.constant 0 : i32
    %c0_i32_1 = arith.constant 0 : i32
    return %c0_i32, %c0_i32_0 : i32, i32
  }
  func.func @transform_3(%arg0: i32) -> (i32, i32, i32) {
    %c0_i32 = arith.constant 0 : i32
    %c0_i32_0 = arith.constant 0 : i32
    %c0_i32_1 = arith.constant 0 : i32
    return %arg0, %c0_i32, %c0_i32_0 : i32, i32, i32
  }
  func.func @transform_4(%arg0: i32) -> (i32, i32) {
    %c0_i32 = arith.constant 0 : i32
    %c0_i32_0 = arith.constant 0 : i32
    %c0_i32_1 = arith.constant 0 : i32
    return %c0_i32, %c0_i32_0 : i32, i32
  }
  func.func @transform_5(%arg0: i32) -> (i32, i32) {
    %c0_i32 = arith.constant 0 : i32
    %c0_i32_0 = arith.constant 0 : i32
    %c0_i32_1 = arith.constant 0 : i32
    return %c0_i32, %c0_i32_0 : i32, i32
  }
  func.func @transform_6(%arg0: i32) -> (i32, i32) {
    %c0_i32 = arith.constant 0 : i32
    %c0_i32_0 = arith.constant 0 : i32
    %c0_i32_1 = arith.constant 0 : i32
    return %c0_i32, %c0_i32_0 : i32, i32
  }
  func.func @transform_7(%arg0: i32) -> (i32, i32) {
    %c0_i32 = arith.constant 0 : i32
    %c0_i32_0 = arith.constant 0 : i32
    %c0_i32_1 = arith.constant 0 : i32
    return %c0_i32, %c0_i32_0 : i32, i32
  }
  func.func @transform_8(%arg0: i32) -> (i32, i32) {
    %c0_i32 = arith.constant 0 : i32
    %c0_i32_0 = arith.constant 0 : i32
    %c0_i32_1 = arith.constant 0 : i32
    return %c0_i32, %c0_i32_0 : i32, i32
  }
}

</mosaic_0001>

<sc_bundles>
// kernel: kernel.10.cloned.1.call-start
scs
__scs_entry_jumppad:
0x0: {  	(pc) =	sbr.rel $0x88, $3  }
0x1: {  	(tag) =	ssettag $0x0;
	lr =	simm.s32 $0x1  }
0x2: {  	[smem:$0x3F94] =	sst lr;
	_ =	strace $0xD0000000  }
0x3: {  	_ = 	snop  }
0x4: {  	_ = 	snop  }
0x5: {  	_ = 	snop  }
0x6: {  	_ = 	snop  }
0x7: {  	_ = 	snop  }
__scs_overlays_trampoline_lowered:
0x8: {  	[smem:$0x3FA3] =	sst s0  }
0x9: {  	[smem:$0x3FA4] =	sst s1  }
0xa: {  	[smem:$0x3FA5] =	sst s2  }
0xb: {  	[smem:$0x3FA6] =	sst s3  }
0xc: {  	[smem:$0x3FA7] =	sst s4  }
0xd: {  	[smem:$0x3FA8] =	sst s5  }
0xe: {  	[smem:$0x3FA9] =	sst s6  }
0xf: {  	[smem:$0x3FAA] =	sst s7  }
0x10: {  	[smem:$0x3FAB] =	sst s8  }
0x11: {  	[smem:$0x3FAC] =	sst s9;
	s0 =	simm.s32 @!p0 $0x0  }
0x12: {  	s1 =	sld [smem:$0x3F92];
	s0 =	simm.s32 @p0 $0x1  }
0x13: {  	[smem:$0x3FAD] =	sst s0;
	s0 =	simm.s32 @!p1 $0x0  }
0x14: {  	s2 =	sld [smem:$0x3F91];
	s0 =	simm.s32 @p1 $0x1  }
0x15: {  	[smem:$0x3FAE] =	sst s0;
	s0 =	simm.s32 @!p2 $0x0  }
0x16: {  	s3 =	sld [smem:$0x3FDB];
	s0 =	simm.s32 @p2 $0x1  }
0x17: {  	s4 =	simm.s32 $0x1BF5;
	[smem:$0x3FB0] =	sst s0  }
0x18: {  	s0 =	sld [smem:$0x3F93];
	_ =	swait.ge [sflag:s4], $0x0  }
0x19: {  	s7 =	sld [smem:$0x3F94]  }
0x1a: {  	s8 =	sadd.s32 $0xFFFFE003, lr  }
0x1b: {  	s9 =	sadd.s32 $0xFFFFFEF7, lr;
	s5 =	simm.s32 $0xFFFFFFFF;
	p2 =	slt.u32 s8, $0xFFFFF086  }
0x1c: {  	p1 =	slt.u32 s9, $0xF7A;
	s5 =	simm.s32 @!p2 $0x0  }
0x1d: {  	s5 =	simm.s32 @p1 $0x1;
	p0 =	seq.s32 s7, s2  }
0x1e: {  	s7 =	smul.u32 @!p0 $0xF7A, s2;
	p2 =	seq.s32 @!p0 s5, $0x0  }
0x1f: {  	s9 =	smul.u32 $0xF7A, s1;
	s8 =	simm.s32 @!p0 $0x1BF5;
	p2 =	por !p2, p0  }
0x20: {  	[sflag:s8] =	ssyncset.s32 @!p0 $0xFFFFF086;
	s6 =	sadd.s32 @!p0 s3, s7;
	s7 =	simm.s32 @!p0 $0x108  }
0x21: {  	s3 =	sadd.s32 s3, s9;
	s6 =	sadd.s32 @!p0 $0x88, s6;
	s7 =	simm.s32 @p2 $0x1082  }
0x22: {  	[simem:s7], [sflag:s8] =	dma.local @!p0 [hbm:s6], $0xF7A  }
0x23: {  	s9 =	sor.u32 $0xD0000000, s2;
	s6 =	simm.s32 $0x108;
	_ =	swait.ge @!p0 [sflag:s8], $0x0  }
0x24: {  	s3 =	sadd.s32 $0x88, s3;
	s6 =	simm.s32 @!p1 $0x1082;
	[sflag:s4] =	ssyncset.s32 $0xFFFFF086  }
0x25: {  	[simem:s6], [sflag:s4] =	dma.local [hbm:s3], $0xF7A  }
0x26: {  	[smem:$0x3F94] =	sst s1;
	(tag) =	ssettag s2;
	_ =	strace s9  }
0x27: {  	s1 =	sld [smem:$0x3FA4]  }
0x28: {  	s2 =	sld [smem:$0x3FA5]  }
0x29: {  	s4 =	sld [smem:$0x3FA7]  }
0x2a: {  	p0 =	seq.s32 s5, $0x0;
	s5 =	sld [smem:$0x3FA8]  }
0x2b: {  	s6 =	sld [smem:$0x3FA9]  }
0x2c: {  	s7 =	sld [smem:$0x3FAA]  }
0x2d: {  	s3 =	simm.s32 $0x108;
	s8 =	sld [smem:$0x3FAB]  }
0x2e: {  	s3 =	simm.s32 @!p0 $0x1082;
	s9 =	sld [smem:$0x3FAC]  }
0x2f: {  	lr =	sadd.s32 s0, s3;
	s0 =	sld [smem:$0x3FA3]  }
0x30: {  	s3 =	sld [smem:$0x3FA6]  }
0x31: {  	[smem:$0x3FAF] =	sst s10  }
0x32: {  	s10 =	sld [smem:$0x3FAD];
	_ =	sdelay $0x3  }
0x33: {  	p0 =	seq.s32 s10, $0x1;
	s10 =	sld [smem:$0x3FAF];
	_ =	sdelay $0x3  }
0x34: {  	[smem:$0x3FAF] =	sst s10  }
0x35: {  	s10 =	sld [smem:$0x3FAE];
	_ =	sdelay $0x3  }
0x36: {  	p1 =	seq.s32 s10, $0x1;
	s10 =	sld [smem:$0x3FAF];
	_ =	sdelay $0x3  }
0x37: {  	[smem:$0x3FAF] =	sst s10  }
0x38: {  	s10 =	sld [smem:$0x3FB0]  }
0x39: {  	_ = 	snop;
	(pc) =	sbr.ind lr, $3  }
0x3a: {  	_ = 	snop  }
0x3b: {  	_ = 	snop  }
0x3c: {  	p2 =	seq.s32 s10, $0x1;
	s10 =	sld [smem:$0x3FAF]  }
0x3d: {  	_ =	shalt  }
0x3e: {  	_ =	shalt  }
0x3f: {  	_ =	shalt  }
0x40: {  	_ =	shalt  }
0x41: {  	_ =	shalt  }
0x42: {  	_ =	shalt  }
0x43: {  	_ =	shalt  }
0x44: {  	_ =	shalt  }
0x45: {  	_ =	shalt  }
0x46: {  	_ =	shalt  }
0x47: {  	_ =	shalt  }
0x48: {  	_ =	shalt  }
0x49: {  	_ =	shalt  }
0x4a: {  	_ =	shalt  }
0x4b: {  	_ =	shalt  }
0x4c: {  	_ =	shalt  }
0x4d: {  	_ =	shalt  }
0x4e: {  	_ =	shalt  }
0x4f: {  	_ =	shalt  }
0x50: {  	_ =	shalt  }
0x51: {  	_ =	shalt  }
0x52: {  	_ =	shalt  }
0x53: {  	_ =	shalt  }
0x54: {  	_ =	shalt  }
0x55: {  	_ =	shalt  }
0x56: {  	_ =	shalt  }
0x57: {  	_ =	shalt  }
0x58: {  	_ =	shalt  }
0x59: {  	_ =	shalt  }
0x5a: {  	_ =	shalt  }
0x5b: {  	_ =	shalt  }
0x5c: {  	_ =	shalt  }
0x5d: {  	_ =	shalt  }
0x5e: {  	_ =	shalt  }
0x5f: {  	_ =	shalt  }
0x60: {  	_ =	shalt  }
0x61: {  	_ =	shalt  }
0x62: {  	_ =	shalt  }
0x63: {  	_ =	shalt  }
0x64: {  	_ =	shalt  }
0x65: {  	_ =	shalt  }
0x66: {  	_ =	shalt  }
0x67: {  	_ =	shalt  }
0x68: {  	_ =	shalt  }
0x69: {  	_ =	shalt  }
0x6a: {  	_ =	shalt  }
0x6b: {  	_ =	shalt  }
0x6c: {  	_ =	shalt  }
0x6d: {  	_ =	shalt  }
0x6e: {  	_ =	shalt  }
0x6f: {  	_ =	shalt  }
0x70: {  	_ =	shalt  }
0x71: {  	_ =	shalt  }
0x72: {  	_ =	shalt  }
0x73: {  	_ =	shalt  }
0x74: {  	_ =	shalt  }
0x75: {  	_ =	shalt  }
0x76: {  	_ =	shalt  }
0x77: {  	_ =	shalt  }
0x78: {  	_ =	shalt  }
0x79: {  	_ =	shalt  }
0x7a: {  	_ =	shalt  }
0x7b: {  	_ =	shalt  }
0x7c: {  	_ =	shalt  }
0x7d: {  	_ =	shalt  }
0x7e: {  	_ =	shalt  }
0x7f: {  	_ =	shalt  }
0x80: {  	_ =	shalt  }
0x81: {  	_ =	shalt  }
0x82: {  	_ =	shalt  }
0x83: {  	_ =	shalt  }
0x84: {  	_ =	shalt  }
0x85: {  	_ =	shalt  }
0x86: {  	_ =	shalt  }
0x87: {  	_ =	shalt  }
.Lfunc_end0:
.L_simem_size_0:
called_computation_lowered:
.L_overlay_start_0:
0x88: {  	s2 =	sld [smem:$0x3FD9]  }
0x89: {  	s3 =	sld [smem:$0x3FFE];
	_ =	sdelay $0x1  }
0x8a: {  	s1 =	srdreg.scid  }
0x8b: {  	s0 =	sand.u32 $0x1, s1  }
0x8c: {  	s16 =	sshll.u32 s0, $0xA;
	s2 =	sadd.s32 s3, s2  }
0x8d: {  	s2 =	sadd.s32 s2, s16  }
0x8e: {  	[smem:$0x3FBB] =	sst s2  }
0x8f: {  	_ = 	snop  }
0x90: {  	(tm) =	ssettm $0x1  }
0x91: {  	s17 =	sld [smem:$0x3FFB];
	_ =	sdelay $0x3  }
0x92: {  	_ =	strace s17  }
0x93: {  	s2 =	sld [smem:$0x3FFC];
	_ =	sdelay $0x3  }
0x94: {  	_ =	strace s2  }
0x95: {  	s2 =	sld [smem:$0x3FFD];
	_ =	sdelay $0x3  }
0x96: {  	_ =	strace s2  }
0x97: {  	_ =	strace $0x8FFFFFFF  }
0x98: {  	s18 =	sld [smem:$0x3FDB];
	_ =	sdelay $0x1  }
0x99: {  	s19 =	simm.s32 $_scs_section_size  }
0x9a: {  	s4 =	simm.s32 $_size__tile_overlayer_lowered;
	s5 =	simm.s32 $_tile_overlayer_lowered  }
0x9b: {  	s22 =	simm.s32 $0x1BFF;
	s21 =	sshll.u32 s5, $0x1;
	s2 =	sadd.s32 s19, s18  }
0x9c: {  	s6 =	simm.s32 $0x0;
	s20 =	sshll.u32 s4, $0x1;
	s4 =	sadd.s32 s21, s2  }
0x9d: {  	[timem:s6], [sflag:s22] =	dma.local [hbm:s4], s20  }
0x9e: {  	_ =	swait.ge [sflag:s22], s20  }
0x9f: {  	s3 =	ssub.s32 $0x0, s20;
	[sflag:s22] =	ssyncset.done $0x0  }
0xa0: {  	[sflag:s22] =	ssyncadd.s32 s3;
	_ =	sdelay $0x1  }
0xa1: {  	s23 =	simm.s32 $0x1B8B  }
0xa2: {  	_ =	swait.ge [sflag:s23], $0x1  }
0xa3: {  	[sflag:s23] =	ssyncset.done $0x0  }
0xa4: {  	s25 =	simm.s32 $0x1B8E;
	s24 =	sld [smem:$0x3FFE];
	[sflag:s23] =	ssyncadd.s32 $0xFFFFFFFF  }
0xa5: {  	s26 =	simm.s32 $execute0_lowered;
	[smem:$0x3FD2] =	sst s25  }
0xa6: {  	s4 =	sshll.u32 s26, $0x1;
	_ =	strace $0x80000046;
	[dreg:$0x1] =	wrdreg $0xFFFFFFFF  }
0xa7: {  	s28 =	simm.s32 $_size_execute0_lowered;
	s2 =	sadd.s32 s2, s4;
	[dreg:$0x0] =	wrdreg $0x0  }
0xa8: {  	s4 =	sshll.u32 s28, $0x1;
	[dreg:$0x2] =	wrdreg s2  }
0xa9: {  	[dreg:$0x3] =	wrdreg s4  }
0xaa: {  	[dreg:$0x4] =	wrdreg $0xC0  }
0xab: {  	_ =	task [dreg:s6], $0x5FFFF  }
0xac: {  	[dreg:$0x1] =	wrdreg $0xFFFFFFFF  }
0xad: {  	[dreg:$0x0] =	wrdreg $0x60  }
0xae: {  	[dreg:$0x2] =	wrdreg s24  }
0xaf: {  	[dreg:$0x3] =	wrdreg $0x2B000  }
0xb0: {  	[dreg:$0x4] =	wrdreg $0x9  }
0xb1: {  	_ =	task.clear_ibuf [dreg:s6], $0x5FFFF;
	_ =	strace $0x90000046  }
0xb2: {  	s29 =	simm.s32 $0x9;
	_ =	strace $0x80000048  }
0xb3: {  	_ =	swait.ge [sflag:s29], $0x1  }
0xb4: {  	[sflag:s29] =	ssyncadd.s32 $0xFFFFFFFF  }
0xb5: {  	_ =	strace $0x90000048  }
0xb6: {  	_ =	sfence  }
0xb7: {  	s30 =	sld [smem:$0x0];
	_ =	sdelay $0x2  }
0xb8: {  	s31 =	sshll.u32 s1, $0xD;
	s1 =	sshrl.u32 s1, $0x2  }
0xb9: {  	s3 =	sand.u32 $0x4000, s31;
	s1 =	sadd.s32 s1, s30  }
0xba: {  	s0 =	sor.u32 s3, s0;
	s1 =	sshll.u32 s1, $0x11  }
0xbb: {  	s0 =	sor.u32 s1, s0  }
0xbc: {  	s0 =	sadd.s32 $0x8F2B, s0  }
0xbd: {  	[sflag:s0] =	ssyncadd.remote.s32 $0x1  }
0xbe: {  	_ =	sfence.sel $0xFFFF  }
0xbf: {  	[dreg:$0x0] =	wrdreg $0xFFFFFFFF;
	(pc) =	sbr.abs _section_cstart, $3  }
0xc0: {  	[dreg:$0x1] =	wrdreg $0xFFFFFFFF  }
0xc1: {  	_ =	task.clear_ibuf [dreg:s6], $0x2FFFF;
	_ =	strace $0x9FFFFFFF  }
0xc2: {  	(tm) =	ssettm $0x7FFFFFFF  }
0xc3: {  	_ =	shalt  }
tec
execute0_lowered:
.L_overlay_start_1:
0x0: {  	(tag) =	ssettag $0x1  }
0x1: {  	s4 =	rddreg [dreg:$0x0];
	s0 =	srdreg.scid  }
0x2: {  	s2 =	rddreg [dreg:$0x1];
	s1 =	stileid.u32;
	s3 =	simm.s32 $0x0  }
0x3: {  	s10 =	simm.s32 $0x80;
	s11 =	simm.s32 $0x2800;
	s14 =	simm.s32 $0x20  }
0x4: {  	s15 =	simm.s32 $0x10;
	s16 =	simm.s32 $0x0;
	s7 =	smul.u32 $0x2800, s1  }
0x5: {  	s5 =	sand.u32 $0x1, s0;
	s0 =	rddreg [dreg:$0x2];
	s8 =	smul.u32 $0x500, s1  }
0x6: {  	[smem:$0x7FF] =	sst s3;
	s30 =	smul.u32 $0xA00, s1;
	s12 =	sshll.u32 s1, $0x6  }
0x7: {  	s6 =	smul.u32 $0x28000, s5;
	s29 =	sshll.u32 s5, $0x7;
	s5 =	ssub.s32 $0x2, s5  }
0x8: {  	_ =	strace $0x80000047;
	s12 =	sor.u32 $0x1C01, s12;
	s31 =	sshrl.u32 s5, $0x1  }
0x9: {  	s6 =	sadd.s32 s7, s6;
	s7 =	sor.u32 s29, s8;
	s8 =	sshrl.u32 s30, $0x2  }
0xa: {  	s9 =	ssub.s32 s5, s31;
	s6 =	sshrl.u32 s6, $0x3;
	s7 =	sshrl.u32 s7, $0x3  }
0xb: {  	s6 =	sadd.s32 s6, s4;
	s7 =	sadd.s32 s7, s4;
	s4 =	sadd.s32 s8, s2  }
0xc: {  	s8 =	simm.s32 $0x2880;
	s5 =	sadd.s32 $0x3000, s6;
	s6 =	sadd.s32 $0xD000, s7  }
0xd: {  	v0 =	vimm.f32 $0.0e+00;
	v1 =	vimm.f32 $1.000000000e+00;
	s7 =	smax.u32 s9, $0x1;
	s9 =	simm.s32 $0x1;
	s13 =	sshrl.u32 s4, $0x3  }
.LBB2_1:
0xe: {  	[tilespmem:$0x2880] =	vst v0  }
0xf: {  	[tilespmem:$0x2890] =	vst v0  }
0x10: {  	[tilespmem:$0x28A0] =	vst v0  }
0x11: {  	[tilespmem:$0x28B0] =	vst v0  }
0x12: {  	[tilespmem:$0x28C0] =	vst v0  }
0x13: {  	[tilespmem:$0x28D0] =	vst v0  }
0x14: {  	[tilespmem:$0x28E0] =	vst v0  }
0x15: {  	[tilespmem:$0x28F0] =	vst v0  }
0x16: {  	[tilespmem:$0x2900] =	vst v0  }
0x17: {  	[tilespmem:$0x2910] =	vst v0  }
0x18: {  	[tilespmem:$0x2920] =	vst v0  }
0x19: {  	[tilespmem:$0x2930] =	vst v0  }
0x1a: {  	[tilespmem:$0x2940] =	vst v0  }
0x1b: {  	[tilespmem:$0x2950] =	vst v0  }
0x1c: {  	[tilespmem:$0x2960] =	vst v0  }
0x1d: {  	[tilespmem:$0x2970] =	vst v0  }
0x1e: {  	[tilespmem:$0x2980] =	vst v0  }
0x1f: {  	[tilespmem:$0x2990] =	vst v0  }
0x20: {  	[tilespmem:$0x29A0] =	vst v0  }
0x21: {  	[tilespmem:$0x29B0] =	vst v0  }
0x22: {  	[tilespmem:$0x29C0] =	vst v0  }
0x23: {  	[tilespmem:$0x29D0] =	vst v0  }
0x24: {  	[tilespmem:$0x29E0] =	vst v0  }
0x25: {  	[tilespmem:$0x29F0] =	vst v0  }
0x26: {  	[tilespmem:$0x2A00] =	vst v0  }
0x27: {  	[tilespmem:$0x2A10] =	vst v0  }
0x28: {  	[tilespmem:$0x2A20] =	vst v0  }
0x29: {  	[tilespmem:$0x2A30] =	vst v0  }
0x2a: {  	[tilespmem:$0x2A40] =	vst v0  }
0x2b: {  	[tilespmem:$0x2A50] =	vst v0  }
0x2c: {  	[tilespmem:$0x2A60] =	vst v0  }
0x2d: {  	[tilespmem:$0x2A70] =	vst v0  }
0x2e: {  	[tilespmem:$0x2A80] =	vst v0  }
0x2f: {  	[tilespmem:$0x2A90] =	vst v0  }
0x30: {  	[tilespmem:$0x2AA0] =	vst v0  }
0x31: {  	[tilespmem:$0x2AB0] =	vst v0  }
0x32: {  	[tilespmem:$0x2AC0] =	vst v0  }
0x33: {  	[tilespmem:$0x2AD0] =	vst v0  }
0x34: {  	[tilespmem:$0x2AE0] =	vst v0  }
0x35: {  	[tilespmem:$0x2AF0] =	vst v0  }
0x36: {  	[tilespmem:$0x2800] =	vst v1  }
0x37: {  	[tilespmem:$0x2810] =	vst v1  }
0x38: {  	[tilespmem:$0x2820] =	vst v1  }
0x39: {  	[tilespmem:$0x2830] =	vst v1  }
0x3a: {  	[tilespmem:$0x2840] =	vst v1  }
0x3b: {  	[tilespmem:$0x2850] =	vst v1  }
0x3c: {  	[tilespmem:$0x2860] =	vst v1  }
0x3d: {  	[tilespmem:$0x2870] =	vst v1  }
0x3e: {  	[spmem:s4] =	stream.linear.scatter [tilespmem:s8], [sflag:$0x1], $0x280, $0x38;
	[tilespmem:$0x2D80] =	vst v63  }
0x3f: {  	_ =	swait.ge [sflag:s9], $0x280  }
0x40: {  	[sflag:s9] =	ssyncset.done $0x0  }
0x41: {  	[sflag:s9] =	ssyncadd.s32 $0xFFFFFD80  }
0x42: {  	[tilespmem:s3], [sflag:$0x1] =	stream.linear.gather [hbm4b:s5+s3], $0x2800, $0x38;
	[tilespmem:$0x2D80] =	vst v63  }
0x43: {  	_ =	swait.ge [sflag:s9], $0x2800  }
0x44: {  	[sflag:s9] =	ssyncset.done $0x0  }
0x45: {  	[sflag:s9] =	ssyncadd.s32 $0xFFFFD800  }
0x46: {  	s17 =	simm.s32 $0x0;
	[bflag:$0x0] =	sbarrier.arrive $0xFFFF  }
0x47: {  	[spmem:s2] =	stream.indirect.scatter.add.f32 [tilespmem:s11], [sflag:$0x1], $0x1, s17, s10, $0xb8;
	[tilespmem:$0x2D80] =	vst v63  }
0x48: {  	_ =	swait.ge [sflag:s9], $0x80  }
0x49: {  	s17 =	simm.s32 $0x200;
	[sflag:s9] =	ssyncset.done $0x0  }
.LBB2_2:
0x4a: {  	s18 =	sshra.s32 s17, $0x2;
	[sflag:s9] =	ssyncadd.s32 $0xFFFFFF80;
	p0 =	sne.s32 s17, $0x9E00  }
0x4b: {  	[spmem:s2] =	stream.indirect.scatter.add.f32 [tilespmem:s11], [sflag:$0x1], $0x1, s18, s10, $0xb8;
	[tilespmem:$0x2D80] =	vst v63  }
.Ltmp0:
0x4c: {  	_ = 	snop;
	(pc) =	sbr.rel @p0 .LBB2_2-.Ltmp0, $4  }
0x4d: {  	_ = 	snop  }
0x4e: {  	s17 =	sadd.s32 $0x200, s17  }
0x4f: {  	_ =	swait.ge [sflag:s9], $0x80  }
0x50: {  	[sflag:s9] =	ssyncset.done $0x0  }
0x51: {  	s16 =	sadd.s32 $0x1, s16  }
0x52: {  	[sflag:s9] =	ssyncadd.s32 $0xFFFFFF80;
	p0 =	sne.s32 s16, s7  }
.Ltmp1:
0x53: {  	[bflag:$0x0] =	sbarrier.arrive $0xFFFF;
	(pc) =	sbr.rel @p0 .LBB2_1-.Ltmp1, $4  }
0x54: {  	[hbm:s6@s14], [sflag:s12] =	dma.strided [spmem:s13@s15], $0x50, s9, $0x10   }
0x55: {  	_ =	swait.ge [sflag:s9], $0x50  }
0x56: {  	[sflag:s9] =	ssyncset.done $0x0  }
0x57: {  	[sflag:s9] =	ssyncadd.s32 $0xFFFFFFB0  }
0x58: {  	_ =	sfence.sel $0x180000  }
0x59: {  	[bflag:$0x0] =	sbarrier.arrive $0xFFFF  }
0x5a: {  	p0 =	sne.s32 s1, $0x0;
	_ =	strace $0x90000047  }
0x5b: {  	s0 =	sadd.s32 @!p0 $0x100000, s0;
	[bflag:$0x2] =	sbarrier.arrive $0xFFFF  }
0x5c: {  	[sflag:s0] =	ssyncadd.tile.s32 @!p0 $0x1;
	_ =	shalt  }
.Lfunc_end2:
_tile_overlayer_lowered:
.L_overlay_start_2:
0x5d: {  	(tag) =	ssettag $0x2  }
0x5e: {  	s0 =	rddreg [dreg:$0x0];
	s2 =	stileid.u32  }
0x5f: {  	s1 =	rddreg [dreg:$0x1];
	p0 =	sne.s32 s2, $0x0  }
0x60: {  	s3 =	rddreg [dreg:$0x2];
	[bflag:$0x3] =	sbarrier.arrive $0xFFFF;
	s2 =	simm.s32 @!p0 $0x1C01  }
0x61: {  	[timem:s3], [sflag:s2] =	dma.local @!p0 [hbm:s0], s1  }
0x62: {  	s0 =	simm.s32 @!p0 $0x1  }
0x63: {  	_ =	swait.ge @!p0 [sflag:s0], s1  }
0x64: {  	s1 =	ssub.s32 @!p0 $0x0, s1;
	[sflag:s0] =	ssyncset.done @!p0 $0x0  }
0x65: {  	[sflag:s0] =	ssyncadd.s32 @!p0 s1  }
0x66: {  	[bflag:$0x3] =	sbarrier.arrive $0xFFFF  }
0x67: {  	_ =	shalt  }

// kernel: kernel.13.cloned.1.call-start
scs
__scs_entry_jumppad:
0x0: {  	(pc) =	sbr.rel $0x88, $3  }
0x1: {  	(tag) =	ssettag $0x0;
	lr =	simm.s32 $0x1  }
0x2: {  	[smem:$0x3F94] =	sst lr;
	_ =	strace $0xD0000000  }
0x3: {  	_ = 	snop  }
0x4: {  	_ = 	snop  }
0x5: {  	_ = 	snop  }
0x6: {  	_ = 	snop  }
0x7: {  	_ = 	snop  }
__scs_overlays_trampoline_lowered:
0x8: {  	[smem:$0x3FA3] =	sst s0  }
0x9: {  	[smem:$0x3FA4] =	sst s1  }
0xa: {  	[smem:$0x3FA5] =	sst s2  }
0xb: {  	[smem:$0x3FA6] =	sst s3  }
0xc: {  	[smem:$0x3FA7] =	sst s4  }
0xd: {  	[smem:$0x3FA8] =	sst s5  }
0xe: {  	[smem:$0x3FA9] =	sst s6  }
0xf: {  	[smem:$0x3FAA] =	sst s7  }
0x10: {  	[smem:$0x3FAB] =	sst s8  }
0x11: {  	[smem:$0x3FAC] =	sst s9;
	s0 =	simm.s32 @!p0 $0x0  }
0x12: {  	s1 =	sld [smem:$0x3F92];
	s0 =	simm.s32 @p0 $0x1  }
0x13: {  	[smem:$0x3FAD] =	sst s0;
	s0 =	simm.s32 @!p1 $0x0  }
0x14: {  	s2 =	sld [smem:$0x3F91];
	s0 =	simm.s32 @p1 $0x1  }
0x15: {  	[smem:$0x3FAE] =	sst s0;
	s0 =	simm.s32 @!p2 $0x0  }
0x16: {  	s3 =	sld [smem:$0x3FDB];
	s0 =	simm.s32 @p2 $0x1  }
0x17: {  	s4 =	simm.s32 $0x1BF5;
	[smem:$0x3FB0] =	sst s0  }
0x18: {  	s0 =	sld [smem:$0x3F93];
	_ =	swait.ge [sflag:s4], $0x0  }
0x19: {  	s7 =	sld [smem:$0x3F94]  }
0x1a: {  	s8 =	sadd.s32 $0xFFFFE003, lr  }
0x1b: {  	s9 =	sadd.s32 $0xFFFFFEF7, lr;
	s5 =	simm.s32 $0xFFFFFFFF;
	p2 =	slt.u32 s8, $0xFFFFF086  }
0x1c: {  	p1 =	slt.u32 s9, $0xF7A;
	s5 =	simm.s32 @!p2 $0x0  }
0x1d: {  	s5 =	simm.s32 @p1 $0x1;
	p0 =	seq.s32 s7, s2  }
0x1e: {  	s7 =	smul.u32 @!p0 $0xF7A, s2;
	p2 =	seq.s32 @!p0 s5, $0x0  }
0x1f: {  	s9 =	smul.u32 $0xF7A, s1;
	s8 =	simm.s32 @!p0 $0x1BF5;
	p2 =	por !p2, p0  }
0x20: {  	[sflag:s8] =	ssyncset.s32 @!p0 $0xFFFFF086;
	s6 =	sadd.s32 @!p0 s3, s7;
	s7 =	simm.s32 @!p0 $0x108  }
0x21: {  	s3 =	sadd.s32 s3, s9;
	s6 =	sadd.s32 @!p0 $0x88, s6;
	s7 =	simm.s32 @p2 $0x1082  }
0x22: {  	[simem:s7], [sflag:s8] =	dma.local @!p0 [hbm:s6], $0xF7A  }
0x23: {  	s9 =	sor.u32 $0xD0000000, s2;
	s6 =	simm.s32 $0x108;
	_ =	swait.ge @!p0 [sflag:s8], $0x0  }
0x24: {  	s3 =	sadd.s32 $0x88, s3;
	s6 =	simm.s32 @!p1 $0x1082;
	[sflag:s4] =	ssyncset.s32 $0xFFFFF086  }
0x25: {  	[simem:s6], [sflag:s4] =	dma.local [hbm:s3], $0xF7A  }
0x26: {  	[smem:$0x3F94] =	sst s1;
	(tag) =	ssettag s2;
	_ =	strace s9  }
0x27: {  	s1 =	sld [smem:$0x3FA4]  }
0x28: {  	s2 =	sld [smem:$0x3FA5]  }
0x29: {  	s4 =	sld [smem:$0x3FA7]  }
0x2a: {  	p0 =	seq.s32 s5, $0x0;
	s5 =	sld [smem:$0x3FA8]  }
0x2b: {  	s6 =	sld [smem:$0x3FA9]  }
0x2c: {  	s7 =	sld [smem:$0x3FAA]  }
0x2d: {  	s3 =	simm.s32 $0x108;
	s8 =	sld [smem:$0x3FAB]  }
0x2e: {  	s3 =	simm.s32 @!p0 $0x1082;
	s9 =	sld [smem:$0x3FAC]  }
0x2f: {  	lr =	sadd.s32 s0, s3;
	s0 =	sld [smem:$0x3FA3]  }
0x30: {  	s3 =	sld [smem:$0x3FA6]  }
0x31: {  	[smem:$0x3FAF] =	sst s10  }
0x32: {  	s10 =	sld [smem:$0x3FAD];
	_ =	sdelay $0x3  }
0x33: {  	p0 =	seq.s32 s10, $0x1;
	s10 =	sld [smem:$0x3FAF];
	_ =	sdelay $0x3  }
0x34: {  	[smem:$0x3FAF] =	sst s10  }
0x35: {  	s10 =	sld [smem:$0x3FAE];
	_ =	sdelay $0x3  }
0x36: {  	p1 =	seq.s32 s10, $0x1;
	s10 =	sld [smem:$0x3FAF];
	_ =	sdelay $0x3  }
0x37: {  	[smem:$0x3FAF] =	sst s10  }
0x38: {  	s10 =	sld [smem:$0x3FB0]  }
0x39: {  	_ = 	snop;
	(pc) =	sbr.ind lr, $3  }
0x3a: {  	_ = 	snop  }
0x3b: {  	_ = 	snop  }
0x3c: {  	p2 =	seq.s32 s10, $0x1;
	s10 =	sld [smem:$0x3FAF]  }
0x3d: {  	_ =	shalt  }
0x3e: {  	_ =	shalt  }
0x3f: {  	_ =	shalt  }
0x40: {  	_ =	shalt  }
0x41: {  	_ =	shalt  }
0x42: {  	_ =	shalt  }
0x43: {  	_ =	shalt  }
0x44: {  	_ =	shalt  }
0x45: {  	_ =	shalt  }
0x46: {  	_ =	shalt  }
0x47: {  	_ =	shalt  }
0x48: {  	_ =	shalt  }
0x49: {  	_ =	shalt  }
0x4a: {  	_ =	shalt  }
0x4b: {  	_ =	shalt  }
0x4c: {  	_ =	shalt  }
0x4d: {  	_ =	shalt  }
0x4e: {  	_ =	shalt  }
0x4f: {  	_ =	shalt  }
0x50: {  	_ =	shalt  }
0x51: {  	_ =	shalt  }
0x52: {  	_ =	shalt  }
0x53: {  	_ =	shalt  }
0x54: {  	_ =	shalt  }
0x55: {  	_ =	shalt  }
0x56: {  	_ =	shalt  }
0x57: {  	_ =	shalt  }
0x58: {  	_ =	shalt  }
0x59: {  	_ =	shalt  }
0x5a: {  	_ =	shalt  }
0x5b: {  	_ =	shalt  }
0x5c: {  	_ =	shalt  }
0x5d: {  	_ =	shalt  }
0x5e: {  	_ =	shalt  }
0x5f: {  	_ =	shalt  }
0x60: {  	_ =	shalt  }
0x61: {  	_ =	shalt  }
0x62: {  	_ =	shalt  }
0x63: {  	_ =	shalt  }
0x64: {  	_ =	shalt  }
0x65: {  	_ =	shalt  }
0x66: {  	_ =	shalt  }
0x67: {  	_ =	shalt  }
0x68: {  	_ =	shalt  }
0x69: {  	_ =	shalt  }
0x6a: {  	_ =	shalt  }
0x6b: {  	_ =	shalt  }
0x6c: {  	_ =	shalt  }
0x6d: {  	_ =	shalt  }
0x6e: {  	_ =	shalt  }
0x6f: {  	_ =	shalt  }
0x70: {  	_ =	shalt  }
0x71: {  	_ =	shalt  }
0x72: {  	_ =	shalt  }
0x73: {  	_ =	shalt  }
0x74: {  	_ =	shalt  }
0x75: {  	_ =	shalt  }
0x76: {  	_ =	shalt  }
0x77: {  	_ =	shalt  }
0x78: {  	_ =	shalt  }
0x79: {  	_ =	shalt  }
0x7a: {  	_ =	shalt  }
0x7b: {  	_ =	shalt  }
0x7c: {  	_ =	shalt  }
0x7d: {  	_ =	shalt  }
0x7e: {  	_ =	shalt  }
0x7f: {  	_ =	shalt  }
0x80: {  	_ =	shalt  }
0x81: {  	_ =	shalt  }
0x82: {  	_ =	shalt  }
0x83: {  	_ =	shalt  }
0x84: {  	_ =	shalt  }
0x85: {  	_ =	shalt  }
0x86: {  	_ =	shalt  }
0x87: {  	_ =	shalt  }
.Lfunc_end0:
.L_simem_size_0:
called_computation.1_lowered:
.L_overlay_start_0:
0x88: {  	s2 =	sld [smem:$0x3FD9]  }
0x89: {  	s3 =	sld [smem:$0x3FFE];
	_ =	sdelay $0x1  }
0x8a: {  	s1 =	srdreg.scid  }
0x8b: {  	s0 =	sand.u32 $0x1, s1  }
0x8c: {  	s16 =	sshll.u32 s0, $0xA;
	s2 =	sadd.s32 s3, s2  }
0x8d: {  	s2 =	sadd.s32 s2, s16  }
0x8e: {  	[smem:$0x3FBB] =	sst s2  }
0x8f: {  	_ = 	snop  }
0x90: {  	(tm) =	ssettm $0x1  }
0x91: {  	s17 =	sld [smem:$0x3FFB];
	_ =	sdelay $0x3  }
0x92: {  	_ =	strace s17  }
0x93: {  	s2 =	sld [smem:$0x3FFC];
	_ =	sdelay $0x3  }
0x94: {  	_ =	strace s2  }
0x95: {  	s2 =	sld [smem:$0x3FFD];
	_ =	sdelay $0x3  }
0x96: {  	_ =	strace s2  }
0x97: {  	_ =	strace $0x8FFFFFFF  }
0x98: {  	s18 =	sld [smem:$0x3FDB];
	_ =	sdelay $0x1  }
0x99: {  	s19 =	simm.s32 $_scs_section_size  }
0x9a: {  	s4 =	simm.s32 $_size__tile_overlayer_lowered;
	s5 =	simm.s32 $_tile_overlayer_lowered  }
0x9b: {  	s22 =	simm.s32 $0x1BFF;
	s21 =	sshll.u32 s5, $0x1;
	s2 =	sadd.s32 s19, s18  }
0x9c: {  	s6 =	simm.s32 $0x0;
	s20 =	sshll.u32 s4, $0x1;
	s4 =	sadd.s32 s21, s2  }
0x9d: {  	[timem:s6], [sflag:s22] =	dma.local [hbm:s4], s20  }
0x9e: {  	_ =	swait.ge [sflag:s22], s20  }
0x9f: {  	s3 =	ssub.s32 $0x0, s20;
	[sflag:s22] =	ssyncset.done $0x0  }
0xa0: {  	[sflag:s22] =	ssyncadd.s32 s3;
	_ =	sdelay $0x1  }
0xa1: {  	s23 =	simm.s32 $0x1B8B  }
0xa2: {  	_ =	swait.ge [sflag:s23], $0x1  }
0xa3: {  	[sflag:s23] =	ssyncset.done $0x0  }
0xa4: {  	s25 =	simm.s32 $0x1B8E;
	s24 =	sld [smem:$0x3FFE];
	[sflag:s23] =	ssyncadd.s32 $0xFFFFFFFF  }
0xa5: {  	s26 =	simm.s32 $execute0_lowered;
	[smem:$0x3FD2] =	sst s25  }
0xa6: {  	s4 =	sshll.u32 s26, $0x1;
	_ =	strace $0x80000049;
	[dreg:$0x1] =	wrdreg $0xFFFFFFFF  }
0xa7: {  	s28 =	simm.s32 $_size_execute0_lowered;
	s2 =	sadd.s32 s2, s4;
	[dreg:$0x0] =	wrdreg $0x0  }
0xa8: {  	s4 =	sshll.u32 s28, $0x1;
	[dreg:$0x2] =	wrdreg s2  }
0xa9: {  	[dreg:$0x3] =	wrdreg s4  }
0xaa: {  	[dreg:$0x4] =	wrdreg $0xC0  }
0xab: {  	_ =	task [dreg:s6], $0x5FFFF  }
0xac: {  	[dreg:$0x1] =	wrdreg $0xFFFFFFFF  }
0xad: {  	[dreg:$0x0] =	wrdreg $0x60  }
0xae: {  	[dreg:$0x2] =	wrdreg s24  }
0xaf: {  	[dreg:$0x3] =	wrdreg $0xA9000  }
0xb0: {  	[dreg:$0x4] =	wrdreg $0x9  }
0xb1: {  	_ =	task.clear_ibuf [dreg:s6], $0x5FFFF;
	_ =	strace $0x90000049  }
0xb2: {  	s29 =	simm.s32 $0x9;
	_ =	strace $0x8000004B  }
0xb3: {  	_ =	swait.ge [sflag:s29], $0x1  }
0xb4: {  	[sflag:s29] =	ssyncadd.s32 $0xFFFFFFFF  }
0xb5: {  	_ =	strace $0x9000004B  }
0xb6: {  	_ =	sfence  }
0xb7: {  	s30 =	sld [smem:$0x0];
	_ =	sdelay $0x2  }
0xb8: {  	s31 =	sshll.u32 s1, $0xD;
	s1 =	sshrl.u32 s1, $0x2  }
0xb9: {  	s3 =	sand.u32 $0x4000, s31;
	s1 =	sadd.s32 s1, s30  }
0xba: {  	s0 =	sor.u32 s3, s0;
	s1 =	sshll.u32 s1, $0x11  }
0xbb: {  	s0 =	sor.u32 s1, s0  }
0xbc: {  	s0 =	sadd.s32 $0x8F2B, s0  }
0xbd: {  	[sflag:s0] =	ssyncadd.remote.s32 $0x1  }
0xbe: {  	_ =	sfence.sel $0xFFFF  }
0xbf: {  	[dreg:$0x0] =	wrdreg $0xFFFFFFFF;
	(pc) =	sbr.abs _section_cstart, $3  }
0xc0: {  	[dreg:$0x1] =	wrdreg $0xFFFFFFFF  }
0xc1: {  	_ =	task.clear_ibuf [dreg:s6], $0x2FFFF;
	_ =	strace $0x9FFFFFFF  }
0xc2: {  	(tm) =	ssettm $0x7FFFFFFF  }
0xc3: {  	_ =	shalt  }
tec
execute0_lowered:
.L_overlay_start_1:
0x0: {  	(tag) =	ssettag $0x1  }
0x1: {  	s1 =	rddreg [dreg:$0x0]  }
0x2: {  	s0 =	srdreg.scid;
	s2 =	rddreg [dreg:$0x1];
	s3 =	simm.s32 $0x0  }
0x3: {  	s19 =	simm.s32 $0x2900;
	s20 =	simm.s32 $0x2800;
	s21 =	simm.s32 $0x80  }
0x4: {  	s22 =	simm.s32 $0x2880;
	s23 =	simm.s32 $0x6900;
	s6 =	sand.u32 $0x1, s0  }
0x5: {  	s24 =	simm.s32 $0x1;
	s0 =	stileid.u32;
	s4 =	smul.u32 $0x28000, s6  }
0x6: {  	s28 =	simm.s32 $0x4;
	s29 =	simm.s32 $0x0;
	s7 =	smul.u32 $0x2800, s0  }
0x7: {  	[smem:$0x7FF] =	sst s3;
	s17 =	sadd.s32 $0x3000, s1;
	s5 =	smul.u32 $0x140000, s6  }
0x8: {  	s8 =	smul.u32 $0x14000, s0;
	_ =	strace $0x8000004A;
	s25 =	ssub.s32 $0x2, s6  }
0x9: {  	s12 =	smul.u32 $0x50000, s0;
	p0 =	seq.s32 s6, $0x1;
	s11 =	sshrl.u32 s25, $0x1  }
0xa: {  	s15 =	sadd.s32 s7, s4;
	s4 =	sadd.s32 $0x17A00, s1;
	s5 =	sadd.s32 s8, s5  }
0xb: {  	s11 =	ssub.s32 s25, s11;
	s26 =	sshrl.u32 s12, $0x2;
	s25 =	simm.s32 $0x3  }
0xc: {  	s9 =	sshrl.u32 s15, $0x3;
	s5 =	sshrl.u32 s5, $0x3;
	s6 =	sadd.s32 s26, s2  }
0xd: {  	s7 =	sadd.s32 s4, s7;
	s11 =	smax.u32 s11, $0x1;
	s30 =	sor.u32 $0x100, s15  }
0xe: {  	s18 =	sor.u32 $0x180, s15;
	s26 =	simm.s32 $0x2;
	s10 =	sadd.s32 s9, s1  }
0xf: {  	s1 =	sadd.s32 s5, s1;
	[dreg:$0x3] =	wrdreg s7;
	s8 =	sadd.s32 s17, s9  }
0x10: {  	s12 =	sadd.s32 $0x4000, s6;
	s13 =	sadd.s32 $0x8000, s6;
	s14 =	sadd.s32 $0xC000, s6  }
0x11: {  	s15 =	sadd.s32 $0x10000, s6;
	s31 =	sshrl.u32 s18, $0x3;
	s18 =	simm.s32 $0x5  }
0x12: {  	s5 =	sadd.s32 $0xDA00, s10;
	s10 =	sadd.s32 $0x3FA00, s1;
	s1 =	sshrl.u32 s30, $0x3  }
0x13: {  	v0 =	vimm.f32 $0.0e+00;
	s9 =	sadd.s32 $0x10, s8;
	s16 =	sadd.s32 s1, s17;
	s17 =	sadd.s32 s31, s17  }
.LBB2_1:
.Ltmp0:
0x14: {  	(pc) =	sbr.rel @!p0 .LBB2_2-.Ltmp0, $4  }
0x15: {  	[tilespmem:s3], [sflag:$0x5] =	stream.linear.gather [hbm4b:s5+s3], $0x2800, $0x38;
	[tilespmem:$0x1E900] =	vst v63  }
0x16: {  	_ =	swait.ge [sflag:s18], $0x2800  }
0x17: {  	[sflag:s18] =	ssyncset.done $0x0  }
0x18: {  	[sflag:s18] =	ssyncadd.s32 $0xFFFFD800  }
0x19: {  	s30 =	sshra.s32 s3, $0x2;
	s31 =	sadd.s32 $0x200, s3  }
.LBB2_4:
0x1a: {  	p1 =	sne.s32 s31, $0xFE00;
	[tilespmem:s30+$0x2970] =	vst v0  }
0x1b: {  	[tilespmem:s30+$0x2900] =	vst v0  }
0x1c: {  	[tilespmem:s30+$0x2910] =	vst v0  }
.Ltmp1:
0x1d: {  	[tilespmem:s30+$0x2920] =	vst v0;
	(pc) =	sbr.rel @p1 .LBB2_4-.Ltmp1, $4  }
0x1e: {  	[tilespmem:s30+$0x2930] =	vst v0  }
0x1f: {  	[tilespmem:s30+$0x2940] =	vst v0  }
0x20: {  	[tilespmem:s30+$0x2950] =	vst v0  }
0x21: {  	[tilespmem:s30+$0x2960] =	vst v0;
	s30 =	sshra.s32 s31, $0x2;
	s31 =	sadd.s32 $0x200, s31  }
0x22: {  	[tilespmem:s30+$0x2970] =	vst v0  }
0x23: {  	[tilespmem:s30+$0x2900] =	vst v0  }
0x24: {  	[tilespmem:s30+$0x2910] =	vst v0  }
0x25: {  	[tilespmem:s30+$0x2920] =	vst v0  }
0x26: {  	[tilespmem:s30+$0x2930] =	vst v0  }
0x27: {  	[tilespmem:s30+$0x2940] =	vst v0  }
0x28: {  	[tilespmem:s30+$0x2950] =	vst v0  }
0x29: {  	[tilespmem:s30+$0x2960] =	vst v0  }
0x2a: {  	[spmem:s6] =	stream.linear.scatter [tilespmem:s19], [sflag:$0x5], $0x4000, $0x38;
	[tilespmem:$0x1E900] =	vst v63  }
0x2b: {  	_ =	swait.ge [sflag:s18], $0x4000  }
0x2c: {  	[sflag:s18] =	ssyncset.done $0x0  }
0x2d: {  	[sflag:s18] =	ssyncadd.s32 $0xFFFFC000  }
0x2e: {  	[spmem:s12] =	stream.linear.scatter [tilespmem:s19], [sflag:$0x5], $0x4000, $0x38;
	[tilespmem:$0x1E900] =	vst v63  }
0x2f: {  	_ =	swait.ge [sflag:s18], $0x4000  }
0x30: {  	[sflag:s18] =	ssyncset.done $0x0  }
0x31: {  	[sflag:s18] =	ssyncadd.s32 $0xFFFFC000  }
0x32: {  	[spmem:s13] =	stream.linear.scatter [tilespmem:s19], [sflag:$0x5], $0x4000, $0x38;
	[tilespmem:$0x1E900] =	vst v63  }
0x33: {  	_ =	swait.ge [sflag:s18], $0x4000  }
0x34: {  	[sflag:s18] =	ssyncset.done $0x0  }
0x35: {  	[sflag:s18] =	ssyncadd.s32 $0xFFFFC000  }
0x36: {  	[spmem:s14] =	stream.linear.scatter [tilespmem:s19], [sflag:$0x5], $0x4000, $0x38;
	[tilespmem:$0x1E900] =	vst v63  }
0x37: {  	_ =	swait.ge [sflag:s18], $0x4000  }
0x38: {  	[sflag:s18] =	ssyncset.done $0x0  }
.Ltmp2:
0x39: {  	[sflag:s18] =	ssyncadd.s32 $0xFFFFC000;
	(pc) =	sbr.rel .LBB2_6-.Ltmp2, $4  }
0x3a: {  	[spmem:s15] =	stream.linear.scatter [tilespmem:s19], [sflag:$0x5], $0x4000, $0x38;
	[tilespmem:$0x1E900] =	vst v63  }
0x3b: {  	_ =	swait.ge [sflag:s18], $0x4000  }
0x3c: {  	[sflag:s18] =	ssyncset.done $0x0  }
0x3d: {  	[sflag:s18] =	ssyncadd.s32 $0xFFFFC000  }
.LBB2_2:
0x3e: {  	s1 =	sshll.u32 s0, $0x6  }
0x3f: {  	s30 =	sshrl.u32 s6, $0x3;
	s7 =	rddreg [dreg:$0x3];
	s1 =	sor.u32 $0x1C05, s1  }
0x40: {  	[spmem:s30], [sflag:s1] =	dma.local [hbm:s7], $0x2800  }
0x41: {  	_ =	swait.ge [sflag:s18], $0x2800  }
0x42: {  	[sflag:s18] =	ssyncset.done $0x0  }
0x43: {  	[sflag:s18] =	ssyncadd.s32 $0xFFFFD800  }
.LBB2_6:
0x44: {  	[bflag:$0x0] =	sbarrier.arrive $0xFFFF;
	s1 =	simm.s32 $0x0  }
0x45: {  	[tilespmem:s20], [sflag:$0x3] =	stream.linear.gather [hbm4b:s8+s1], $0x80, $0x38;
	[tilespmem:$0x1E900] =	vst v63  }
0x46: {  	_ = 	snop  }
0x47: {  	[tilespmem:s19], [sflag:$0x1] =	stream.indirect.gather [hbm4b:s4+s21], $0x80, s1, s21, $0xb8;
	[tilespmem:$0x1E900] =	vst v63  }
0x48: {  	_ = 	snop  }
0x49: {  	[tilespmem:s22], [sflag:$0x4] =	stream.linear.gather [hbm4b:s9+s1], $0x80, $0x38;
	[tilespmem:$0x1E900] =	vst v63  }
0x4a: {  	_ = 	snop  }
0x4b: {  	[tilespmem:s23], [sflag:$0x2] =	stream.indirect.gather [hbm4b:s4+s21], $0x80, s21, s21, $0xb8;
	[tilespmem:$0x1E900] =	vst v63  }
0x4c: {  	_ =	swait.ge [sflag:s24], $0x4000  }
0x4d: {  	[sflag:s24] =	ssyncset.done $0x0  }
0x4e: {  	[sflag:s24] =	ssyncadd.s32 $0xFFFFC000  }
0x4f: {  	_ =	swait.ge [sflag:s25], $0x80  }
0x50: {  	[sflag:s25] =	ssyncset.done $0x0  }
0x51: {  	[sflag:s25] =	ssyncadd.s32 $0xFFFFFF80  }
0x52: {  	[spmem:s2] =	stream.indirect.scatter.add.f32 [tilespmem:s19], [sflag:$0x5], $0x80, s20, s21, $0xb8;
	[tilespmem:$0x1E900] =	vst v63  }
0x53: {  	_ =	swait.ge [sflag:s18], $0x4000  }
0x54: {  	[sflag:s18] =	ssyncset.done $0x0  }
0x55: {  	s7 =	sadd.s32 $0x0, s16;
	[sflag:s18] =	ssyncadd.s32 $0xFFFFC000  }
0x56: {  	[tilespmem:s20], [sflag:$0x3] =	stream.linear.gather [hbm4b:s7+s3], $0x80, $0x38;
	[tilespmem:$0x1E900] =	vst v63  }
0x57: {  	s7 =	simm.s32 $0x100  }
0x58: {  	[tilespmem:s19], [sflag:$0x1] =	stream.indirect.gather [hbm4b:s4+s21], $0x80, s7, s21, $0xb8;
	[tilespmem:$0x1E900] =	vst v63  }
0x59: {  	_ =	swait.ge [sflag:s26], $0x4000  }
0x5a: {  	[sflag:s26] =	ssyncset.done $0x0  }
0x5b: {  	[sflag:s26] =	ssyncadd.s32 $0xFFFFC000  }
0x5c: {  	_ =	swait.ge [sflag:s28], $0x80  }
0x5d: {  	[sflag:s28] =	ssyncset.done $0x0  }
0x5e: {  	[sflag:s28] =	ssyncadd.s32 $0xFFFFFF80  }
0x5f: {  	[spmem:s2] =	stream.indirect.scatter.add.f32 [tilespmem:s23], [sflag:$0x5], $0x80, s22, s21, $0xb8;
	[tilespmem:$0x1E900] =	vst v63  }
0x60: {  	_ =	swait.ge [sflag:s18], $0x4000  }
0x61: {  	s30 =	simm.s32 $0x20;
	s31 =	simm.s32 $0x200;
	[sflag:s18] =	ssyncset.done $0x0  }
0x62: {  	s1 =	simm.s32 $0x180;
	s7 =	sadd.s32 $0x0, s17;
	[sflag:s18] =	ssyncadd.s32 $0xFFFFC000  }
0x63: {  	[tilespmem:s22], [sflag:$0x4] =	stream.linear.gather [hbm4b:s7+s3], $0x80, $0x38;
	[tilespmem:$0x1E900] =	vst v63  }
.LBB2_7:
0x64: {  	[tilespmem:s23], [sflag:$0x2] =	stream.indirect.gather [hbm4b:s4+s21], $0x80, s1, s21, $0xb8;
	[tilespmem:$0x1E900] =	vst v63  }
0x65: {  	s1 =	smov.u32 s30  }
0x66: {  	p1 =	sne.s32 s30, $0x4C0;
	s30 =	sadd.s32 $0x20, s30;
	_ =	swait.ge [sflag:s24], $0x4000  }
0x67: {  	[sflag:s24] =	ssyncset.done $0x0  }
0x68: {  	[sflag:s24] =	ssyncadd.s32 $0xFFFFC000  }
0x69: {  	_ =	swait.ge [sflag:s25], $0x80  }
0x6a: {  	[sflag:s25] =	ssyncset.done $0x0  }
0x6b: {  	[sflag:s25] =	ssyncadd.s32 $0xFFFFFF80  }
0x6c: {  	[spmem:s2] =	stream.indirect.scatter.add.f32 [tilespmem:s19], [sflag:$0x5], $0x80, s20, s21, $0xb8;
	[tilespmem:$0x1E900] =	vst v63  }
0x6d: {  	_ =	swait.ge [sflag:s18], $0x4000  }
0x6e: {  	[sflag:s18] =	ssyncset.done $0x0  }
0x6f: {  	s7 =	sadd.s32 s1, s16;
	[sflag:s18] =	ssyncadd.s32 $0xFFFFC000  }
0x70: {  	[tilespmem:s20], [sflag:$0x3] =	stream.linear.gather [hbm4b:s7+s3], $0x80, $0x38;
	[tilespmem:$0x1E900] =	vst v63  }
0x71: {  	_ = 	snop  }
0x72: {  	[tilespmem:s19], [sflag:$0x1] =	stream.indirect.gather [hbm4b:s4+s21], $0x80, s31, s21, $0xb8;
	[tilespmem:$0x1E900] =	vst v63  }
0x73: {  	_ =	swait.ge [sflag:s26], $0x4000  }
0x74: {  	[sflag:s26] =	ssyncset.done $0x0  }
0x75: {  	[sflag:s26] =	ssyncadd.s32 $0xFFFFC000  }
0x76: {  	_ =	swait.ge [sflag:s28], $0x80  }
0x77: {  	[sflag:s28] =	ssyncset.done $0x0  }
0x78: {  	[sflag:s28] =	ssyncadd.s32 $0xFFFFFF80  }
0x79: {  	[spmem:s2] =	stream.indirect.scatter.add.f32 [tilespmem:s23], [sflag:$0x5], $0x80, s22, s21, $0xb8;
	[tilespmem:$0x1E900] =	vst v63  }
.Ltmp3:
0x7a: {  	_ =	swait.ge [sflag:s18], $0x4000;
	(pc) =	sbr.rel @p1 .LBB2_7-.Ltmp3, $4  }
0x7b: {  	[sflag:s18] =	ssyncset.done $0x0  }
0x7c: {  	s1 =	sadd.s32 s1, s17;
	[sflag:s18] =	ssyncadd.s32 $0xFFFFC000  }
0x7d: {  	[tilespmem:s22], [sflag:$0x4] =	stream.linear.gather [hbm4b:s1+s3], $0x80, $0x38;
	[tilespmem:$0x1E900] =	vst v63  }
0x7e: {  	s1 =	sadd.s32 $0x80, s31;
	s31 =	sadd.s32 $0x100, s31  }
0x7f: {  	[tilespmem:s23], [sflag:$0x2] =	stream.indirect.gather [hbm4b:s4+s21], $0x80, s1, s21, $0xb8;
	[tilespmem:$0x1E900] =	vst v63  }
0x80: {  	_ =	swait.ge [sflag:s24], $0x4000  }
0x81: {  	[sflag:s24] =	ssyncset.done $0x0  }
0x82: {  	[sflag:s24] =	ssyncadd.s32 $0xFFFFC000  }
0x83: {  	_ =	swait.ge [sflag:s25], $0x80  }
0x84: {  	[sflag:s25] =	ssyncset.done $0x0  }
0x85: {  	[sflag:s25] =	ssyncadd.s32 $0xFFFFFF80  }
0x86: {  	[spmem:s2] =	stream.indirect.scatter.add.f32 [tilespmem:s19], [sflag:$0x5], $0x80, s20, s21, $0xb8;
	[tilespmem:$0x1E900] =	vst v63  }
0x87: {  	_ =	swait.ge [sflag:s18], $0x4000  }
0x88: {  	[sflag:s18] =	ssyncset.done $0x0  }
0x89: {  	[sflag:s18] =	ssyncadd.s32 $0xFFFFC000  }
0x8a: {  	_ =	swait.ge [sflag:s26], $0x4000  }
0x8b: {  	[sflag:s26] =	ssyncset.done $0x0  }
0x8c: {  	[sflag:s26] =	ssyncadd.s32 $0xFFFFC000  }
0x8d: {  	_ =	swait.ge [sflag:s28], $0x80  }
0x8e: {  	[sflag:s28] =	ssyncset.done $0x0  }
0x8f: {  	[sflag:s28] =	ssyncadd.s32 $0xFFFFFF80  }
0x90: {  	[spmem:s2] =	stream.indirect.scatter.add.f32 [tilespmem:s23], [sflag:$0x5], $0x80, s22, s21, $0xb8;
	[tilespmem:$0x1E900] =	vst v63  }
0x91: {  	_ =	swait.ge [sflag:s18], $0x4000  }
0x92: {  	s31 =	sshll.u32 s0, $0x6;
	s29 =	sadd.s32 $0x1, s29;
	[sflag:s18] =	ssyncset.done $0x0  }
0x93: {  	s7 =	sshrl.u32 s6, $0x3;
	p1 =	sne.s32 s29, s11;
	[sflag:s18] =	ssyncadd.s32 $0xFFFFC000  }
.Ltmp4:
0x94: {  	s1 =	sor.u32 $0x1C05, s31;
	[bflag:$0x0] =	sbarrier.arrive $0xFFFF;
	(pc) =	sbr.rel @p1 .LBB2_1-.Ltmp4, $4  }
0x95: {  	[hbm:s10], [sflag:s1] =	dma.local [spmem:s7], $0x2800  }
0x96: {  	_ =	swait.ge [sflag:s18], $0x2800  }
0x97: {  	[sflag:s18] =	ssyncset.done $0x0  }
0x98: {  	[sflag:s18] =	ssyncadd.s32 $0xFFFFD800  }
0x99: {  	_ =	sfence.sel $0x180000  }
0x9a: {  	[bflag:$0x0] =	sbarrier.arrive $0xFFFF  }
0x9b: {  	_ =	strace $0x9000004A  }
0x9c: {  	[bflag:$0x2] =	sbarrier.arrive $0xFFFF  }
0x9d: {  	p0 =	sne.s32 s0, $0x0;
	s0 =	rddreg [dreg:$0x2]  }
0x9e: {  	s0 =	sadd.s32 @!p0 $0x100000, s0  }
0x9f: {  	[sflag:s0] =	ssyncadd.tile.s32 @!p0 $0x1;
	_ =	shalt  }
.Lfunc_end2:
_tile_overlayer_lowered:
.L_overlay_start_2:
0xa0: {  	(tag) =	ssettag $0x2  }
0xa1: {  	s0 =	rddreg [dreg:$0x0];
	s2 =	stileid.u32  }
0xa2: {  	s1 =	rddreg [dreg:$0x1];
	p0 =	sne.s32 s2, $0x0  }
0xa3: {  	s3 =	rddreg [dreg:$0x2];
	[bflag:$0x3] =	sbarrier.arrive $0xFFFF;
	s2 =	simm.s32 @!p0 $0x1C05  }
0xa4: {  	[timem:s3], [sflag:s2] =	dma.local @!p0 [hbm:s0], s1  }
0xa5: {  	s0 =	simm.s32 @!p0 $0x5  }
0xa6: {  	_ =	swait.ge @!p0 [sflag:s0], s1  }
0xa7: {  	s1 =	ssub.s32 @!p0 $0x0, s1;
	[sflag:s0] =	ssyncset.done @!p0 $0x0  }
0xa8: {  	[sflag:s0] =	ssyncadd.s32 @!p0 s1  }
0xa9: {  	[bflag:$0x3] =	sbarrier.arrive $0xFFFF  }
0xaa: {  	_ =	shalt  }

// kernel: kernel.16.cloned.1.call-start
scs
__scs_entry_jumppad:
0x0: {  	(pc) =	sbr.rel $0x88, $3  }
0x1: {  	(tag) =	ssettag $0x0;
	lr =	simm.s32 $0x1  }
0x2: {  	[smem:$0x3F94] =	sst lr;
	_ =	strace $0xD0000000  }
0x3: {  	_ = 	snop  }
0x4: {  	_ = 	snop  }
0x5: {  	_ = 	snop  }
0x6: {  	_ = 	snop  }
0x7: {  	_ = 	snop  }
__scs_overlays_trampoline_lowered:
0x8: {  	[smem:$0x3FA3] =	sst s0  }
0x9: {  	[smem:$0x3FA4] =	sst s1  }
0xa: {  	[smem:$0x3FA5] =	sst s2  }
0xb: {  	[smem:$0x3FA6] =	sst s3  }
0xc: {  	[smem:$0x3FA7] =	sst s4  }
0xd: {  	[smem:$0x3FA8] =	sst s5  }
0xe: {  	[smem:$0x3FA9] =	sst s6  }
0xf: {  	[smem:$0x3FAA] =	sst s7  }
0x10: {  	[smem:$0x3FAB] =	sst s8  }
0x11: {  	[smem:$0x3FAC] =	sst s9;
	s0 =	simm.s32 @!p0 $0x0  }
0x12: {  	s1 =	sld [smem:$0x3F92];
	s0 =	simm.s32 @p0 $0x1  }
0x13: {  	[smem:$0x3FAD] =	sst s0;
	s0 =	simm.s32 @!p1 $0x0  }
0x14: {  	s2 =	sld [smem:$0x3F91];
	s0 =	simm.s32 @p1 $0x1  }
0x15: {  	[smem:$0x3FAE] =	sst s0;
	s0 =	simm.s32 @!p2 $0x0  }
0x16: {  	s3 =	sld [smem:$0x3FDB];
	s0 =	simm.s32 @p2 $0x1  }
0x17: {  	s4 =	simm.s32 $0x1BF5;
	[smem:$0x3FB0] =	sst s0  }
0x18: {  	s0 =	sld [smem:$0x3F93];
	_ =	swait.ge [sflag:s4], $0x0  }
0x19: {  	s7 =	sld [smem:$0x3F94]  }
0x1a: {  	s8 =	sadd.s32 $0xFFFFE003, lr  }
0x1b: {  	s9 =	sadd.s32 $0xFFFFFEF7, lr;
	s5 =	simm.s32 $0xFFFFFFFF;
	p2 =	slt.u32 s8, $0xFFFFF086  }
0x1c: {  	p1 =	slt.u32 s9, $0xF7A;
	s5 =	simm.s32 @!p2 $0x0  }
0x1d: {  	s5 =	simm.s32 @p1 $0x1;
	p0 =	seq.s32 s7, s2  }
0x1e: {  	s7 =	smul.u32 @!p0 $0xF7A, s2;
	p2 =	seq.s32 @!p0 s5, $0x0  }
0x1f: {  	s9 =	smul.u32 $0xF7A, s1;
	s8 =	simm.s32 @!p0 $0x1BF5;
	p2 =	por !p2, p0  }
0x20: {  	[sflag:s8] =	ssyncset.s32 @!p0 $0xFFFFF086;
	s6 =	sadd.s32 @!p0 s3, s7;
	s7 =	simm.s32 @!p0 $0x108  }
0x21: {  	s3 =	sadd.s32 s3, s9;
	s6 =	sadd.s32 @!p0 $0x88, s6;
	s7 =	simm.s32 @p2 $0x1082  }
0x22: {  	[simem:s7], [sflag:s8] =	dma.local @!p0 [hbm:s6], $0xF7A  }
0x23: {  	s9 =	sor.u32 $0xD0000000, s2;
	s6 =	simm.s32 $0x108;
	_ =	swait.ge @!p0 [sflag:s8], $0x0  }
0x24: {  	s3 =	sadd.s32 $0x88, s3;
	s6 =	simm.s32 @!p1 $0x1082;
	[sflag:s4] =	ssyncset.s32 $0xFFFFF086  }
0x25: {  	[simem:s6], [sflag:s4] =	dma.local [hbm:s3], $0xF7A  }
0x26: {  	[smem:$0x3F94] =	sst s1;
	(tag) =	ssettag s2;
	_ =	strace s9  }
0x27: {  	s1 =	sld [smem:$0x3FA4]  }
0x28: {  	s2 =	sld [smem:$0x3FA5]  }
0x29: {  	s4 =	sld [smem:$0x3FA7]  }
0x2a: {  	p0 =	seq.s32 s5, $0x0;
	s5 =	sld [smem:$0x3FA8]  }
0x2b: {  	s6 =	sld [smem:$0x3FA9]  }
0x2c: {  	s7 =	sld [smem:$0x3FAA]  }
0x2d: {  	s3 =	simm.s32 $0x108;
	s8 =	sld [smem:$0x3FAB]  }
0x2e: {  	s3 =	simm.s32 @!p0 $0x1082;
	s9 =	sld [smem:$0x3FAC]  }
0x2f: {  	lr =	sadd.s32 s0, s3;
	s0 =	sld [smem:$0x3FA3]  }
0x30: {  	s3 =	sld [smem:$0x3FA6]  }
0x31: {  	[smem:$0x3FAF] =	sst s10  }
0x32: {  	s10 =	sld [smem:$0x3FAD];
	_ =	sdelay $0x3  }
0x33: {  	p0 =	seq.s32 s10, $0x1;
	s10 =	sld [smem:$0x3FAF];
	_ =	sdelay $0x3  }
0x34: {  	[smem:$0x3FAF] =	sst s10  }
0x35: {  	s10 =	sld [smem:$0x3FAE];
	_ =	sdelay $0x3  }
0x36: {  	p1 =	seq.s32 s10, $0x1;
	s10 =	sld [smem:$0x3FAF];
	_ =	sdelay $0x3  }
0x37: {  	[smem:$0x3FAF] =	sst s10  }
0x38: {  	s10 =	sld [smem:$0x3FB0]  }
0x39: {  	_ = 	snop;
	(pc) =	sbr.ind lr, $3  }
0x3a: {  	_ = 	snop  }
0x3b: {  	_ = 	snop  }
0x3c: {  	p2 =	seq.s32 s10, $0x1;
	s10 =	sld [smem:$0x3FAF]  }
0x3d: {  	_ =	shalt  }
0x3e: {  	_ =	shalt  }
0x3f: {  	_ =	shalt  }
0x40: {  	_ =	shalt  }
0x41: {  	_ =	shalt  }
0x42: {  	_ =	shalt  }
0x43: {  	_ =	shalt  }
0x44: {  	_ =	shalt  }
0x45: {  	_ =	shalt  }
0x46: {  	_ =	shalt  }
0x47: {  	_ =	shalt  }
0x48: {  	_ =	shalt  }
0x49: {  	_ =	shalt  }
0x4a: {  	_ =	shalt  }
0x4b: {  	_ =	shalt  }
0x4c: {  	_ =	shalt  }
0x4d: {  	_ =	shalt  }
0x4e: {  	_ =	shalt  }
0x4f: {  	_ =	shalt  }
0x50: {  	_ =	shalt  }
0x51: {  	_ =	shalt  }
0x52: {  	_ =	shalt  }
0x53: {  	_ =	shalt  }
0x54: {  	_ =	shalt  }
0x55: {  	_ =	shalt  }
0x56: {  	_ =	shalt  }
0x57: {  	_ =	shalt  }
0x58: {  	_ =	shalt  }
0x59: {  	_ =	shalt  }
0x5a: {  	_ =	shalt  }
0x5b: {  	_ =	shalt  }
0x5c: {  	_ =	shalt  }
0x5d: {  	_ =	shalt  }
0x5e: {  	_ =	shalt  }
0x5f: {  	_ =	shalt  }
0x60: {  	_ =	shalt  }
0x61: {  	_ =	shalt  }
0x62: {  	_ =	shalt  }
0x63: {  	_ =	shalt  }
0x64: {  	_ =	shalt  }
0x65: {  	_ =	shalt  }
0x66: {  	_ =	shalt  }
0x67: {  	_ =	shalt  }
0x68: {  	_ =	shalt  }
0x69: {  	_ =	shalt  }
0x6a: {  	_ =	shalt  }
0x6b: {  	_ =	shalt  }
0x6c: {  	_ =	shalt  }
0x6d: {  	_ =	shalt  }
0x6e: {  	_ =	shalt  }
0x6f: {  	_ =	shalt  }
0x70: {  	_ =	shalt  }
0x71: {  	_ =	shalt  }
0x72: {  	_ =	shalt  }
0x73: {  	_ =	shalt  }
0x74: {  	_ =	shalt  }
0x75: {  	_ =	shalt  }
0x76: {  	_ =	shalt  }
0x77: {  	_ =	shalt  }
0x78: {  	_ =	shalt  }
0x79: {  	_ =	shalt  }
0x7a: {  	_ =	shalt  }
0x7b: {  	_ =	shalt  }
0x7c: {  	_ =	shalt  }
0x7d: {  	_ =	shalt  }
0x7e: {  	_ =	shalt  }
0x7f: {  	_ =	shalt  }
0x80: {  	_ =	shalt  }
0x81: {  	_ =	shalt  }
0x82: {  	_ =	shalt  }
0x83: {  	_ =	shalt  }
0x84: {  	_ =	shalt  }
0x85: {  	_ =	shalt  }
0x86: {  	_ =	shalt  }
0x87: {  	_ =	shalt  }
.Lfunc_end0:
.L_simem_size_0:
called_computation.2_lowered:
.L_overlay_start_0:
0x88: {  	s2 =	sld [smem:$0x3FD9]  }
0x89: {  	s3 =	sld [smem:$0x3FFE];
	_ =	sdelay $0x1  }
0x8a: {  	s1 =	srdreg.scid  }
0x8b: {  	s0 =	sand.u32 $0x1, s1  }
0x8c: {  	s16 =	sshll.u32 s0, $0xA;
	s2 =	sadd.s32 s3, s2  }
0x8d: {  	s2 =	sadd.s32 s2, s16  }
0x8e: {  	[smem:$0x3FBB] =	sst s2  }
0x8f: {  	_ = 	snop  }
0x90: {  	(tm) =	ssettm $0x1  }
0x91: {  	s17 =	sld [smem:$0x3FFB];
	_ =	sdelay $0x3  }
0x92: {  	_ =	strace s17  }
0x93: {  	s2 =	sld [smem:$0x3FFC];
	_ =	sdelay $0x3  }
0x94: {  	_ =	strace s2  }
0x95: {  	s2 =	sld [smem:$0x3FFD];
	_ =	sdelay $0x3  }
0x96: {  	_ =	strace s2  }
0x97: {  	_ =	strace $0x8FFFFFFF  }
0x98: {  	s18 =	sld [smem:$0x3FDB];
	_ =	sdelay $0x1  }
0x99: {  	s19 =	simm.s32 $_scs_section_size  }
0x9a: {  	s4 =	simm.s32 $_size__tile_overlayer_lowered;
	s5 =	simm.s32 $_tile_overlayer_lowered  }
0x9b: {  	s22 =	simm.s32 $0x1BFF;
	s21 =	sshll.u32 s5, $0x1;
	s2 =	sadd.s32 s19, s18  }
0x9c: {  	s6 =	simm.s32 $0x0;
	s20 =	sshll.u32 s4, $0x1;
	s4 =	sadd.s32 s21, s2  }
0x9d: {  	[timem:s6], [sflag:s22] =	dma.local [hbm:s4], s20  }
0x9e: {  	_ =	swait.ge [sflag:s22], s20  }
0x9f: {  	s3 =	ssub.s32 $0x0, s20;
	[sflag:s22] =	ssyncset.done $0x0  }
0xa0: {  	[sflag:s22] =	ssyncadd.s32 s3;
	_ =	sdelay $0x1  }
0xa1: {  	s23 =	simm.s32 $0x1B8B  }
0xa2: {  	_ =	swait.ge [sflag:s23], $0x1  }
0xa3: {  	[sflag:s23] =	ssyncset.done $0x0  }
0xa4: {  	s25 =	simm.s32 $0x1B8E;
	s24 =	sld [smem:$0x3FFE];
	[sflag:s23] =	ssyncadd.s32 $0xFFFFFFFF  }
0xa5: {  	s26 =	simm.s32 $execute0_lowered;
	[smem:$0x3FD2] =	sst s25  }
0xa6: {  	s4 =	sshll.u32 s26, $0x1;
	_ =	strace $0x8000004C;
	[dreg:$0x1] =	wrdreg $0xFFFFFFFF  }
0xa7: {  	s28 =	simm.s32 $_size_execute0_lowered;
	s2 =	sadd.s32 s2, s4;
	[dreg:$0x0] =	wrdreg $0x0  }
0xa8: {  	s4 =	sshll.u32 s28, $0x1;
	[dreg:$0x2] =	wrdreg s2  }
0xa9: {  	[dreg:$0x3] =	wrdreg s4  }
0xaa: {  	[dreg:$0x4] =	wrdreg $0xC0  }
0xab: {  	_ =	task [dreg:s6], $0x5FFFF  }
0xac: {  	[dreg:$0x1] =	wrdreg $0xFFFFFFFF  }
0xad: {  	[dreg:$0x0] =	wrdreg $0x60  }
0xae: {  	[dreg:$0x2] =	wrdreg s24  }
0xaf: {  	[dreg:$0x3] =	wrdreg $0xA9000  }
0xb0: {  	[dreg:$0x4] =	wrdreg $0x9  }
0xb1: {  	_ =	task.clear_ibuf [dreg:s6], $0x5FFFF;
	_ =	strace $0x9000004C  }
0xb2: {  	s29 =	simm.s32 $0x9;
	_ =	strace $0x8000004E  }
0xb3: {  	_ =	swait.ge [sflag:s29], $0x1  }
0xb4: {  	[sflag:s29] =	ssyncadd.s32 $0xFFFFFFFF  }
0xb5: {  	_ =	strace $0x9000004E  }
0xb6: {  	_ =	sfence  }
0xb7: {  	s30 =	sld [smem:$0x0];
	_ =	sdelay $0x2  }
0xb8: {  	s31 =	sshll.u32 s1, $0xD;
	s1 =	sshrl.u32 s1, $0x2  }
0xb9: {  	s3 =	sand.u32 $0x4000, s31;
	s1 =	sadd.s32 s1, s30  }
0xba: {  	s0 =	sor.u32 s3, s0;
	s1 =	sshll.u32 s1, $0x11  }
0xbb: {  	s0 =	sor.u32 s1, s0  }
0xbc: {  	s0 =	sadd.s32 $0x8F2B, s0  }
0xbd: {  	[sflag:s0] =	ssyncadd.remote.s32 $0x1  }
0xbe: {  	_ =	sfence.sel $0xFFFF  }
0xbf: {  	[dreg:$0x0] =	wrdreg $0xFFFFFFFF;
	(pc) =	sbr.abs _section_cstart, $3  }
0xc0: {  	[dreg:$0x1] =	wrdreg $0xFFFFFFFF  }
0xc1: {  	_ =	task.clear_ibuf [dreg:s6], $0x2FFFF;
	_ =	strace $0x9FFFFFFF  }
0xc2: {  	(tm) =	ssettm $0x7FFFFFFF  }
0xc3: {  	_ =	shalt  }
tec
execute0_lowered:
.L_overlay_start_1:
0x0: {  	(tag) =	ssettag $0x1  }
0x1: {  	s1 =	rddreg [dreg:$0x0]  }
0x2: {  	s0 =	srdreg.scid;
	s2 =	rddreg [dreg:$0x1];
	s3 =	simm.s32 $0x0  }
0x3: {  	s19 =	simm.s32 $0x2900;
	s20 =	simm.s32 $0x2800;
	s21 =	simm.s32 $0x80  }
0x4: {  	s22 =	simm.s32 $0x2880;
	s23 =	simm.s32 $0x6900;
	s6 =	sand.u32 $0x1, s0  }
0x5: {  	s24 =	simm.s32 $0x1;
	s0 =	stileid.u32;
	s4 =	smul.u32 $0x28000, s6  }
0x6: {  	s28 =	simm.s32 $0x4;
	s29 =	simm.s32 $0x0;
	s7 =	smul.u32 $0x2800, s0  }
0x7: {  	[smem:$0x7FF] =	sst s3;
	s17 =	sadd.s32 $0x3000, s1;
	s5 =	smul.u32 $0x140000, s6  }
0x8: {  	s8 =	smul.u32 $0x14000, s0;
	_ =	strace $0x8000004D;
	s25 =	ssub.s32 $0x2, s6  }
0x9: {  	s12 =	smul.u32 $0x50000, s0;
	p0 =	seq.s32 s6, $0x1;
	s11 =	sshrl.u32 s25, $0x1  }
0xa: {  	s15 =	sadd.s32 s7, s4;
	s4 =	sadd.s32 $0x17A00, s1;
	s5 =	sadd.s32 s8, s5  }
0xb: {  	s11 =	ssub.s32 s25, s11;
	s26 =	sshrl.u32 s12, $0x2;
	s25 =	simm.s32 $0x3  }
0xc: {  	s9 =	sshrl.u32 s15, $0x3;
	s5 =	sshrl.u32 s5, $0x3;
	s6 =	sadd.s32 s26, s2  }
0xd: {  	s7 =	sadd.s32 s4, s7;
	s11 =	smax.u32 s11, $0x1;
	s30 =	sor.u32 $0x100, s15  }
0xe: {  	s18 =	sor.u32 $0x180, s15;
	s26 =	simm.s32 $0x2;
	s10 =	sadd.s32 s9, s1  }
0xf: {  	s1 =	sadd.s32 s5, s1;
	[dreg:$0x3] =	wrdreg s7;
	s8 =	sadd.s32 s17, s9  }
0x10: {  	s12 =	sadd.s32 $0x4000, s6;
	s13 =	sadd.s32 $0x8000, s6;
	s14 =	sadd.s32 $0xC000, s6  }
0x11: {  	s15 =	sadd.s32 $0x10000, s6;
	s31 =	sshrl.u32 s18, $0x3;
	s18 =	simm.s32 $0x5  }
0x12: {  	s5 =	sadd.s32 $0xDA00, s10;
	s10 =	sadd.s32 $0x3FA00, s1;
	s1 =	sshrl.u32 s30, $0x3  }
0x13: {  	v0 =	vimm.f32 $0.0e+00;
	s9 =	sadd.s32 $0x10, s8;
	s16 =	sadd.s32 s1, s17;
	s17 =	sadd.s32 s31, s17  }
.LBB2_1:
.Ltmp0:
0x14: {  	(pc) =	sbr.rel @!p0 .LBB2_2-.Ltmp0, $4  }
0x15: {  	[tilespmem:s3], [sflag:$0x5] =	stream.linear.gather [hbm4b:s5+s3], $0x2800, $0x38;
	[tilespmem:$0x1E900] =	vst v63  }
0x16: {  	_ =	swait.ge [sflag:s18], $0x2800  }
0x17: {  	[sflag:s18] =	ssyncset.done $0x0  }
0x18: {  	[sflag:s18] =	ssyncadd.s32 $0xFFFFD800  }
0x19: {  	s30 =	sshra.s32 s3, $0x2;
	s31 =	sadd.s32 $0x200, s3  }
.LBB2_4:
0x1a: {  	p1 =	sne.s32 s31, $0xFE00;
	[tilespmem:s30+$0x2970] =	vst v0  }
0x1b: {  	[tilespmem:s30+$0x2900] =	vst v0  }
0x1c: {  	[tilespmem:s30+$0x2910] =	vst v0  }
.Ltmp1:
0x1d: {  	[tilespmem:s30+$0x2920] =	vst v0;
	(pc) =	sbr.rel @p1 .LBB2_4-.Ltmp1, $4  }
0x1e: {  	[tilespmem:s30+$0x2930] =	vst v0  }
0x1f: {  	[tilespmem:s30+$0x2940] =	vst v0  }
0x20: {  	[tilespmem:s30+$0x2950] =	vst v0  }
0x21: {  	[tilespmem:s30+$0x2960] =	vst v0;
	s30 =	sshra.s32 s31, $0x2;
	s31 =	sadd.s32 $0x200, s31  }
0x22: {  	[tilespmem:s30+$0x2970] =	vst v0  }
0x23: {  	[tilespmem:s30+$0x2900] =	vst v0  }
0x24: {  	[tilespmem:s30+$0x2910] =	vst v0  }
0x25: {  	[tilespmem:s30+$0x2920] =	vst v0  }
0x26: {  	[tilespmem:s30+$0x2930] =	vst v0  }
0x27: {  	[tilespmem:s30+$0x2940] =	vst v0  }
0x28: {  	[tilespmem:s30+$0x2950] =	vst v0  }
0x29: {  	[tilespmem:s30+$0x2960] =	vst v0  }
0x2a: {  	[spmem:s6] =	stream.linear.scatter [tilespmem:s19], [sflag:$0x5], $0x4000, $0x38;
	[tilespmem:$0x1E900] =	vst v63  }
0x2b: {  	_ =	swait.ge [sflag:s18], $0x4000  }
0x2c: {  	[sflag:s18] =	ssyncset.done $0x0  }
0x2d: {  	[sflag:s18] =	ssyncadd.s32 $0xFFFFC000  }
0x2e: {  	[spmem:s12] =	stream.linear.scatter [tilespmem:s19], [sflag:$0x5], $0x4000, $0x38;
	[tilespmem:$0x1E900] =	vst v63  }
0x2f: {  	_ =	swait.ge [sflag:s18], $0x4000  }
0x30: {  	[sflag:s18] =	ssyncset.done $0x0  }
0x31: {  	[sflag:s18] =	ssyncadd.s32 $0xFFFFC000  }
0x32: {  	[spmem:s13] =	stream.linear.scatter [tilespmem:s19], [sflag:$0x5], $0x4000, $0x38;
	[tilespmem:$0x1E900] =	vst v63  }
0x33: {  	_ =	swait.ge [sflag:s18], $0x4000  }
0x34: {  	[sflag:s18] =	ssyncset.done $0x0  }
0x35: {  	[sflag:s18] =	ssyncadd.s32 $0xFFFFC000  }
0x36: {  	[spmem:s14] =	stream.linear.scatter [tilespmem:s19], [sflag:$0x5], $0x4000, $0x38;
	[tilespmem:$0x1E900] =	vst v63  }
0x37: {  	_ =	swait.ge [sflag:s18], $0x4000  }
0x38: {  	[sflag:s18] =	ssyncset.done $0x0  }
.Ltmp2:
0x39: {  	[sflag:s18] =	ssyncadd.s32 $0xFFFFC000;
	(pc) =	sbr.rel .LBB2_6-.Ltmp2, $4  }
0x3a: {  	[spmem:s15] =	stream.linear.scatter [tilespmem:s19], [sflag:$0x5], $0x4000, $0x38;
	[tilespmem:$0x1E900] =	vst v63  }
0x3b: {  	_ =	swait.ge [sflag:s18], $0x4000  }
0x3c: {  	[sflag:s18] =	ssyncset.done $0x0  }
0x3d: {  	[sflag:s18] =	ssyncadd.s32 $0xFFFFC000  }
.LBB2_2:
0x3e: {  	s1 =	sshll.u32 s0, $0x6  }
0x3f: {  	s30 =	sshrl.u32 s6, $0x3;
	s7 =	rddreg [dreg:$0x3];
	s1 =	sor.u32 $0x1C05, s1  }
0x40: {  	[spmem:s30], [sflag:s1] =	dma.local [hbm:s7], $0x2800  }
0x41: {  	_ =	swait.ge [sflag:s18], $0x2800  }
0x42: {  	[sflag:s18] =	ssyncset.done $0x0  }
0x43: {  	[sflag:s18] =	ssyncadd.s32 $0xFFFFD800  }
.LBB2_6:
0x44: {  	[bflag:$0x0] =	sbarrier.arrive $0xFFFF;
	s1 =	simm.s32 $0x0  }
0x45: {  	[tilespmem:s20], [sflag:$0x3] =	stream.linear.gather [hbm4b:s8+s1], $0x80, $0x38;
	[tilespmem:$0x1E900] =	vst v63  }
0x46: {  	_ = 	snop  }
0x47: {  	[tilespmem:s19], [sflag:$0x1] =	stream.indirect.gather [hbm4b:s4+s21], $0x80, s1, s21, $0xb8;
	[tilespmem:$0x1E900] =	vst v63  }
0x48: {  	_ = 	snop  }
0x49: {  	[tilespmem:s22], [sflag:$0x4] =	stream.linear.gather [hbm4b:s9+s1], $0x80, $0x38;
	[tilespmem:$0x1E900] =	vst v63  }
0x4a: {  	_ = 	snop  }
0x4b: {  	[tilespmem:s23], [sflag:$0x2] =	stream.indirect.gather [hbm4b:s4+s21], $0x80, s21, s21, $0xb8;
	[tilespmem:$0x1E900] =	vst v63  }
0x4c: {  	_ =	swait.ge [sflag:s24], $0x4000  }
0x4d: {  	[sflag:s24] =	ssyncset.done $0x0  }
0x4e: {  	[sflag:s24] =	ssyncadd.s32 $0xFFFFC000  }
0x4f: {  	_ =	swait.ge [sflag:s25], $0x80  }
0x50: {  	[sflag:s25] =	ssyncset.done $0x0  }
0x51: {  	[sflag:s25] =	ssyncadd.s32 $0xFFFFFF80  }
0x52: {  	[spmem:s2] =	stream.indirect.scatter.add.f32 [tilespmem:s19], [sflag:$0x5], $0x80, s20, s21, $0xb8;
	[tilespmem:$0x1E900] =	vst v63  }
0x53: {  	_ =	swait.ge [sflag:s18], $0x4000  }
0x54: {  	[sflag:s18] =	ssyncset.done $0x0  }
0x55: {  	s7 =	sadd.s32 $0x0, s16;
	[sflag:s18] =	ssyncadd.s32 $0xFFFFC000  }
0x56: {  	[tilespmem:s20], [sflag:$0x3] =	stream.linear.gather [hbm4b:s7+s3], $0x80, $0x38;
	[tilespmem:$0x1E900] =	vst v63  }
0x57: {  	s7 =	simm.s32 $0x100  }
0x58: {  	[tilespmem:s19], [sflag:$0x1] =	stream.indirect.gather [hbm4b:s4+s21], $0x80, s7, s21, $0xb8;
	[tilespmem:$0x1E900] =	vst v63  }
0x59: {  	_ =	swait.ge [sflag:s26], $0x4000  }
0x5a: {  	[sflag:s26] =	ssyncset.done $0x0  }
0x5b: {  	[sflag:s26] =	ssyncadd.s32 $0xFFFFC000  }
0x5c: {  	_ =	swait.ge [sflag:s28], $0x80  }
0x5d: {  	[sflag:s28] =	ssyncset.done $0x0  }
0x5e: {  	[sflag:s28] =	ssyncadd.s32 $0xFFFFFF80  }
0x5f: {  	[spmem:s2] =	stream.indirect.scatter.add.f32 [tilespmem:s23], [sflag:$0x5], $0x80, s22, s21, $0xb8;
	[tilespmem:$0x1E900] =	vst v63  }
0x60: {  	_ =	swait.ge [sflag:s18], $0x4000  }
0x61: {  	s30 =	simm.s32 $0x20;
	s31 =	simm.s32 $0x200;
	[sflag:s18] =	ssyncset.done $0x0  }
0x62: {  	s1 =	simm.s32 $0x180;
	s7 =	sadd.s32 $0x0, s17;
	[sflag:s18] =	ssyncadd.s32 $0xFFFFC000  }
0x63: {  	[tilespmem:s22], [sflag:$0x4] =	stream.linear.gather [hbm4b:s7+s3], $0x80, $0x38;
	[tilespmem:$0x1E900] =	vst v63  }
.LBB2_7:
0x64: {  	[tilespmem:s23], [sflag:$0x2] =	stream.indirect.gather [hbm4b:s4+s21], $0x80, s1, s21, $0xb8;
	[tilespmem:$0x1E900] =	vst v63  }
0x65: {  	s1 =	smov.u32 s30  }
0x66: {  	p1 =	sne.s32 s30, $0x4C0;
	s30 =	sadd.s32 $0x20, s30;
	_ =	swait.ge [sflag:s24], $0x4000  }
0x67: {  	[sflag:s24] =	ssyncset.done $0x0  }
0x68: {  	[sflag:s24] =	ssyncadd.s32 $0xFFFFC000  }
0x69: {  	_ =	swait.ge [sflag:s25], $0x80  }
0x6a: {  	[sflag:s25] =	ssyncset.done $0x0  }
0x6b: {  	[sflag:s25] =	ssyncadd.s32 $0xFFFFFF80  }
0x6c: {  	[spmem:s2] =	stream.indirect.scatter.add.f32 [tilespmem:s19], [sflag:$0x5], $0x80, s20, s21, $0xb8;
	[tilespmem:$0x1E900] =	vst v63  }
0x6d: {  	_ =	swait.ge [sflag:s18], $0x4000  }
0x6e: {  	[sflag:s18] =	ssyncset.done $0x0  }
0x6f: {  	s7 =	sadd.s32 s1, s16;
	[sflag:s18] =	ssyncadd.s32 $0xFFFFC000  }
0x70: {  	[tilespmem:s20], [sflag:$0x3] =	stream.linear.gather [hbm4b:s7+s3], $0x80, $0x38;
	[tilespmem:$0x1E900] =	vst v63  }
0x71: {  	_ = 	snop  }
0x72: {  	[tilespmem:s19], [sflag:$0x1] =	stream.indirect.gather [hbm4b:s4+s21], $0x80, s31, s21, $0xb8;
	[tilespmem:$0x1E900] =	vst v63  }
0x73: {  	_ =	swait.ge [sflag:s26], $0x4000  }
0x74: {  	[sflag:s26] =	ssyncset.done $0x0  }
0x75: {  	[sflag:s26] =	ssyncadd.s32 $0xFFFFC000  }
0x76: {  	_ =	swait.ge [sflag:s28], $0x80  }
0x77: {  	[sflag:s28] =	ssyncset.done $0x0  }
0x78: {  	[sflag:s28] =	ssyncadd.s32 $0xFFFFFF80  }
0x79: {  	[spmem:s2] =	stream.indirect.scatter.add.f32 [tilespmem:s23], [sflag:$0x5], $0x80, s22, s21, $0xb8;
	[tilespmem:$0x1E900] =	vst v63  }
.Ltmp3:
0x7a: {  	_ =	swait.ge [sflag:s18], $0x4000;
	(pc) =	sbr.rel @p1 .LBB2_7-.Ltmp3, $4  }
0x7b: {  	[sflag:s18] =	ssyncset.done $0x0  }
0x7c: {  	s1 =	sadd.s32 s1, s17;
	[sflag:s18] =	ssyncadd.s32 $0xFFFFC000  }
0x7d: {  	[tilespmem:s22], [sflag:$0x4] =	stream.linear.gather [hbm4b:s1+s3], $0x80, $0x38;
	[tilespmem:$0x1E900] =	vst v63  }
0x7e: {  	s1 =	sadd.s32 $0x80, s31;
	s31 =	sadd.s32 $0x100, s31  }
0x7f: {  	[tilespmem:s23], [sflag:$0x2] =	stream.indirect.gather [hbm4b:s4+s21], $0x80, s1, s21, $0xb8;
	[tilespmem:$0x1E900] =	vst v63  }
0x80: {  	_ =	swait.ge [sflag:s24], $0x4000  }
0x81: {  	[sflag:s24] =	ssyncset.done $0x0  }
0x82: {  	[sflag:s24] =	ssyncadd.s32 $0xFFFFC000  }
0x83: {  	_ =	swait.ge [sflag:s25], $0x80  }
0x84: {  	[sflag:s25] =	ssyncset.done $0x0  }
0x85: {  	[sflag:s25] =	ssyncadd.s32 $0xFFFFFF80  }
0x86: {  	[spmem:s2] =	stream.indirect.scatter.add.f32 [tilespmem:s19], [sflag:$0x5], $0x80, s20, s21, $0xb8;
	[tilespmem:$0x1E900] =	vst v63  }
0x87: {  	_ =	swait.ge [sflag:s18], $0x4000  }
0x88: {  	[sflag:s18] =	ssyncset.done $0x0  }
0x89: {  	[sflag:s18] =	ssyncadd.s32 $0xFFFFC000  }
0x8a: {  	_ =	swait.ge [sflag:s26], $0x4000  }
0x8b: {  	[sflag:s26] =	ssyncset.done $0x0  }
0x8c: {  	[sflag:s26] =	ssyncadd.s32 $0xFFFFC000  }
0x8d: {  	_ =	swait.ge [sflag:s28], $0x80  }
0x8e: {  	[sflag:s28] =	ssyncset.done $0x0  }
0x8f: {  	[sflag:s28] =	ssyncadd.s32 $0xFFFFFF80  }
0x90: {  	[spmem:s2] =	stream.indirect.scatter.add.f32 [tilespmem:s23], [sflag:$0x5], $0x80, s22, s21, $0xb8;
	[tilespmem:$0x1E900] =	vst v63  }
0x91: {  	_ =	swait.ge [sflag:s18], $0x4000  }
0x92: {  	s31 =	sshll.u32 s0, $0x6;
	s29 =	sadd.s32 $0x1, s29;
	[sflag:s18] =	ssyncset.done $0x0  }
0x93: {  	s7 =	sshrl.u32 s6, $0x3;
	p1 =	sne.s32 s29, s11;
	[sflag:s18] =	ssyncadd.s32 $0xFFFFC000  }
.Ltmp4:
0x94: {  	s1 =	sor.u32 $0x1C05, s31;
	[bflag:$0x0] =	sbarrier.arrive $0xFFFF;
	(pc) =	sbr.rel @p1 .LBB2_1-.Ltmp4, $4  }
0x95: {  	[hbm:s10], [sflag:s1] =	dma.local [spmem:s7], $0x2800  }
0x96: {  	_ =	swait.ge [sflag:s18], $0x2800  }
0x97: {  	[sflag:s18] =	ssyncset.done $0x0  }
0x98: {  	[sflag:s18] =	ssyncadd.s32 $0xFFFFD800  }
0x99: {  	_ =	sfence.sel $0x180000  }
0x9a: {  	[bflag:$0x0] =	sbarrier.arrive $0xFFFF  }
0x9b: {  	_ =	strace $0x9000004D  }
0x9c: {  	[bflag:$0x2] =	sbarrier.arrive $0xFFFF  }
0x9d: {  	p0 =	sne.s32 s0, $0x0;
	s0 =	rddreg [dreg:$0x2]  }
0x9e: {  	s0 =	sadd.s32 @!p0 $0x100000, s0  }
0x9f: {  	[sflag:s0] =	ssyncadd.tile.s32 @!p0 $0x1;
	_ =	shalt  }
.Lfunc_end2:
_tile_overlayer_lowered:
.L_overlay_start_2:
0xa0: {  	(tag) =	ssettag $0x2  }
0xa1: {  	s0 =	rddreg [dreg:$0x0];
	s2 =	stileid.u32  }
0xa2: {  	s1 =	rddreg [dreg:$0x1];
	p0 =	sne.s32 s2, $0x0  }
0xa3: {  	s3 =	rddreg [dreg:$0x2];
	[bflag:$0x3] =	sbarrier.arrive $0xFFFF;
	s2 =	simm.s32 @!p0 $0x1C05  }
0xa4: {  	[timem:s3], [sflag:s2] =	dma.local @!p0 [hbm:s0], s1  }
0xa5: {  	s0 =	simm.s32 @!p0 $0x5  }
0xa6: {  	_ =	swait.ge @!p0 [sflag:s0], s1  }
0xa7: {  	s1 =	ssub.s32 @!p0 $0x0, s1;
	[sflag:s0] =	ssyncset.done @!p0 $0x0  }
0xa8: {  	[sflag:s0] =	ssyncadd.s32 @!p0 s1  }
0xa9: {  	[bflag:$0x3] =	sbarrier.arrive $0xFFFF  }
0xaa: {  	_ =	shalt  }

// kernel: kernel.19.cloned.1.call-start
scs
__scs_entry_jumppad:
0x0: {  	(pc) =	sbr.rel $0x88, $3  }
0x1: {  	(tag) =	ssettag $0x0;
	lr =	simm.s32 $0x1  }
0x2: {  	[smem:$0x3F94] =	sst lr;
	_ =	strace $0xD0000000  }
0x3: {  	_ = 	snop  }
0x4: {  	_ = 	snop  }
0x5: {  	_ = 	snop  }
0x6: {  	_ = 	snop  }
0x7: {  	_ = 	snop  }
__scs_overlays_trampoline_lowered:
0x8: {  	[smem:$0x3FA3] =	sst s0  }
0x9: {  	[smem:$0x3FA4] =	sst s1  }
0xa: {  	[smem:$0x3FA5] =	sst s2  }
0xb: {  	[smem:$0x3FA6] =	sst s3  }
0xc: {  	[smem:$0x3FA7] =	sst s4  }
0xd: {  	[smem:$0x3FA8] =	sst s5  }
0xe: {  	[smem:$0x3FA9] =	sst s6  }
0xf: {  	[smem:$0x3FAA] =	sst s7  }
0x10: {  	[smem:$0x3FAB] =	sst s8  }
0x11: {  	[smem:$0x3FAC] =	sst s9;
	s0 =	simm.s32 @!p0 $0x0  }
0x12: {  	s1 =	sld [smem:$0x3F92];
	s0 =	simm.s32 @p0 $0x1  }
0x13: {  	[smem:$0x3FAD] =	sst s0;
	s0 =	simm.s32 @!p1 $0x0  }
0x14: {  	s2 =	sld [smem:$0x3F91];
	s0 =	simm.s32 @p1 $0x1  }
0x15: {  	[smem:$0x3FAE] =	sst s0;
	s0 =	simm.s32 @!p2 $0x0  }
0x16: {  	s3 =	sld [smem:$0x3FDB];
	s0 =	simm.s32 @p2 $0x1  }
0x17: {  	s4 =	simm.s32 $0x1BF5;
	[smem:$0x3FB0] =	sst s0  }
0x18: {  	s0 =	sld [smem:$0x3F93];
	_ =	swait.ge [sflag:s4], $0x0  }
0x19: {  	s7 =	sld [smem:$0x3F94]  }
0x1a: {  	s8 =	sadd.s32 $0xFFFFE003, lr  }
0x1b: {  	s9 =	sadd.s32 $0xFFFFFEF7, lr;
	s5 =	simm.s32 $0xFFFFFFFF;
	p2 =	slt.u32 s8, $0xFFFFF086  }
0x1c: {  	p1 =	slt.u32 s9, $0xF7A;
	s5 =	simm.s32 @!p2 $0x0  }
0x1d: {  	s5 =	simm.s32 @p1 $0x1;
	p0 =	seq.s32 s7, s2  }
0x1e: {  	s7 =	smul.u32 @!p0 $0xF7A, s2;
	p2 =	seq.s32 @!p0 s5, $0x0  }
0x1f: {  	s9 =	smul.u32 $0xF7A, s1;
	s8 =	simm.s32 @!p0 $0x1BF5;
	p2 =	por !p2, p0  }
0x20: {  	[sflag:s8] =	ssyncset.s32 @!p0 $0xFFFFF086;
	s6 =	sadd.s32 @!p0 s3, s7;
	s7 =	simm.s32 @!p0 $0x108  }
0x21: {  	s3 =	sadd.s32 s3, s9;
	s6 =	sadd.s32 @!p0 $0x88, s6;
	s7 =	simm.s32 @p2 $0x1082  }
0x22: {  	[simem:s7], [sflag:s8] =	dma.local @!p0 [hbm:s6], $0xF7A  }
0x23: {  	s9 =	sor.u32 $0xD0000000, s2;
	s6 =	simm.s32 $0x108;
	_ =	swait.ge @!p0 [sflag:s8], $0x0  }
0x24: {  	s3 =	sadd.s32 $0x88, s3;
	s6 =	simm.s32 @!p1 $0x1082;
	[sflag:s4] =	ssyncset.s32 $0xFFFFF086  }
0x25: {  	[simem:s6], [sflag:s4] =	dma.local [hbm:s3], $0xF7A  }
0x26: {  	[smem:$0x3F94] =	sst s1;
	(tag) =	ssettag s2;
	_ =	strace s9  }
0x27: {  	s1 =	sld [smem:$0x3FA4]  }
0x28: {  	s2 =	sld [smem:$0x3FA5]  }
0x29: {  	s4 =	sld [smem:$0x3FA7]  }
0x2a: {  	p0 =	seq.s32 s5, $0x0;
	s5 =	sld [smem:$0x3FA8]  }
0x2b: {  	s6 =	sld [smem:$0x3FA9]  }
0x2c: {  	s7 =	sld [smem:$0x3FAA]  }
0x2d: {  	s3 =	simm.s32 $0x108;
	s8 =	sld [smem:$0x3FAB]  }
0x2e: {  	s3 =	simm.s32 @!p0 $0x1082;
	s9 =	sld [smem:$0x3FAC]  }
0x2f: {  	lr =	sadd.s32 s0, s3;
	s0 =	sld [smem:$0x3FA3]  }
0x30: {  	s3 =	sld [smem:$0x3FA6]  }
0x31: {  	[smem:$0x3FAF] =	sst s10  }
0x32: {  	s10 =	sld [smem:$0x3FAD];
	_ =	sdelay $0x3  }
0x33: {  	p0 =	seq.s32 s10, $0x1;
	s10 =	sld [smem:$0x3FAF];
	_ =	sdelay $0x3  }
0x34: {  	[smem:$0x3FAF] =	sst s10  }
0x35: {  	s10 =	sld [smem:$0x3FAE];
	_ =	sdelay $0x3  }
0x36: {  	p1 =	seq.s32 s10, $0x1;
	s10 =	sld [smem:$0x3FAF];
	_ =	sdelay $0x3  }
0x37: {  	[smem:$0x3FAF] =	sst s10  }
0x38: {  	s10 =	sld [smem:$0x3FB0]  }
0x39: {  	_ = 	snop;
	(pc) =	sbr.ind lr, $3  }
0x3a: {  	_ = 	snop  }
0x3b: {  	_ = 	snop  }
0x3c: {  	p2 =	seq.s32 s10, $0x1;
	s10 =	sld [smem:$0x3FAF]  }
0x3d: {  	_ =	shalt  }
0x3e: {  	_ =	shalt  }
0x3f: {  	_ =	shalt  }
0x40: {  	_ =	shalt  }
0x41: {  	_ =	shalt  }
0x42: {  	_ =	shalt  }
0x43: {  	_ =	shalt  }
0x44: {  	_ =	shalt  }
0x45: {  	_ =	shalt  }
0x46: {  	_ =	shalt  }
0x47: {  	_ =	shalt  }
0x48: {  	_ =	shalt  }
0x49: {  	_ =	shalt  }
0x4a: {  	_ =	shalt  }
0x4b: {  	_ =	shalt  }
0x4c: {  	_ =	shalt  }
0x4d: {  	_ =	shalt  }
0x4e: {  	_ =	shalt  }
0x4f: {  	_ =	shalt  }
0x50: {  	_ =	shalt  }
0x51: {  	_ =	shalt  }
0x52: {  	_ =	shalt  }
0x53: {  	_ =	shalt  }
0x54: {  	_ =	shalt  }
0x55: {  	_ =	shalt  }
0x56: {  	_ =	shalt  }
0x57: {  	_ =	shalt  }
0x58: {  	_ =	shalt  }
0x59: {  	_ =	shalt  }
0x5a: {  	_ =	shalt  }
0x5b: {  	_ =	shalt  }
0x5c: {  	_ =	shalt  }
0x5d: {  	_ =	shalt  }
0x5e: {  	_ =	shalt  }
0x5f: {  	_ =	shalt  }
0x60: {  	_ =	shalt  }
0x61: {  	_ =	shalt  }
0x62: {  	_ =	shalt  }
0x63: {  	_ =	shalt  }
0x64: {  	_ =	shalt  }
0x65: {  	_ =	shalt  }
0x66: {  	_ =	shalt  }
0x67: {  	_ =	shalt  }
0x68: {  	_ =	shalt  }
0x69: {  	_ =	shalt  }
0x6a: {  	_ =	shalt  }
0x6b: {  	_ =	shalt  }
0x6c: {  	_ =	shalt  }
0x6d: {  	_ =	shalt  }
0x6e: {  	_ =	shalt  }
0x6f: {  	_ =	shalt  }
0x70: {  	_ =	shalt  }
0x71: {  	_ =	shalt  }
0x72: {  	_ =	shalt  }
0x73: {  	_ =	shalt  }
0x74: {  	_ =	shalt  }
0x75: {  	_ =	shalt  }
0x76: {  	_ =	shalt  }
0x77: {  	_ =	shalt  }
0x78: {  	_ =	shalt  }
0x79: {  	_ =	shalt  }
0x7a: {  	_ =	shalt  }
0x7b: {  	_ =	shalt  }
0x7c: {  	_ =	shalt  }
0x7d: {  	_ =	shalt  }
0x7e: {  	_ =	shalt  }
0x7f: {  	_ =	shalt  }
0x80: {  	_ =	shalt  }
0x81: {  	_ =	shalt  }
0x82: {  	_ =	shalt  }
0x83: {  	_ =	shalt  }
0x84: {  	_ =	shalt  }
0x85: {  	_ =	shalt  }
0x86: {  	_ =	shalt  }
0x87: {  	_ =	shalt  }
.Lfunc_end0:
.L_simem_size_0:
called_computation.3_lowered:
.L_overlay_start_0:
0x88: {  	s2 =	sld [smem:$0x3FD9]  }
0x89: {  	s3 =	sld [smem:$0x3FFE];
	_ =	sdelay $0x1  }
0x8a: {  	s1 =	srdreg.scid  }
0x8b: {  	s0 =	sand.u32 $0x1, s1  }
0x8c: {  	s16 =	sshll.u32 s0, $0xA;
	s2 =	sadd.s32 s3, s2  }
0x8d: {  	s2 =	sadd.s32 s2, s16  }
0x8e: {  	[smem:$0x3FBB] =	sst s2  }
0x8f: {  	_ = 	snop  }
0x90: {  	(tm) =	ssettm $0x1  }
0x91: {  	s17 =	sld [smem:$0x3FFB];
	_ =	sdelay $0x3  }
0x92: {  	_ =	strace s17  }
0x93: {  	s2 =	sld [smem:$0x3FFC];
	_ =	sdelay $0x3  }
0x94: {  	_ =	strace s2  }
0x95: {  	s2 =	sld [smem:$0x3FFD];
	_ =	sdelay $0x3  }
0x96: {  	_ =	strace s2  }
0x97: {  	_ =	strace $0x8FFFFFFF  }
0x98: {  	s18 =	sld [smem:$0x3FDB];
	_ =	sdelay $0x1  }
0x99: {  	s19 =	simm.s32 $_scs_section_size  }
0x9a: {  	s4 =	simm.s32 $_size__tile_overlayer_lowered;
	s5 =	simm.s32 $_tile_overlayer_lowered  }
0x9b: {  	s22 =	simm.s32 $0x1BFF;
	s21 =	sshll.u32 s5, $0x1;
	s2 =	sadd.s32 s19, s18  }
0x9c: {  	s6 =	simm.s32 $0x0;
	s20 =	sshll.u32 s4, $0x1;
	s4 =	sadd.s32 s21, s2  }
0x9d: {  	[timem:s6], [sflag:s22] =	dma.local [hbm:s4], s20  }
0x9e: {  	_ =	swait.ge [sflag:s22], s20  }
0x9f: {  	s3 =	ssub.s32 $0x0, s20;
	[sflag:s22] =	ssyncset.done $0x0  }
0xa0: {  	[sflag:s22] =	ssyncadd.s32 s3;
	_ =	sdelay $0x1  }
0xa1: {  	s23 =	simm.s32 $0x1B8B  }
0xa2: {  	_ =	swait.ge [sflag:s23], $0x1  }
0xa3: {  	[sflag:s23] =	ssyncset.done $0x0  }
0xa4: {  	s25 =	simm.s32 $0x1B8E;
	s24 =	sld [smem:$0x3FFE];
	[sflag:s23] =	ssyncadd.s32 $0xFFFFFFFF  }
0xa5: {  	s26 =	simm.s32 $execute0_lowered;
	[smem:$0x3FD2] =	sst s25  }
0xa6: {  	s4 =	sshll.u32 s26, $0x1;
	_ =	strace $0x8000004F;
	[dreg:$0x1] =	wrdreg $0xFFFFFFFF  }
0xa7: {  	s28 =	simm.s32 $_size_execute0_lowered;
	s2 =	sadd.s32 s2, s4;
	[dreg:$0x0] =	wrdreg $0x0  }
0xa8: {  	s4 =	sshll.u32 s28, $0x1;
	[dreg:$0x2] =	wrdreg s2  }
0xa9: {  	[dreg:$0x3] =	wrdreg s4  }
0xaa: {  	[dreg:$0x4] =	wrdreg $0xC0  }
0xab: {  	_ =	task [dreg:s6], $0x5FFFF  }
0xac: {  	[dreg:$0x1] =	wrdreg $0xFFFFFFFF  }
0xad: {  	[dreg:$0x0] =	wrdreg $0x60  }
0xae: {  	[dreg:$0x2] =	wrdreg s24  }
0xaf: {  	[dreg:$0x3] =	wrdreg $0xA9000  }
0xb0: {  	[dreg:$0x4] =	wrdreg $0x9  }
0xb1: {  	_ =	task.clear_ibuf [dreg:s6], $0x5FFFF;
	_ =	strace $0x9000004F  }
0xb2: {  	s29 =	simm.s32 $0x9;
	_ =	strace $0x80000051  }
0xb3: {  	_ =	swait.ge [sflag:s29], $0x1  }
0xb4: {  	[sflag:s29] =	ssyncadd.s32 $0xFFFFFFFF  }
0xb5: {  	_ =	strace $0x90000051  }
0xb6: {  	_ =	sfence  }
0xb7: {  	s30 =	sld [smem:$0x0];
	_ =	sdelay $0x2  }
0xb8: {  	s31 =	sshll.u32 s1, $0xD;
	s1 =	sshrl.u32 s1, $0x2  }
0xb9: {  	s3 =	sand.u32 $0x4000, s31;
	s1 =	sadd.s32 s1, s30  }
0xba: {  	s0 =	sor.u32 s3, s0;
	s1 =	sshll.u32 s1, $0x11  }
0xbb: {  	s0 =	sor.u32 s1, s0  }
0xbc: {  	s0 =	sadd.s32 $0x8F2B, s0  }
0xbd: {  	[sflag:s0] =	ssyncadd.remote.s32 $0x1  }
0xbe: {  	_ =	sfence.sel $0xFFFF  }
0xbf: {  	[dreg:$0x0] =	wrdreg $0xFFFFFFFF;
	(pc) =	sbr.abs _section_cstart, $3  }
0xc0: {  	[dreg:$0x1] =	wrdreg $0xFFFFFFFF  }
0xc1: {  	_ =	task.clear_ibuf [dreg:s6], $0x2FFFF;
	_ =	strace $0x9FFFFFFF  }
0xc2: {  	(tm) =	ssettm $0x7FFFFFFF  }
0xc3: {  	_ =	shalt  }
tec
execute0_lowered:
.L_overlay_start_1:
0x0: {  	(tag) =	ssettag $0x1  }
0x1: {  	s1 =	rddreg [dreg:$0x0]  }
0x2: {  	s0 =	srdreg.scid;
	s2 =	rddreg [dreg:$0x1];
	s3 =	simm.s32 $0x0  }
0x3: {  	s19 =	simm.s32 $0x2900;
	s20 =	simm.s32 $0x2800;
	s21 =	simm.s32 $0x80  }
0x4: {  	s22 =	simm.s32 $0x2880;
	s23 =	simm.s32 $0x6900;
	s6 =	sand.u32 $0x1, s0  }
0x5: {  	s24 =	simm.s32 $0x1;
	s0 =	stileid.u32;
	s4 =	smul.u32 $0x28000, s6  }
0x6: {  	s28 =	simm.s32 $0x4;
	s29 =	simm.s32 $0x0;
	s7 =	smul.u32 $0x2800, s0  }
0x7: {  	[smem:$0x7FF] =	sst s3;
	s17 =	sadd.s32 $0x3000, s1;
	s5 =	smul.u32 $0x140000, s6  }
0x8: {  	s8 =	smul.u32 $0x14000, s0;
	_ =	strace $0x80000050;
	s25 =	ssub.s32 $0x2, s6  }
0x9: {  	s12 =	smul.u32 $0x50000, s0;
	p0 =	seq.s32 s6, $0x1;
	s11 =	sshrl.u32 s25, $0x1  }
0xa: {  	s15 =	sadd.s32 s7, s4;
	s4 =	sadd.s32 $0x17A00, s1;
	s5 =	sadd.s32 s8, s5  }
0xb: {  	s11 =	ssub.s32 s25, s11;
	s26 =	sshrl.u32 s12, $0x2;
	s25 =	simm.s32 $0x3  }
0xc: {  	s9 =	sshrl.u32 s15, $0x3;
	s5 =	sshrl.u32 s5, $0x3;
	s6 =	sadd.s32 s26, s2  }
0xd: {  	s7 =	sadd.s32 s4, s7;
	s11 =	smax.u32 s11, $0x1;
	s30 =	sor.u32 $0x100, s15  }
0xe: {  	s18 =	sor.u32 $0x180, s15;
	s26 =	simm.s32 $0x2;
	s10 =	sadd.s32 s9, s1  }
0xf: {  	s1 =	sadd.s32 s5, s1;
	[dreg:$0x3] =	wrdreg s7;
	s8 =	sadd.s32 s17, s9  }
0x10: {  	s12 =	sadd.s32 $0x4000, s6;
	s13 =	sadd.s32 $0x8000, s6;
	s14 =	sadd.s32 $0xC000, s6  }
0x11: {  	s15 =	sadd.s32 $0x10000, s6;
	s31 =	sshrl.u32 s18, $0x3;
	s18 =	simm.s32 $0x5  }
0x12: {  	s5 =	sadd.s32 $0xDA00, s10;
	s10 =	sadd.s32 $0x3FA00, s1;
	s1 =	sshrl.u32 s30, $0x3  }
0x13: {  	v0 =	vimm.f32 $0.0e+00;
	s9 =	sadd.s32 $0x10, s8;
	s16 =	sadd.s32 s1, s17;
	s17 =	sadd.s32 s31, s17  }
.LBB2_1:
.Ltmp0:
0x14: {  	(pc) =	sbr.rel @!p0 .LBB2_2-.Ltmp0, $4  }
0x15: {  	[tilespmem:s3], [sflag:$0x5] =	stream.linear.gather [hbm4b:s5+s3], $0x2800, $0x38;
	[tilespmem:$0x1E900] =	vst v63  }
0x16: {  	_ =	swait.ge [sflag:s18], $0x2800  }
0x17: {  	[sflag:s18] =	ssyncset.done $0x0  }
0x18: {  	[sflag:s18] =	ssyncadd.s32 $0xFFFFD800  }
0x19: {  	s30 =	sshra.s32 s3, $0x2;
	s31 =	sadd.s32 $0x200, s3  }
.LBB2_4:
0x1a: {  	p1 =	sne.s32 s31, $0xFE00;
	[tilespmem:s30+$0x2970] =	vst v0  }
0x1b: {  	[tilespmem:s30+$0x2900] =	vst v0  }
0x1c: {  	[tilespmem:s30+$0x2910] =	vst v0  }
.Ltmp1:
0x1d: {  	[tilespmem:s30+$0x2920] =	vst v0;
	(pc) =	sbr.rel @p1 .LBB2_4-.Ltmp1, $4  }
0x1e: {  	[tilespmem:s30+$0x2930] =	vst v0  }
0x1f: {  	[tilespmem:s30+$0x2940] =	vst v0  }
0x20: {  	[tilespmem:s30+$0x2950] =	vst v0  }
0x21: {  	[tilespmem:s30+$0x2960] =	vst v0;
	s30 =	sshra.s32 s31, $0x2;
	s31 =	sadd.s32 $0x200, s31  }
0x22: {  	[tilespmem:s30+$0x2970] =	vst v0  }
0x23: {  	[tilespmem:s30+$0x2900] =	vst v0  }
0x24: {  	[tilespmem:s30+$0x2910] =	vst v0  }
0x25: {  	[tilespmem:s30+$0x2920] =	vst v0  }
0x26: {  	[tilespmem:s30+$0x2930] =	vst v0  }
0x27: {  	[tilespmem:s30+$0x2940] =	vst v0  }
0x28: {  	[tilespmem:s30+$0x2950] =	vst v0  }
0x29: {  	[tilespmem:s30+$0x2960] =	vst v0  }
0x2a: {  	[spmem:s6] =	stream.linear.scatter [tilespmem:s19], [sflag:$0x5], $0x4000, $0x38;
	[tilespmem:$0x1E900] =	vst v63  }
0x2b: {  	_ =	swait.ge [sflag:s18], $0x4000  }
0x2c: {  	[sflag:s18] =	ssyncset.done $0x0  }
0x2d: {  	[sflag:s18] =	ssyncadd.s32 $0xFFFFC000  }
0x2e: {  	[spmem:s12] =	stream.linear.scatter [tilespmem:s19], [sflag:$0x5], $0x4000, $0x38;
	[tilespmem:$0x1E900] =	vst v63  }
0x2f: {  	_ =	swait.ge [sflag:s18], $0x4000  }
0x30: {  	[sflag:s18] =	ssyncset.done $0x0  }
0x31: {  	[sflag:s18] =	ssyncadd.s32 $0xFFFFC000  }
0x32: {  	[spmem:s13] =	stream.linear.scatter [tilespmem:s19], [sflag:$0x5], $0x4000, $0x38;
	[tilespmem:$0x1E900] =	vst v63  }
0x33: {  	_ =	swait.ge [sflag:s18], $0x4000  }
0x34: {  	[sflag:s18] =	ssyncset.done $0x0  }
0x35: {  	[sflag:s18] =	ssyncadd.s32 $0xFFFFC000  }
0x36: {  	[spmem:s14] =	stream.linear.scatter [tilespmem:s19], [sflag:$0x5], $0x4000, $0x38;
	[tilespmem:$0x1E900] =	vst v63  }
0x37: {  	_ =	swait.ge [sflag:s18], $0x4000  }
0x38: {  	[sflag:s18] =	ssyncset.done $0x0  }
.Ltmp2:
0x39: {  	[sflag:s18] =	ssyncadd.s32 $0xFFFFC000;
	(pc) =	sbr.rel .LBB2_6-.Ltmp2, $4  }
0x3a: {  	[spmem:s15] =	stream.linear.scatter [tilespmem:s19], [sflag:$0x5], $0x4000, $0x38;
	[tilespmem:$0x1E900] =	vst v63  }
0x3b: {  	_ =	swait.ge [sflag:s18], $0x4000  }
0x3c: {  	[sflag:s18] =	ssyncset.done $0x0  }
0x3d: {  	[sflag:s18] =	ssyncadd.s32 $0xFFFFC000  }
.LBB2_2:
0x3e: {  	s1 =	sshll.u32 s0, $0x6  }
0x3f: {  	s30 =	sshrl.u32 s6, $0x3;
	s7 =	rddreg [dreg:$0x3];
	s1 =	sor.u32 $0x1C05, s1  }
0x40: {  	[spmem:s30], [sflag:s1] =	dma.local [hbm:s7], $0x2800  }
0x41: {  	_ =	swait.ge [sflag:s18], $0x2800  }
0x42: {  	[sflag:s18] =	ssyncset.done $0x0  }
0x43: {  	[sflag:s18] =	ssyncadd.s32 $0xFFFFD800  }
.LBB2_6:
0x44: {  	[bflag:$0x0] =	sbarrier.arrive $0xFFFF;
	s1 =	simm.s32 $0x0  }
0x45: {  	[tilespmem:s20], [sflag:$0x3] =	stream.linear.gather [hbm4b:s8+s1], $0x80, $0x38;
	[tilespmem:$0x1E900] =	vst v63  }
0x46: {  	_ = 	snop  }
0x47: {  	[tilespmem:s19], [sflag:$0x1] =	stream.indirect.gather [hbm4b:s4+s21], $0x80, s1, s21, $0xb8;
	[tilespmem:$0x1E900] =	vst v63  }
0x48: {  	_ = 	snop  }
0x49: {  	[tilespmem:s22], [sflag:$0x4] =	stream.linear.gather [hbm4b:s9+s1], $0x80, $0x38;
	[tilespmem:$0x1E900] =	vst v63  }
0x4a: {  	_ = 	snop  }
0x4b: {  	[tilespmem:s23], [sflag:$0x2] =	stream.indirect.gather [hbm4b:s4+s21], $0x80, s21, s21, $0xb8;
	[tilespmem:$0x1E900] =	vst v63  }
0x4c: {  	_ =	swait.ge [sflag:s24], $0x4000  }
0x4d: {  	[sflag:s24] =	ssyncset.done $0x0  }
0x4e: {  	[sflag:s24] =	ssyncadd.s32 $0xFFFFC000  }
0x4f: {  	_ =	swait.ge [sflag:s25], $0x80  }
0x50: {  	[sflag:s25] =	ssyncset.done $0x0  }
0x51: {  	[sflag:s25] =	ssyncadd.s32 $0xFFFFFF80  }
0x52: {  	[spmem:s2] =	stream.indirect.scatter.add.f32 [tilespmem:s19], [sflag:$0x5], $0x80, s20, s21, $0xb8;
	[tilespmem:$0x1E900] =	vst v63  }
0x53: {  	_ =	swait.ge [sflag:s18], $0x4000  }
0x54: {  	[sflag:s18] =	ssyncset.done $0x0  }
0x55: {  	s7 =	sadd.s32 $0x0, s16;
	[sflag:s18] =	ssyncadd.s32 $0xFFFFC000  }
0x56: {  	[tilespmem:s20], [sflag:$0x3] =	stream.linear.gather [hbm4b:s7+s3], $0x80, $0x38;
	[tilespmem:$0x1E900] =	vst v63  }
0x57: {  	s7 =	simm.s32 $0x100  }
0x58: {  	[tilespmem:s19], [sflag:$0x1] =	stream.indirect.gather [hbm4b:s4+s21], $0x80, s7, s21, $0xb8;
	[tilespmem:$0x1E900] =	vst v63  }
0x59: {  	_ =	swait.ge [sflag:s26], $0x4000  }
0x5a: {  	[sflag:s26] =	ssyncset.done $0x0  }
0x5b: {  	[sflag:s26] =	ssyncadd.s32 $0xFFFFC000  }
0x5c: {  	_ =	swait.ge [sflag:s28], $0x80  }
0x5d: {  	[sflag:s28] =	ssyncset.done $0x0  }
0x5e: {  	[sflag:s28] =	ssyncadd.s32 $0xFFFFFF80  }
0x5f: {  	[spmem:s2] =	stream.indirect.scatter.add.f32 [tilespmem:s23], [sflag:$0x5], $0x80, s22, s21, $0xb8;
	[tilespmem:$0x1E900] =	vst v63  }
0x60: {  	_ =	swait.ge [sflag:s18], $0x4000  }
0x61: {  	s30 =	simm.s32 $0x20;
	s31 =	simm.s32 $0x200;
	[sflag:s18] =	ssyncset.done $0x0  }
0x62: {  	s1 =	simm.s32 $0x180;
	s7 =	sadd.s32 $0x0, s17;
	[sflag:s18] =	ssyncadd.s32 $0xFFFFC000  }
0x63: {  	[tilespmem:s22], [sflag:$0x4] =	stream.linear.gather [hbm4b:s7+s3], $0x80, $0x38;
	[tilespmem:$0x1E900] =	vst v63  }
.LBB2_7:
0x64: {  	[tilespmem:s23], [sflag:$0x2] =	stream.indirect.gather [hbm4b:s4+s21], $0x80, s1, s21, $0xb8;
	[tilespmem:$0x1E900] =	vst v63  }
0x65: {  	s1 =	smov.u32 s30  }
0x66: {  	p1 =	sne.s32 s30, $0x4C0;
	s30 =	sadd.s32 $0x20, s30;
	_ =	swait.ge [sflag:s24], $0x4000  }
0x67: {  	[sflag:s24] =	ssyncset.done $0x0  }
0x68: {  	[sflag:s24] =	ssyncadd.s32 $0xFFFFC000  }
0x69: {  	_ =	swait.ge [sflag:s25], $0x80  }
0x6a: {  	[sflag:s25] =	ssyncset.done $0x0  }
0x6b: {  	[sflag:s25] =	ssyncadd.s32 $0xFFFFFF80  }
0x6c: {  	[spmem:s2] =	stream.indirect.scatter.add.f32 [tilespmem:s19], [sflag:$0x5], $0x80, s20, s21, $0xb8;
	[tilespmem:$0x1E900] =	vst v63  }
0x6d: {  	_ =	swait.ge [sflag:s18], $0x4000  }
0x6e: {  	[sflag:s18] =	ssyncset.done $0x0  }
0x6f: {  	s7 =	sadd.s32 s1, s16;
	[sflag:s18] =	ssyncadd.s32 $0xFFFFC000  }
0x70: {  	[tilespmem:s20], [sflag:$0x3] =	stream.linear.gather [hbm4b:s7+s3], $0x80, $0x38;
	[tilespmem:$0x1E900] =	vst v63  }
0x71: {  	_ = 	snop  }
0x72: {  	[tilespmem:s19], [sflag:$0x1] =	stream.indirect.gather [hbm4b:s4+s21], $0x80, s31, s21, $0xb8;
	[tilespmem:$0x1E900] =	vst v63  }
0x73: {  	_ =	swait.ge [sflag:s26], $0x4000  }
0x74: {  	[sflag:s26] =	ssyncset.done $0x0  }
0x75: {  	[sflag:s26] =	ssyncadd.s32 $0xFFFFC000  }
0x76: {  	_ =	swait.ge [sflag:s28], $0x80  }
0x77: {  	[sflag:s28] =	ssyncset.done $0x0  }
0x78: {  	[sflag:s28] =	ssyncadd.s32 $0xFFFFFF80  }
0x79: {  	[spmem:s2] =	stream.indirect.scatter.add.f32 [tilespmem:s23], [sflag:$0x5], $0x80, s22, s21, $0xb8;
	[tilespmem:$0x1E900] =	vst v63  }
.Ltmp3:
0x7a: {  	_ =	swait.ge [sflag:s18], $0x4000;
	(pc) =	sbr.rel @p1 .LBB2_7-.Ltmp3, $4  }
0x7b: {  	[sflag:s18] =	ssyncset.done $0x0  }
0x7c: {  	s1 =	sadd.s32 s1, s17;
	[sflag:s18] =	ssyncadd.s32 $0xFFFFC000  }
0x7d: {  	[tilespmem:s22], [sflag:$0x4] =	stream.linear.gather [hbm4b:s1+s3], $0x80, $0x38;
	[tilespmem:$0x1E900] =	vst v63  }
0x7e: {  	s1 =	sadd.s32 $0x80, s31;
	s31 =	sadd.s32 $0x100, s31  }
0x7f: {  	[tilespmem:s23], [sflag:$0x2] =	stream.indirect.gather [hbm4b:s4+s21], $0x80, s1, s21, $0xb8;
	[tilespmem:$0x1E900] =	vst v63  }
0x80: {  	_ =	swait.ge [sflag:s24], $0x4000  }
0x81: {  	[sflag:s24] =	ssyncset.done $0x0  }
0x82: {  	[sflag:s24] =	ssyncadd.s32 $0xFFFFC000  }
0x83: {  	_ =	swait.ge [sflag:s25], $0x80  }
0x84: {  	[sflag:s25] =	ssyncset.done $0x0  }
0x85: {  	[sflag:s25] =	ssyncadd.s32 $0xFFFFFF80  }
0x86: {  	[spmem:s2] =	stream.indirect.scatter.add.f32 [tilespmem:s19], [sflag:$0x5], $0x80, s20, s21, $0xb8;
	[tilespmem:$0x1E900] =	vst v63  }
0x87: {  	_ =	swait.ge [sflag:s18], $0x4000  }
0x88: {  	[sflag:s18] =	ssyncset.done $0x0  }
0x89: {  	[sflag:s18] =	ssyncadd.s32 $0xFFFFC000  }
0x8a: {  	_ =	swait.ge [sflag:s26], $0x4000  }
0x8b: {  	[sflag:s26] =	ssyncset.done $0x0  }
0x8c: {  	[sflag:s26] =	ssyncadd.s32 $0xFFFFC000  }
0x8d: {  	_ =	swait.ge [sflag:s28], $0x80  }
0x8e: {  	[sflag:s28] =	ssyncset.done $0x0  }
0x8f: {  	[sflag:s28] =	ssyncadd.s32 $0xFFFFFF80  }
0x90: {  	[spmem:s2] =	stream.indirect.scatter.add.f32 [tilespmem:s23], [sflag:$0x5], $0x80, s22, s21, $0xb8;
	[tilespmem:$0x1E900] =	vst v63  }
0x91: {  	_ =	swait.ge [sflag:s18], $0x4000  }
0x92: {  	s31 =	sshll.u32 s0, $0x6;
	s29 =	sadd.s32 $0x1, s29;
	[sflag:s18] =	ssyncset.done $0x0  }
0x93: {  	s7 =	sshrl.u32 s6, $0x3;
	p1 =	sne.s32 s29, s11;
	[sflag:s18] =	ssyncadd.s32 $0xFFFFC000  }
.Ltmp4:
0x94: {  	s1 =	sor.u32 $0x1C05, s31;
	[bflag:$0x0] =	sbarrier.arrive $0xFFFF;
	(pc) =	sbr.rel @p1 .LBB2_1-.Ltmp4, $4  }
0x95: {  	[hbm:s10], [sflag:s1] =	dma.local [spmem:s7], $0x2800  }
0x96: {  	_ =	swait.ge [sflag:s18], $0x2800  }
0x97: {  	[sflag:s18] =	ssyncset.done $0x0  }
0x98: {  	[sflag:s18] =	ssyncadd.s32 $0xFFFFD800  }
0x99: {  	_ =	sfence.sel $0x180000  }
0x9a: {  	[bflag:$0x0] =	sbarrier.arrive $0xFFFF  }
0x9b: {  	_ =	strace $0x90000050  }
0x9c: {  	[bflag:$0x2] =	sbarrier.arrive $0xFFFF  }
0x9d: {  	p0 =	sne.s32 s0, $0x0;
	s0 =	rddreg [dreg:$0x2]  }
0x9e: {  	s0 =	sadd.s32 @!p0 $0x100000, s0  }
0x9f: {  	[sflag:s0] =	ssyncadd.tile.s32 @!p0 $0x1;
	_ =	shalt  }
.Lfunc_end2:
_tile_overlayer_lowered:
.L_overlay_start_2:
0xa0: {  	(tag) =	ssettag $0x2  }
0xa1: {  	s0 =	rddreg [dreg:$0x0];
	s2 =	stileid.u32  }
0xa2: {  	s1 =	rddreg [dreg:$0x1];
	p0 =	sne.s32 s2, $0x0  }
0xa3: {  	s3 =	rddreg [dreg:$0x2];
	[bflag:$0x3] =	sbarrier.arrive $0xFFFF;
	s2 =	simm.s32 @!p0 $0x1C05  }
0xa4: {  	[timem:s3], [sflag:s2] =	dma.local @!p0 [hbm:s0], s1  }
0xa5: {  	s0 =	simm.s32 @!p0 $0x5  }
0xa6: {  	_ =	swait.ge @!p0 [sflag:s0], s1  }
0xa7: {  	s1 =	ssub.s32 @!p0 $0x0, s1;
	[sflag:s0] =	ssyncset.done @!p0 $0x0  }
0xa8: {  	[sflag:s0] =	ssyncadd.s32 @!p0 s1  }
0xa9: {  	[bflag:$0x3] =	sbarrier.arrive $0xFFFF  }
0xaa: {  	_ =	shalt  }

</sc_bundles>
